<compile_context>
chip_gen: v7x
topology: tpu7x:2x2x1
jax: 0.10.2.dev20260603
libtpu: 0.0.44.dev20260713+nightly
codegen_flags: <defaults>
</compile_context>

<pallas_src>
import functools

import jax
import jax.numpy as jnp
from jax import lax
from jax.experimental import pallas as pl
from jax.experimental.pallas import tpu as pltpu
from jax.experimental.pallas import tpu_sc as plsc

GAMMA = 12.0
NC, NS, L = 2, 16, 16
NW = NC * NS
B = 4096
NEG = 128
D = 64
RPW = B // NW
NG = NEG // L
NBUF = 8

EBLK = 16384
NBLK = 31
EOFF = NBLK * EBLK
ROFF = 512


def _repack_body(lo_ref, hi_ref, out_ref):
    out_ref[...] = jnp.concatenate([lo_ref[...].T, hi_ref[...].T], axis=1)


def _repack(table_t, rows, blk, nblk):
    last = pl.cdiv(table_t.shape[1], blk) - 1
    return pl.pallas_call(
        _repack_body,
        grid=(nblk,),
        in_specs=[
            pl.BlockSpec((D, blk), lambda i: (0, i)),
            pl.BlockSpec((D, blk),
                         lambda i, n=nblk, m=last: (0, jnp.minimum(i + n, m))),
        ],
        out_specs=pl.BlockSpec((blk, 2 * D), lambda i: (i, 0)),
        out_shape=jax.ShapeDtypeStruct((rows, 2 * D), jnp.float32),
    )(table_t, table_t)


def _sc_body(hrow_hbm, rrow_hbm, nrow_hbm, ent_hbm, rel_hbm, out_hbm,
             hrow_v, rrow_v, nrow_v, hr_v, out_v, tail_v, sem, *bufsems):
    wid = lax.axis_index("s") * NC + lax.axis_index("c")
    base = wid * RPW

    pltpu.sync_copy(hrow_hbm.at[pl.ds(base, RPW)], hrow_v)
    pltpu.sync_copy(rrow_hbm.at[pl.ds(base, RPW)], rrow_v)
    pltpu.sync_copy(nrow_hbm.at[pl.ds(base, RPW)], nrow_v)

    iota = lax.iota(jnp.int32, L)
    row_ids = [g * L + iota for g in range(NG)]
    tails = [tail_v.at[j] for j in range(NBUF)]
    sems = list(bufsems)

    pltpu.async_copy(ent_hbm.at[hrow_v], tails[0], sems[0]).wait()
    pltpu.async_copy(rel_hbm.at[rrow_v], tails[1], sems[1]).wait()

    @pl.loop(0, RPW)
    def _build_hr(b):
        for c in range(D // L):
            sl = pl.ds(c * L, L)
            hr_v[b, sl] = tails[0][b, sl] + tails[1][b, sl]

    def start(row, j):
        pltpu.async_copy(ent_hbm.at[nrow_v.at[row]], tails[j], sems[j])

    def wait(row, j):
        pltpu.make_async_copy(ent_hbm.at[nrow_v.at[row]], tails[j],
                              sems[j]).wait()

    def compute(b, j):
        rows_b = jnp.full((L,), b, jnp.int32)

        def dbody(d, scs):
            cols = jnp.bitwise_and(iota + d, D - 1)
            hrd = plsc.load_gather(hr_v, [rows_b, cols])
            return tuple(
                s + jnp.abs(hrd - plsc.load_gather(tails[j], [rid, cols]))
                for s, rid in zip(scs, row_ids))

        scores = lax.fori_loop(
            0, D, dbody,
            tuple(jnp.zeros((L,), jnp.float32) for _ in range(NG)),
            unroll=2)

        for g in range(NG):
            out_v[b, pl.ds(g * L, L)] = GAMMA - scores[g]

    for j in range(NBUF - 1):
        start(j, j)

    @pl.loop(0, RPW, step=NBUF)
    def _row(i):
        for j in range(NBUF):
            b = i + j
            nxt = jnp.minimum(b + NBUF - 1, RPW - 1)
            start(nxt, (j + NBUF - 1) % NBUF)
            wait(b, j)
            compute(b, j)

    for j in range(NBUF - 1):
        wait(RPW - 1, j)

    pltpu.sync_copy(out_v, out_hbm.at[pl.ds(base, RPW)])


@jax.jit
def _score(hrow, rrow, nrow, ent3, rel3):
    mesh = plsc.VectorSubcoreMesh(core_axis_name="c", subcore_axis_name="s")
    fn = functools.partial(
        pl.kernel,
        out_type=jax.ShapeDtypeStruct((B, NEG), jnp.float32),
        mesh=mesh,
        scratch_types=[
            pltpu.VMEM((RPW,), jnp.int32),
            pltpu.VMEM((RPW,), jnp.int32),
            pltpu.VMEM((RPW, NEG), jnp.int32),
            pltpu.VMEM((RPW, D), jnp.float32),
            pltpu.VMEM((RPW, NEG), jnp.float32),
            pltpu.VMEM((NBUF, NEG, D), jnp.float32),
            pltpu.SemaphoreType.DMA,
            *[pltpu.SemaphoreType.DMA for _ in range(NBUF)],
        ],
        compiler_params=pltpu.CompilerParams(
            use_tc_tiling_on_sc=False, needs_layout_passes=False),
    )(_sc_body)
    return fn(hrow, rrow, nrow, ent3, rel3)


def _flat(idx, off):
    return jnp.where(idx < off, 2 * idx, 2 * (idx - off) + 1).astype(jnp.int32)


def kernel(positive_sample, negative_sample, entity_embedding,
           relation_embedding):
    ent3 = _repack(entity_embedding.T, EOFF, EBLK, NBLK).reshape(2 * EOFF, D)
    rel3 = _repack(relation_embedding.T, ROFF, ROFF, 1).reshape(2 * ROFF, D)

    hidx = positive_sample[:, 0].astype(jnp.int32)
    ridx = positive_sample[:, 1].astype(jnp.int32)
    neg = negative_sample.astype(jnp.int32)

    return _score(_flat(hidx, EOFF), _flat(ridx, ROFF), _flat(neg, EOFF),
                  ent3, rel3)

# --- scband reference (transcript-rebuilt; emitter-appended) ---
"""Pipeline reference for scband-kgemodel-15504831938864 (READ-ONLY COPY).

The authoritative reference and input builder live on the scoring server;
editing this copy changes nothing except your own understanding.
"""

import jax, jax.numpy as jnp
import numpy as np

GAMMA = 12.0

def setup_inputs(seed: int = 0) -> dict:
    key = jax.random.key(seed)
    k1, k2, k3, k4 = jax.random.split(key, 4)
    positive_sample = jax.random.randint(k1, (4096, 3), 0, 1000, dtype=jnp.int64) if jax.config.read('jax_enable_x64') else jax.random.randint(k1, (4096, 3), 0, 1000).astype(jnp.int32)
    negative_sample = jax.random.randint(k2, (4096, 128), 0, 1000000).astype(jnp.int32)
    entity_embedding = jax.random.normal(k3, (1000000, 64), dtype=jnp.float32) * 0.1
    relation_embedding = jax.random.normal(k4, (1000, 64), dtype=jnp.float32) * 0.1
    return {
        'positive_sample': positive_sample,
        'negative_sample': negative_sample,
        'entity_embedding': entity_embedding,
        'relation_embedding': relation_embedding,
    }

def reference(positive_sample, negative_sample, entity_embedding, relation_embedding):
    # KGEModel.forward with batch_type == TAIL_BATCH, TransE-style func():
    #   score = gamma - || head + relation - tail ||_1
    batch_size, negative_sample_size = negative_sample.shape
    head = jnp.take(entity_embedding, positive_sample[:, 0], axis=0)[:, None, :]
    relation = jnp.take(relation_embedding, positive_sample[:, 1], axis=0)[:, None, :]
    tail = jnp.take(entity_embedding, negative_sample.reshape(-1), axis=0)
    tail = tail.reshape(batch_size, negative_sample_size, -1)
    score = GAMMA - jnp.sum(jnp.abs(head + relation - tail), axis=2)
    return score

if __name__ == "__main__":
    import jax
    _d = setup_inputs()
    print(jax.jit(kernel)(*tuple(_d.values())))

</pallas_src>

<mosaic_0001>
#map = affine_map<(d0, d1) -> (0)>
#map1 = affine_map<(d0, d1) -> (0, 0)>
module attributes {stable_mosaic.version = 14 : i64} {
  func.func @_sc_body(%arg0: i32, %arg1: i32, %arg2: memref<4096xi32, #tpu.memory_space<hbm>>, %arg3: memref<4096xi32, #tpu.memory_space<hbm>>, %arg4: memref<4096x128xi32, #tpu.memory_space<hbm>>, %arg5: memref<1015808x64xf32, #tpu.memory_space<hbm>>, %arg6: memref<1024x64xf32, #tpu.memory_space<hbm>>, %arg7: memref<4096x128xf32, #tpu.memory_space<hbm>>, %arg8: memref<128xi32, #tpu.memory_space<vmem>>, %arg9: memref<128xi32, #tpu.memory_space<vmem>>, %arg10: memref<128x128xi32, #tpu.memory_space<vmem>>, %arg11: memref<128x64xf32, #tpu.memory_space<vmem>>, %arg12: memref<128x128xf32, #tpu.memory_space<vmem>>, %arg13: memref<8x128x64xf32, #tpu.memory_space<vmem>>, %arg14: memref<!tpu.dma_semaphore, #tpu.memory_space<semaphore_mem>>, %arg15: memref<!tpu.dma_semaphore, #tpu.memory_space<semaphore_mem>>, %arg16: memref<!tpu.dma_semaphore, #tpu.memory_space<semaphore_mem>>, %arg17: memref<!tpu.dma_semaphore, #tpu.memory_space<semaphore_mem>>, %arg18: memref<!tpu.dma_semaphore, #tpu.memory_space<semaphore_mem>>, %arg19: memref<!tpu.dma_semaphore, #tpu.memory_space<semaphore_mem>>, %arg20: memref<!tpu.dma_semaphore, #tpu.memory_space<semaphore_mem>>, %arg21: memref<!tpu.dma_semaphore, #tpu.memory_space<semaphore_mem>>, %arg22: memref<!tpu.dma_semaphore, #tpu.memory_space<semaphore_mem>>) attributes {dimension_semantics = [#tpu.dimension_semantics<core_parallel>, #tpu.dimension_semantics<subcore_parallel>], iteration_bounds = array<i64: 2, 16>, scalar_prefetch = 0 : i64, scratch_operands = 15 : i64, tpu.core_type = #tpu.core_type<sc_vector_subcore>, window_params = [{transform_indices = #map}, {transform_indices = #map}, {transform_indices = #map1}, {transform_indices = #map1}, {transform_indices = #map1}, {transform_indices = #map1}]} {
    %mul3A = arith.constant 2 : i32
    %mul3A_0 = arith.muli %arg1, %mul3A : i32
    %add3A = arith.addi %mul3A_0, %arg0 : i32
    %mul3A_1 = arith.constant 128 : i32
    %mul3A_2 = arith.muli %add3A, %mul3A_1 : i32
    "tpu.region"() ({
      %run_scoped3A = tpu.sem_alloc : memref<!tpu.dma_semaphore, #tpu.memory_space<semaphore_mem>>
      %dma_start3A_244 = tpu.memref_slice %arg2[%mul3A_2] : memref<4096xi32, #tpu.memory_space<hbm>> -> memref<128xi32, #tpu.memory_space<hbm>>
      %dma_start3A_245 = tpu.memref_slice %arg2[%mul3A_2] : memref<4096xi32, #tpu.memory_space<hbm>> -> memref<128xi32, #tpu.memory_space<hbm>>
      tpu.enqueue_dma source(%dma_start3A_245 : memref<128xi32, #tpu.memory_space<hbm>>) target(%arg8 : memref<128xi32, #tpu.memory_space<vmem>>) target_semaphore(%run_scoped3A : memref<!tpu.dma_semaphore, #tpu.memory_space<semaphore_mem>>)
      %dma_wait3A_246 = tpu.memref_slice %arg2[%mul3A_2] : memref<4096xi32, #tpu.memory_space<hbm>> -> memref<128xi32, #tpu.memory_space<hbm>>
      %dma_wait3A_247 = tpu.memref_slice %arg2[%mul3A_2] : memref<4096xi32, #tpu.memory_space<hbm>> -> memref<128xi32, #tpu.memory_space<hbm>>
      tpu.wait_dma2 semaphore(%run_scoped3A : memref<!tpu.dma_semaphore, #tpu.memory_space<semaphore_mem>>) src(%dma_wait3A_247 : memref<128xi32, #tpu.memory_space<hbm>>) dst(%arg8 : memref<128xi32, #tpu.memory_space<vmem>>)
      tpu.yield
    }) : () -> ()
    "tpu.region"() ({
      %run_scoped3A = tpu.sem_alloc : memref<!tpu.dma_semaphore, #tpu.memory_space<semaphore_mem>>
      %dma_start3A_244 = tpu.memref_slice %arg3[%mul3A_2] : memref<4096xi32, #tpu.memory_space<hbm>> -> memref<128xi32, #tpu.memory_space<hbm>>
      %dma_start3A_245 = tpu.memref_slice %arg3[%mul3A_2] : memref<4096xi32, #tpu.memory_space<hbm>> -> memref<128xi32, #tpu.memory_space<hbm>>
      tpu.enqueue_dma source(%dma_start3A_245 : memref<128xi32, #tpu.memory_space<hbm>>) target(%arg9 : memref<128xi32, #tpu.memory_space<vmem>>) target_semaphore(%run_scoped3A : memref<!tpu.dma_semaphore, #tpu.memory_space<semaphore_mem>>)
      %dma_wait3A_246 = tpu.memref_slice %arg3[%mul3A_2] : memref<4096xi32, #tpu.memory_space<hbm>> -> memref<128xi32, #tpu.memory_space<hbm>>
      %dma_wait3A_247 = tpu.memref_slice %arg3[%mul3A_2] : memref<4096xi32, #tpu.memory_space<hbm>> -> memref<128xi32, #tpu.memory_space<hbm>>
      tpu.wait_dma2 semaphore(%run_scoped3A : memref<!tpu.dma_semaphore, #tpu.memory_space<semaphore_mem>>) src(%dma_wait3A_247 : memref<128xi32, #tpu.memory_space<hbm>>) dst(%arg9 : memref<128xi32, #tpu.memory_space<vmem>>)
      tpu.yield
    }) : () -> ()
    "tpu.region"() ({
      %run_scoped3A = tpu.sem_alloc : memref<!tpu.dma_semaphore, #tpu.memory_space<semaphore_mem>>
      %dma_start3A_244 = arith.constant 0 : i32
      %dma_start3A_245 = tpu.memref_slice %arg4[%mul3A_2, %dma_start3A_244] : memref<4096x128xi32, #tpu.memory_space<hbm>> -> memref<128x128xi32, #tpu.memory_space<hbm>>
      %dma_start3A_246 = arith.constant 0 : i32
      %dma_start3A_247 = tpu.memref_slice %arg4[%mul3A_2, %dma_start3A_246] : memref<4096x128xi32, #tpu.memory_space<hbm>> -> memref<128x128xi32, #tpu.memory_space<hbm>>
      tpu.enqueue_dma source(%dma_start3A_247 : memref<128x128xi32, #tpu.memory_space<hbm>>) target(%arg10 : memref<128x128xi32, #tpu.memory_space<vmem>>) target_semaphore(%run_scoped3A : memref<!tpu.dma_semaphore, #tpu.memory_space<semaphore_mem>>)
      %dma_wait3A_248 = arith.constant 0 : i32
      %dma_wait3A_249 = tpu.memref_slice %arg4[%mul3A_2, %dma_wait3A_248] : memref<4096x128xi32, #tpu.memory_space<hbm>> -> memref<128x128xi32, #tpu.memory_space<hbm>>
      %dma_wait3A_250 = arith.constant 0 : i32
      %dma_wait3A_251 = tpu.memref_slice %arg4[%mul3A_2, %dma_wait3A_250] : memref<4096x128xi32, #tpu.memory_space<hbm>> -> memref<128x128xi32, #tpu.memory_space<hbm>>
      tpu.wait_dma2 semaphore(%run_scoped3A : memref<!tpu.dma_semaphore, #tpu.memory_space<semaphore_mem>>) src(%dma_wait3A_251 : memref<128x128xi32, #tpu.memory_space<hbm>>) dst(%arg10 : memref<128x128xi32, #tpu.memory_space<vmem>>)
      tpu.yield
    }) : () -> ()
    %iota3A = tpu.iota {dimensions = array<i32: 0>} : vector<16xi32>
    %add3A_3 = arith.constant 0 : i32
    %add3A_4 = vector.broadcast %add3A_3 : i32 to vector<16xi32>
    %add3A_5 = arith.addi %add3A_4, %iota3A : vector<16xi32>
    %add3A_6 = arith.constant 16 : i32
    %add3A_7 = vector.broadcast %add3A_6 : i32 to vector<16xi32>
    %add3A_8 = arith.addi %add3A_7, %iota3A : vector<16xi32>
    %add3A_9 = arith.constant 32 : i32
    %add3A_10 = vector.broadcast %add3A_9 : i32 to vector<16xi32>
    %add3A_11 = arith.addi %add3A_10, %iota3A : vector<16xi32>
    %add3A_12 = arith.constant 48 : i32
    %add3A_13 = vector.broadcast %add3A_12 : i32 to vector<16xi32>
    %add3A_14 = arith.addi %add3A_13, %iota3A : vector<16xi32>
    %add3A_15 = arith.constant 64 : i32
    %add3A_16 = vector.broadcast %add3A_15 : i32 to vector<16xi32>
    %add3A_17 = arith.addi %add3A_16, %iota3A : vector<16xi32>
    %add3A_18 = arith.constant 80 : i32
    %add3A_19 = vector.broadcast %add3A_18 : i32 to vector<16xi32>
    %add3A_20 = arith.addi %add3A_19, %iota3A : vector<16xi32>
    %add3A_21 = arith.constant 96 : i32
    %add3A_22 = vector.broadcast %add3A_21 : i32 to vector<16xi32>
    %add3A_23 = arith.addi %add3A_22, %iota3A : vector<16xi32>
    %add3A_24 = arith.constant 112 : i32
    %add3A_25 = vector.broadcast %add3A_24 : i32 to vector<16xi32>
    %add3A_26 = arith.addi %add3A_25, %iota3A : vector<16xi32>
    %dma_start3A = arith.constant 0 : i32
    %dma_start3A_27 = arith.constant 0 : i32
    %dma_start3A_28 = arith.constant 0 : i32
    %dma_start3A_29 = tpu.memref_slice %arg13[%dma_start3A, %dma_start3A_27, %dma_start3A_28] : memref<8x128x64xf32, #tpu.memory_space<vmem>> -> memref<1x128x64xf32, #tpu.memory_space<vmem>>
    %dma_start3A_30 = tpu.memref_squeeze %dma_start3A_29 : memref<1x128x64xf32, #tpu.memory_space<vmem>> -> memref<128x64xf32, #tpu.memory_space<vmem>>
    %dma_start3A_31 = arith.constant 0 : i32
    %dma_start3A_32 = arith.constant 0 : i32
    %dma_start3A_33 = tpu.memref_slice %arg5[%dma_start3A_31, %dma_start3A_32] : memref<1015808x64xf32, #tpu.memory_space<hbm>> -> memref<1015808x64xf32, #tpu.memory_space<hbm>>
    tpu.enqueue_indirect_dma source(%dma_start3A_33 : memref<1015808x64xf32, #tpu.memory_space<hbm>>) target(%dma_start3A_30 : memref<128x64xf32, #tpu.memory_space<vmem>>) offsets(%arg8 : memref<128xi32, #tpu.memory_space<vmem>>) semaphore(%arg15 : memref<!tpu.dma_semaphore, #tpu.memory_space<semaphore_mem>>)
    %dma_wait3A = arith.constant 0 : i32
    %dma_wait3A_34 = arith.constant 0 : i32
    %dma_wait3A_35 = arith.constant 0 : i32
    %dma_wait3A_36 = tpu.memref_slice %arg13[%dma_wait3A, %dma_wait3A_34, %dma_wait3A_35] : memref<8x128x64xf32, #tpu.memory_space<vmem>> -> memref<1x128x64xf32, #tpu.memory_space<vmem>>
    %dma_wait3A_37 = tpu.memref_squeeze %dma_wait3A_36 : memref<1x128x64xf32, #tpu.memory_space<vmem>> -> memref<128x64xf32, #tpu.memory_space<vmem>>
    %dma_wait3A_38 = arith.constant 0 : i32
    %dma_wait3A_39 = arith.constant 0 : i32
    %dma_wait3A_40 = tpu.memref_slice %arg5[%dma_wait3A_38, %dma_wait3A_39] : memref<1015808x64xf32, #tpu.memory_space<hbm>> -> memref<1015808x64xf32, #tpu.memory_space<hbm>>
    tpu.wait_indirect_dma semaphore(%arg15 : memref<!tpu.dma_semaphore, #tpu.memory_space<semaphore_mem>>) src(%dma_wait3A_40 : memref<1015808x64xf32, #tpu.memory_space<hbm>>) dst(%dma_wait3A_37 : memref<128x64xf32, #tpu.memory_space<vmem>>)
    %dma_start3A_41 = arith.constant 1 : i32
    %dma_start3A_42 = arith.constant 0 : i32
    %dma_start3A_43 = arith.constant 0 : i32
    %dma_start3A_44 = tpu.memref_slice %arg13[%dma_start3A_41, %dma_start3A_42, %dma_start3A_43] : memref<8x128x64xf32, #tpu.memory_space<vmem>> -> memref<1x128x64xf32, #tpu.memory_space<vmem>>
    %dma_start3A_45 = tpu.memref_squeeze %dma_start3A_44 : memref<1x128x64xf32, #tpu.memory_space<vmem>> -> memref<128x64xf32, #tpu.memory_space<vmem>>
    %dma_start3A_46 = arith.constant 0 : i32
    %dma_start3A_47 = arith.constant 0 : i32
    %dma_start3A_48 = tpu.memref_slice %arg6[%dma_start3A_46, %dma_start3A_47] : memref<1024x64xf32, #tpu.memory_space<hbm>> -> memref<1024x64xf32, #tpu.memory_space<hbm>>
    tpu.enqueue_indirect_dma source(%dma_start3A_48 : memref<1024x64xf32, #tpu.memory_space<hbm>>) target(%dma_start3A_45 : memref<128x64xf32, #tpu.memory_space<vmem>>) offsets(%arg9 : memref<128xi32, #tpu.memory_space<vmem>>) semaphore(%arg16 : memref<!tpu.dma_semaphore, #tpu.memory_space<semaphore_mem>>)
    %dma_wait3A_49 = arith.constant 1 : i32
    %dma_wait3A_50 = arith.constant 0 : i32
    %dma_wait3A_51 = arith.constant 0 : i32
    %dma_wait3A_52 = tpu.memref_slice %arg13[%dma_wait3A_49, %dma_wait3A_50, %dma_wait3A_51] : memref<8x128x64xf32, #tpu.memory_space<vmem>> -> memref<1x128x64xf32, #tpu.memory_space<vmem>>
    %dma_wait3A_53 = tpu.memref_squeeze %dma_wait3A_52 : memref<1x128x64xf32, #tpu.memory_space<vmem>> -> memref<128x64xf32, #tpu.memory_space<vmem>>
    %dma_wait3A_54 = arith.constant 0 : i32
    %dma_wait3A_55 = arith.constant 0 : i32
    %dma_wait3A_56 = tpu.memref_slice %arg6[%dma_wait3A_54, %dma_wait3A_55] : memref<1024x64xf32, #tpu.memory_space<hbm>> -> memref<1024x64xf32, #tpu.memory_space<hbm>>
    tpu.wait_indirect_dma semaphore(%arg16 : memref<!tpu.dma_semaphore, #tpu.memory_space<semaphore_mem>>) src(%dma_wait3A_56 : memref<1024x64xf32, #tpu.memory_space<hbm>>) dst(%dma_wait3A_53 : memref<128x64xf32, #tpu.memory_space<vmem>>)
    %scan3A = arith.constant 0 : i32
    %scan3A_57 = arith.constant 1 : i32
    %scan3A_58 = arith.constant 0 : i32
    %scan3A_59 = arith.constant 128 : i32
    %scan3A_60 = arith.addi %scan3A_58, %scan3A_59 : i32
    %scan3A_61 = arith.constant 1 : i32
    scf.for %scan3A_244 = %scan3A_58 to %scan3A_60 step %scan3A_61  : i32 {
      %mul3A_245 = arith.constant 1 : i32
      %mul3A_246 = arith.muli %scan3A_244, %mul3A_245 : i32
      %add3A_247 = arith.constant 0 : i32
      %add3A_248 = arith.addi %add3A_247, %mul3A_246 : i32
      %get3A = arith.constant 0 : i32
      %get3A_249 = arith.constant 0 : i32
      %get3A_250 = tpu.memref_slice %arg13[%scan3A, %get3A, %get3A_249] : memref<8x128x64xf32, #tpu.memory_space<vmem>> -> memref<1x128x64xf32, #tpu.memory_space<vmem>>
      %get3A_251 = tpu.memref_squeeze %get3A_250 : memref<1x128x64xf32, #tpu.memory_space<vmem>> -> memref<128x64xf32, #tpu.memory_space<vmem>>
      %get3A_252 = arith.index_cast %add3A_248 : i32 to index
      %get3A_253 = arith.constant 0 : index
      %get3A_254 = tpu.vector_load %get3A_251[%get3A_252, %get3A_253] {strides = array<i32>} : memref<128x64xf32, #tpu.memory_space<vmem>>, vector<16xf32>,
      %get3A_255 = arith.constant 0 : i32
      %get3A_256 = arith.constant 0 : i32
      %get3A_257 = tpu.memref_slice %arg13[%scan3A_57, %get3A_255, %get3A_256] : memref<8x128x64xf32, #tpu.memory_space<vmem>> -> memref<1x128x64xf32, #tpu.memory_space<vmem>>
      %get3A_258 = tpu.memref_squeeze %get3A_257 : memref<1x128x64xf32, #tpu.memory_space<vmem>> -> memref<128x64xf32, #tpu.memory_space<vmem>>
      %get3A_259 = arith.index_cast %add3A_248 : i32 to index
      %get3A_260 = arith.constant 0 : index
      %get3A_261 = tpu.vector_load %get3A_258[%get3A_259, %get3A_260] {strides = array<i32>} : memref<128x64xf32, #tpu.memory_space<vmem>>, vector<16xf32>,
      %add3A_262 = arith.addf %get3A_254, %get3A_261 : vector<16xf32>
      %swap3A = arith.index_cast %add3A_248 : i32 to index
      %swap3A_263 = arith.constant 0 : index
      %swap3A_264 = tpu.vector_load %arg11[%swap3A, %swap3A_263] {strides = array<i32>} : memref<128x64xf32, #tpu.memory_space<vmem>>, vector<16xf32>,
      tpu.vector_store %arg11[%swap3A, %swap3A_263], %add3A_262 {strides = array<i32>} : memref<128x64xf32, #tpu.memory_space<vmem>>, vector<16xf32>,
      %get3A_265 = arith.constant 0 : i32
      %get3A_266 = arith.constant 0 : i32
      %get3A_267 = tpu.memref_slice %arg13[%scan3A, %get3A_265, %get3A_266] : memref<8x128x64xf32, #tpu.memory_space<vmem>> -> memref<1x128x64xf32, #tpu.memory_space<vmem>>
      %get3A_268 = tpu.memref_squeeze %get3A_267 : memref<1x128x64xf32, #tpu.memory_space<vmem>> -> memref<128x64xf32, #tpu.memory_space<vmem>>
      %get3A_269 = arith.index_cast %add3A_248 : i32 to index
      %get3A_270 = arith.constant 16 : index
      %get3A_271 = tpu.vector_load %get3A_268[%get3A_269, %get3A_270] {strides = array<i32>} : memref<128x64xf32, #tpu.memory_space<vmem>>, vector<16xf32>,
      %get3A_272 = arith.constant 0 : i32
      %get3A_273 = arith.constant 0 : i32
      %get3A_274 = tpu.memref_slice %arg13[%scan3A_57, %get3A_272, %get3A_273] : memref<8x128x64xf32, #tpu.memory_space<vmem>> -> memref<1x128x64xf32, #tpu.memory_space<vmem>>
      %get3A_275 = tpu.memref_squeeze %get3A_274 : memref<1x128x64xf32, #tpu.memory_space<vmem>> -> memref<128x64xf32, #tpu.memory_space<vmem>>
      %get3A_276 = arith.index_cast %add3A_248 : i32 to index
      %get3A_277 = arith.constant 16 : index
      %get3A_278 = tpu.vector_load %get3A_275[%get3A_276, %get3A_277] {strides = array<i32>} : memref<128x64xf32, #tpu.memory_space<vmem>>, vector<16xf32>,
      %add3A_279 = arith.addf %get3A_271, %get3A_278 : vector<16xf32>
      %swap3A_280 = arith.index_cast %add3A_248 : i32 to index
      %swap3A_281 = arith.constant 16 : index
      %swap3A_282 = tpu.vector_load %arg11[%swap3A_280, %swap3A_281] {strides = array<i32>} : memref<128x64xf32, #tpu.memory_space<vmem>>, vector<16xf32>,
      tpu.vector_store %arg11[%swap3A_280, %swap3A_281], %add3A_279 {strides = array<i32>} : memref<128x64xf32, #tpu.memory_space<vmem>>, vector<16xf32>,
      %get3A_283 = arith.constant 0 : i32
      %get3A_284 = arith.constant 0 : i32
      %get3A_285 = tpu.memref_slice %arg13[%scan3A, %get3A_283, %get3A_284] : memref<8x128x64xf32, #tpu.memory_space<vmem>> -> memref<1x128x64xf32, #tpu.memory_space<vmem>>
      %get3A_286 = tpu.memref_squeeze %get3A_285 : memref<1x128x64xf32, #tpu.memory_space<vmem>> -> memref<128x64xf32, #tpu.memory_space<vmem>>
      %get3A_287 = arith.index_cast %add3A_248 : i32 to index
      %get3A_288 = arith.constant 32 : index
      %get3A_289 = tpu.vector_load %get3A_286[%get3A_287, %get3A_288] {strides = array<i32>} : memref<128x64xf32, #tpu.memory_space<vmem>>, vector<16xf32>,
      %get3A_290 = arith.constant 0 : i32
      %get3A_291 = arith.constant 0 : i32
      %get3A_292 = tpu.memref_slice %arg13[%scan3A_57, %get3A_290, %get3A_291] : memref<8x128x64xf32, #tpu.memory_space<vmem>> -> memref<1x128x64xf32, #tpu.memory_space<vmem>>
      %get3A_293 = tpu.memref_squeeze %get3A_292 : memref<1x128x64xf32, #tpu.memory_space<vmem>> -> memref<128x64xf32, #tpu.memory_space<vmem>>
      %get3A_294 = arith.index_cast %add3A_248 : i32 to index
      %get3A_295 = arith.constant 32 : index
      %get3A_296 = tpu.vector_load %get3A_293[%get3A_294, %get3A_295] {strides = array<i32>} : memref<128x64xf32, #tpu.memory_space<vmem>>, vector<16xf32>,
      %add3A_297 = arith.addf %get3A_289, %get3A_296 : vector<16xf32>
      %swap3A_298 = arith.index_cast %add3A_248 : i32 to index
      %swap3A_299 = arith.constant 32 : index
      %swap3A_300 = tpu.vector_load %arg11[%swap3A_298, %swap3A_299] {strides = array<i32>} : memref<128x64xf32, #tpu.memory_space<vmem>>, vector<16xf32>,
      tpu.vector_store %arg11[%swap3A_298, %swap3A_299], %add3A_297 {strides = array<i32>} : memref<128x64xf32, #tpu.memory_space<vmem>>, vector<16xf32>,
      %get3A_301 = arith.constant 0 : i32
      %get3A_302 = arith.constant 0 : i32
      %get3A_303 = tpu.memref_slice %arg13[%scan3A, %get3A_301, %get3A_302] : memref<8x128x64xf32, #tpu.memory_space<vmem>> -> memref<1x128x64xf32, #tpu.memory_space<vmem>>
      %get3A_304 = tpu.memref_squeeze %get3A_303 : memref<1x128x64xf32, #tpu.memory_space<vmem>> -> memref<128x64xf32, #tpu.memory_space<vmem>>
      %get3A_305 = arith.index_cast %add3A_248 : i32 to index
      %get3A_306 = arith.constant 48 : index
      %get3A_307 = tpu.vector_load %get3A_304[%get3A_305, %get3A_306] {strides = array<i32>} : memref<128x64xf32, #tpu.memory_space<vmem>>, vector<16xf32>,
      %get3A_308 = arith.constant 0 : i32
      %get3A_309 = arith.constant 0 : i32
      %get3A_310 = tpu.memref_slice %arg13[%scan3A_57, %get3A_308, %get3A_309] : memref<8x128x64xf32, #tpu.memory_space<vmem>> -> memref<1x128x64xf32, #tpu.memory_space<vmem>>
      %get3A_311 = tpu.memref_squeeze %get3A_310 : memref<1x128x64xf32, #tpu.memory_space<vmem>> -> memref<128x64xf32, #tpu.memory_space<vmem>>
      %get3A_312 = arith.index_cast %add3A_248 : i32 to index
      %get3A_313 = arith.constant 48 : index
      %get3A_314 = tpu.vector_load %get3A_311[%get3A_312, %get3A_313] {strides = array<i32>} : memref<128x64xf32, #tpu.memory_space<vmem>>, vector<16xf32>,
      %add3A_315 = arith.addf %get3A_307, %get3A_314 : vector<16xf32>
      %swap3A_316 = arith.index_cast %add3A_248 : i32 to index
      %swap3A_317 = arith.constant 48 : index
      %swap3A_318 = tpu.vector_load %arg11[%swap3A_316, %swap3A_317] {strides = array<i32>} : memref<128x64xf32, #tpu.memory_space<vmem>>, vector<16xf32>,
      tpu.vector_store %arg11[%swap3A_316, %swap3A_317], %add3A_315 {strides = array<i32>} : memref<128x64xf32, #tpu.memory_space<vmem>>, vector<16xf32>,
    }
    %scan3A_62 = arith.constant 128 : i32
    %dma_start3A_63 = arith.constant 0 : i32
    %dma_start3A_64 = arith.constant 0 : i32
    %dma_start3A_65 = arith.constant 0 : i32
    %dma_start3A_66 = arith.constant 0 : i32
    %dma_start3A_67 = tpu.memref_slice %arg13[%dma_start3A_64, %dma_start3A_65, %dma_start3A_66] : memref<8x128x64xf32, #tpu.memory_space<vmem>> -> memref<1x128x64xf32, #tpu.memory_space<vmem>>
    %dma_start3A_68 = tpu.memref_squeeze %dma_start3A_67 : memref<1x128x64xf32, #tpu.memory_space<vmem>> -> memref<128x64xf32, #tpu.memory_space<vmem>>
    %dma_start3A_69 = arith.constant 0 : i32
    %dma_start3A_70 = tpu.memref_slice %arg10[%dma_start3A_63, %dma_start3A_69] : memref<128x128xi32, #tpu.memory_space<vmem>> -> memref<1x128xi32, #tpu.memory_space<vmem>>
    %dma_start3A_71 = tpu.memref_squeeze %dma_start3A_70 : memref<1x128xi32, #tpu.memory_space<vmem>> -> memref<128xi32, #tpu.memory_space<vmem>>
    %dma_start3A_72 = arith.constant 0 : i32
    %dma_start3A_73 = arith.constant 0 : i32
    %dma_start3A_74 = tpu.memref_slice %arg5[%dma_start3A_72, %dma_start3A_73] : memref<1015808x64xf32, #tpu.memory_space<hbm>> -> memref<1015808x64xf32, #tpu.memory_space<hbm>>
    tpu.enqueue_indirect_dma source(%dma_start3A_74 : memref<1015808x64xf32, #tpu.memory_space<hbm>>) target(%dma_start3A_68 : memref<128x64xf32, #tpu.memory_space<vmem>>) offsets(%dma_start3A_71 : memref<128xi32, #tpu.memory_space<vmem>>) semaphore(%arg15 : memref<!tpu.dma_semaphore, #tpu.memory_space<semaphore_mem>>)
    %dma_start3A_75 = arith.constant 1 : i32
    %dma_start3A_76 = arith.constant 1 : i32
    %dma_start3A_77 = arith.constant 0 : i32
    %dma_start3A_78 = arith.constant 0 : i32
    %dma_start3A_79 = tpu.memref_slice %arg13[%dma_start3A_76, %dma_start3A_77, %dma_start3A_78] : memref<8x128x64xf32, #tpu.memory_space<vmem>> -> memref<1x128x64xf32, #tpu.memory_space<vmem>>
    %dma_start3A_80 = tpu.memref_squeeze %dma_start3A_79 : memref<1x128x64xf32, #tpu.memory_space<vmem>> -> memref<128x64xf32, #tpu.memory_space<vmem>>
    %dma_start3A_81 = arith.constant 0 : i32
    %dma_start3A_82 = tpu.memref_slice %arg10[%dma_start3A_75, %dma_start3A_81] : memref<128x128xi32, #tpu.memory_space<vmem>> -> memref<1x128xi32, #tpu.memory_space<vmem>>
    %dma_start3A_83 = tpu.memref_squeeze %dma_start3A_82 : memref<1x128xi32, #tpu.memory_space<vmem>> -> memref<128xi32, #tpu.memory_space<vmem>>
    %dma_start3A_84 = arith.constant 0 : i32
    %dma_start3A_85 = arith.constant 0 : i32
    %dma_start3A_86 = tpu.memref_slice %arg5[%dma_start3A_84, %dma_start3A_85] : memref<1015808x64xf32, #tpu.memory_space<hbm>> -> memref<1015808x64xf32, #tpu.memory_space<hbm>>
    tpu.enqueue_indirect_dma source(%dma_start3A_86 : memref<1015808x64xf32, #tpu.memory_space<hbm>>) target(%dma_start3A_80 : memref<128x64xf32, #tpu.memory_space<vmem>>) offsets(%dma_start3A_83 : memref<128xi32, #tpu.memory_space<vmem>>) semaphore(%arg16 : memref<!tpu.dma_semaphore, #tpu.memory_space<semaphore_mem>>)
    %dma_start3A_87 = arith.constant 2 : i32
    %dma_start3A_88 = arith.constant 2 : i32
    %dma_start3A_89 = arith.constant 0 : i32
    %dma_start3A_90 = arith.constant 0 : i32
    %dma_start3A_91 = tpu.memref_slice %arg13[%dma_start3A_88, %dma_start3A_89, %dma_start3A_90] : memref<8x128x64xf32, #tpu.memory_space<vmem>> -> memref<1x128x64xf32, #tpu.memory_space<vmem>>
    %dma_start3A_92 = tpu.memref_squeeze %dma_start3A_91 : memref<1x128x64xf32, #tpu.memory_space<vmem>> -> memref<128x64xf32, #tpu.memory_space<vmem>>
    %dma_start3A_93 = arith.constant 0 : i32
    %dma_start3A_94 = tpu.memref_slice %arg10[%dma_start3A_87, %dma_start3A_93] : memref<128x128xi32, #tpu.memory_space<vmem>> -> memref<1x128xi32, #tpu.memory_space<vmem>>
    %dma_start3A_95 = tpu.memref_squeeze %dma_start3A_94 : memref<1x128xi32, #tpu.memory_space<vmem>> -> memref<128xi32, #tpu.memory_space<vmem>>
    %dma_start3A_96 = arith.constant 0 : i32
    %dma_start3A_97 = arith.constant 0 : i32
    %dma_start3A_98 = tpu.memref_slice %arg5[%dma_start3A_96, %dma_start3A_97] : memref<1015808x64xf32, #tpu.memory_space<hbm>> -> memref<1015808x64xf32, #tpu.memory_space<hbm>>
    tpu.enqueue_indirect_dma source(%dma_start3A_98 : memref<1015808x64xf32, #tpu.memory_space<hbm>>) target(%dma_start3A_92 : memref<128x64xf32, #tpu.memory_space<vmem>>) offsets(%dma_start3A_95 : memref<128xi32, #tpu.memory_space<vmem>>) semaphore(%arg17 : memref<!tpu.dma_semaphore, #tpu.memory_space<semaphore_mem>>)
    %dma_start3A_99 = arith.constant 3 : i32
    %dma_start3A_100 = arith.constant 3 : i32
    %dma_start3A_101 = arith.constant 0 : i32
    %dma_start3A_102 = arith.constant 0 : i32
    %dma_start3A_103 = tpu.memref_slice %arg13[%dma_start3A_100, %dma_start3A_101, %dma_start3A_102] : memref<8x128x64xf32, #tpu.memory_space<vmem>> -> memref<1x128x64xf32, #tpu.memory_space<vmem>>
    %dma_start3A_104 = tpu.memref_squeeze %dma_start3A_103 : memref<1x128x64xf32, #tpu.memory_space<vmem>> -> memref<128x64xf32, #tpu.memory_space<vmem>>
    %dma_start3A_105 = arith.constant 0 : i32
    %dma_start3A_106 = tpu.memref_slice %arg10[%dma_start3A_99, %dma_start3A_105] : memref<128x128xi32, #tpu.memory_space<vmem>> -> memref<1x128xi32, #tpu.memory_space<vmem>>
    %dma_start3A_107 = tpu.memref_squeeze %dma_start3A_106 : memref<1x128xi32, #tpu.memory_space<vmem>> -> memref<128xi32, #tpu.memory_space<vmem>>
    %dma_start3A_108 = arith.constant 0 : i32
    %dma_start3A_109 = arith.constant 0 : i32
    %dma_start3A_110 = tpu.memref_slice %arg5[%dma_start3A_108, %dma_start3A_109] : memref<1015808x64xf32, #tpu.memory_space<hbm>> -> memref<1015808x64xf32, #tpu.memory_space<hbm>>
    tpu.enqueue_indirect_dma source(%dma_start3A_110 : memref<1015808x64xf32, #tpu.memory_space<hbm>>) target(%dma_start3A_104 : memref<128x64xf32, #tpu.memory_space<vmem>>) offsets(%dma_start3A_107 : memref<128xi32, #tpu.memory_space<vmem>>) semaphore(%arg18 : memref<!tpu.dma_semaphore, #tpu.memory_space<semaphore_mem>>)
    %dma_start3A_111 = arith.constant 4 : i32
    %dma_start3A_112 = arith.constant 4 : i32
    %dma_start3A_113 = arith.constant 0 : i32
    %dma_start3A_114 = arith.constant 0 : i32
    %dma_start3A_115 = tpu.memref_slice %arg13[%dma_start3A_112, %dma_start3A_113, %dma_start3A_114] : memref<8x128x64xf32, #tpu.memory_space<vmem>> -> memref<1x128x64xf32, #tpu.memory_space<vmem>>
    %dma_start3A_116 = tpu.memref_squeeze %dma_start3A_115 : memref<1x128x64xf32, #tpu.memory_space<vmem>> -> memref<128x64xf32, #tpu.memory_space<vmem>>
    %dma_start3A_117 = arith.constant 0 : i32
    %dma_start3A_118 = tpu.memref_slice %arg10[%dma_start3A_111, %dma_start3A_117] : memref<128x128xi32, #tpu.memory_space<vmem>> -> memref<1x128xi32, #tpu.memory_space<vmem>>
    %dma_start3A_119 = tpu.memref_squeeze %dma_start3A_118 : memref<1x128xi32, #tpu.memory_space<vmem>> -> memref<128xi32, #tpu.memory_space<vmem>>
    %dma_start3A_120 = arith.constant 0 : i32
    %dma_start3A_121 = arith.constant 0 : i32
    %dma_start3A_122 = tpu.memref_slice %arg5[%dma_start3A_120, %dma_start3A_121] : memref<1015808x64xf32, #tpu.memory_space<hbm>> -> memref<1015808x64xf32, #tpu.memory_space<hbm>>
    tpu.enqueue_indirect_dma source(%dma_start3A_122 : memref<1015808x64xf32, #tpu.memory_space<hbm>>) target(%dma_start3A_116 : memref<128x64xf32, #tpu.memory_space<vmem>>) offsets(%dma_start3A_119 : memref<128xi32, #tpu.memory_space<vmem>>) semaphore(%arg19 : memref<!tpu.dma_semaphore, #tpu.memory_space<semaphore_mem>>)
    %dma_start3A_123 = arith.constant 5 : i32
    %dma_start3A_124 = arith.constant 5 : i32
    %dma_start3A_125 = arith.constant 0 : i32
    %dma_start3A_126 = arith.constant 0 : i32
    %dma_start3A_127 = tpu.memref_slice %arg13[%dma_start3A_124, %dma_start3A_125, %dma_start3A_126] : memref<8x128x64xf32, #tpu.memory_space<vmem>> -> memref<1x128x64xf32, #tpu.memory_space<vmem>>
    %dma_start3A_128 = tpu.memref_squeeze %dma_start3A_127 : memref<1x128x64xf32, #tpu.memory_space<vmem>> -> memref<128x64xf32, #tpu.memory_space<vmem>>
    %dma_start3A_129 = arith.constant 0 : i32
    %dma_start3A_130 = tpu.memref_slice %arg10[%dma_start3A_123, %dma_start3A_129] : memref<128x128xi32, #tpu.memory_space<vmem>> -> memref<1x128xi32, #tpu.memory_space<vmem>>
    %dma_start3A_131 = tpu.memref_squeeze %dma_start3A_130 : memref<1x128xi32, #tpu.memory_space<vmem>> -> memref<128xi32, #tpu.memory_space<vmem>>
    %dma_start3A_132 = arith.constant 0 : i32
    %dma_start3A_133 = arith.constant 0 : i32
    %dma_start3A_134 = tpu.memref_slice %arg5[%dma_start3A_132, %dma_start3A_133] : memref<1015808x64xf32, #tpu.memory_space<hbm>> -> memref<1015808x64xf32, #tpu.memory_space<hbm>>
    tpu.enqueue_indirect_dma source(%dma_start3A_134 : memref<1015808x64xf32, #tpu.memory_space<hbm>>) target(%dma_start3A_128 : memref<128x64xf32, #tpu.memory_space<vmem>>) offsets(%dma_start3A_131 : memref<128xi32, #tpu.memory_space<vmem>>) semaphore(%arg20 : memref<!tpu.dma_semaphore, #tpu.memory_space<semaphore_mem>>)
    %dma_start3A_135 = arith.constant 6 : i32
    %dma_start3A_136 = arith.constant 6 : i32
    %dma_start3A_137 = arith.constant 0 : i32
    %dma_start3A_138 = arith.constant 0 : i32
    %dma_start3A_139 = tpu.memref_slice %arg13[%dma_start3A_136, %dma_start3A_137, %dma_start3A_138] : memref<8x128x64xf32, #tpu.memory_space<vmem>> -> memref<1x128x64xf32, #tpu.memory_space<vmem>>
    %dma_start3A_140 = tpu.memref_squeeze %dma_start3A_139 : memref<1x128x64xf32, #tpu.memory_space<vmem>> -> memref<128x64xf32, #tpu.memory_space<vmem>>
    %dma_start3A_141 = arith.constant 0 : i32
    %dma_start3A_142 = tpu.memref_slice %arg10[%dma_start3A_135, %dma_start3A_141] : memref<128x128xi32, #tpu.memory_space<vmem>> -> memref<1x128xi32, #tpu.memory_space<vmem>>
    %dma_start3A_143 = tpu.memref_squeeze %dma_start3A_142 : memref<1x128xi32, #tpu.memory_space<vmem>> -> memref<128xi32, #tpu.memory_space<vmem>>
    %dma_start3A_144 = arith.constant 0 : i32
    %dma_start3A_145 = arith.constant 0 : i32
    %dma_start3A_146 = tpu.memref_slice %arg5[%dma_start3A_144, %dma_start3A_145] : memref<1015808x64xf32, #tpu.memory_space<hbm>> -> memref<1015808x64xf32, #tpu.memory_space<hbm>>
    tpu.enqueue_indirect_dma source(%dma_start3A_146 : memref<1015808x64xf32, #tpu.memory_space<hbm>>) target(%dma_start3A_140 : memref<128x64xf32, #tpu.memory_space<vmem>>) offsets(%dma_start3A_143 : memref<128xi32, #tpu.memory_space<vmem>>) semaphore(%arg21 : memref<!tpu.dma_semaphore, #tpu.memory_space<semaphore_mem>>)
    %scan3A_147 = arith.constant 7 : i32
    %scan3A_148 = arith.constant 0 : i32
    %scan3A_149 = arith.constant 1 : i32
    %scan3A_150 = arith.constant 2 : i32
    %scan3A_151 = arith.constant 3 : i32
    %scan3A_152 = arith.constant 4 : i32
    %scan3A_153 = arith.constant 5 : i32
    %scan3A_154 = arith.constant 6 : i32
    %scan3A_155 = arith.constant 0 : i32
    %scan3A_156 = arith.constant 16 : i32
    %scan3A_157 = arith.addi %scan3A_155, %scan3A_156 : i32
    %scan3A_158 = arith.constant 1 : i32
    scf.for %scan3A_244 = %scan3A_155 to %scan3A_157 step %scan3A_158  : i32 {
      %mul3A_245 = arith.constant 8 : i32
      %mul3A_246 = arith.muli %scan3A_244, %mul3A_245 : i32
      %add3A_247 = arith.constant 0 : i32
      %add3A_248 = arith.addi %add3A_247, %mul3A_246 : i32
      %add3A_249 = arith.constant 0 : i32
      %add3A_250 = arith.addi %add3A_248, %add3A_249 : i32
      %add3A_251 = arith.constant 8 : i32
      %add3A_252 = arith.addi %add3A_250, %add3A_251 : i32
      %sub3A = arith.constant 1 : i32
      %sub3A_253 = arith.subi %add3A_252, %sub3A : i32
      %min3A = arith.constant 127 : i32
      %min3A_254 = arith.minsi %sub3A_253, %min3A : i32
      %dma_start3A_255 = arith.constant 0 : i32
      %dma_start3A_256 = arith.constant 0 : i32
      %dma_start3A_257 = tpu.memref_slice %arg13[%scan3A_147, %dma_start3A_255, %dma_start3A_256] : memref<8x128x64xf32, #tpu.memory_space<vmem>> -> memref<1x128x64xf32, #tpu.memory_space<vmem>>
      %dma_start3A_258 = tpu.memref_squeeze %dma_start3A_257 : memref<1x128x64xf32, #tpu.memory_space<vmem>> -> memref<128x64xf32, #tpu.memory_space<vmem>>
      %dma_start3A_259 = arith.constant 0 : i32
      %dma_start3A_260 = tpu.memref_slice %arg10[%min3A_254, %dma_start3A_259] : memref<128x128xi32, #tpu.memory_space<vmem>> -> memref<1x128xi32, #tpu.memory_space<vmem>>
      %dma_start3A_261 = tpu.memref_squeeze %dma_start3A_260 : memref<1x128xi32, #tpu.memory_space<vmem>> -> memref<128xi32, #tpu.memory_space<vmem>>
      %dma_start3A_262 = arith.constant 0 : i32
      %dma_start3A_263 = arith.constant 0 : i32
      %dma_start3A_264 = tpu.memref_slice %arg5[%dma_start3A_262, %dma_start3A_263] : memref<1015808x64xf32, #tpu.memory_space<hbm>> -> memref<1015808x64xf32, #tpu.memory_space<hbm>>
      tpu.enqueue_indirect_dma source(%dma_start3A_264 : memref<1015808x64xf32, #tpu.memory_space<hbm>>) target(%dma_start3A_258 : memref<128x64xf32, #tpu.memory_space<vmem>>) offsets(%dma_start3A_261 : memref<128xi32, #tpu.memory_space<vmem>>) semaphore(%arg22 : memref<!tpu.dma_semaphore, #tpu.memory_space<semaphore_mem>>)
      %dma_wait3A_265 = arith.constant 0 : i32
      %dma_wait3A_266 = arith.constant 0 : i32
      %dma_wait3A_267 = tpu.memref_slice %arg13[%scan3A_148, %dma_wait3A_265, %dma_wait3A_266] : memref<8x128x64xf32, #tpu.memory_space<vmem>> -> memref<1x128x64xf32, #tpu.memory_space<vmem>>
      %dma_wait3A_268 = tpu.memref_squeeze %dma_wait3A_267 : memref<1x128x64xf32, #tpu.memory_space<vmem>> -> memref<128x64xf32, #tpu.memory_space<vmem>>
      %dma_wait3A_269 = arith.constant 0 : i32
      %dma_wait3A_270 = tpu.memref_slice %arg10[%add3A_250, %dma_wait3A_269] : memref<128x128xi32, #tpu.memory_space<vmem>> -> memref<1x128xi32, #tpu.memory_space<vmem>>
      %dma_wait3A_271 = tpu.memref_squeeze %dma_wait3A_270 : memref<1x128xi32, #tpu.memory_space<vmem>> -> memref<128xi32, #tpu.memory_space<vmem>>
      %dma_wait3A_272 = arith.constant 0 : i32
      %dma_wait3A_273 = arith.constant 0 : i32
      %dma_wait3A_274 = tpu.memref_slice %arg5[%dma_wait3A_272, %dma_wait3A_273] : memref<1015808x64xf32, #tpu.memory_space<hbm>> -> memref<1015808x64xf32, #tpu.memory_space<hbm>>
      tpu.wait_indirect_dma semaphore(%arg15 : memref<!tpu.dma_semaphore, #tpu.memory_space<semaphore_mem>>) src(%dma_wait3A_274 : memref<1015808x64xf32, #tpu.memory_space<hbm>>) dst(%dma_wait3A_268 : memref<128x64xf32, #tpu.memory_space<vmem>>)
      %broadcast_in_dim3A = vector.broadcast %add3A_250 : i32 to vector<16xi32>
      %broadcast_in_dim3A_275 = arith.constant 0.000000e+00 : f32
      %broadcast_in_dim3A_276 = vector.broadcast %broadcast_in_dim3A_275 : f32 to vector<16xf32>
      %broadcast_in_dim3A_277 = arith.constant 0.000000e+00 : f32
      %broadcast_in_dim3A_278 = vector.broadcast %broadcast_in_dim3A_277 : f32 to vector<16xf32>
      %broadcast_in_dim3A_279 = arith.constant 0.000000e+00 : f32
      %broadcast_in_dim3A_280 = vector.broadcast %broadcast_in_dim3A_279 : f32 to vector<16xf32>
      %broadcast_in_dim3A_281 = arith.constant 0.000000e+00 : f32
      %broadcast_in_dim3A_282 = vector.broadcast %broadcast_in_dim3A_281 : f32 to vector<16xf32>
      %broadcast_in_dim3A_283 = arith.constant 0.000000e+00 : f32
      %broadcast_in_dim3A_284 = vector.broadcast %broadcast_in_dim3A_283 : f32 to vector<16xf32>
      %broadcast_in_dim3A_285 = arith.constant 0.000000e+00 : f32
      %broadcast_in_dim3A_286 = vector.broadcast %broadcast_in_dim3A_285 : f32 to vector<16xf32>
      %broadcast_in_dim3A_287 = arith.constant 0.000000e+00 : f32
      %broadcast_in_dim3A_288 = vector.broadcast %broadcast_in_dim3A_287 : f32 to vector<16xf32>
      %broadcast_in_dim3A_289 = arith.constant 0.000000e+00 : f32
      %broadcast_in_dim3A_290 = vector.broadcast %broadcast_in_dim3A_289 : f32 to vector<16xf32>
      %scan3A_291 = arith.constant 0 : i32
      %scan3A_292 = arith.constant 64 : i32
      %scan3A_293 = arith.addi %scan3A_291, %scan3A_292 : i32
      %scan3A_294 = arith.constant 2 : i32
      %scan3A_295:8 = scf.for %scan3A_1037 = %scan3A_291 to %scan3A_293 step %scan3A_294 iter_args(%scan3A_1038 = %broadcast_in_dim3A_276, %scan3A_1039 = %broadcast_in_dim3A_278, %scan3A_1040 = %broadcast_in_dim3A_280, %scan3A_1041 = %broadcast_in_dim3A_282, %scan3A_1042 = %broadcast_in_dim3A_284, %scan3A_1043 = %broadcast_in_dim3A_286, %scan3A_1044 = %broadcast_in_dim3A_288, %scan3A_1045 = %broadcast_in_dim3A_290) -> (vector<16xf32>, vector<16xf32>, vector<16xf32>, vector<16xf32>, vector<16xf32>, vector<16xf32>, vector<16xf32>, vector<16xf32>)  : i32 {
        %add3A_1046 = vector.broadcast %scan3A_1037 : i32 to vector<16xi32>
        %add3A_1047 = arith.addi %iota3A, %add3A_1046 : vector<16xi32>
        %and3A = arith.constant 63 : i32
        %and3A_1048 = vector.broadcast %and3A : i32 to vector<16xi32>
        %and3A_1049 = arith.andi %add3A_1047, %and3A_1048 : vector<16xi32>
        %gather3A = tpu.vector_load_idx %arg11[%broadcast_in_dim3A, %and3A_1049] : memref<128x64xf32, #tpu.memory_space<vmem>>[vector<16xi32>, vector<16xi32>], vector<16xf32>,
        %gather3A_1050 = arith.constant 0 : i32
        %gather3A_1051 = arith.constant 0 : i32
        %gather3A_1052 = tpu.memref_slice %arg13[%scan3A_148, %gather3A_1050, %gather3A_1051] : memref<8x128x64xf32, #tpu.memory_space<vmem>> -> memref<1x128x64xf32, #tpu.memory_space<vmem>>
        %gather3A_1053 = tpu.memref_squeeze %gather3A_1052 : memref<1x128x64xf32, #tpu.memory_space<vmem>> -> memref<128x64xf32, #tpu.memory_space<vmem>>
        %gather3A_1054 = tpu.vector_load_idx %gather3A_1053[%add3A_5, %and3A_1049] : memref<128x64xf32, #tpu.memory_space<vmem>>[vector<16xi32>, vector<16xi32>], vector<16xf32>,
        %sub3A_1055 = arith.subf %gather3A, %gather3A_1054 : vector<16xf32>
        %abs3A = math.absf %sub3A_1055 : vector<16xf32>
        %add3A_1056 = arith.addf %scan3A_1038, %abs3A : vector<16xf32>
        %gather3A_1057 = arith.constant 0 : i32
        %gather3A_1058 = arith.constant 0 : i32
        %gather3A_1059 = tpu.memref_slice %arg13[%scan3A_148, %gather3A_1057, %gather3A_1058] : memref<8x128x64xf32, #tpu.memory_space<vmem>> -> memref<1x128x64xf32, #tpu.memory_space<vmem>>
        %gather3A_1060 = tpu.memref_squeeze %gather3A_1059 : memref<1x128x64xf32, #tpu.memory_space<vmem>> -> memref<128x64xf32, #tpu.memory_space<vmem>>
        %gather3A_1061 = tpu.vector_load_idx %gather3A_1060[%add3A_8, %and3A_1049] : memref<128x64xf32, #tpu.memory_space<vmem>>[vector<16xi32>, vector<16xi32>], vector<16xf32>,
        %sub3A_1062 = arith.subf %gather3A, %gather3A_1061 : vector<16xf32>
        %abs3A_1063 = math.absf %sub3A_1062 : vector<16xf32>
        %add3A_1064 = arith.addf %scan3A_1039, %abs3A_1063 : vector<16xf32>
        %gather3A_1065 = arith.constant 0 : i32
        %gather3A_1066 = arith.constant 0 : i32
        %gather3A_1067 = tpu.memref_slice %arg13[%scan3A_148, %gather3A_1065, %gather3A_1066] : memref<8x128x64xf32, #tpu.memory_space<vmem>> -> memref<1x128x64xf32, #tpu.memory_space<vmem>>
        %gather3A_1068 = tpu.memref_squeeze %gather3A_1067 : memref<1x128x64xf32, #tpu.memory_space<vmem>> -> memref<128x64xf32, #tpu.memory_space<vmem>>
        %gather3A_1069 = tpu.vector_load_idx %gather3A_1068[%add3A_11, %and3A_1049] : memref<128x64xf32, #tpu.memory_space<vmem>>[vector<16xi32>, vector<16xi32>], vector<16xf32>,
        %sub3A_1070 = arith.subf %gather3A, %gather3A_1069 : vector<16xf32>
        %abs3A_1071 = math.absf %sub3A_1070 : vector<16xf32>
        %add3A_1072 = arith.addf %scan3A_1040, %abs3A_1071 : vector<16xf32>
        %gather3A_1073 = arith.constant 0 : i32
        %gather3A_1074 = arith.constant 0 : i32
        %gather3A_1075 = tpu.memref_slice %arg13[%scan3A_148, %gather3A_1073, %gather3A_1074] : memref<8x128x64xf32, #tpu.memory_space<vmem>> -> memref<1x128x64xf32, #tpu.memory_space<vmem>>
        %gather3A_1076 = tpu.memref_squeeze %gather3A_1075 : memref<1x128x64xf32, #tpu.memory_space<vmem>> -> memref<128x64xf32, #tpu.memory_space<vmem>>
        %gather3A_1077 = tpu.vector_load_idx %gather3A_1076[%add3A_14, %and3A_1049] : memref<128x64xf32, #tpu.memory_space<vmem>>[vector<16xi32>, vector<16xi32>], vector<16xf32>,
        %sub3A_1078 = arith.subf %gather3A, %gather3A_1077 : vector<16xf32>
        %abs3A_1079 = math.absf %sub3A_1078 : vector<16xf32>
        %add3A_1080 = arith.addf %scan3A_1041, %abs3A_1079 : vector<16xf32>
        %gather3A_1081 = arith.constant 0 : i32
        %gather3A_1082 = arith.constant 0 : i32
        %gather3A_1083 = tpu.memref_slice %arg13[%scan3A_148, %gather3A_1081, %gather3A_1082] : memref<8x128x64xf32, #tpu.memory_space<vmem>> -> memref<1x128x64xf32, #tpu.memory_space<vmem>>
        %gather3A_1084 = tpu.memref_squeeze %gather3A_1083 : memref<1x128x64xf32, #tpu.memory_space<vmem>> -> memref<128x64xf32, #tpu.memory_space<vmem>>
        %gather3A_1085 = tpu.vector_load_idx %gather3A_1084[%add3A_17, %and3A_1049] : memref<128x64xf32, #tpu.memory_space<vmem>>[vector<16xi32>, vector<16xi32>], vector<16xf32>,
        %sub3A_1086 = arith.subf %gather3A, %gather3A_1085 : vector<16xf32>
        %abs3A_1087 = math.absf %sub3A_1086 : vector<16xf32>
        %add3A_1088 = arith.addf %scan3A_1042, %abs3A_1087 : vector<16xf32>
        %gather3A_1089 = arith.constant 0 : i32
        %gather3A_1090 = arith.constant 0 : i32
        %gather3A_1091 = tpu.memref_slice %arg13[%scan3A_148, %gather3A_1089, %gather3A_1090] : memref<8x128x64xf32, #tpu.memory_space<vmem>> -> memref<1x128x64xf32, #tpu.memory_space<vmem>>
        %gather3A_1092 = tpu.memref_squeeze %gather3A_1091 : memref<1x128x64xf32, #tpu.memory_space<vmem>> -> memref<128x64xf32, #tpu.memory_space<vmem>>
        %gather3A_1093 = tpu.vector_load_idx %gather3A_1092[%add3A_20, %and3A_1049] : memref<128x64xf32, #tpu.memory_space<vmem>>[vector<16xi32>, vector<16xi32>], vector<16xf32>,
        %sub3A_1094 = arith.subf %gather3A, %gather3A_1093 : vector<16xf32>
        %abs3A_1095 = math.absf %sub3A_1094 : vector<16xf32>
        %add3A_1096 = arith.addf %scan3A_1043, %abs3A_1095 : vector<16xf32>
        %gather3A_1097 = arith.constant 0 : i32
        %gather3A_1098 = arith.constant 0 : i32
        %gather3A_1099 = tpu.memref_slice %arg13[%scan3A_148, %gather3A_1097, %gather3A_1098] : memref<8x128x64xf32, #tpu.memory_space<vmem>> -> memref<1x128x64xf32, #tpu.memory_space<vmem>>
        %gather3A_1100 = tpu.memref_squeeze %gather3A_1099 : memref<1x128x64xf32, #tpu.memory_space<vmem>> -> memref<128x64xf32, #tpu.memory_space<vmem>>
        %gather3A_1101 = tpu.vector_load_idx %gather3A_1100[%add3A_23, %and3A_1049] : memref<128x64xf32, #tpu.memory_space<vmem>>[vector<16xi32>, vector<16xi32>], vector<16xf32>,
        %sub3A_1102 = arith.subf %gather3A, %gather3A_1101 : vector<16xf32>
        %abs3A_1103 = math.absf %sub3A_1102 : vector<16xf32>
        %add3A_1104 = arith.addf %scan3A_1044, %abs3A_1103 : vector<16xf32>
        %gather3A_1105 = arith.constant 0 : i32
        %gather3A_1106 = arith.constant 0 : i32
        %gather3A_1107 = tpu.memref_slice %arg13[%scan3A_148, %gather3A_1105, %gather3A_1106] : memref<8x128x64xf32, #tpu.memory_space<vmem>> -> memref<1x128x64xf32, #tpu.memory_space<vmem>>
        %gather3A_1108 = tpu.memref_squeeze %gather3A_1107 : memref<1x128x64xf32, #tpu.memory_space<vmem>> -> memref<128x64xf32, #tpu.memory_space<vmem>>
        %gather3A_1109 = tpu.vector_load_idx %gather3A_1108[%add3A_26, %and3A_1049] : memref<128x64xf32, #tpu.memory_space<vmem>>[vector<16xi32>, vector<16xi32>], vector<16xf32>,
        %sub3A_1110 = arith.subf %gather3A, %gather3A_1109 : vector<16xf32>
        %abs3A_1111 = math.absf %sub3A_1110 : vector<16xf32>
        %add3A_1112 = arith.addf %scan3A_1045, %abs3A_1111 : vector<16xf32>
        %scan3A_1113 = arith.constant 1 : i32
        %scan3A_1114 = arith.addi %scan3A_1037, %scan3A_1113 : i32
        %add3A_1115 = vector.broadcast %scan3A_1114 : i32 to vector<16xi32>
        %add3A_1116 = arith.addi %iota3A, %add3A_1115 : vector<16xi32>
        %and3A_1117 = arith.constant 63 : i32
        %and3A_1118 = vector.broadcast %and3A_1117 : i32 to vector<16xi32>
        %and3A_1119 = arith.andi %add3A_1116, %and3A_1118 : vector<16xi32>
        %gather3A_1120 = tpu.vector_load_idx %arg11[%broadcast_in_dim3A, %and3A_1119] : memref<128x64xf32, #tpu.memory_space<vmem>>[vector<16xi32>, vector<16xi32>], vector<16xf32>,
        %gather3A_1121 = arith.constant 0 : i32
        %gather3A_1122 = arith.constant 0 : i32
        %gather3A_1123 = tpu.memref_slice %arg13[%scan3A_148, %gather3A_1121, %gather3A_1122] : memref<8x128x64xf32, #tpu.memory_space<vmem>> -> memref<1x128x64xf32, #tpu.memory_space<vmem>>
        %gather3A_1124 = tpu.memref_squeeze %gather3A_1123 : memref<1x128x64xf32, #tpu.memory_space<vmem>> -> memref<128x64xf32, #tpu.memory_space<vmem>>
        %gather3A_1125 = tpu.vector_load_idx %gather3A_1124[%add3A_5, %and3A_1119] : memref<128x64xf32, #tpu.memory_space<vmem>>[vector<16xi32>, vector<16xi32>], vector<16xf32>,
        %sub3A_1126 = arith.subf %gather3A_1120, %gather3A_1125 : vector<16xf32>
        %abs3A_1127 = math.absf %sub3A_1126 : vector<16xf32>
        %add3A_1128 = arith.addf %add3A_1056, %abs3A_1127 : vector<16xf32>
        %gather3A_1129 = arith.constant 0 : i32
        %gather3A_1130 = arith.constant 0 : i32
        %gather3A_1131 = tpu.memref_slice %arg13[%scan3A_148, %gather3A_1129, %gather3A_1130] : memref<8x128x64xf32, #tpu.memory_space<vmem>> -> memref<1x128x64xf32, #tpu.memory_space<vmem>>
        %gather3A_1132 = tpu.memref_squeeze %gather3A_1131 : memref<1x128x64xf32, #tpu.memory_space<vmem>> -> memref<128x64xf32, #tpu.memory_space<vmem>>
        %gather3A_1133 = tpu.vector_load_idx %gather3A_1132[%add3A_8, %and3A_1119] : memref<128x64xf32, #tpu.memory_space<vmem>>[vector<16xi32>, vector<16xi32>], vector<16xf32>,
        %sub3A_1134 = arith.subf %gather3A_1120, %gather3A_1133 : vector<16xf32>
        %abs3A_1135 = math.absf %sub3A_1134 : vector<16xf32>
        %add3A_1136 = arith.addf %add3A_1064, %abs3A_1135 : vector<16xf32>
        %gather3A_1137 = arith.constant 0 : i32
        %gather3A_1138 = arith.constant 0 : i32
        %gather3A_1139 = tpu.memref_slice %arg13[%scan3A_148, %gather3A_1137, %gather3A_1138] : memref<8x128x64xf32, #tpu.memory_space<vmem>> -> memref<1x128x64xf32, #tpu.memory_space<vmem>>
        %gather3A_1140 = tpu.memref_squeeze %gather3A_1139 : memref<1x128x64xf32, #tpu.memory_space<vmem>> -> memref<128x64xf32, #tpu.memory_space<vmem>>
        %gather3A_1141 = tpu.vector_load_idx %gather3A_1140[%add3A_11, %and3A_1119] : memref<128x64xf32, #tpu.memory_space<vmem>>[vector<16xi32>, vector<16xi32>], vector<16xf32>,
        %sub3A_1142 = arith.subf %gather3A_1120, %gather3A_1141 : vector<16xf32>
        %abs3A_1143 = math.absf %sub3A_1142 : vector<16xf32>
        %add3A_1144 = arith.addf %add3A_1072, %abs3A_1143 : vector<16xf32>
        %gather3A_1145 = arith.constant 0 : i32
        %gather3A_1146 = arith.constant 0 : i32
        %gather3A_1147 = tpu.memref_slice %arg13[%scan3A_148, %gather3A_1145, %gather3A_1146] : memref<8x128x64xf32, #tpu.memory_space<vmem>> -> memref<1x128x64xf32, #tpu.memory_space<vmem>>
        %gather3A_1148 = tpu.memref_squeeze %gather3A_1147 : memref<1x128x64xf32, #tpu.memory_space<vmem>> -> memref<128x64xf32, #tpu.memory_space<vmem>>
        %gather3A_1149 = tpu.vector_load_idx %gather3A_1148[%add3A_14, %and3A_1119] : memref<128x64xf32, #tpu.memory_space<vmem>>[vector<16xi32>, vector<16xi32>], vector<16xf32>,
        %sub3A_1150 = arith.subf %gather3A_1120, %gather3A_1149 : vector<16xf32>
        %abs3A_1151 = math.absf %sub3A_1150 : vector<16xf32>
        %add3A_1152 = arith.addf %add3A_1080, %abs3A_1151 : vector<16xf32>
        %gather3A_1153 = arith.constant 0 : i32
        %gather3A_1154 = arith.constant 0 : i32
        %gather3A_1155 = tpu.memref_slice %arg13[%scan3A_148, %gather3A_1153, %gather3A_1154] : memref<8x128x64xf32, #tpu.memory_space<vmem>> -> memref<1x128x64xf32, #tpu.memory_space<vmem>>
        %gather3A_1156 = tpu.memref_squeeze %gather3A_1155 : memref<1x128x64xf32, #tpu.memory_space<vmem>> -> memref<128x64xf32, #tpu.memory_space<vmem>>
        %gather3A_1157 = tpu.vector_load_idx %gather3A_1156[%add3A_17, %and3A_1119] : memref<128x64xf32, #tpu.memory_space<vmem>>[vector<16xi32>, vector<16xi32>], vector<16xf32>,
        %sub3A_1158 = arith.subf %gather3A_1120, %gather3A_1157 : vector<16xf32>
        %abs3A_1159 = math.absf %sub3A_1158 : vector<16xf32>
        %add3A_1160 = arith.addf %add3A_1088, %abs3A_1159 : vector<16xf32>
        %gather3A_1161 = arith.constant 0 : i32
        %gather3A_1162 = arith.constant 0 : i32
        %gather3A_1163 = tpu.memref_slice %arg13[%scan3A_148, %gather3A_1161, %gather3A_1162] : memref<8x128x64xf32, #tpu.memory_space<vmem>> -> memref<1x128x64xf32, #tpu.memory_space<vmem>>
        %gather3A_1164 = tpu.memref_squeeze %gather3A_1163 : memref<1x128x64xf32, #tpu.memory_space<vmem>> -> memref<128x64xf32, #tpu.memory_space<vmem>>
        %gather3A_1165 = tpu.vector_load_idx %gather3A_1164[%add3A_20, %and3A_1119] : memref<128x64xf32, #tpu.memory_space<vmem>>[vector<16xi32>, vector<16xi32>], vector<16xf32>,
        %sub3A_1166 = arith.subf %gather3A_1120, %gather3A_1165 : vector<16xf32>
        %abs3A_1167 = math.absf %sub3A_1166 : vector<16xf32>
        %add3A_1168 = arith.addf %add3A_1096, %abs3A_1167 : vector<16xf32>
        %gather3A_1169 = arith.constant 0 : i32
        %gather3A_1170 = arith.constant 0 : i32
        %gather3A_1171 = tpu.memref_slice %arg13[%scan3A_148, %gather3A_1169, %gather3A_1170] : memref<8x128x64xf32, #tpu.memory_space<vmem>> -> memref<1x128x64xf32, #tpu.memory_space<vmem>>
        %gather3A_1172 = tpu.memref_squeeze %gather3A_1171 : memref<1x128x64xf32, #tpu.memory_space<vmem>> -> memref<128x64xf32, #tpu.memory_space<vmem>>
        %gather3A_1173 = tpu.vector_load_idx %gather3A_1172[%add3A_23, %and3A_1119] : memref<128x64xf32, #tpu.memory_space<vmem>>[vector<16xi32>, vector<16xi32>], vector<16xf32>,
        %sub3A_1174 = arith.subf %gather3A_1120, %gather3A_1173 : vector<16xf32>
        %abs3A_1175 = math.absf %sub3A_1174 : vector<16xf32>
        %add3A_1176 = arith.addf %add3A_1104, %abs3A_1175 : vector<16xf32>
        %gather3A_1177 = arith.constant 0 : i32
        %gather3A_1178 = arith.constant 0 : i32
        %gather3A_1179 = tpu.memref_slice %arg13[%scan3A_148, %gather3A_1177, %gather3A_1178] : memref<8x128x64xf32, #tpu.memory_space<vmem>> -> memref<1x128x64xf32, #tpu.memory_space<vmem>>
        %gather3A_1180 = tpu.memref_squeeze %gather3A_1179 : memref<1x128x64xf32, #tpu.memory_space<vmem>> -> memref<128x64xf32, #tpu.memory_space<vmem>>
        %gather3A_1181 = tpu.vector_load_idx %gather3A_1180[%add3A_26, %and3A_1119] : memref<128x64xf32, #tpu.memory_space<vmem>>[vector<16xi32>, vector<16xi32>], vector<16xf32>,
        %sub3A_1182 = arith.subf %gather3A_1120, %gather3A_1181 : vector<16xf32>
        %abs3A_1183 = math.absf %sub3A_1182 : vector<16xf32>
        %add3A_1184 = arith.addf %add3A_1112, %abs3A_1183 : vector<16xf32>
        scf.yield %add3A_1128, %add3A_1136, %add3A_1144, %add3A_1152, %add3A_1160, %add3A_1168, %add3A_1176, %add3A_1184 : vector<16xf32>, vector<16xf32>, vector<16xf32>, vector<16xf32>, vector<16xf32>, vector<16xf32>, vector<16xf32>, vector<16xf32>
      }
      %scan3A_296 = arith.constant 64 : i32
      %sub3A_297 = arith.constant 1.200000e+01 : f32
      %sub3A_298 = vector.broadcast %sub3A_297 : f32 to vector<16xf32>
      %sub3A_299 = arith.subf %sub3A_298, %scan3A_295#0 : vector<16xf32>
      %swap3A = arith.index_cast %add3A_250 : i32 to index
      %swap3A_300 = arith.constant 0 : index
      %swap3A_301 = tpu.vector_load %arg12[%swap3A, %swap3A_300] {strides = array<i32>} : memref<128x128xf32, #tpu.memory_space<vmem>>, vector<16xf32>,
      tpu.vector_store %arg12[%swap3A, %swap3A_300], %sub3A_299 {strides = array<i32>} : memref<128x128xf32, #tpu.memory_space<vmem>>, vector<16xf32>,
      %sub3A_302 = arith.constant 1.200000e+01 : f32
      %sub3A_303 = vector.broadcast %sub3A_302 : f32 to vector<16xf32>
      %sub3A_304 = arith.subf %sub3A_303, %scan3A_295#1 : vector<16xf32>
      %swap3A_305 = arith.index_cast %add3A_250 : i32 to index
      %swap3A_306 = arith.constant 16 : index
      %swap3A_307 = tpu.vector_load %arg12[%swap3A_305, %swap3A_306] {strides = array<i32>} : memref<128x128xf32, #tpu.memory_space<vmem>>, vector<16xf32>,
      tpu.vector_store %arg12[%swap3A_305, %swap3A_306], %sub3A_304 {strides = array<i32>} : memref<128x128xf32, #tpu.memory_space<vmem>>, vector<16xf32>,
      %sub3A_308 = arith.constant 1.200000e+01 : f32
      %sub3A_309 = vector.broadcast %sub3A_308 : f32 to vector<16xf32>
      %sub3A_310 = arith.subf %sub3A_309, %scan3A_295#2 : vector<16xf32>
      %swap3A_311 = arith.index_cast %add3A_250 : i32 to index
      %swap3A_312 = arith.constant 32 : index
      %swap3A_313 = tpu.vector_load %arg12[%swap3A_311, %swap3A_312] {strides = array<i32>} : memref<128x128xf32, #tpu.memory_space<vmem>>, vector<16xf32>,
      tpu.vector_store %arg12[%swap3A_311, %swap3A_312], %sub3A_310 {strides = array<i32>} : memref<128x128xf32, #tpu.memory_space<vmem>>, vector<16xf32>,
      %sub3A_314 = arith.constant 1.200000e+01 : f32
      %sub3A_315 = vector.broadcast %sub3A_314 : f32 to vector<16xf32>
      %sub3A_316 = arith.subf %sub3A_315, %scan3A_295#3 : vector<16xf32>
      %swap3A_317 = arith.index_cast %add3A_250 : i32 to index
      %swap3A_318 = arith.constant 48 : index
      %swap3A_319 = tpu.vector_load %arg12[%swap3A_317, %swap3A_318] {strides = array<i32>} : memref<128x128xf32, #tpu.memory_space<vmem>>, vector<16xf32>,
      tpu.vector_store %arg12[%swap3A_317, %swap3A_318], %sub3A_316 {strides = array<i32>} : memref<128x128xf32, #tpu.memory_space<vmem>>, vector<16xf32>,
      %sub3A_320 = arith.constant 1.200000e+01 : f32
      %sub3A_321 = vector.broadcast %sub3A_320 : f32 to vector<16xf32>
      %sub3A_322 = arith.subf %sub3A_321, %scan3A_295#4 : vector<16xf32>
      %swap3A_323 = arith.index_cast %add3A_250 : i32 to index
      %swap3A_324 = arith.constant 64 : index
      %swap3A_325 = tpu.vector_load %arg12[%swap3A_323, %swap3A_324] {strides = array<i32>} : memref<128x128xf32, #tpu.memory_space<vmem>>, vector<16xf32>,
      tpu.vector_store %arg12[%swap3A_323, %swap3A_324], %sub3A_322 {strides = array<i32>} : memref<128x128xf32, #tpu.memory_space<vmem>>, vector<16xf32>,
      %sub3A_326 = arith.constant 1.200000e+01 : f32
      %sub3A_327 = vector.broadcast %sub3A_326 : f32 to vector<16xf32>
      %sub3A_328 = arith.subf %sub3A_327, %scan3A_295#5 : vector<16xf32>
      %swap3A_329 = arith.index_cast %add3A_250 : i32 to index
      %swap3A_330 = arith.constant 80 : index
      %swap3A_331 = tpu.vector_load %arg12[%swap3A_329, %swap3A_330] {strides = array<i32>} : memref<128x128xf32, #tpu.memory_space<vmem>>, vector<16xf32>,
      tpu.vector_store %arg12[%swap3A_329, %swap3A_330], %sub3A_328 {strides = array<i32>} : memref<128x128xf32, #tpu.memory_space<vmem>>, vector<16xf32>,
      %sub3A_332 = arith.constant 1.200000e+01 : f32
      %sub3A_333 = vector.broadcast %sub3A_332 : f32 to vector<16xf32>
      %sub3A_334 = arith.subf %sub3A_333, %scan3A_295#6 : vector<16xf32>
      %swap3A_335 = arith.index_cast %add3A_250 : i32 to index
      %swap3A_336 = arith.constant 96 : index
      %swap3A_337 = tpu.vector_load %arg12[%swap3A_335, %swap3A_336] {strides = array<i32>} : memref<128x128xf32, #tpu.memory_space<vmem>>, vector<16xf32>,
      tpu.vector_store %arg12[%swap3A_335, %swap3A_336], %sub3A_334 {strides = array<i32>} : memref<128x128xf32, #tpu.memory_space<vmem>>, vector<16xf32>,
      %sub3A_338 = arith.constant 1.200000e+01 : f32
      %sub3A_339 = vector.broadcast %sub3A_338 : f32 to vector<16xf32>
      %sub3A_340 = arith.subf %sub3A_339, %scan3A_295#7 : vector<16xf32>
      %swap3A_341 = arith.index_cast %add3A_250 : i32 to index
      %swap3A_342 = arith.constant 112 : index
      %swap3A_343 = tpu.vector_load %arg12[%swap3A_341, %swap3A_342] {strides = array<i32>} : memref<128x128xf32, #tpu.memory_space<vmem>>, vector<16xf32>,
      tpu.vector_store %arg12[%swap3A_341, %swap3A_342], %sub3A_340 {strides = array<i32>} : memref<128x128xf32, #tpu.memory_space<vmem>>, vector<16xf32>,
      %add3A_344 = arith.constant 1 : i32
      %add3A_345 = arith.addi %add3A_248, %add3A_344 : i32
      %add3A_346 = arith.constant 8 : i32
      %add3A_347 = arith.addi %add3A_345, %add3A_346 : i32
      %sub3A_348 = arith.constant 1 : i32
      %sub3A_349 = arith.subi %add3A_347, %sub3A_348 : i32
      %min3A_350 = arith.constant 127 : i32
      %min3A_351 = arith.minsi %sub3A_349, %min3A_350 : i32
      %dma_start3A_352 = arith.constant 0 : i32
      %dma_start3A_353 = arith.constant 0 : i32
      %dma_start3A_354 = tpu.memref_slice %arg13[%scan3A_148, %dma_start3A_352, %dma_start3A_353] : memref<8x128x64xf32, #tpu.memory_space<vmem>> -> memref<1x128x64xf32, #tpu.memory_space<vmem>>
      %dma_start3A_355 = tpu.memref_squeeze %dma_start3A_354 : memref<1x128x64xf32, #tpu.memory_space<vmem>> -> memref<128x64xf32, #tpu.memory_space<vmem>>
      %dma_start3A_356 = arith.constant 0 : i32
      %dma_start3A_357 = tpu.memref_slice %arg10[%min3A_351, %dma_start3A_356] : memref<128x128xi32, #tpu.memory_space<vmem>> -> memref<1x128xi32, #tpu.memory_space<vmem>>
      %dma_start3A_358 = tpu.memref_squeeze %dma_start3A_357 : memref<1x128xi32, #tpu.memory_space<vmem>> -> memref<128xi32, #tpu.memory_space<vmem>>
      %dma_start3A_359 = arith.constant 0 : i32
      %dma_start3A_360 = arith.constant 0 : i32
      %dma_start3A_361 = tpu.memref_slice %arg5[%dma_start3A_359, %dma_start3A_360] : memref<1015808x64xf32, #tpu.memory_space<hbm>> -> memref<1015808x64xf32, #tpu.memory_space<hbm>>
      tpu.enqueue_indirect_dma source(%dma_start3A_361 : memref<1015808x64xf32, #tpu.memory_space<hbm>>) target(%dma_start3A_355 : memref<128x64xf32, #tpu.memory_space<vmem>>) offsets(%dma_start3A_358 : memref<128xi32, #tpu.memory_space<vmem>>) semaphore(%arg15 : memref<!tpu.dma_semaphore, #tpu.memory_space<semaphore_mem>>)
      %dma_wait3A_362 = arith.constant 0 : i32
      %dma_wait3A_363 = arith.constant 0 : i32
      %dma_wait3A_364 = tpu.memref_slice %arg13[%scan3A_149, %dma_wait3A_362, %dma_wait3A_363] : memref<8x128x64xf32, #tpu.memory_space<vmem>> -> memref<1x128x64xf32, #tpu.memory_space<vmem>>
      %dma_wait3A_365 = tpu.memref_squeeze %dma_wait3A_364 : memref<1x128x64xf32, #tpu.memory_space<vmem>> -> memref<128x64xf32, #tpu.memory_space<vmem>>
      %dma_wait3A_366 = arith.constant 0 : i32
      %dma_wait3A_367 = tpu.memref_slice %arg10[%add3A_345, %dma_wait3A_366] : memref<128x128xi32, #tpu.memory_space<vmem>> -> memref<1x128xi32, #tpu.memory_space<vmem>>
      %dma_wait3A_368 = tpu.memref_squeeze %dma_wait3A_367 : memref<1x128xi32, #tpu.memory_space<vmem>> -> memref<128xi32, #tpu.memory_space<vmem>>
      %dma_wait3A_369 = arith.constant 0 : i32
      %dma_wait3A_370 = arith.constant 0 : i32
      %dma_wait3A_371 = tpu.memref_slice %arg5[%dma_wait3A_369, %dma_wait3A_370] : memref<1015808x64xf32, #tpu.memory_space<hbm>> -> memref<1015808x64xf32, #tpu.memory_space<hbm>>
      tpu.wait_indirect_dma semaphore(%arg16 : memref<!tpu.dma_semaphore, #tpu.memory_space<semaphore_mem>>) src(%dma_wait3A_371 : memref<1015808x64xf32, #tpu.memory_space<hbm>>) dst(%dma_wait3A_365 : memref<128x64xf32, #tpu.memory_space<vmem>>)
      %broadcast_in_dim3A_372 = vector.broadcast %add3A_345 : i32 to vector<16xi32>
      %broadcast_in_dim3A_373 = arith.constant 0.000000e+00 : f32
      %broadcast_in_dim3A_374 = vector.broadcast %broadcast_in_dim3A_373 : f32 to vector<16xf32>
      %broadcast_in_dim3A_375 = arith.constant 0.000000e+00 : f32
      %broadcast_in_dim3A_376 = vector.broadcast %broadcast_in_dim3A_375 : f32 to vector<16xf32>
      %broadcast_in_dim3A_377 = arith.constant 0.000000e+00 : f32
      %broadcast_in_dim3A_378 = vector.broadcast %broadcast_in_dim3A_377 : f32 to vector<16xf32>
      %broadcast_in_dim3A_379 = arith.constant 0.000000e+00 : f32
      %broadcast_in_dim3A_380 = vector.broadcast %broadcast_in_dim3A_379 : f32 to vector<16xf32>
      %broadcast_in_dim3A_381 = arith.constant 0.000000e+00 : f32
      %broadcast_in_dim3A_382 = vector.broadcast %broadcast_in_dim3A_381 : f32 to vector<16xf32>
      %broadcast_in_dim3A_383 = arith.constant 0.000000e+00 : f32
      %broadcast_in_dim3A_384 = vector.broadcast %broadcast_in_dim3A_383 : f32 to vector<16xf32>
      %broadcast_in_dim3A_385 = arith.constant 0.000000e+00 : f32
      %broadcast_in_dim3A_386 = vector.broadcast %broadcast_in_dim3A_385 : f32 to vector<16xf32>
      %broadcast_in_dim3A_387 = arith.constant 0.000000e+00 : f32
      %broadcast_in_dim3A_388 = vector.broadcast %broadcast_in_dim3A_387 : f32 to vector<16xf32>
      %scan3A_389 = arith.constant 0 : i32
      %scan3A_390 = arith.constant 64 : i32
      %scan3A_391 = arith.addi %scan3A_389, %scan3A_390 : i32
      %scan3A_392 = arith.constant 2 : i32
      %scan3A_393:8 = scf.for %scan3A_1037 = %scan3A_389 to %scan3A_391 step %scan3A_392 iter_args(%scan3A_1038 = %broadcast_in_dim3A_374, %scan3A_1039 = %broadcast_in_dim3A_376, %scan3A_1040 = %broadcast_in_dim3A_378, %scan3A_1041 = %broadcast_in_dim3A_380, %scan3A_1042 = %broadcast_in_dim3A_382, %scan3A_1043 = %broadcast_in_dim3A_384, %scan3A_1044 = %broadcast_in_dim3A_386, %scan3A_1045 = %broadcast_in_dim3A_388) -> (vector<16xf32>, vector<16xf32>, vector<16xf32>, vector<16xf32>, vector<16xf32>, vector<16xf32>, vector<16xf32>, vector<16xf32>)  : i32 {
        %add3A_1046 = vector.broadcast %scan3A_1037 : i32 to vector<16xi32>
        %add3A_1047 = arith.addi %iota3A, %add3A_1046 : vector<16xi32>
        %and3A = arith.constant 63 : i32
        %and3A_1048 = vector.broadcast %and3A : i32 to vector<16xi32>
        %and3A_1049 = arith.andi %add3A_1047, %and3A_1048 : vector<16xi32>
        %gather3A = tpu.vector_load_idx %arg11[%broadcast_in_dim3A_372, %and3A_1049] : memref<128x64xf32, #tpu.memory_space<vmem>>[vector<16xi32>, vector<16xi32>], vector<16xf32>,
        %gather3A_1050 = arith.constant 0 : i32
        %gather3A_1051 = arith.constant 0 : i32
        %gather3A_1052 = tpu.memref_slice %arg13[%scan3A_149, %gather3A_1050, %gather3A_1051] : memref<8x128x64xf32, #tpu.memory_space<vmem>> -> memref<1x128x64xf32, #tpu.memory_space<vmem>>
        %gather3A_1053 = tpu.memref_squeeze %gather3A_1052 : memref<1x128x64xf32, #tpu.memory_space<vmem>> -> memref<128x64xf32, #tpu.memory_space<vmem>>
        %gather3A_1054 = tpu.vector_load_idx %gather3A_1053[%add3A_5, %and3A_1049] : memref<128x64xf32, #tpu.memory_space<vmem>>[vector<16xi32>, vector<16xi32>], vector<16xf32>,
        %sub3A_1055 = arith.subf %gather3A, %gather3A_1054 : vector<16xf32>
        %abs3A = math.absf %sub3A_1055 : vector<16xf32>
        %add3A_1056 = arith.addf %scan3A_1038, %abs3A : vector<16xf32>
        %gather3A_1057 = arith.constant 0 : i32
        %gather3A_1058 = arith.constant 0 : i32
        %gather3A_1059 = tpu.memref_slice %arg13[%scan3A_149, %gather3A_1057, %gather3A_1058] : memref<8x128x64xf32, #tpu.memory_space<vmem>> -> memref<1x128x64xf32, #tpu.memory_space<vmem>>
        %gather3A_1060 = tpu.memref_squeeze %gather3A_1059 : memref<1x128x64xf32, #tpu.memory_space<vmem>> -> memref<128x64xf32, #tpu.memory_space<vmem>>
        %gather3A_1061 = tpu.vector_load_idx %gather3A_1060[%add3A_8, %and3A_1049] : memref<128x64xf32, #tpu.memory_space<vmem>>[vector<16xi32>, vector<16xi32>], vector<16xf32>,
        %sub3A_1062 = arith.subf %gather3A, %gather3A_1061 : vector<16xf32>
        %abs3A_1063 = math.absf %sub3A_1062 : vector<16xf32>
        %add3A_1064 = arith.addf %scan3A_1039, %abs3A_1063 : vector<16xf32>
        %gather3A_1065 = arith.constant 0 : i32
        %gather3A_1066 = arith.constant 0 : i32
        %gather3A_1067 = tpu.memref_slice %arg13[%scan3A_149, %gather3A_1065, %gather3A_1066] : memref<8x128x64xf32, #tpu.memory_space<vmem>> -> memref<1x128x64xf32, #tpu.memory_space<vmem>>
        %gather3A_1068 = tpu.memref_squeeze %gather3A_1067 : memref<1x128x64xf32, #tpu.memory_space<vmem>> -> memref<128x64xf32, #tpu.memory_space<vmem>>
        %gather3A_1069 = tpu.vector_load_idx %gather3A_1068[%add3A_11, %and3A_1049] : memref<128x64xf32, #tpu.memory_space<vmem>>[vector<16xi32>, vector<16xi32>], vector<16xf32>,
        %sub3A_1070 = arith.subf %gather3A, %gather3A_1069 : vector<16xf32>
        %abs3A_1071 = math.absf %sub3A_1070 : vector<16xf32>
        %add3A_1072 = arith.addf %scan3A_1040, %abs3A_1071 : vector<16xf32>
        %gather3A_1073 = arith.constant 0 : i32
        %gather3A_1074 = arith.constant 0 : i32
        %gather3A_1075 = tpu.memref_slice %arg13[%scan3A_149, %gather3A_1073, %gather3A_1074] : memref<8x128x64xf32, #tpu.memory_space<vmem>> -> memref<1x128x64xf32, #tpu.memory_space<vmem>>
        %gather3A_1076 = tpu.memref_squeeze %gather3A_1075 : memref<1x128x64xf32, #tpu.memory_space<vmem>> -> memref<128x64xf32, #tpu.memory_space<vmem>>
        %gather3A_1077 = tpu.vector_load_idx %gather3A_1076[%add3A_14, %and3A_1049] : memref<128x64xf32, #tpu.memory_space<vmem>>[vector<16xi32>, vector<16xi32>], vector<16xf32>,
        %sub3A_1078 = arith.subf %gather3A, %gather3A_1077 : vector<16xf32>
        %abs3A_1079 = math.absf %sub3A_1078 : vector<16xf32>
        %add3A_1080 = arith.addf %scan3A_1041, %abs3A_1079 : vector<16xf32>
        %gather3A_1081 = arith.constant 0 : i32
        %gather3A_1082 = arith.constant 0 : i32
        %gather3A_1083 = tpu.memref_slice %arg13[%scan3A_149, %gather3A_1081, %gather3A_1082] : memref<8x128x64xf32, #tpu.memory_space<vmem>> -> memref<1x128x64xf32, #tpu.memory_space<vmem>>
        %gather3A_1084 = tpu.memref_squeeze %gather3A_1083 : memref<1x128x64xf32, #tpu.memory_space<vmem>> -> memref<128x64xf32, #tpu.memory_space<vmem>>
        %gather3A_1085 = tpu.vector_load_idx %gather3A_1084[%add3A_17, %and3A_1049] : memref<128x64xf32, #tpu.memory_space<vmem>>[vector<16xi32>, vector<16xi32>], vector<16xf32>,
        %sub3A_1086 = arith.subf %gather3A, %gather3A_1085 : vector<16xf32>
        %abs3A_1087 = math.absf %sub3A_1086 : vector<16xf32>
        %add3A_1088 = arith.addf %scan3A_1042, %abs3A_1087 : vector<16xf32>
        %gather3A_1089 = arith.constant 0 : i32
        %gather3A_1090 = arith.constant 0 : i32
        %gather3A_1091 = tpu.memref_slice %arg13[%scan3A_149, %gather3A_1089, %gather3A_1090] : memref<8x128x64xf32, #tpu.memory_space<vmem>> -> memref<1x128x64xf32, #tpu.memory_space<vmem>>
        %gather3A_1092 = tpu.memref_squeeze %gather3A_1091 : memref<1x128x64xf32, #tpu.memory_space<vmem>> -> memref<128x64xf32, #tpu.memory_space<vmem>>
        %gather3A_1093 = tpu.vector_load_idx %gather3A_1092[%add3A_20, %and3A_1049] : memref<128x64xf32, #tpu.memory_space<vmem>>[vector<16xi32>, vector<16xi32>], vector<16xf32>,
        %sub3A_1094 = arith.subf %gather3A, %gather3A_1093 : vector<16xf32>
        %abs3A_1095 = math.absf %sub3A_1094 : vector<16xf32>
        %add3A_1096 = arith.addf %scan3A_1043, %abs3A_1095 : vector<16xf32>
        %gather3A_1097 = arith.constant 0 : i32
        %gather3A_1098 = arith.constant 0 : i32
        %gather3A_1099 = tpu.memref_slice %arg13[%scan3A_149, %gather3A_1097, %gather3A_1098] : memref<8x128x64xf32, #tpu.memory_space<vmem>> -> memref<1x128x64xf32, #tpu.memory_space<vmem>>
        %gather3A_1100 = tpu.memref_squeeze %gather3A_1099 : memref<1x128x64xf32, #tpu.memory_space<vmem>> -> memref<128x64xf32, #tpu.memory_space<vmem>>
        %gather3A_1101 = tpu.vector_load_idx %gather3A_1100[%add3A_23, %and3A_1049] : memref<128x64xf32, #tpu.memory_space<vmem>>[vector<16xi32>, vector<16xi32>], vector<16xf32>,
        %sub3A_1102 = arith.subf %gather3A, %gather3A_1101 : vector<16xf32>
        %abs3A_1103 = math.absf %sub3A_1102 : vector<16xf32>
        %add3A_1104 = arith.addf %scan3A_1044, %abs3A_1103 : vector<16xf32>
        %gather3A_1105 = arith.constant 0 : i32
        %gather3A_1106 = arith.constant 0 : i32
        %gather3A_1107 = tpu.memref_slice %arg13[%scan3A_149, %gather3A_1105, %gather3A_1106] : memref<8x128x64xf32, #tpu.memory_space<vmem>> -> memref<1x128x64xf32, #tpu.memory_space<vmem>>
        %gather3A_1108 = tpu.memref_squeeze %gather3A_1107 : memref<1x128x64xf32, #tpu.memory_space<vmem>> -> memref<128x64xf32, #tpu.memory_space<vmem>>
        %gather3A_1109 = tpu.vector_load_idx %gather3A_1108[%add3A_26, %and3A_1049] : memref<128x64xf32, #tpu.memory_space<vmem>>[vector<16xi32>, vector<16xi32>], vector<16xf32>,
        %sub3A_1110 = arith.subf %gather3A, %gather3A_1109 : vector<16xf32>
        %abs3A_1111 = math.absf %sub3A_1110 : vector<16xf32>
        %add3A_1112 = arith.addf %scan3A_1045, %abs3A_1111 : vector<16xf32>
        %scan3A_1113 = arith.constant 1 : i32
        %scan3A_1114 = arith.addi %scan3A_1037, %scan3A_1113 : i32
        %add3A_1115 = vector.broadcast %scan3A_1114 : i32 to vector<16xi32>
        %add3A_1116 = arith.addi %iota3A, %add3A_1115 : vector<16xi32>
        %and3A_1117 = arith.constant 63 : i32
        %and3A_1118 = vector.broadcast %and3A_1117 : i32 to vector<16xi32>
        %and3A_1119 = arith.andi %add3A_1116, %and3A_1118 : vector<16xi32>
        %gather3A_1120 = tpu.vector_load_idx %arg11[%broadcast_in_dim3A_372, %and3A_1119] : memref<128x64xf32, #tpu.memory_space<vmem>>[vector<16xi32>, vector<16xi32>], vector<16xf32>,
        %gather3A_1121 = arith.constant 0 : i32
        %gather3A_1122 = arith.constant 0 : i32
        %gather3A_1123 = tpu.memref_slice %arg13[%scan3A_149, %gather3A_1121, %gather3A_1122] : memref<8x128x64xf32, #tpu.memory_space<vmem>> -> memref<1x128x64xf32, #tpu.memory_space<vmem>>
        %gather3A_1124 = tpu.memref_squeeze %gather3A_1123 : memref<1x128x64xf32, #tpu.memory_space<vmem>> -> memref<128x64xf32, #tpu.memory_space<vmem>>
        %gather3A_1125 = tpu.vector_load_idx %gather3A_1124[%add3A_5, %and3A_1119] : memref<128x64xf32, #tpu.memory_space<vmem>>[vector<16xi32>, vector<16xi32>], vector<16xf32>,
        %sub3A_1126 = arith.subf %gather3A_1120, %gather3A_1125 : vector<16xf32>
        %abs3A_1127 = math.absf %sub3A_1126 : vector<16xf32>
        %add3A_1128 = arith.addf %add3A_1056, %abs3A_1127 : vector<16xf32>
        %gather3A_1129 = arith.constant 0 : i32
        %gather3A_1130 = arith.constant 0 : i32
        %gather3A_1131 = tpu.memref_slice %arg13[%scan3A_149, %gather3A_1129, %gather3A_1130] : memref<8x128x64xf32, #tpu.memory_space<vmem>> -> memref<1x128x64xf32, #tpu.memory_space<vmem>>
        %gather3A_1132 = tpu.memref_squeeze %gather3A_1131 : memref<1x128x64xf32, #tpu.memory_space<vmem>> -> memref<128x64xf32, #tpu.memory_space<vmem>>
        %gather3A_1133 = tpu.vector_load_idx %gather3A_1132[%add3A_8, %and3A_1119] : memref<128x64xf32, #tpu.memory_space<vmem>>[vector<16xi32>, vector<16xi32>], vector<16xf32>,
        %sub3A_1134 = arith.subf %gather3A_1120, %gather3A_1133 : vector<16xf32>
        %abs3A_1135 = math.absf %sub3A_1134 : vector<16xf32>
        %add3A_1136 = arith.addf %add3A_1064, %abs3A_1135 : vector<16xf32>
        %gather3A_1137 = arith.constant 0 : i32
        %gather3A_1138 = arith.constant 0 : i32
        %gather3A_1139 = tpu.memref_slice %arg13[%scan3A_149, %gather3A_1137, %gather3A_1138] : memref<8x128x64xf32, #tpu.memory_space<vmem>> -> memref<1x128x64xf32, #tpu.memory_space<vmem>>
        %gather3A_1140 = tpu.memref_squeeze %gather3A_1139 : memref<1x128x64xf32, #tpu.memory_space<vmem>> -> memref<128x64xf32, #tpu.memory_space<vmem>>
        %gather3A_1141 = tpu.vector_load_idx %gather3A_1140[%add3A_11, %and3A_1119] : memref<128x64xf32, #tpu.memory_space<vmem>>[vector<16xi32>, vector<16xi32>], vector<16xf32>,
        %sub3A_1142 = arith.subf %gather3A_1120, %gather3A_1141 : vector<16xf32>
        %abs3A_1143 = math.absf %sub3A_1142 : vector<16xf32>
        %add3A_1144 = arith.addf %add3A_1072, %abs3A_1143 : vector<16xf32>
        %gather3A_1145 = arith.constant 0 : i32
        %gather3A_1146 = arith.constant 0 : i32
        %gather3A_1147 = tpu.memref_slice %arg13[%scan3A_149, %gather3A_1145, %gather3A_1146] : memref<8x128x64xf32, #tpu.memory_space<vmem>> -> memref<1x128x64xf32, #tpu.memory_space<vmem>>
        %gather3A_1148 = tpu.memref_squeeze %gather3A_1147 : memref<1x128x64xf32, #tpu.memory_space<vmem>> -> memref<128x64xf32, #tpu.memory_space<vmem>>
        %gather3A_1149 = tpu.vector_load_idx %gather3A_1148[%add3A_14, %and3A_1119] : memref<128x64xf32, #tpu.memory_space<vmem>>[vector<16xi32>, vector<16xi32>], vector<16xf32>,
        %sub3A_1150 = arith.subf %gather3A_1120, %gather3A_1149 : vector<16xf32>
        %abs3A_1151 = math.absf %sub3A_1150 : vector<16xf32>
        %add3A_1152 = arith.addf %add3A_1080, %abs3A_1151 : vector<16xf32>
        %gather3A_1153 = arith.constant 0 : i32
        %gather3A_1154 = arith.constant 0 : i32
        %gather3A_1155 = tpu.memref_slice %arg13[%scan3A_149, %gather3A_1153, %gather3A_1154] : memref<8x128x64xf32, #tpu.memory_space<vmem>> -> memref<1x128x64xf32, #tpu.memory_space<vmem>>
        %gather3A_1156 = tpu.memref_squeeze %gather3A_1155 : memref<1x128x64xf32, #tpu.memory_space<vmem>> -> memref<128x64xf32, #tpu.memory_space<vmem>>
        %gather3A_1157 = tpu.vector_load_idx %gather3A_1156[%add3A_17, %and3A_1119] : memref<128x64xf32, #tpu.memory_space<vmem>>[vector<16xi32>, vector<16xi32>], vector<16xf32>,
        %sub3A_1158 = arith.subf %gather3A_1120, %gather3A_1157 : vector<16xf32>
        %abs3A_1159 = math.absf %sub3A_1158 : vector<16xf32>
        %add3A_1160 = arith.addf %add3A_1088, %abs3A_1159 : vector<16xf32>
        %gather3A_1161 = arith.constant 0 : i32
        %gather3A_1162 = arith.constant 0 : i32
        %gather3A_1163 = tpu.memref_slice %arg13[%scan3A_149, %gather3A_1161, %gather3A_1162] : memref<8x128x64xf32, #tpu.memory_space<vmem>> -> memref<1x128x64xf32, #tpu.memory_space<vmem>>
        %gather3A_1164 = tpu.memref_squeeze %gather3A_1163 : memref<1x128x64xf32, #tpu.memory_space<vmem>> -> memref<128x64xf32, #tpu.memory_space<vmem>>
        %gather3A_1165 = tpu.vector_load_idx %gather3A_1164[%add3A_20, %and3A_1119] : memref<128x64xf32, #tpu.memory_space<vmem>>[vector<16xi32>, vector<16xi32>], vector<16xf32>,
        %sub3A_1166 = arith.subf %gather3A_1120, %gather3A_1165 : vector<16xf32>
        %abs3A_1167 = math.absf %sub3A_1166 : vector<16xf32>
        %add3A_1168 = arith.addf %add3A_1096, %abs3A_1167 : vector<16xf32>
        %gather3A_1169 = arith.constant 0 : i32
        %gather3A_1170 = arith.constant 0 : i32
        %gather3A_1171 = tpu.memref_slice %arg13[%scan3A_149, %gather3A_1169, %gather3A_1170] : memref<8x128x64xf32, #tpu.memory_space<vmem>> -> memref<1x128x64xf32, #tpu.memory_space<vmem>>
        %gather3A_1172 = tpu.memref_squeeze %gather3A_1171 : memref<1x128x64xf32, #tpu.memory_space<vmem>> -> memref<128x64xf32, #tpu.memory_space<vmem>>
        %gather3A_1173 = tpu.vector_load_idx %gather3A_1172[%add3A_23, %and3A_1119] : memref<128x64xf32, #tpu.memory_space<vmem>>[vector<16xi32>, vector<16xi32>], vector<16xf32>,
        %sub3A_1174 = arith.subf %gather3A_1120, %gather3A_1173 : vector<16xf32>
        %abs3A_1175 = math.absf %sub3A_1174 : vector<16xf32>
        %add3A_1176 = arith.addf %add3A_1104, %abs3A_1175 : vector<16xf32>
        %gather3A_1177 = arith.constant 0 : i32
        %gather3A_1178 = arith.constant 0 : i32
        %gather3A_1179 = tpu.memref_slice %arg13[%scan3A_149, %gather3A_1177, %gather3A_1178] : memref<8x128x64xf32, #tpu.memory_space<vmem>> -> memref<1x128x64xf32, #tpu.memory_space<vmem>>
        %gather3A_1180 = tpu.memref_squeeze %gather3A_1179 : memref<1x128x64xf32, #tpu.memory_space<vmem>> -> memref<128x64xf32, #tpu.memory_space<vmem>>
        %gather3A_1181 = tpu.vector_load_idx %gather3A_1180[%add3A_26, %and3A_1119] : memref<128x64xf32, #tpu.memory_space<vmem>>[vector<16xi32>, vector<16xi32>], vector<16xf32>,
        %sub3A_1182 = arith.subf %gather3A_1120, %gather3A_1181 : vector<16xf32>
        %abs3A_1183 = math.absf %sub3A_1182 : vector<16xf32>
        %add3A_1184 = arith.addf %add3A_1112, %abs3A_1183 : vector<16xf32>
        scf.yield %add3A_1128, %add3A_1136, %add3A_1144, %add3A_1152, %add3A_1160, %add3A_1168, %add3A_1176, %add3A_1184 : vector<16xf32>, vector<16xf32>, vector<16xf32>, vector<16xf32>, vector<16xf32>, vector<16xf32>, vector<16xf32>, vector<16xf32>
      }
      %scan3A_394 = arith.constant 64 : i32
      %sub3A_395 = arith.constant 1.200000e+01 : f32
      %sub3A_396 = vector.broadcast %sub3A_395 : f32 to vector<16xf32>
      %sub3A_397 = arith.subf %sub3A_396, %scan3A_393#0 : vector<16xf32>
      %swap3A_398 = arith.index_cast %add3A_345 : i32 to index
      %swap3A_399 = arith.constant 0 : index
      %swap3A_400 = tpu.vector_load %arg12[%swap3A_398, %swap3A_399] {strides = array<i32>} : memref<128x128xf32, #tpu.memory_space<vmem>>, vector<16xf32>,
      tpu.vector_store %arg12[%swap3A_398, %swap3A_399], %sub3A_397 {strides = array<i32>} : memref<128x128xf32, #tpu.memory_space<vmem>>, vector<16xf32>,
      %sub3A_401 = arith.constant 1.200000e+01 : f32
      %sub3A_402 = vector.broadcast %sub3A_401 : f32 to vector<16xf32>
      %sub3A_403 = arith.subf %sub3A_402, %scan3A_393#1 : vector<16xf32>
      %swap3A_404 = arith.index_cast %add3A_345 : i32 to index
      %swap3A_405 = arith.constant 16 : index
      %swap3A_406 = tpu.vector_load %arg12[%swap3A_404, %swap3A_405] {strides = array<i32>} : memref<128x128xf32, #tpu.memory_space<vmem>>, vector<16xf32>,
      tpu.vector_store %arg12[%swap3A_404, %swap3A_405], %sub3A_403 {strides = array<i32>} : memref<128x128xf32, #tpu.memory_space<vmem>>, vector<16xf32>,
      %sub3A_407 = arith.constant 1.200000e+01 : f32
      %sub3A_408 = vector.broadcast %sub3A_407 : f32 to vector<16xf32>
      %sub3A_409 = arith.subf %sub3A_408, %scan3A_393#2 : vector<16xf32>
      %swap3A_410 = arith.index_cast %add3A_345 : i32 to index
      %swap3A_411 = arith.constant 32 : index
      %swap3A_412 = tpu.vector_load %arg12[%swap3A_410, %swap3A_411] {strides = array<i32>} : memref<128x128xf32, #tpu.memory_space<vmem>>, vector<16xf32>,
      tpu.vector_store %arg12[%swap3A_410, %swap3A_411], %sub3A_409 {strides = array<i32>} : memref<128x128xf32, #tpu.memory_space<vmem>>, vector<16xf32>,
      %sub3A_413 = arith.constant 1.200000e+01 : f32
      %sub3A_414 = vector.broadcast %sub3A_413 : f32 to vector<16xf32>
      %sub3A_415 = arith.subf %sub3A_414, %scan3A_393#3 : vector<16xf32>
      %swap3A_416 = arith.index_cast %add3A_345 : i32 to index
      %swap3A_417 = arith.constant 48 : index
      %swap3A_418 = tpu.vector_load %arg12[%swap3A_416, %swap3A_417] {strides = array<i32>} : memref<128x128xf32, #tpu.memory_space<vmem>>, vector<16xf32>,
      tpu.vector_store %arg12[%swap3A_416, %swap3A_417], %sub3A_415 {strides = array<i32>} : memref<128x128xf32, #tpu.memory_space<vmem>>, vector<16xf32>,
      %sub3A_419 = arith.constant 1.200000e+01 : f32
      %sub3A_420 = vector.broadcast %sub3A_419 : f32 to vector<16xf32>
      %sub3A_421 = arith.subf %sub3A_420, %scan3A_393#4 : vector<16xf32>
      %swap3A_422 = arith.index_cast %add3A_345 : i32 to index
      %swap3A_423 = arith.constant 64 : index
      %swap3A_424 = tpu.vector_load %arg12[%swap3A_422, %swap3A_423] {strides = array<i32>} : memref<128x128xf32, #tpu.memory_space<vmem>>, vector<16xf32>,
      tpu.vector_store %arg12[%swap3A_422, %swap3A_423], %sub3A_421 {strides = array<i32>} : memref<128x128xf32, #tpu.memory_space<vmem>>, vector<16xf32>,
      %sub3A_425 = arith.constant 1.200000e+01 : f32
      %sub3A_426 = vector.broadcast %sub3A_425 : f32 to vector<16xf32>
      %sub3A_427 = arith.subf %sub3A_426, %scan3A_393#5 : vector<16xf32>
      %swap3A_428 = arith.index_cast %add3A_345 : i32 to index
      %swap3A_429 = arith.constant 80 : index
      %swap3A_430 = tpu.vector_load %arg12[%swap3A_428, %swap3A_429] {strides = array<i32>} : memref<128x128xf32, #tpu.memory_space<vmem>>, vector<16xf32>,
      tpu.vector_store %arg12[%swap3A_428, %swap3A_429], %sub3A_427 {strides = array<i32>} : memref<128x128xf32, #tpu.memory_space<vmem>>, vector<16xf32>,
      %sub3A_431 = arith.constant 1.200000e+01 : f32
      %sub3A_432 = vector.broadcast %sub3A_431 : f32 to vector<16xf32>
      %sub3A_433 = arith.subf %sub3A_432, %scan3A_393#6 : vector<16xf32>
      %swap3A_434 = arith.index_cast %add3A_345 : i32 to index
      %swap3A_435 = arith.constant 96 : index
      %swap3A_436 = tpu.vector_load %arg12[%swap3A_434, %swap3A_435] {strides = array<i32>} : memref<128x128xf32, #tpu.memory_space<vmem>>, vector<16xf32>,
      tpu.vector_store %arg12[%swap3A_434, %swap3A_435], %sub3A_433 {strides = array<i32>} : memref<128x128xf32, #tpu.memory_space<vmem>>, vector<16xf32>,
      %sub3A_437 = arith.constant 1.200000e+01 : f32
      %sub3A_438 = vector.broadcast %sub3A_437 : f32 to vector<16xf32>
      %sub3A_439 = arith.subf %sub3A_438, %scan3A_393#7 : vector<16xf32>
      %swap3A_440 = arith.index_cast %add3A_345 : i32 to index
      %swap3A_441 = arith.constant 112 : index
      %swap3A_442 = tpu.vector_load %arg12[%swap3A_440, %swap3A_441] {strides = array<i32>} : memref<128x128xf32, #tpu.memory_space<vmem>>, vector<16xf32>,
      tpu.vector_store %arg12[%swap3A_440, %swap3A_441], %sub3A_439 {strides = array<i32>} : memref<128x128xf32, #tpu.memory_space<vmem>>, vector<16xf32>,
      %add3A_443 = arith.constant 2 : i32
      %add3A_444 = arith.addi %add3A_248, %add3A_443 : i32
      %add3A_445 = arith.constant 8 : i32
      %add3A_446 = arith.addi %add3A_444, %add3A_445 : i32
      %sub3A_447 = arith.constant 1 : i32
      %sub3A_448 = arith.subi %add3A_446, %sub3A_447 : i32
      %min3A_449 = arith.constant 127 : i32
      %min3A_450 = arith.minsi %sub3A_448, %min3A_449 : i32
      %dma_start3A_451 = arith.constant 0 : i32
      %dma_start3A_452 = arith.constant 0 : i32
      %dma_start3A_453 = tpu.memref_slice %arg13[%scan3A_149, %dma_start3A_451, %dma_start3A_452] : memref<8x128x64xf32, #tpu.memory_space<vmem>> -> memref<1x128x64xf32, #tpu.memory_space<vmem>>
      %dma_start3A_454 = tpu.memref_squeeze %dma_start3A_453 : memref<1x128x64xf32, #tpu.memory_space<vmem>> -> memref<128x64xf32, #tpu.memory_space<vmem>>
      %dma_start3A_455 = arith.constant 0 : i32
      %dma_start3A_456 = tpu.memref_slice %arg10[%min3A_450, %dma_start3A_455] : memref<128x128xi32, #tpu.memory_space<vmem>> -> memref<1x128xi32, #tpu.memory_space<vmem>>
      %dma_start3A_457 = tpu.memref_squeeze %dma_start3A_456 : memref<1x128xi32, #tpu.memory_space<vmem>> -> memref<128xi32, #tpu.memory_space<vmem>>
      %dma_start3A_458 = arith.constant 0 : i32
      %dma_start3A_459 = arith.constant 0 : i32
      %dma_start3A_460 = tpu.memref_slice %arg5[%dma_start3A_458, %dma_start3A_459] : memref<1015808x64xf32, #tpu.memory_space<hbm>> -> memref<1015808x64xf32, #tpu.memory_space<hbm>>
      tpu.enqueue_indirect_dma source(%dma_start3A_460 : memref<1015808x64xf32, #tpu.memory_space<hbm>>) target(%dma_start3A_454 : memref<128x64xf32, #tpu.memory_space<vmem>>) offsets(%dma_start3A_457 : memref<128xi32, #tpu.memory_space<vmem>>) semaphore(%arg16 : memref<!tpu.dma_semaphore, #tpu.memory_space<semaphore_mem>>)
      %dma_wait3A_461 = arith.constant 0 : i32
      %dma_wait3A_462 = arith.constant 0 : i32
      %dma_wait3A_463 = tpu.memref_slice %arg13[%scan3A_150, %dma_wait3A_461, %dma_wait3A_462] : memref<8x128x64xf32, #tpu.memory_space<vmem>> -> memref<1x128x64xf32, #tpu.memory_space<vmem>>
      %dma_wait3A_464 = tpu.memref_squeeze %dma_wait3A_463 : memref<1x128x64xf32, #tpu.memory_space<vmem>> -> memref<128x64xf32, #tpu.memory_space<vmem>>
      %dma_wait3A_465 = arith.constant 0 : i32
      %dma_wait3A_466 = tpu.memref_slice %arg10[%add3A_444, %dma_wait3A_465] : memref<128x128xi32, #tpu.memory_space<vmem>> -> memref<1x128xi32, #tpu.memory_space<vmem>>
      %dma_wait3A_467 = tpu.memref_squeeze %dma_wait3A_466 : memref<1x128xi32, #tpu.memory_space<vmem>> -> memref<128xi32, #tpu.memory_space<vmem>>
      %dma_wait3A_468 = arith.constant 0 : i32
      %dma_wait3A_469 = arith.constant 0 : i32
      %dma_wait3A_470 = tpu.memref_slice %arg5[%dma_wait3A_468, %dma_wait3A_469] : memref<1015808x64xf32, #tpu.memory_space<hbm>> -> memref<1015808x64xf32, #tpu.memory_space<hbm>>
      tpu.wait_indirect_dma semaphore(%arg17 : memref<!tpu.dma_semaphore, #tpu.memory_space<semaphore_mem>>) src(%dma_wait3A_470 : memref<1015808x64xf32, #tpu.memory_space<hbm>>) dst(%dma_wait3A_464 : memref<128x64xf32, #tpu.memory_space<vmem>>)
      %broadcast_in_dim3A_471 = vector.broadcast %add3A_444 : i32 to vector<16xi32>
      %broadcast_in_dim3A_472 = arith.constant 0.000000e+00 : f32
      %broadcast_in_dim3A_473 = vector.broadcast %broadcast_in_dim3A_472 : f32 to vector<16xf32>
      %broadcast_in_dim3A_474 = arith.constant 0.000000e+00 : f32
      %broadcast_in_dim3A_475 = vector.broadcast %broadcast_in_dim3A_474 : f32 to vector<16xf32>
      %broadcast_in_dim3A_476 = arith.constant 0.000000e+00 : f32
      %broadcast_in_dim3A_477 = vector.broadcast %broadcast_in_dim3A_476 : f32 to vector<16xf32>
      %broadcast_in_dim3A_478 = arith.constant 0.000000e+00 : f32
      %broadcast_in_dim3A_479 = vector.broadcast %broadcast_in_dim3A_478 : f32 to vector<16xf32>
      %broadcast_in_dim3A_480 = arith.constant 0.000000e+00 : f32
      %broadcast_in_dim3A_481 = vector.broadcast %broadcast_in_dim3A_480 : f32 to vector<16xf32>
      %broadcast_in_dim3A_482 = arith.constant 0.000000e+00 : f32
      %broadcast_in_dim3A_483 = vector.broadcast %broadcast_in_dim3A_482 : f32 to vector<16xf32>
      %broadcast_in_dim3A_484 = arith.constant 0.000000e+00 : f32
      %broadcast_in_dim3A_485 = vector.broadcast %broadcast_in_dim3A_484 : f32 to vector<16xf32>
      %broadcast_in_dim3A_486 = arith.constant 0.000000e+00 : f32
      %broadcast_in_dim3A_487 = vector.broadcast %broadcast_in_dim3A_486 : f32 to vector<16xf32>
      %scan3A_488 = arith.constant 0 : i32
      %scan3A_489 = arith.constant 64 : i32
      %scan3A_490 = arith.addi %scan3A_488, %scan3A_489 : i32
      %scan3A_491 = arith.constant 2 : i32
      %scan3A_492:8 = scf.for %scan3A_1037 = %scan3A_488 to %scan3A_490 step %scan3A_491 iter_args(%scan3A_1038 = %broadcast_in_dim3A_473, %scan3A_1039 = %broadcast_in_dim3A_475, %scan3A_1040 = %broadcast_in_dim3A_477, %scan3A_1041 = %broadcast_in_dim3A_479, %scan3A_1042 = %broadcast_in_dim3A_481, %scan3A_1043 = %broadcast_in_dim3A_483, %scan3A_1044 = %broadcast_in_dim3A_485, %scan3A_1045 = %broadcast_in_dim3A_487) -> (vector<16xf32>, vector<16xf32>, vector<16xf32>, vector<16xf32>, vector<16xf32>, vector<16xf32>, vector<16xf32>, vector<16xf32>)  : i32 {
        %add3A_1046 = vector.broadcast %scan3A_1037 : i32 to vector<16xi32>
        %add3A_1047 = arith.addi %iota3A, %add3A_1046 : vector<16xi32>
        %and3A = arith.constant 63 : i32
        %and3A_1048 = vector.broadcast %and3A : i32 to vector<16xi32>
        %and3A_1049 = arith.andi %add3A_1047, %and3A_1048 : vector<16xi32>
        %gather3A = tpu.vector_load_idx %arg11[%broadcast_in_dim3A_471, %and3A_1049] : memref<128x64xf32, #tpu.memory_space<vmem>>[vector<16xi32>, vector<16xi32>], vector<16xf32>,
        %gather3A_1050 = arith.constant 0 : i32
        %gather3A_1051 = arith.constant 0 : i32
        %gather3A_1052 = tpu.memref_slice %arg13[%scan3A_150, %gather3A_1050, %gather3A_1051] : memref<8x128x64xf32, #tpu.memory_space<vmem>> -> memref<1x128x64xf32, #tpu.memory_space<vmem>>
        %gather3A_1053 = tpu.memref_squeeze %gather3A_1052 : memref<1x128x64xf32, #tpu.memory_space<vmem>> -> memref<128x64xf32, #tpu.memory_space<vmem>>
        %gather3A_1054 = tpu.vector_load_idx %gather3A_1053[%add3A_5, %and3A_1049] : memref<128x64xf32, #tpu.memory_space<vmem>>[vector<16xi32>, vector<16xi32>], vector<16xf32>,
        %sub3A_1055 = arith.subf %gather3A, %gather3A_1054 : vector<16xf32>
        %abs3A = math.absf %sub3A_1055 : vector<16xf32>
        %add3A_1056 = arith.addf %scan3A_1038, %abs3A : vector<16xf32>
        %gather3A_1057 = arith.constant 0 : i32
        %gather3A_1058 = arith.constant 0 : i32
        %gather3A_1059 = tpu.memref_slice %arg13[%scan3A_150, %gather3A_1057, %gather3A_1058] : memref<8x128x64xf32, #tpu.memory_space<vmem>> -> memref<1x128x64xf32, #tpu.memory_space<vmem>>
        %gather3A_1060 = tpu.memref_squeeze %gather3A_1059 : memref<1x128x64xf32, #tpu.memory_space<vmem>> -> memref<128x64xf32, #tpu.memory_space<vmem>>
        %gather3A_1061 = tpu.vector_load_idx %gather3A_1060[%add3A_8, %and3A_1049] : memref<128x64xf32, #tpu.memory_space<vmem>>[vector<16xi32>, vector<16xi32>], vector<16xf32>,
        %sub3A_1062 = arith.subf %gather3A, %gather3A_1061 : vector<16xf32>
        %abs3A_1063 = math.absf %sub3A_1062 : vector<16xf32>
        %add3A_1064 = arith.addf %scan3A_1039, %abs3A_1063 : vector<16xf32>
        %gather3A_1065 = arith.constant 0 : i32
        %gather3A_1066 = arith.constant 0 : i32
        %gather3A_1067 = tpu.memref_slice %arg13[%scan3A_150, %gather3A_1065, %gather3A_1066] : memref<8x128x64xf32, #tpu.memory_space<vmem>> -> memref<1x128x64xf32, #tpu.memory_space<vmem>>
        %gather3A_1068 = tpu.memref_squeeze %gather3A_1067 : memref<1x128x64xf32, #tpu.memory_space<vmem>> -> memref<128x64xf32, #tpu.memory_space<vmem>>
        %gather3A_1069 = tpu.vector_load_idx %gather3A_1068[%add3A_11, %and3A_1049] : memref<128x64xf32, #tpu.memory_space<vmem>>[vector<16xi32>, vector<16xi32>], vector<16xf32>,
        %sub3A_1070 = arith.subf %gather3A, %gather3A_1069 : vector<16xf32>
        %abs3A_1071 = math.absf %sub3A_1070 : vector<16xf32>
        %add3A_1072 = arith.addf %scan3A_1040, %abs3A_1071 : vector<16xf32>
        %gather3A_1073 = arith.constant 0 : i32
        %gather3A_1074 = arith.constant 0 : i32
        %gather3A_1075 = tpu.memref_slice %arg13[%scan3A_150, %gather3A_1073, %gather3A_1074] : memref<8x128x64xf32, #tpu.memory_space<vmem>> -> memref<1x128x64xf32, #tpu.memory_space<vmem>>
        %gather3A_1076 = tpu.memref_squeeze %gather3A_1075 : memref<1x128x64xf32, #tpu.memory_space<vmem>> -> memref<128x64xf32, #tpu.memory_space<vmem>>
        %gather3A_1077 = tpu.vector_load_idx %gather3A_1076[%add3A_14, %and3A_1049] : memref<128x64xf32, #tpu.memory_space<vmem>>[vector<16xi32>, vector<16xi32>], vector<16xf32>,
        %sub3A_1078 = arith.subf %gather3A, %gather3A_1077 : vector<16xf32>
        %abs3A_1079 = math.absf %sub3A_1078 : vector<16xf32>
        %add3A_1080 = arith.addf %scan3A_1041, %abs3A_1079 : vector<16xf32>
        %gather3A_1081 = arith.constant 0 : i32
        %gather3A_1082 = arith.constant 0 : i32
        %gather3A_1083 = tpu.memref_slice %arg13[%scan3A_150, %gather3A_1081, %gather3A_1082] : memref<8x128x64xf32, #tpu.memory_space<vmem>> -> memref<1x128x64xf32, #tpu.memory_space<vmem>>
        %gather3A_1084 = tpu.memref_squeeze %gather3A_1083 : memref<1x128x64xf32, #tpu.memory_space<vmem>> -> memref<128x64xf32, #tpu.memory_space<vmem>>
        %gather3A_1085 = tpu.vector_load_idx %gather3A_1084[%add3A_17, %and3A_1049] : memref<128x64xf32, #tpu.memory_space<vmem>>[vector<16xi32>, vector<16xi32>], vector<16xf32>,
        %sub3A_1086 = arith.subf %gather3A, %gather3A_1085 : vector<16xf32>
        %abs3A_1087 = math.absf %sub3A_1086 : vector<16xf32>
        %add3A_1088 = arith.addf %scan3A_1042, %abs3A_1087 : vector<16xf32>
        %gather3A_1089 = arith.constant 0 : i32
        %gather3A_1090 = arith.constant 0 : i32
        %gather3A_1091 = tpu.memref_slice %arg13[%scan3A_150, %gather3A_1089, %gather3A_1090] : memref<8x128x64xf32, #tpu.memory_space<vmem>> -> memref<1x128x64xf32, #tpu.memory_space<vmem>>
        %gather3A_1092 = tpu.memref_squeeze %gather3A_1091 : memref<1x128x64xf32, #tpu.memory_space<vmem>> -> memref<128x64xf32, #tpu.memory_space<vmem>>
        %gather3A_1093 = tpu.vector_load_idx %gather3A_1092[%add3A_20, %and3A_1049] : memref<128x64xf32, #tpu.memory_space<vmem>>[vector<16xi32>, vector<16xi32>], vector<16xf32>,
        %sub3A_1094 = arith.subf %gather3A, %gather3A_1093 : vector<16xf32>
        %abs3A_1095 = math.absf %sub3A_1094 : vector<16xf32>
        %add3A_1096 = arith.addf %scan3A_1043, %abs3A_1095 : vector<16xf32>
        %gather3A_1097 = arith.constant 0 : i32
        %gather3A_1098 = arith.constant 0 : i32
        %gather3A_1099 = tpu.memref_slice %arg13[%scan3A_150, %gather3A_1097, %gather3A_1098] : memref<8x128x64xf32, #tpu.memory_space<vmem>> -> memref<1x128x64xf32, #tpu.memory_space<vmem>>
        %gather3A_1100 = tpu.memref_squeeze %gather3A_1099 : memref<1x128x64xf32, #tpu.memory_space<vmem>> -> memref<128x64xf32, #tpu.memory_space<vmem>>
        %gather3A_1101 = tpu.vector_load_idx %gather3A_1100[%add3A_23, %and3A_1049] : memref<128x64xf32, #tpu.memory_space<vmem>>[vector<16xi32>, vector<16xi32>], vector<16xf32>,
        %sub3A_1102 = arith.subf %gather3A, %gather3A_1101 : vector<16xf32>
        %abs3A_1103 = math.absf %sub3A_1102 : vector<16xf32>
        %add3A_1104 = arith.addf %scan3A_1044, %abs3A_1103 : vector<16xf32>
        %gather3A_1105 = arith.constant 0 : i32
        %gather3A_1106 = arith.constant 0 : i32
        %gather3A_1107 = tpu.memref_slice %arg13[%scan3A_150, %gather3A_1105, %gather3A_1106] : memref<8x128x64xf32, #tpu.memory_space<vmem>> -> memref<1x128x64xf32, #tpu.memory_space<vmem>>
        %gather3A_1108 = tpu.memref_squeeze %gather3A_1107 : memref<1x128x64xf32, #tpu.memory_space<vmem>> -> memref<128x64xf32, #tpu.memory_space<vmem>>
        %gather3A_1109 = tpu.vector_load_idx %gather3A_1108[%add3A_26, %and3A_1049] : memref<128x64xf32, #tpu.memory_space<vmem>>[vector<16xi32>, vector<16xi32>], vector<16xf32>,
        %sub3A_1110 = arith.subf %gather3A, %gather3A_1109 : vector<16xf32>
        %abs3A_1111 = math.absf %sub3A_1110 : vector<16xf32>
        %add3A_1112 = arith.addf %scan3A_1045, %abs3A_1111 : vector<16xf32>
        %scan3A_1113 = arith.constant 1 : i32
        %scan3A_1114 = arith.addi %scan3A_1037, %scan3A_1113 : i32
        %add3A_1115 = vector.broadcast %scan3A_1114 : i32 to vector<16xi32>
        %add3A_1116 = arith.addi %iota3A, %add3A_1115 : vector<16xi32>
        %and3A_1117 = arith.constant 63 : i32
        %and3A_1118 = vector.broadcast %and3A_1117 : i32 to vector<16xi32>
        %and3A_1119 = arith.andi %add3A_1116, %and3A_1118 : vector<16xi32>
        %gather3A_1120 = tpu.vector_load_idx %arg11[%broadcast_in_dim3A_471, %and3A_1119] : memref<128x64xf32, #tpu.memory_space<vmem>>[vector<16xi32>, vector<16xi32>], vector<16xf32>,
        %gather3A_1121 = arith.constant 0 : i32
        %gather3A_1122 = arith.constant 0 : i32
        %gather3A_1123 = tpu.memref_slice %arg13[%scan3A_150, %gather3A_1121, %gather3A_1122] : memref<8x128x64xf32, #tpu.memory_space<vmem>> -> memref<1x128x64xf32, #tpu.memory_space<vmem>>
        %gather3A_1124 = tpu.memref_squeeze %gather3A_1123 : memref<1x128x64xf32, #tpu.memory_space<vmem>> -> memref<128x64xf32, #tpu.memory_space<vmem>>
        %gather3A_1125 = tpu.vector_load_idx %gather3A_1124[%add3A_5, %and3A_1119] : memref<128x64xf32, #tpu.memory_space<vmem>>[vector<16xi32>, vector<16xi32>], vector<16xf32>,
        %sub3A_1126 = arith.subf %gather3A_1120, %gather3A_1125 : vector<16xf32>
        %abs3A_1127 = math.absf %sub3A_1126 : vector<16xf32>
        %add3A_1128 = arith.addf %add3A_1056, %abs3A_1127 : vector<16xf32>
        %gather3A_1129 = arith.constant 0 : i32
        %gather3A_1130 = arith.constant 0 : i32
        %gather3A_1131 = tpu.memref_slice %arg13[%scan3A_150, %gather3A_1129, %gather3A_1130] : memref<8x128x64xf32, #tpu.memory_space<vmem>> -> memref<1x128x64xf32, #tpu.memory_space<vmem>>
        %gather3A_1132 = tpu.memref_squeeze %gather3A_1131 : memref<1x128x64xf32, #tpu.memory_space<vmem>> -> memref<128x64xf32, #tpu.memory_space<vmem>>
        %gather3A_1133 = tpu.vector_load_idx %gather3A_1132[%add3A_8, %and3A_1119] : memref<128x64xf32, #tpu.memory_space<vmem>>[vector<16xi32>, vector<16xi32>], vector<16xf32>,
        %sub3A_1134 = arith.subf %gather3A_1120, %gather3A_1133 : vector<16xf32>
        %abs3A_1135 = math.absf %sub3A_1134 : vector<16xf32>
        %add3A_1136 = arith.addf %add3A_1064, %abs3A_1135 : vector<16xf32>
        %gather3A_1137 = arith.constant 0 : i32
        %gather3A_1138 = arith.constant 0 : i32
        %gather3A_1139 = tpu.memref_slice %arg13[%scan3A_150, %gather3A_1137, %gather3A_1138] : memref<8x128x64xf32, #tpu.memory_space<vmem>> -> memref<1x128x64xf32, #tpu.memory_space<vmem>>
        %gather3A_1140 = tpu.memref_squeeze %gather3A_1139 : memref<1x128x64xf32, #tpu.memory_space<vmem>> -> memref<128x64xf32, #tpu.memory_space<vmem>>
        %gather3A_1141 = tpu.vector_load_idx %gather3A_1140[%add3A_11, %and3A_1119] : memref<128x64xf32, #tpu.memory_space<vmem>>[vector<16xi32>, vector<16xi32>], vector<16xf32>,
        %sub3A_1142 = arith.subf %gather3A_1120, %gather3A_1141 : vector<16xf32>
        %abs3A_1143 = math.absf %sub3A_1142 : vector<16xf32>
        %add3A_1144 = arith.addf %add3A_1072, %abs3A_1143 : vector<16xf32>
        %gather3A_1145 = arith.constant 0 : i32
        %gather3A_1146 = arith.constant 0 : i32
        %gather3A_1147 = tpu.memref_slice %arg13[%scan3A_150, %gather3A_1145, %gather3A_1146] : memref<8x128x64xf32, #tpu.memory_space<vmem>> -> memref<1x128x64xf32, #tpu.memory_space<vmem>>
        %gather3A_1148 = tpu.memref_squeeze %gather3A_1147 : memref<1x128x64xf32, #tpu.memory_space<vmem>> -> memref<128x64xf32, #tpu.memory_space<vmem>>
        %gather3A_1149 = tpu.vector_load_idx %gather3A_1148[%add3A_14, %and3A_1119] : memref<128x64xf32, #tpu.memory_space<vmem>>[vector<16xi32>, vector<16xi32>], vector<16xf32>,
        %sub3A_1150 = arith.subf %gather3A_1120, %gather3A_1149 : vector<16xf32>
        %abs3A_1151 = math.absf %sub3A_1150 : vector<16xf32>
        %add3A_1152 = arith.addf %add3A_1080, %abs3A_1151 : vector<16xf32>
        %gather3A_1153 = arith.constant 0 : i32
        %gather3A_1154 = arith.constant 0 : i32
        %gather3A_1155 = tpu.memref_slice %arg13[%scan3A_150, %gather3A_1153, %gather3A_1154] : memref<8x128x64xf32, #tpu.memory_space<vmem>> -> memref<1x128x64xf32, #tpu.memory_space<vmem>>
        %gather3A_1156 = tpu.memref_squeeze %gather3A_1155 : memref<1x128x64xf32, #tpu.memory_space<vmem>> -> memref<128x64xf32, #tpu.memory_space<vmem>>
        %gather3A_1157 = tpu.vector_load_idx %gather3A_1156[%add3A_17, %and3A_1119] : memref<128x64xf32, #tpu.memory_space<vmem>>[vector<16xi32>, vector<16xi32>], vector<16xf32>,
        %sub3A_1158 = arith.subf %gather3A_1120, %gather3A_1157 : vector<16xf32>
        %abs3A_1159 = math.absf %sub3A_1158 : vector<16xf32>
        %add3A_1160 = arith.addf %add3A_1088, %abs3A_1159 : vector<16xf32>
        %gather3A_1161 = arith.constant 0 : i32
        %gather3A_1162 = arith.constant 0 : i32
        %gather3A_1163 = tpu.memref_slice %arg13[%scan3A_150, %gather3A_1161, %gather3A_1162] : memref<8x128x64xf32, #tpu.memory_space<vmem>> -> memref<1x128x64xf32, #tpu.memory_space<vmem>>
        %gather3A_1164 = tpu.memref_squeeze %gather3A_1163 : memref<1x128x64xf32, #tpu.memory_space<vmem>> -> memref<128x64xf32, #tpu.memory_space<vmem>>
        %gather3A_1165 = tpu.vector_load_idx %gather3A_1164[%add3A_20, %and3A_1119] : memref<128x64xf32, #tpu.memory_space<vmem>>[vector<16xi32>, vector<16xi32>], vector<16xf32>,
        %sub3A_1166 = arith.subf %gather3A_1120, %gather3A_1165 : vector<16xf32>
        %abs3A_1167 = math.absf %sub3A_1166 : vector<16xf32>
        %add3A_1168 = arith.addf %add3A_1096, %abs3A_1167 : vector<16xf32>
        %gather3A_1169 = arith.constant 0 : i32
        %gather3A_1170 = arith.constant 0 : i32
        %gather3A_1171 = tpu.memref_slice %arg13[%scan3A_150, %gather3A_1169, %gather3A_1170] : memref<8x128x64xf32, #tpu.memory_space<vmem>> -> memref<1x128x64xf32, #tpu.memory_space<vmem>>
        %gather3A_1172 = tpu.memref_squeeze %gather3A_1171 : memref<1x128x64xf32, #tpu.memory_space<vmem>> -> memref<128x64xf32, #tpu.memory_space<vmem>>
        %gather3A_1173 = tpu.vector_load_idx %gather3A_1172[%add3A_23, %and3A_1119] : memref<128x64xf32, #tpu.memory_space<vmem>>[vector<16xi32>, vector<16xi32>], vector<16xf32>,
        %sub3A_1174 = arith.subf %gather3A_1120, %gather3A_1173 : vector<16xf32>
        %abs3A_1175 = math.absf %sub3A_1174 : vector<16xf32>
        %add3A_1176 = arith.addf %add3A_1104, %abs3A_1175 : vector<16xf32>
        %gather3A_1177 = arith.constant 0 : i32
        %gather3A_1178 = arith.constant 0 : i32
        %gather3A_1179 = tpu.memref_slice %arg13[%scan3A_150, %gather3A_1177, %gather3A_1178] : memref<8x128x64xf32, #tpu.memory_space<vmem>> -> memref<1x128x64xf32, #tpu.memory_space<vmem>>
        %gather3A_1180 = tpu.memref_squeeze %gather3A_1179 : memref<1x128x64xf32, #tpu.memory_space<vmem>> -> memref<128x64xf32, #tpu.memory_space<vmem>>
        %gather3A_1181 = tpu.vector_load_idx %gather3A_1180[%add3A_26, %and3A_1119] : memref<128x64xf32, #tpu.memory_space<vmem>>[vector<16xi32>, vector<16xi32>], vector<16xf32>,
        %sub3A_1182 = arith.subf %gather3A_1120, %gather3A_1181 : vector<16xf32>
        %abs3A_1183 = math.absf %sub3A_1182 : vector<16xf32>
        %add3A_1184 = arith.addf %add3A_1112, %abs3A_1183 : vector<16xf32>
        scf.yield %add3A_1128, %add3A_1136, %add3A_1144, %add3A_1152, %add3A_1160, %add3A_1168, %add3A_1176, %add3A_1184 : vector<16xf32>, vector<16xf32>, vector<16xf32>, vector<16xf32>, vector<16xf32>, vector<16xf32>, vector<16xf32>, vector<16xf32>
      }
      %scan3A_493 = arith.constant 64 : i32
      %sub3A_494 = arith.constant 1.200000e+01 : f32
      %sub3A_495 = vector.broadcast %sub3A_494 : f32 to vector<16xf32>
      %sub3A_496 = arith.subf %sub3A_495, %scan3A_492#0 : vector<16xf32>
      %swap3A_497 = arith.index_cast %add3A_444 : i32 to index
      %swap3A_498 = arith.constant 0 : index
      %swap3A_499 = tpu.vector_load %arg12[%swap3A_497, %swap3A_498] {strides = array<i32>} : memref<128x128xf32, #tpu.memory_space<vmem>>, vector<16xf32>,
      tpu.vector_store %arg12[%swap3A_497, %swap3A_498], %sub3A_496 {strides = array<i32>} : memref<128x128xf32, #tpu.memory_space<vmem>>, vector<16xf32>,
      %sub3A_500 = arith.constant 1.200000e+01 : f32
      %sub3A_501 = vector.broadcast %sub3A_500 : f32 to vector<16xf32>
      %sub3A_502 = arith.subf %sub3A_501, %scan3A_492#1 : vector<16xf32>
      %swap3A_503 = arith.index_cast %add3A_444 : i32 to index
      %swap3A_504 = arith.constant 16 : index
      %swap3A_505 = tpu.vector_load %arg12[%swap3A_503, %swap3A_504] {strides = array<i32>} : memref<128x128xf32, #tpu.memory_space<vmem>>, vector<16xf32>,
      tpu.vector_store %arg12[%swap3A_503, %swap3A_504], %sub3A_502 {strides = array<i32>} : memref<128x128xf32, #tpu.memory_space<vmem>>, vector<16xf32>,
      %sub3A_506 = arith.constant 1.200000e+01 : f32
      %sub3A_507 = vector.broadcast %sub3A_506 : f32 to vector<16xf32>
      %sub3A_508 = arith.subf %sub3A_507, %scan3A_492#2 : vector<16xf32>
      %swap3A_509 = arith.index_cast %add3A_444 : i32 to index
      %swap3A_510 = arith.constant 32 : index
      %swap3A_511 = tpu.vector_load %arg12[%swap3A_509, %swap3A_510] {strides = array<i32>} : memref<128x128xf32, #tpu.memory_space<vmem>>, vector<16xf32>,
      tpu.vector_store %arg12[%swap3A_509, %swap3A_510], %sub3A_508 {strides = array<i32>} : memref<128x128xf32, #tpu.memory_space<vmem>>, vector<16xf32>,
      %sub3A_512 = arith.constant 1.200000e+01 : f32
      %sub3A_513 = vector.broadcast %sub3A_512 : f32 to vector<16xf32>
      %sub3A_514 = arith.subf %sub3A_513, %scan3A_492#3 : vector<16xf32>
      %swap3A_515 = arith.index_cast %add3A_444 : i32 to index
      %swap3A_516 = arith.constant 48 : index
      %swap3A_517 = tpu.vector_load %arg12[%swap3A_515, %swap3A_516] {strides = array<i32>} : memref<128x128xf32, #tpu.memory_space<vmem>>, vector<16xf32>,
      tpu.vector_store %arg12[%swap3A_515, %swap3A_516], %sub3A_514 {strides = array<i32>} : memref<128x128xf32, #tpu.memory_space<vmem>>, vector<16xf32>,
      %sub3A_518 = arith.constant 1.200000e+01 : f32
      %sub3A_519 = vector.broadcast %sub3A_518 : f32 to vector<16xf32>
      %sub3A_520 = arith.subf %sub3A_519, %scan3A_492#4 : vector<16xf32>
      %swap3A_521 = arith.index_cast %add3A_444 : i32 to index
      %swap3A_522 = arith.constant 64 : index
      %swap3A_523 = tpu.vector_load %arg12[%swap3A_521, %swap3A_522] {strides = array<i32>} : memref<128x128xf32, #tpu.memory_space<vmem>>, vector<16xf32>,
      tpu.vector_store %arg12[%swap3A_521, %swap3A_522], %sub3A_520 {strides = array<i32>} : memref<128x128xf32, #tpu.memory_space<vmem>>, vector<16xf32>,
      %sub3A_524 = arith.constant 1.200000e+01 : f32
      %sub3A_525 = vector.broadcast %sub3A_524 : f32 to vector<16xf32>
      %sub3A_526 = arith.subf %sub3A_525, %scan3A_492#5 : vector<16xf32>
      %swap3A_527 = arith.index_cast %add3A_444 : i32 to index
      %swap3A_528 = arith.constant 80 : index
      %swap3A_529 = tpu.vector_load %arg12[%swap3A_527, %swap3A_528] {strides = array<i32>} : memref<128x128xf32, #tpu.memory_space<vmem>>, vector<16xf32>,
      tpu.vector_store %arg12[%swap3A_527, %swap3A_528], %sub3A_526 {strides = array<i32>} : memref<128x128xf32, #tpu.memory_space<vmem>>, vector<16xf32>,
      %sub3A_530 = arith.constant 1.200000e+01 : f32
      %sub3A_531 = vector.broadcast %sub3A_530 : f32 to vector<16xf32>
      %sub3A_532 = arith.subf %sub3A_531, %scan3A_492#6 : vector<16xf32>
      %swap3A_533 = arith.index_cast %add3A_444 : i32 to index
      %swap3A_534 = arith.constant 96 : index
      %swap3A_535 = tpu.vector_load %arg12[%swap3A_533, %swap3A_534] {strides = array<i32>} : memref<128x128xf32, #tpu.memory_space<vmem>>, vector<16xf32>,
      tpu.vector_store %arg12[%swap3A_533, %swap3A_534], %sub3A_532 {strides = array<i32>} : memref<128x128xf32, #tpu.memory_space<vmem>>, vector<16xf32>,
      %sub3A_536 = arith.constant 1.200000e+01 : f32
      %sub3A_537 = vector.broadcast %sub3A_536 : f32 to vector<16xf32>
      %sub3A_538 = arith.subf %sub3A_537, %scan3A_492#7 : vector<16xf32>
      %swap3A_539 = arith.index_cast %add3A_444 : i32 to index
      %swap3A_540 = arith.constant 112 : index
      %swap3A_541 = tpu.vector_load %arg12[%swap3A_539, %swap3A_540] {strides = array<i32>} : memref<128x128xf32, #tpu.memory_space<vmem>>, vector<16xf32>,
      tpu.vector_store %arg12[%swap3A_539, %swap3A_540], %sub3A_538 {strides = array<i32>} : memref<128x128xf32, #tpu.memory_space<vmem>>, vector<16xf32>,
      %add3A_542 = arith.constant 3 : i32
      %add3A_543 = arith.addi %add3A_248, %add3A_542 : i32
      %add3A_544 = arith.constant 8 : i32
      %add3A_545 = arith.addi %add3A_543, %add3A_544 : i32
      %sub3A_546 = arith.constant 1 : i32
      %sub3A_547 = arith.subi %add3A_545, %sub3A_546 : i32
      %min3A_548 = arith.constant 127 : i32
      %min3A_549 = arith.minsi %sub3A_547, %min3A_548 : i32
      %dma_start3A_550 = arith.constant 0 : i32
      %dma_start3A_551 = arith.constant 0 : i32
      %dma_start3A_552 = tpu.memref_slice %arg13[%scan3A_150, %dma_start3A_550, %dma_start3A_551] : memref<8x128x64xf32, #tpu.memory_space<vmem>> -> memref<1x128x64xf32, #tpu.memory_space<vmem>>
      %dma_start3A_553 = tpu.memref_squeeze %dma_start3A_552 : memref<1x128x64xf32, #tpu.memory_space<vmem>> -> memref<128x64xf32, #tpu.memory_space<vmem>>
      %dma_start3A_554 = arith.constant 0 : i32
      %dma_start3A_555 = tpu.memref_slice %arg10[%min3A_549, %dma_start3A_554] : memref<128x128xi32, #tpu.memory_space<vmem>> -> memref<1x128xi32, #tpu.memory_space<vmem>>
      %dma_start3A_556 = tpu.memref_squeeze %dma_start3A_555 : memref<1x128xi32, #tpu.memory_space<vmem>> -> memref<128xi32, #tpu.memory_space<vmem>>
      %dma_start3A_557 = arith.constant 0 : i32
      %dma_start3A_558 = arith.constant 0 : i32
      %dma_start3A_559 = tpu.memref_slice %arg5[%dma_start3A_557, %dma_start3A_558] : memref<1015808x64xf32, #tpu.memory_space<hbm>> -> memref<1015808x64xf32, #tpu.memory_space<hbm>>
      tpu.enqueue_indirect_dma source(%dma_start3A_559 : memref<1015808x64xf32, #tpu.memory_space<hbm>>) target(%dma_start3A_553 : memref<128x64xf32, #tpu.memory_space<vmem>>) offsets(%dma_start3A_556 : memref<128xi32, #tpu.memory_space<vmem>>) semaphore(%arg17 : memref<!tpu.dma_semaphore, #tpu.memory_space<semaphore_mem>>)
      %dma_wait3A_560 = arith.constant 0 : i32
      %dma_wait3A_561 = arith.constant 0 : i32
      %dma_wait3A_562 = tpu.memref_slice %arg13[%scan3A_151, %dma_wait3A_560, %dma_wait3A_561] : memref<8x128x64xf32, #tpu.memory_space<vmem>> -> memref<1x128x64xf32, #tpu.memory_space<vmem>>
      %dma_wait3A_563 = tpu.memref_squeeze %dma_wait3A_562 : memref<1x128x64xf32, #tpu.memory_space<vmem>> -> memref<128x64xf32, #tpu.memory_space<vmem>>
      %dma_wait3A_564 = arith.constant 0 : i32
      %dma_wait3A_565 = tpu.memref_slice %arg10[%add3A_543, %dma_wait3A_564] : memref<128x128xi32, #tpu.memory_space<vmem>> -> memref<1x128xi32, #tpu.memory_space<vmem>>
      %dma_wait3A_566 = tpu.memref_squeeze %dma_wait3A_565 : memref<1x128xi32, #tpu.memory_space<vmem>> -> memref<128xi32, #tpu.memory_space<vmem>>
      %dma_wait3A_567 = arith.constant 0 : i32
      %dma_wait3A_568 = arith.constant 0 : i32
      %dma_wait3A_569 = tpu.memref_slice %arg5[%dma_wait3A_567, %dma_wait3A_568] : memref<1015808x64xf32, #tpu.memory_space<hbm>> -> memref<1015808x64xf32, #tpu.memory_space<hbm>>
      tpu.wait_indirect_dma semaphore(%arg18 : memref<!tpu.dma_semaphore, #tpu.memory_space<semaphore_mem>>) src(%dma_wait3A_569 : memref<1015808x64xf32, #tpu.memory_space<hbm>>) dst(%dma_wait3A_563 : memref<128x64xf32, #tpu.memory_space<vmem>>)
      %broadcast_in_dim3A_570 = vector.broadcast %add3A_543 : i32 to vector<16xi32>
      %broadcast_in_dim3A_571 = arith.constant 0.000000e+00 : f32
      %broadcast_in_dim3A_572 = vector.broadcast %broadcast_in_dim3A_571 : f32 to vector<16xf32>
      %broadcast_in_dim3A_573 = arith.constant 0.000000e+00 : f32
      %broadcast_in_dim3A_574 = vector.broadcast %broadcast_in_dim3A_573 : f32 to vector<16xf32>
      %broadcast_in_dim3A_575 = arith.constant 0.000000e+00 : f32
      %broadcast_in_dim3A_576 = vector.broadcast %broadcast_in_dim3A_575 : f32 to vector<16xf32>
      %broadcast_in_dim3A_577 = arith.constant 0.000000e+00 : f32
      %broadcast_in_dim3A_578 = vector.broadcast %broadcast_in_dim3A_577 : f32 to vector<16xf32>
      %broadcast_in_dim3A_579 = arith.constant 0.000000e+00 : f32
      %broadcast_in_dim3A_580 = vector.broadcast %broadcast_in_dim3A_579 : f32 to vector<16xf32>
      %broadcast_in_dim3A_581 = arith.constant 0.000000e+00 : f32
      %broadcast_in_dim3A_582 = vector.broadcast %broadcast_in_dim3A_581 : f32 to vector<16xf32>
      %broadcast_in_dim3A_583 = arith.constant 0.000000e+00 : f32
      %broadcast_in_dim3A_584 = vector.broadcast %broadcast_in_dim3A_583 : f32 to vector<16xf32>
      %broadcast_in_dim3A_585 = arith.constant 0.000000e+00 : f32
      %broadcast_in_dim3A_586 = vector.broadcast %broadcast_in_dim3A_585 : f32 to vector<16xf32>
      %scan3A_587 = arith.constant 0 : i32
      %scan3A_588 = arith.constant 64 : i32
      %scan3A_589 = arith.addi %scan3A_587, %scan3A_588 : i32
      %scan3A_590 = arith.constant 2 : i32
      %scan3A_591:8 = scf.for %scan3A_1037 = %scan3A_587 to %scan3A_589 step %scan3A_590 iter_args(%scan3A_1038 = %broadcast_in_dim3A_572, %scan3A_1039 = %broadcast_in_dim3A_574, %scan3A_1040 = %broadcast_in_dim3A_576, %scan3A_1041 = %broadcast_in_dim3A_578, %scan3A_1042 = %broadcast_in_dim3A_580, %scan3A_1043 = %broadcast_in_dim3A_582, %scan3A_1044 = %broadcast_in_dim3A_584, %scan3A_1045 = %broadcast_in_dim3A_586) -> (vector<16xf32>, vector<16xf32>, vector<16xf32>, vector<16xf32>, vector<16xf32>, vector<16xf32>, vector<16xf32>, vector<16xf32>)  : i32 {
        %add3A_1046 = vector.broadcast %scan3A_1037 : i32 to vector<16xi32>
        %add3A_1047 = arith.addi %iota3A, %add3A_1046 : vector<16xi32>
        %and3A = arith.constant 63 : i32
        %and3A_1048 = vector.broadcast %and3A : i32 to vector<16xi32>
        %and3A_1049 = arith.andi %add3A_1047, %and3A_1048 : vector<16xi32>
        %gather3A = tpu.vector_load_idx %arg11[%broadcast_in_dim3A_570, %and3A_1049] : memref<128x64xf32, #tpu.memory_space<vmem>>[vector<16xi32>, vector<16xi32>], vector<16xf32>,
        %gather3A_1050 = arith.constant 0 : i32
        %gather3A_1051 = arith.constant 0 : i32
        %gather3A_1052 = tpu.memref_slice %arg13[%scan3A_151, %gather3A_1050, %gather3A_1051] : memref<8x128x64xf32, #tpu.memory_space<vmem>> -> memref<1x128x64xf32, #tpu.memory_space<vmem>>
        %gather3A_1053 = tpu.memref_squeeze %gather3A_1052 : memref<1x128x64xf32, #tpu.memory_space<vmem>> -> memref<128x64xf32, #tpu.memory_space<vmem>>
        %gather3A_1054 = tpu.vector_load_idx %gather3A_1053[%add3A_5, %and3A_1049] : memref<128x64xf32, #tpu.memory_space<vmem>>[vector<16xi32>, vector<16xi32>], vector<16xf32>,
        %sub3A_1055 = arith.subf %gather3A, %gather3A_1054 : vector<16xf32>
        %abs3A = math.absf %sub3A_1055 : vector<16xf32>
        %add3A_1056 = arith.addf %scan3A_1038, %abs3A : vector<16xf32>
        %gather3A_1057 = arith.constant 0 : i32
        %gather3A_1058 = arith.constant 0 : i32
        %gather3A_1059 = tpu.memref_slice %arg13[%scan3A_151, %gather3A_1057, %gather3A_1058] : memref<8x128x64xf32, #tpu.memory_space<vmem>> -> memref<1x128x64xf32, #tpu.memory_space<vmem>>
        %gather3A_1060 = tpu.memref_squeeze %gather3A_1059 : memref<1x128x64xf32, #tpu.memory_space<vmem>> -> memref<128x64xf32, #tpu.memory_space<vmem>>
        %gather3A_1061 = tpu.vector_load_idx %gather3A_1060[%add3A_8, %and3A_1049] : memref<128x64xf32, #tpu.memory_space<vmem>>[vector<16xi32>, vector<16xi32>], vector<16xf32>,
        %sub3A_1062 = arith.subf %gather3A, %gather3A_1061 : vector<16xf32>
        %abs3A_1063 = math.absf %sub3A_1062 : vector<16xf32>
        %add3A_1064 = arith.addf %scan3A_1039, %abs3A_1063 : vector<16xf32>
        %gather3A_1065 = arith.constant 0 : i32
        %gather3A_1066 = arith.constant 0 : i32
        %gather3A_1067 = tpu.memref_slice %arg13[%scan3A_151, %gather3A_1065, %gather3A_1066] : memref<8x128x64xf32, #tpu.memory_space<vmem>> -> memref<1x128x64xf32, #tpu.memory_space<vmem>>
        %gather3A_1068 = tpu.memref_squeeze %gather3A_1067 : memref<1x128x64xf32, #tpu.memory_space<vmem>> -> memref<128x64xf32, #tpu.memory_space<vmem>>
        %gather3A_1069 = tpu.vector_load_idx %gather3A_1068[%add3A_11, %and3A_1049] : memref<128x64xf32, #tpu.memory_space<vmem>>[vector<16xi32>, vector<16xi32>], vector<16xf32>,
        %sub3A_1070 = arith.subf %gather3A, %gather3A_1069 : vector<16xf32>
        %abs3A_1071 = math.absf %sub3A_1070 : vector<16xf32>
        %add3A_1072 = arith.addf %scan3A_1040, %abs3A_1071 : vector<16xf32>
        %gather3A_1073 = arith.constant 0 : i32
        %gather3A_1074 = arith.constant 0 : i32
        %gather3A_1075 = tpu.memref_slice %arg13[%scan3A_151, %gather3A_1073, %gather3A_1074] : memref<8x128x64xf32, #tpu.memory_space<vmem>> -> memref<1x128x64xf32, #tpu.memory_space<vmem>>
        %gather3A_1076 = tpu.memref_squeeze %gather3A_1075 : memref<1x128x64xf32, #tpu.memory_space<vmem>> -> memref<128x64xf32, #tpu.memory_space<vmem>>
        %gather3A_1077 = tpu.vector_load_idx %gather3A_1076[%add3A_14, %and3A_1049] : memref<128x64xf32, #tpu.memory_space<vmem>>[vector<16xi32>, vector<16xi32>], vector<16xf32>,
        %sub3A_1078 = arith.subf %gather3A, %gather3A_1077 : vector<16xf32>
        %abs3A_1079 = math.absf %sub3A_1078 : vector<16xf32>
        %add3A_1080 = arith.addf %scan3A_1041, %abs3A_1079 : vector<16xf32>
        %gather3A_1081 = arith.constant 0 : i32
        %gather3A_1082 = arith.constant 0 : i32
        %gather3A_1083 = tpu.memref_slice %arg13[%scan3A_151, %gather3A_1081, %gather3A_1082] : memref<8x128x64xf32, #tpu.memory_space<vmem>> -> memref<1x128x64xf32, #tpu.memory_space<vmem>>
        %gather3A_1084 = tpu.memref_squeeze %gather3A_1083 : memref<1x128x64xf32, #tpu.memory_space<vmem>> -> memref<128x64xf32, #tpu.memory_space<vmem>>
        %gather3A_1085 = tpu.vector_load_idx %gather3A_1084[%add3A_17, %and3A_1049] : memref<128x64xf32, #tpu.memory_space<vmem>>[vector<16xi32>, vector<16xi32>], vector<16xf32>,
        %sub3A_1086 = arith.subf %gather3A, %gather3A_1085 : vector<16xf32>
        %abs3A_1087 = math.absf %sub3A_1086 : vector<16xf32>
        %add3A_1088 = arith.addf %scan3A_1042, %abs3A_1087 : vector<16xf32>
        %gather3A_1089 = arith.constant 0 : i32
        %gather3A_1090 = arith.constant 0 : i32
        %gather3A_1091 = tpu.memref_slice %arg13[%scan3A_151, %gather3A_1089, %gather3A_1090] : memref<8x128x64xf32, #tpu.memory_space<vmem>> -> memref<1x128x64xf32, #tpu.memory_space<vmem>>
        %gather3A_1092 = tpu.memref_squeeze %gather3A_1091 : memref<1x128x64xf32, #tpu.memory_space<vmem>> -> memref<128x64xf32, #tpu.memory_space<vmem>>
        %gather3A_1093 = tpu.vector_load_idx %gather3A_1092[%add3A_20, %and3A_1049] : memref<128x64xf32, #tpu.memory_space<vmem>>[vector<16xi32>, vector<16xi32>], vector<16xf32>,
        %sub3A_1094 = arith.subf %gather3A, %gather3A_1093 : vector<16xf32>
        %abs3A_1095 = math.absf %sub3A_1094 : vector<16xf32>
        %add3A_1096 = arith.addf %scan3A_1043, %abs3A_1095 : vector<16xf32>
        %gather3A_1097 = arith.constant 0 : i32
        %gather3A_1098 = arith.constant 0 : i32
        %gather3A_1099 = tpu.memref_slice %arg13[%scan3A_151, %gather3A_1097, %gather3A_1098] : memref<8x128x64xf32, #tpu.memory_space<vmem>> -> memref<1x128x64xf32, #tpu.memory_space<vmem>>
        %gather3A_1100 = tpu.memref_squeeze %gather3A_1099 : memref<1x128x64xf32, #tpu.memory_space<vmem>> -> memref<128x64xf32, #tpu.memory_space<vmem>>
        %gather3A_1101 = tpu.vector_load_idx %gather3A_1100[%add3A_23, %and3A_1049] : memref<128x64xf32, #tpu.memory_space<vmem>>[vector<16xi32>, vector<16xi32>], vector<16xf32>,
        %sub3A_1102 = arith.subf %gather3A, %gather3A_1101 : vector<16xf32>
        %abs3A_1103 = math.absf %sub3A_1102 : vector<16xf32>
        %add3A_1104 = arith.addf %scan3A_1044, %abs3A_1103 : vector<16xf32>
        %gather3A_1105 = arith.constant 0 : i32
        %gather3A_1106 = arith.constant 0 : i32
        %gather3A_1107 = tpu.memref_slice %arg13[%scan3A_151, %gather3A_1105, %gather3A_1106] : memref<8x128x64xf32, #tpu.memory_space<vmem>> -> memref<1x128x64xf32, #tpu.memory_space<vmem>>
        %gather3A_1108 = tpu.memref_squeeze %gather3A_1107 : memref<1x128x64xf32, #tpu.memory_space<vmem>> -> memref<128x64xf32, #tpu.memory_space<vmem>>
        %gather3A_1109 = tpu.vector_load_idx %gather3A_1108[%add3A_26, %and3A_1049] : memref<128x64xf32, #tpu.memory_space<vmem>>[vector<16xi32>, vector<16xi32>], vector<16xf32>,
        %sub3A_1110 = arith.subf %gather3A, %gather3A_1109 : vector<16xf32>
        %abs3A_1111 = math.absf %sub3A_1110 : vector<16xf32>
        %add3A_1112 = arith.addf %scan3A_1045, %abs3A_1111 : vector<16xf32>
        %scan3A_1113 = arith.constant 1 : i32
        %scan3A_1114 = arith.addi %scan3A_1037, %scan3A_1113 : i32
        %add3A_1115 = vector.broadcast %scan3A_1114 : i32 to vector<16xi32>
        %add3A_1116 = arith.addi %iota3A, %add3A_1115 : vector<16xi32>
        %and3A_1117 = arith.constant 63 : i32
        %and3A_1118 = vector.broadcast %and3A_1117 : i32 to vector<16xi32>
        %and3A_1119 = arith.andi %add3A_1116, %and3A_1118 : vector<16xi32>
        %gather3A_1120 = tpu.vector_load_idx %arg11[%broadcast_in_dim3A_570, %and3A_1119] : memref<128x64xf32, #tpu.memory_space<vmem>>[vector<16xi32>, vector<16xi32>], vector<16xf32>,
        %gather3A_1121 = arith.constant 0 : i32
        %gather3A_1122 = arith.constant 0 : i32
        %gather3A_1123 = tpu.memref_slice %arg13[%scan3A_151, %gather3A_1121, %gather3A_1122] : memref<8x128x64xf32, #tpu.memory_space<vmem>> -> memref<1x128x64xf32, #tpu.memory_space<vmem>>
        %gather3A_1124 = tpu.memref_squeeze %gather3A_1123 : memref<1x128x64xf32, #tpu.memory_space<vmem>> -> memref<128x64xf32, #tpu.memory_space<vmem>>
        %gather3A_1125 = tpu.vector_load_idx %gather3A_1124[%add3A_5, %and3A_1119] : memref<128x64xf32, #tpu.memory_space<vmem>>[vector<16xi32>, vector<16xi32>], vector<16xf32>,
        %sub3A_1126 = arith.subf %gather3A_1120, %gather3A_1125 : vector<16xf32>
        %abs3A_1127 = math.absf %sub3A_1126 : vector<16xf32>
        %add3A_1128 = arith.addf %add3A_1056, %abs3A_1127 : vector<16xf32>
        %gather3A_1129 = arith.constant 0 : i32
        %gather3A_1130 = arith.constant 0 : i32
        %gather3A_1131 = tpu.memref_slice %arg13[%scan3A_151, %gather3A_1129, %gather3A_1130] : memref<8x128x64xf32, #tpu.memory_space<vmem>> -> memref<1x128x64xf32, #tpu.memory_space<vmem>>
        %gather3A_1132 = tpu.memref_squeeze %gather3A_1131 : memref<1x128x64xf32, #tpu.memory_space<vmem>> -> memref<128x64xf32, #tpu.memory_space<vmem>>
        %gather3A_1133 = tpu.vector_load_idx %gather3A_1132[%add3A_8, %and3A_1119] : memref<128x64xf32, #tpu.memory_space<vmem>>[vector<16xi32>, vector<16xi32>], vector<16xf32>,
        %sub3A_1134 = arith.subf %gather3A_1120, %gather3A_1133 : vector<16xf32>
        %abs3A_1135 = math.absf %sub3A_1134 : vector<16xf32>
        %add3A_1136 = arith.addf %add3A_1064, %abs3A_1135 : vector<16xf32>
        %gather3A_1137 = arith.constant 0 : i32
        %gather3A_1138 = arith.constant 0 : i32
        %gather3A_1139 = tpu.memref_slice %arg13[%scan3A_151, %gather3A_1137, %gather3A_1138] : memref<8x128x64xf32, #tpu.memory_space<vmem>> -> memref<1x128x64xf32, #tpu.memory_space<vmem>>
        %gather3A_1140 = tpu.memref_squeeze %gather3A_1139 : memref<1x128x64xf32, #tpu.memory_space<vmem>> -> memref<128x64xf32, #tpu.memory_space<vmem>>
        %gather3A_1141 = tpu.vector_load_idx %gather3A_1140[%add3A_11, %and3A_1119] : memref<128x64xf32, #tpu.memory_space<vmem>>[vector<16xi32>, vector<16xi32>], vector<16xf32>,
        %sub3A_1142 = arith.subf %gather3A_1120, %gather3A_1141 : vector<16xf32>
        %abs3A_1143 = math.absf %sub3A_1142 : vector<16xf32>
        %add3A_1144 = arith.addf %add3A_1072, %abs3A_1143 : vector<16xf32>
        %gather3A_1145 = arith.constant 0 : i32
        %gather3A_1146 = arith.constant 0 : i32
        %gather3A_1147 = tpu.memref_slice %arg13[%scan3A_151, %gather3A_1145, %gather3A_1146] : memref<8x128x64xf32, #tpu.memory_space<vmem>> -> memref<1x128x64xf32, #tpu.memory_space<vmem>>
        %gather3A_1148 = tpu.memref_squeeze %gather3A_1147 : memref<1x128x64xf32, #tpu.memory_space<vmem>> -> memref<128x64xf32, #tpu.memory_space<vmem>>
        %gather3A_1149 = tpu.vector_load_idx %gather3A_1148[%add3A_14, %and3A_1119] : memref<128x64xf32, #tpu.memory_space<vmem>>[vector<16xi32>, vector<16xi32>], vector<16xf32>,
        %sub3A_1150 = arith.subf %gather3A_1120, %gather3A_1149 : vector<16xf32>
        %abs3A_1151 = math.absf %sub3A_1150 : vector<16xf32>
        %add3A_1152 = arith.addf %add3A_1080, %abs3A_1151 : vector<16xf32>
        %gather3A_1153 = arith.constant 0 : i32
        %gather3A_1154 = arith.constant 0 : i32
        %gather3A_1155 = tpu.memref_slice %arg13[%scan3A_151, %gather3A_1153, %gather3A_1154] : memref<8x128x64xf32, #tpu.memory_space<vmem>> -> memref<1x128x64xf32, #tpu.memory_space<vmem>>
        %gather3A_1156 = tpu.memref_squeeze %gather3A_1155 : memref<1x128x64xf32, #tpu.memory_space<vmem>> -> memref<128x64xf32, #tpu.memory_space<vmem>>
        %gather3A_1157 = tpu.vector_load_idx %gather3A_1156[%add3A_17, %and3A_1119] : memref<128x64xf32, #tpu.memory_space<vmem>>[vector<16xi32>, vector<16xi32>], vector<16xf32>,
        %sub3A_1158 = arith.subf %gather3A_1120, %gather3A_1157 : vector<16xf32>
        %abs3A_1159 = math.absf %sub3A_1158 : vector<16xf32>
        %add3A_1160 = arith.addf %add3A_1088, %abs3A_1159 : vector<16xf32>
        %gather3A_1161 = arith.constant 0 : i32
        %gather3A_1162 = arith.constant 0 : i32
        %gather3A_1163 = tpu.memref_slice %arg13[%scan3A_151, %gather3A_1161, %gather3A_1162] : memref<8x128x64xf32, #tpu.memory_space<vmem>> -> memref<1x128x64xf32, #tpu.memory_space<vmem>>
        %gather3A_1164 = tpu.memref_squeeze %gather3A_1163 : memref<1x128x64xf32, #tpu.memory_space<vmem>> -> memref<128x64xf32, #tpu.memory_space<vmem>>
        %gather3A_1165 = tpu.vector_load_idx %gather3A_1164[%add3A_20, %and3A_1119] : memref<128x64xf32, #tpu.memory_space<vmem>>[vector<16xi32>, vector<16xi32>], vector<16xf32>,
        %sub3A_1166 = arith.subf %gather3A_1120, %gather3A_1165 : vector<16xf32>
        %abs3A_1167 = math.absf %sub3A_1166 : vector<16xf32>
        %add3A_1168 = arith.addf %add3A_1096, %abs3A_1167 : vector<16xf32>
        %gather3A_1169 = arith.constant 0 : i32
        %gather3A_1170 = arith.constant 0 : i32
        %gather3A_1171 = tpu.memref_slice %arg13[%scan3A_151, %gather3A_1169, %gather3A_1170] : memref<8x128x64xf32, #tpu.memory_space<vmem>> -> memref<1x128x64xf32, #tpu.memory_space<vmem>>
        %gather3A_1172 = tpu.memref_squeeze %gather3A_1171 : memref<1x128x64xf32, #tpu.memory_space<vmem>> -> memref<128x64xf32, #tpu.memory_space<vmem>>
        %gather3A_1173 = tpu.vector_load_idx %gather3A_1172[%add3A_23, %and3A_1119] : memref<128x64xf32, #tpu.memory_space<vmem>>[vector<16xi32>, vector<16xi32>], vector<16xf32>,
        %sub3A_1174 = arith.subf %gather3A_1120, %gather3A_1173 : vector<16xf32>
        %abs3A_1175 = math.absf %sub3A_1174 : vector<16xf32>
        %add3A_1176 = arith.addf %add3A_1104, %abs3A_1175 : vector<16xf32>
        %gather3A_1177 = arith.constant 0 : i32
        %gather3A_1178 = arith.constant 0 : i32
        %gather3A_1179 = tpu.memref_slice %arg13[%scan3A_151, %gather3A_1177, %gather3A_1178] : memref<8x128x64xf32, #tpu.memory_space<vmem>> -> memref<1x128x64xf32, #tpu.memory_space<vmem>>
        %gather3A_1180 = tpu.memref_squeeze %gather3A_1179 : memref<1x128x64xf32, #tpu.memory_space<vmem>> -> memref<128x64xf32, #tpu.memory_space<vmem>>
        %gather3A_1181 = tpu.vector_load_idx %gather3A_1180[%add3A_26, %and3A_1119] : memref<128x64xf32, #tpu.memory_space<vmem>>[vector<16xi32>, vector<16xi32>], vector<16xf32>,
        %sub3A_1182 = arith.subf %gather3A_1120, %gather3A_1181 : vector<16xf32>
        %abs3A_1183 = math.absf %sub3A_1182 : vector<16xf32>
        %add3A_1184 = arith.addf %add3A_1112, %abs3A_1183 : vector<16xf32>
        scf.yield %add3A_1128, %add3A_1136, %add3A_1144, %add3A_1152, %add3A_1160, %add3A_1168, %add3A_1176, %add3A_1184 : vector<16xf32>, vector<16xf32>, vector<16xf32>, vector<16xf32>, vector<16xf32>, vector<16xf32>, vector<16xf32>, vector<16xf32>
      }
      %scan3A_592 = arith.constant 64 : i32
      %sub3A_593 = arith.constant 1.200000e+01 : f32
      %sub3A_594 = vector.broadcast %sub3A_593 : f32 to vector<16xf32>
      %sub3A_595 = arith.subf %sub3A_594, %scan3A_591#0 : vector<16xf32>
      %swap3A_596 = arith.index_cast %add3A_543 : i32 to index
      %swap3A_597 = arith.constant 0 : index
      %swap3A_598 = tpu.vector_load %arg12[%swap3A_596, %swap3A_597] {strides = array<i32>} : memref<128x128xf32, #tpu.memory_space<vmem>>, vector<16xf32>,
      tpu.vector_store %arg12[%swap3A_596, %swap3A_597], %sub3A_595 {strides = array<i32>} : memref<128x128xf32, #tpu.memory_space<vmem>>, vector<16xf32>,
      %sub3A_599 = arith.constant 1.200000e+01 : f32
      %sub3A_600 = vector.broadcast %sub3A_599 : f32 to vector<16xf32>
      %sub3A_601 = arith.subf %sub3A_600, %scan3A_591#1 : vector<16xf32>
      %swap3A_602 = arith.index_cast %add3A_543 : i32 to index
      %swap3A_603 = arith.constant 16 : index
      %swap3A_604 = tpu.vector_load %arg12[%swap3A_602, %swap3A_603] {strides = array<i32>} : memref<128x128xf32, #tpu.memory_space<vmem>>, vector<16xf32>,
      tpu.vector_store %arg12[%swap3A_602, %swap3A_603], %sub3A_601 {strides = array<i32>} : memref<128x128xf32, #tpu.memory_space<vmem>>, vector<16xf32>,
      %sub3A_605 = arith.constant 1.200000e+01 : f32
      %sub3A_606 = vector.broadcast %sub3A_605 : f32 to vector<16xf32>
      %sub3A_607 = arith.subf %sub3A_606, %scan3A_591#2 : vector<16xf32>
      %swap3A_608 = arith.index_cast %add3A_543 : i32 to index
      %swap3A_609 = arith.constant 32 : index
      %swap3A_610 = tpu.vector_load %arg12[%swap3A_608, %swap3A_609] {strides = array<i32>} : memref<128x128xf32, #tpu.memory_space<vmem>>, vector<16xf32>,
      tpu.vector_store %arg12[%swap3A_608, %swap3A_609], %sub3A_607 {strides = array<i32>} : memref<128x128xf32, #tpu.memory_space<vmem>>, vector<16xf32>,
      %sub3A_611 = arith.constant 1.200000e+01 : f32
      %sub3A_612 = vector.broadcast %sub3A_611 : f32 to vector<16xf32>
      %sub3A_613 = arith.subf %sub3A_612, %scan3A_591#3 : vector<16xf32>
      %swap3A_614 = arith.index_cast %add3A_543 : i32 to index
      %swap3A_615 = arith.constant 48 : index
      %swap3A_616 = tpu.vector_load %arg12[%swap3A_614, %swap3A_615] {strides = array<i32>} : memref<128x128xf32, #tpu.memory_space<vmem>>, vector<16xf32>,
      tpu.vector_store %arg12[%swap3A_614, %swap3A_615], %sub3A_613 {strides = array<i32>} : memref<128x128xf32, #tpu.memory_space<vmem>>, vector<16xf32>,
      %sub3A_617 = arith.constant 1.200000e+01 : f32
      %sub3A_618 = vector.broadcast %sub3A_617 : f32 to vector<16xf32>
      %sub3A_619 = arith.subf %sub3A_618, %scan3A_591#4 : vector<16xf32>
      %swap3A_620 = arith.index_cast %add3A_543 : i32 to index
      %swap3A_621 = arith.constant 64 : index
      %swap3A_622 = tpu.vector_load %arg12[%swap3A_620, %swap3A_621] {strides = array<i32>} : memref<128x128xf32, #tpu.memory_space<vmem>>, vector<16xf32>,
      tpu.vector_store %arg12[%swap3A_620, %swap3A_621], %sub3A_619 {strides = array<i32>} : memref<128x128xf32, #tpu.memory_space<vmem>>, vector<16xf32>,
      %sub3A_623 = arith.constant 1.200000e+01 : f32
      %sub3A_624 = vector.broadcast %sub3A_623 : f32 to vector<16xf32>
      %sub3A_625 = arith.subf %sub3A_624, %scan3A_591#5 : vector<16xf32>
      %swap3A_626 = arith.index_cast %add3A_543 : i32 to index
      %swap3A_627 = arith.constant 80 : index
      %swap3A_628 = tpu.vector_load %arg12[%swap3A_626, %swap3A_627] {strides = array<i32>} : memref<128x128xf32, #tpu.memory_space<vmem>>, vector<16xf32>,
      tpu.vector_store %arg12[%swap3A_626, %swap3A_627], %sub3A_625 {strides = array<i32>} : memref<128x128xf32, #tpu.memory_space<vmem>>, vector<16xf32>,
      %sub3A_629 = arith.constant 1.200000e+01 : f32
      %sub3A_630 = vector.broadcast %sub3A_629 : f32 to vector<16xf32>
      %sub3A_631 = arith.subf %sub3A_630, %scan3A_591#6 : vector<16xf32>
      %swap3A_632 = arith.index_cast %add3A_543 : i32 to index
      %swap3A_633 = arith.constant 96 : index
      %swap3A_634 = tpu.vector_load %arg12[%swap3A_632, %swap3A_633] {strides = array<i32>} : memref<128x128xf32, #tpu.memory_space<vmem>>, vector<16xf32>,
      tpu.vector_store %arg12[%swap3A_632, %swap3A_633], %sub3A_631 {strides = array<i32>} : memref<128x128xf32, #tpu.memory_space<vmem>>, vector<16xf32>,
      %sub3A_635 = arith.constant 1.200000e+01 : f32
      %sub3A_636 = vector.broadcast %sub3A_635 : f32 to vector<16xf32>
      %sub3A_637 = arith.subf %sub3A_636, %scan3A_591#7 : vector<16xf32>
      %swap3A_638 = arith.index_cast %add3A_543 : i32 to index
      %swap3A_639 = arith.constant 112 : index
      %swap3A_640 = tpu.vector_load %arg12[%swap3A_638, %swap3A_639] {strides = array<i32>} : memref<128x128xf32, #tpu.memory_space<vmem>>, vector<16xf32>,
      tpu.vector_store %arg12[%swap3A_638, %swap3A_639], %sub3A_637 {strides = array<i32>} : memref<128x128xf32, #tpu.memory_space<vmem>>, vector<16xf32>,
      %add3A_641 = arith.constant 4 : i32
      %add3A_642 = arith.addi %add3A_248, %add3A_641 : i32
      %add3A_643 = arith.constant 8 : i32
      %add3A_644 = arith.addi %add3A_642, %add3A_643 : i32
      %sub3A_645 = arith.constant 1 : i32
      %sub3A_646 = arith.subi %add3A_644, %sub3A_645 : i32
      %min3A_647 = arith.constant 127 : i32
      %min3A_648 = arith.minsi %sub3A_646, %min3A_647 : i32
      %dma_start3A_649 = arith.constant 0 : i32
      %dma_start3A_650 = arith.constant 0 : i32
      %dma_start3A_651 = tpu.memref_slice %arg13[%scan3A_151, %dma_start3A_649, %dma_start3A_650] : memref<8x128x64xf32, #tpu.memory_space<vmem>> -> memref<1x128x64xf32, #tpu.memory_space<vmem>>
      %dma_start3A_652 = tpu.memref_squeeze %dma_start3A_651 : memref<1x128x64xf32, #tpu.memory_space<vmem>> -> memref<128x64xf32, #tpu.memory_space<vmem>>
      %dma_start3A_653 = arith.constant 0 : i32
      %dma_start3A_654 = tpu.memref_slice %arg10[%min3A_648, %dma_start3A_653] : memref<128x128xi32, #tpu.memory_space<vmem>> -> memref<1x128xi32, #tpu.memory_space<vmem>>
      %dma_start3A_655 = tpu.memref_squeeze %dma_start3A_654 : memref<1x128xi32, #tpu.memory_space<vmem>> -> memref<128xi32, #tpu.memory_space<vmem>>
      %dma_start3A_656 = arith.constant 0 : i32
      %dma_start3A_657 = arith.constant 0 : i32
      %dma_start3A_658 = tpu.memref_slice %arg5[%dma_start3A_656, %dma_start3A_657] : memref<1015808x64xf32, #tpu.memory_space<hbm>> -> memref<1015808x64xf32, #tpu.memory_space<hbm>>
      tpu.enqueue_indirect_dma source(%dma_start3A_658 : memref<1015808x64xf32, #tpu.memory_space<hbm>>) target(%dma_start3A_652 : memref<128x64xf32, #tpu.memory_space<vmem>>) offsets(%dma_start3A_655 : memref<128xi32, #tpu.memory_space<vmem>>) semaphore(%arg18 : memref<!tpu.dma_semaphore, #tpu.memory_space<semaphore_mem>>)
      %dma_wait3A_659 = arith.constant 0 : i32
      %dma_wait3A_660 = arith.constant 0 : i32
      %dma_wait3A_661 = tpu.memref_slice %arg13[%scan3A_152, %dma_wait3A_659, %dma_wait3A_660] : memref<8x128x64xf32, #tpu.memory_space<vmem>> -> memref<1x128x64xf32, #tpu.memory_space<vmem>>
      %dma_wait3A_662 = tpu.memref_squeeze %dma_wait3A_661 : memref<1x128x64xf32, #tpu.memory_space<vmem>> -> memref<128x64xf32, #tpu.memory_space<vmem>>
      %dma_wait3A_663 = arith.constant 0 : i32
      %dma_wait3A_664 = tpu.memref_slice %arg10[%add3A_642, %dma_wait3A_663] : memref<128x128xi32, #tpu.memory_space<vmem>> -> memref<1x128xi32, #tpu.memory_space<vmem>>
      %dma_wait3A_665 = tpu.memref_squeeze %dma_wait3A_664 : memref<1x128xi32, #tpu.memory_space<vmem>> -> memref<128xi32, #tpu.memory_space<vmem>>
      %dma_wait3A_666 = arith.constant 0 : i32
      %dma_wait3A_667 = arith.constant 0 : i32
      %dma_wait3A_668 = tpu.memref_slice %arg5[%dma_wait3A_666, %dma_wait3A_667] : memref<1015808x64xf32, #tpu.memory_space<hbm>> -> memref<1015808x64xf32, #tpu.memory_space<hbm>>
      tpu.wait_indirect_dma semaphore(%arg19 : memref<!tpu.dma_semaphore, #tpu.memory_space<semaphore_mem>>) src(%dma_wait3A_668 : memref<1015808x64xf32, #tpu.memory_space<hbm>>) dst(%dma_wait3A_662 : memref<128x64xf32, #tpu.memory_space<vmem>>)
      %broadcast_in_dim3A_669 = vector.broadcast %add3A_642 : i32 to vector<16xi32>
      %broadcast_in_dim3A_670 = arith.constant 0.000000e+00 : f32
      %broadcast_in_dim3A_671 = vector.broadcast %broadcast_in_dim3A_670 : f32 to vector<16xf32>
      %broadcast_in_dim3A_672 = arith.constant 0.000000e+00 : f32
      %broadcast_in_dim3A_673 = vector.broadcast %broadcast_in_dim3A_672 : f32 to vector<16xf32>
      %broadcast_in_dim3A_674 = arith.constant 0.000000e+00 : f32
      %broadcast_in_dim3A_675 = vector.broadcast %broadcast_in_dim3A_674 : f32 to vector<16xf32>
      %broadcast_in_dim3A_676 = arith.constant 0.000000e+00 : f32
      %broadcast_in_dim3A_677 = vector.broadcast %broadcast_in_dim3A_676 : f32 to vector<16xf32>
      %broadcast_in_dim3A_678 = arith.constant 0.000000e+00 : f32
      %broadcast_in_dim3A_679 = vector.broadcast %broadcast_in_dim3A_678 : f32 to vector<16xf32>
      %broadcast_in_dim3A_680 = arith.constant 0.000000e+00 : f32
      %broadcast_in_dim3A_681 = vector.broadcast %broadcast_in_dim3A_680 : f32 to vector<16xf32>
      %broadcast_in_dim3A_682 = arith.constant 0.000000e+00 : f32
      %broadcast_in_dim3A_683 = vector.broadcast %broadcast_in_dim3A_682 : f32 to vector<16xf32>
      %broadcast_in_dim3A_684 = arith.constant 0.000000e+00 : f32
      %broadcast_in_dim3A_685 = vector.broadcast %broadcast_in_dim3A_684 : f32 to vector<16xf32>
      %scan3A_686 = arith.constant 0 : i32
      %scan3A_687 = arith.constant 64 : i32
      %scan3A_688 = arith.addi %scan3A_686, %scan3A_687 : i32
      %scan3A_689 = arith.constant 2 : i32
      %scan3A_690:8 = scf.for %scan3A_1037 = %scan3A_686 to %scan3A_688 step %scan3A_689 iter_args(%scan3A_1038 = %broadcast_in_dim3A_671, %scan3A_1039 = %broadcast_in_dim3A_673, %scan3A_1040 = %broadcast_in_dim3A_675, %scan3A_1041 = %broadcast_in_dim3A_677, %scan3A_1042 = %broadcast_in_dim3A_679, %scan3A_1043 = %broadcast_in_dim3A_681, %scan3A_1044 = %broadcast_in_dim3A_683, %scan3A_1045 = %broadcast_in_dim3A_685) -> (vector<16xf32>, vector<16xf32>, vector<16xf32>, vector<16xf32>, vector<16xf32>, vector<16xf32>, vector<16xf32>, vector<16xf32>)  : i32 {
        %add3A_1046 = vector.broadcast %scan3A_1037 : i32 to vector<16xi32>
        %add3A_1047 = arith.addi %iota3A, %add3A_1046 : vector<16xi32>
        %and3A = arith.constant 63 : i32
        %and3A_1048 = vector.broadcast %and3A : i32 to vector<16xi32>
        %and3A_1049 = arith.andi %add3A_1047, %and3A_1048 : vector<16xi32>
        %gather3A = tpu.vector_load_idx %arg11[%broadcast_in_dim3A_669, %and3A_1049] : memref<128x64xf32, #tpu.memory_space<vmem>>[vector<16xi32>, vector<16xi32>], vector<16xf32>,
        %gather3A_1050 = arith.constant 0 : i32
        %gather3A_1051 = arith.constant 0 : i32
        %gather3A_1052 = tpu.memref_slice %arg13[%scan3A_152, %gather3A_1050, %gather3A_1051] : memref<8x128x64xf32, #tpu.memory_space<vmem>> -> memref<1x128x64xf32, #tpu.memory_space<vmem>>
        %gather3A_1053 = tpu.memref_squeeze %gather3A_1052 : memref<1x128x64xf32, #tpu.memory_space<vmem>> -> memref<128x64xf32, #tpu.memory_space<vmem>>
        %gather3A_1054 = tpu.vector_load_idx %gather3A_1053[%add3A_5, %and3A_1049] : memref<128x64xf32, #tpu.memory_space<vmem>>[vector<16xi32>, vector<16xi32>], vector<16xf32>,
        %sub3A_1055 = arith.subf %gather3A, %gather3A_1054 : vector<16xf32>
        %abs3A = math.absf %sub3A_1055 : vector<16xf32>
        %add3A_1056 = arith.addf %scan3A_1038, %abs3A : vector<16xf32>
        %gather3A_1057 = arith.constant 0 : i32
        %gather3A_1058 = arith.constant 0 : i32
        %gather3A_1059 = tpu.memref_slice %arg13[%scan3A_152, %gather3A_1057, %gather3A_1058] : memref<8x128x64xf32, #tpu.memory_space<vmem>> -> memref<1x128x64xf32, #tpu.memory_space<vmem>>
        %gather3A_1060 = tpu.memref_squeeze %gather3A_1059 : memref<1x128x64xf32, #tpu.memory_space<vmem>> -> memref<128x64xf32, #tpu.memory_space<vmem>>
        %gather3A_1061 = tpu.vector_load_idx %gather3A_1060[%add3A_8, %and3A_1049] : memref<128x64xf32, #tpu.memory_space<vmem>>[vector<16xi32>, vector<16xi32>], vector<16xf32>,
        %sub3A_1062 = arith.subf %gather3A, %gather3A_1061 : vector<16xf32>
        %abs3A_1063 = math.absf %sub3A_1062 : vector<16xf32>
        %add3A_1064 = arith.addf %scan3A_1039, %abs3A_1063 : vector<16xf32>
        %gather3A_1065 = arith.constant 0 : i32
        %gather3A_1066 = arith.constant 0 : i32
        %gather3A_1067 = tpu.memref_slice %arg13[%scan3A_152, %gather3A_1065, %gather3A_1066] : memref<8x128x64xf32, #tpu.memory_space<vmem>> -> memref<1x128x64xf32, #tpu.memory_space<vmem>>
        %gather3A_1068 = tpu.memref_squeeze %gather3A_1067 : memref<1x128x64xf32, #tpu.memory_space<vmem>> -> memref<128x64xf32, #tpu.memory_space<vmem>>
        %gather3A_1069 = tpu.vector_load_idx %gather3A_1068[%add3A_11, %and3A_1049] : memref<128x64xf32, #tpu.memory_space<vmem>>[vector<16xi32>, vector<16xi32>], vector<16xf32>,
        %sub3A_1070 = arith.subf %gather3A, %gather3A_1069 : vector<16xf32>
        %abs3A_1071 = math.absf %sub3A_1070 : vector<16xf32>
        %add3A_1072 = arith.addf %scan3A_1040, %abs3A_1071 : vector<16xf32>
        %gather3A_1073 = arith.constant 0 : i32
        %gather3A_1074 = arith.constant 0 : i32
        %gather3A_1075 = tpu.memref_slice %arg13[%scan3A_152, %gather3A_1073, %gather3A_1074] : memref<8x128x64xf32, #tpu.memory_space<vmem>> -> memref<1x128x64xf32, #tpu.memory_space<vmem>>
        %gather3A_1076 = tpu.memref_squeeze %gather3A_1075 : memref<1x128x64xf32, #tpu.memory_space<vmem>> -> memref<128x64xf32, #tpu.memory_space<vmem>>
        %gather3A_1077 = tpu.vector_load_idx %gather3A_1076[%add3A_14, %and3A_1049] : memref<128x64xf32, #tpu.memory_space<vmem>>[vector<16xi32>, vector<16xi32>], vector<16xf32>,
        %sub3A_1078 = arith.subf %gather3A, %gather3A_1077 : vector<16xf32>
        %abs3A_1079 = math.absf %sub3A_1078 : vector<16xf32>
        %add3A_1080 = arith.addf %scan3A_1041, %abs3A_1079 : vector<16xf32>
        %gather3A_1081 = arith.constant 0 : i32
        %gather3A_1082 = arith.constant 0 : i32
        %gather3A_1083 = tpu.memref_slice %arg13[%scan3A_152, %gather3A_1081, %gather3A_1082] : memref<8x128x64xf32, #tpu.memory_space<vmem>> -> memref<1x128x64xf32, #tpu.memory_space<vmem>>
        %gather3A_1084 = tpu.memref_squeeze %gather3A_1083 : memref<1x128x64xf32, #tpu.memory_space<vmem>> -> memref<128x64xf32, #tpu.memory_space<vmem>>
        %gather3A_1085 = tpu.vector_load_idx %gather3A_1084[%add3A_17, %and3A_1049] : memref<128x64xf32, #tpu.memory_space<vmem>>[vector<16xi32>, vector<16xi32>], vector<16xf32>,
        %sub3A_1086 = arith.subf %gather3A, %gather3A_1085 : vector<16xf32>
        %abs3A_1087 = math.absf %sub3A_1086 : vector<16xf32>
        %add3A_1088 = arith.addf %scan3A_1042, %abs3A_1087 : vector<16xf32>
        %gather3A_1089 = arith.constant 0 : i32
        %gather3A_1090 = arith.constant 0 : i32
        %gather3A_1091 = tpu.memref_slice %arg13[%scan3A_152, %gather3A_1089, %gather3A_1090] : memref<8x128x64xf32, #tpu.memory_space<vmem>> -> memref<1x128x64xf32, #tpu.memory_space<vmem>>
        %gather3A_1092 = tpu.memref_squeeze %gather3A_1091 : memref<1x128x64xf32, #tpu.memory_space<vmem>> -> memref<128x64xf32, #tpu.memory_space<vmem>>
        %gather3A_1093 = tpu.vector_load_idx %gather3A_1092[%add3A_20, %and3A_1049] : memref<128x64xf32, #tpu.memory_space<vmem>>[vector<16xi32>, vector<16xi32>], vector<16xf32>,
        %sub3A_1094 = arith.subf %gather3A, %gather3A_1093 : vector<16xf32>
        %abs3A_1095 = math.absf %sub3A_1094 : vector<16xf32>
        %add3A_1096 = arith.addf %scan3A_1043, %abs3A_1095 : vector<16xf32>
        %gather3A_1097 = arith.constant 0 : i32
        %gather3A_1098 = arith.constant 0 : i32
        %gather3A_1099 = tpu.memref_slice %arg13[%scan3A_152, %gather3A_1097, %gather3A_1098] : memref<8x128x64xf32, #tpu.memory_space<vmem>> -> memref<1x128x64xf32, #tpu.memory_space<vmem>>
        %gather3A_1100 = tpu.memref_squeeze %gather3A_1099 : memref<1x128x64xf32, #tpu.memory_space<vmem>> -> memref<128x64xf32, #tpu.memory_space<vmem>>
        %gather3A_1101 = tpu.vector_load_idx %gather3A_1100[%add3A_23, %and3A_1049] : memref<128x64xf32, #tpu.memory_space<vmem>>[vector<16xi32>, vector<16xi32>], vector<16xf32>,
        %sub3A_1102 = arith.subf %gather3A, %gather3A_1101 : vector<16xf32>
        %abs3A_1103 = math.absf %sub3A_1102 : vector<16xf32>
        %add3A_1104 = arith.addf %scan3A_1044, %abs3A_1103 : vector<16xf32>
        %gather3A_1105 = arith.constant 0 : i32
        %gather3A_1106 = arith.constant 0 : i32
        %gather3A_1107 = tpu.memref_slice %arg13[%scan3A_152, %gather3A_1105, %gather3A_1106] : memref<8x128x64xf32, #tpu.memory_space<vmem>> -> memref<1x128x64xf32, #tpu.memory_space<vmem>>
        %gather3A_1108 = tpu.memref_squeeze %gather3A_1107 : memref<1x128x64xf32, #tpu.memory_space<vmem>> -> memref<128x64xf32, #tpu.memory_space<vmem>>
        %gather3A_1109 = tpu.vector_load_idx %gather3A_1108[%add3A_26, %and3A_1049] : memref<128x64xf32, #tpu.memory_space<vmem>>[vector<16xi32>, vector<16xi32>], vector<16xf32>,
        %sub3A_1110 = arith.subf %gather3A, %gather3A_1109 : vector<16xf32>
        %abs3A_1111 = math.absf %sub3A_1110 : vector<16xf32>
        %add3A_1112 = arith.addf %scan3A_1045, %abs3A_1111 : vector<16xf32>
        %scan3A_1113 = arith.constant 1 : i32
        %scan3A_1114 = arith.addi %scan3A_1037, %scan3A_1113 : i32
        %add3A_1115 = vector.broadcast %scan3A_1114 : i32 to vector<16xi32>
        %add3A_1116 = arith.addi %iota3A, %add3A_1115 : vector<16xi32>
        %and3A_1117 = arith.constant 63 : i32
        %and3A_1118 = vector.broadcast %and3A_1117 : i32 to vector<16xi32>
        %and3A_1119 = arith.andi %add3A_1116, %and3A_1118 : vector<16xi32>
        %gather3A_1120 = tpu.vector_load_idx %arg11[%broadcast_in_dim3A_669, %and3A_1119] : memref<128x64xf32, #tpu.memory_space<vmem>>[vector<16xi32>, vector<16xi32>], vector<16xf32>,
        %gather3A_1121 = arith.constant 0 : i32
        %gather3A_1122 = arith.constant 0 : i32
        %gather3A_1123 = tpu.memref_slice %arg13[%scan3A_152, %gather3A_1121, %gather3A_1122] : memref<8x128x64xf32, #tpu.memory_space<vmem>> -> memref<1x128x64xf32, #tpu.memory_space<vmem>>
        %gather3A_1124 = tpu.memref_squeeze %gather3A_1123 : memref<1x128x64xf32, #tpu.memory_space<vmem>> -> memref<128x64xf32, #tpu.memory_space<vmem>>
        %gather3A_1125 = tpu.vector_load_idx %gather3A_1124[%add3A_5, %and3A_1119] : memref<128x64xf32, #tpu.memory_space<vmem>>[vector<16xi32>, vector<16xi32>], vector<16xf32>,
        %sub3A_1126 = arith.subf %gather3A_1120, %gather3A_1125 : vector<16xf32>
        %abs3A_1127 = math.absf %sub3A_1126 : vector<16xf32>
        %add3A_1128 = arith.addf %add3A_1056, %abs3A_1127 : vector<16xf32>
        %gather3A_1129 = arith.constant 0 : i32
        %gather3A_1130 = arith.constant 0 : i32
        %gather3A_1131 = tpu.memref_slice %arg13[%scan3A_152, %gather3A_1129, %gather3A_1130] : memref<8x128x64xf32, #tpu.memory_space<vmem>> -> memref<1x128x64xf32, #tpu.memory_space<vmem>>
        %gather3A_1132 = tpu.memref_squeeze %gather3A_1131 : memref<1x128x64xf32, #tpu.memory_space<vmem>> -> memref<128x64xf32, #tpu.memory_space<vmem>>
        %gather3A_1133 = tpu.vector_load_idx %gather3A_1132[%add3A_8, %and3A_1119] : memref<128x64xf32, #tpu.memory_space<vmem>>[vector<16xi32>, vector<16xi32>], vector<16xf32>,
        %sub3A_1134 = arith.subf %gather3A_1120, %gather3A_1133 : vector<16xf32>
        %abs3A_1135 = math.absf %sub3A_1134 : vector<16xf32>
        %add3A_1136 = arith.addf %add3A_1064, %abs3A_1135 : vector<16xf32>
        %gather3A_1137 = arith.constant 0 : i32
        %gather3A_1138 = arith.constant 0 : i32
        %gather3A_1139 = tpu.memref_slice %arg13[%scan3A_152, %gather3A_1137, %gather3A_1138] : memref<8x128x64xf32, #tpu.memory_space<vmem>> -> memref<1x128x64xf32, #tpu.memory_space<vmem>>
        %gather3A_1140 = tpu.memref_squeeze %gather3A_1139 : memref<1x128x64xf32, #tpu.memory_space<vmem>> -> memref<128x64xf32, #tpu.memory_space<vmem>>
        %gather3A_1141 = tpu.vector_load_idx %gather3A_1140[%add3A_11, %and3A_1119] : memref<128x64xf32, #tpu.memory_space<vmem>>[vector<16xi32>, vector<16xi32>], vector<16xf32>,
        %sub3A_1142 = arith.subf %gather3A_1120, %gather3A_1141 : vector<16xf32>
        %abs3A_1143 = math.absf %sub3A_1142 : vector<16xf32>
        %add3A_1144 = arith.addf %add3A_1072, %abs3A_1143 : vector<16xf32>
        %gather3A_1145 = arith.constant 0 : i32
        %gather3A_1146 = arith.constant 0 : i32
        %gather3A_1147 = tpu.memref_slice %arg13[%scan3A_152, %gather3A_1145, %gather3A_1146] : memref<8x128x64xf32, #tpu.memory_space<vmem>> -> memref<1x128x64xf32, #tpu.memory_space<vmem>>
        %gather3A_1148 = tpu.memref_squeeze %gather3A_1147 : memref<1x128x64xf32, #tpu.memory_space<vmem>> -> memref<128x64xf32, #tpu.memory_space<vmem>>
        %gather3A_1149 = tpu.vector_load_idx %gather3A_1148[%add3A_14, %and3A_1119] : memref<128x64xf32, #tpu.memory_space<vmem>>[vector<16xi32>, vector<16xi32>], vector<16xf32>,
        %sub3A_1150 = arith.subf %gather3A_1120, %gather3A_1149 : vector<16xf32>
        %abs3A_1151 = math.absf %sub3A_1150 : vector<16xf32>
        %add3A_1152 = arith.addf %add3A_1080, %abs3A_1151 : vector<16xf32>
        %gather3A_1153 = arith.constant 0 : i32
        %gather3A_1154 = arith.constant 0 : i32
        %gather3A_1155 = tpu.memref_slice %arg13[%scan3A_152, %gather3A_1153, %gather3A_1154] : memref<8x128x64xf32, #tpu.memory_space<vmem>> -> memref<1x128x64xf32, #tpu.memory_space<vmem>>
        %gather3A_1156 = tpu.memref_squeeze %gather3A_1155 : memref<1x128x64xf32, #tpu.memory_space<vmem>> -> memref<128x64xf32, #tpu.memory_space<vmem>>
        %gather3A_1157 = tpu.vector_load_idx %gather3A_1156[%add3A_17, %and3A_1119] : memref<128x64xf32, #tpu.memory_space<vmem>>[vector<16xi32>, vector<16xi32>], vector<16xf32>,
        %sub3A_1158 = arith.subf %gather3A_1120, %gather3A_1157 : vector<16xf32>
        %abs3A_1159 = math.absf %sub3A_1158 : vector<16xf32>
        %add3A_1160 = arith.addf %add3A_1088, %abs3A_1159 : vector<16xf32>
        %gather3A_1161 = arith.constant 0 : i32
        %gather3A_1162 = arith.constant 0 : i32
        %gather3A_1163 = tpu.memref_slice %arg13[%scan3A_152, %gather3A_1161, %gather3A_1162] : memref<8x128x64xf32, #tpu.memory_space<vmem>> -> memref<1x128x64xf32, #tpu.memory_space<vmem>>
        %gather3A_1164 = tpu.memref_squeeze %gather3A_1163 : memref<1x128x64xf32, #tpu.memory_space<vmem>> -> memref<128x64xf32, #tpu.memory_space<vmem>>
        %gather3A_1165 = tpu.vector_load_idx %gather3A_1164[%add3A_20, %and3A_1119] : memref<128x64xf32, #tpu.memory_space<vmem>>[vector<16xi32>, vector<16xi32>], vector<16xf32>,
        %sub3A_1166 = arith.subf %gather3A_1120, %gather3A_1165 : vector<16xf32>
        %abs3A_1167 = math.absf %sub3A_1166 : vector<16xf32>
        %add3A_1168 = arith.addf %add3A_1096, %abs3A_1167 : vector<16xf32>
        %gather3A_1169 = arith.constant 0 : i32
        %gather3A_1170 = arith.constant 0 : i32
        %gather3A_1171 = tpu.memref_slice %arg13[%scan3A_152, %gather3A_1169, %gather3A_1170] : memref<8x128x64xf32, #tpu.memory_space<vmem>> -> memref<1x128x64xf32, #tpu.memory_space<vmem>>
        %gather3A_1172 = tpu.memref_squeeze %gather3A_1171 : memref<1x128x64xf32, #tpu.memory_space<vmem>> -> memref<128x64xf32, #tpu.memory_space<vmem>>
        %gather3A_1173 = tpu.vector_load_idx %gather3A_1172[%add3A_23, %and3A_1119] : memref<128x64xf32, #tpu.memory_space<vmem>>[vector<16xi32>, vector<16xi32>], vector<16xf32>,
        %sub3A_1174 = arith.subf %gather3A_1120, %gather3A_1173 : vector<16xf32>
        %abs3A_1175 = math.absf %sub3A_1174 : vector<16xf32>
        %add3A_1176 = arith.addf %add3A_1104, %abs3A_1175 : vector<16xf32>
        %gather3A_1177 = arith.constant 0 : i32
        %gather3A_1178 = arith.constant 0 : i32
        %gather3A_1179 = tpu.memref_slice %arg13[%scan3A_152, %gather3A_1177, %gather3A_1178] : memref<8x128x64xf32, #tpu.memory_space<vmem>> -> memref<1x128x64xf32, #tpu.memory_space<vmem>>
        %gather3A_1180 = tpu.memref_squeeze %gather3A_1179 : memref<1x128x64xf32, #tpu.memory_space<vmem>> -> memref<128x64xf32, #tpu.memory_space<vmem>>
        %gather3A_1181 = tpu.vector_load_idx %gather3A_1180[%add3A_26, %and3A_1119] : memref<128x64xf32, #tpu.memory_space<vmem>>[vector<16xi32>, vector<16xi32>], vector<16xf32>,
        %sub3A_1182 = arith.subf %gather3A_1120, %gather3A_1181 : vector<16xf32>
        %abs3A_1183 = math.absf %sub3A_1182 : vector<16xf32>
        %add3A_1184 = arith.addf %add3A_1112, %abs3A_1183 : vector<16xf32>
        scf.yield %add3A_1128, %add3A_1136, %add3A_1144, %add3A_1152, %add3A_1160, %add3A_1168, %add3A_1176, %add3A_1184 : vector<16xf32>, vector<16xf32>, vector<16xf32>, vector<16xf32>, vector<16xf32>, vector<16xf32>, vector<16xf32>, vector<16xf32>
      }
      %scan3A_691 = arith.constant 64 : i32
      %sub3A_692 = arith.constant 1.200000e+01 : f32
      %sub3A_693 = vector.broadcast %sub3A_692 : f32 to vector<16xf32>
      %sub3A_694 = arith.subf %sub3A_693, %scan3A_690#0 : vector<16xf32>
      %swap3A_695 = arith.index_cast %add3A_642 : i32 to index
      %swap3A_696 = arith.constant 0 : index
      %swap3A_697 = tpu.vector_load %arg12[%swap3A_695, %swap3A_696] {strides = array<i32>} : memref<128x128xf32, #tpu.memory_space<vmem>>, vector<16xf32>,
      tpu.vector_store %arg12[%swap3A_695, %swap3A_696], %sub3A_694 {strides = array<i32>} : memref<128x128xf32, #tpu.memory_space<vmem>>, vector<16xf32>,
      %sub3A_698 = arith.constant 1.200000e+01 : f32
      %sub3A_699 = vector.broadcast %sub3A_698 : f32 to vector<16xf32>
      %sub3A_700 = arith.subf %sub3A_699, %scan3A_690#1 : vector<16xf32>
      %swap3A_701 = arith.index_cast %add3A_642 : i32 to index
      %swap3A_702 = arith.constant 16 : index
      %swap3A_703 = tpu.vector_load %arg12[%swap3A_701, %swap3A_702] {strides = array<i32>} : memref<128x128xf32, #tpu.memory_space<vmem>>, vector<16xf32>,
      tpu.vector_store %arg12[%swap3A_701, %swap3A_702], %sub3A_700 {strides = array<i32>} : memref<128x128xf32, #tpu.memory_space<vmem>>, vector<16xf32>,
      %sub3A_704 = arith.constant 1.200000e+01 : f32
      %sub3A_705 = vector.broadcast %sub3A_704 : f32 to vector<16xf32>
      %sub3A_706 = arith.subf %sub3A_705, %scan3A_690#2 : vector<16xf32>
      %swap3A_707 = arith.index_cast %add3A_642 : i32 to index
      %swap3A_708 = arith.constant 32 : index
      %swap3A_709 = tpu.vector_load %arg12[%swap3A_707, %swap3A_708] {strides = array<i32>} : memref<128x128xf32, #tpu.memory_space<vmem>>, vector<16xf32>,
      tpu.vector_store %arg12[%swap3A_707, %swap3A_708], %sub3A_706 {strides = array<i32>} : memref<128x128xf32, #tpu.memory_space<vmem>>, vector<16xf32>,
      %sub3A_710 = arith.constant 1.200000e+01 : f32
      %sub3A_711 = vector.broadcast %sub3A_710 : f32 to vector<16xf32>
      %sub3A_712 = arith.subf %sub3A_711, %scan3A_690#3 : vector<16xf32>
      %swap3A_713 = arith.index_cast %add3A_642 : i32 to index
      %swap3A_714 = arith.constant 48 : index
      %swap3A_715 = tpu.vector_load %arg12[%swap3A_713, %swap3A_714] {strides = array<i32>} : memref<128x128xf32, #tpu.memory_space<vmem>>, vector<16xf32>,
      tpu.vector_store %arg12[%swap3A_713, %swap3A_714], %sub3A_712 {strides = array<i32>} : memref<128x128xf32, #tpu.memory_space<vmem>>, vector<16xf32>,
      %sub3A_716 = arith.constant 1.200000e+01 : f32
      %sub3A_717 = vector.broadcast %sub3A_716 : f32 to vector<16xf32>
      %sub3A_718 = arith.subf %sub3A_717, %scan3A_690#4 : vector<16xf32>
      %swap3A_719 = arith.index_cast %add3A_642 : i32 to index
      %swap3A_720 = arith.constant 64 : index
      %swap3A_721 = tpu.vector_load %arg12[%swap3A_719, %swap3A_720] {strides = array<i32>} : memref<128x128xf32, #tpu.memory_space<vmem>>, vector<16xf32>,
      tpu.vector_store %arg12[%swap3A_719, %swap3A_720], %sub3A_718 {strides = array<i32>} : memref<128x128xf32, #tpu.memory_space<vmem>>, vector<16xf32>,
      %sub3A_722 = arith.constant 1.200000e+01 : f32
      %sub3A_723 = vector.broadcast %sub3A_722 : f32 to vector<16xf32>
      %sub3A_724 = arith.subf %sub3A_723, %scan3A_690#5 : vector<16xf32>
      %swap3A_725 = arith.index_cast %add3A_642 : i32 to index
      %swap3A_726 = arith.constant 80 : index
      %swap3A_727 = tpu.vector_load %arg12[%swap3A_725, %swap3A_726] {strides = array<i32>} : memref<128x128xf32, #tpu.memory_space<vmem>>, vector<16xf32>,
      tpu.vector_store %arg12[%swap3A_725, %swap3A_726], %sub3A_724 {strides = array<i32>} : memref<128x128xf32, #tpu.memory_space<vmem>>, vector<16xf32>,
      %sub3A_728 = arith.constant 1.200000e+01 : f32
      %sub3A_729 = vector.broadcast %sub3A_728 : f32 to vector<16xf32>
      %sub3A_730 = arith.subf %sub3A_729, %scan3A_690#6 : vector<16xf32>
      %swap3A_731 = arith.index_cast %add3A_642 : i32 to index
      %swap3A_732 = arith.constant 96 : index
      %swap3A_733 = tpu.vector_load %arg12[%swap3A_731, %swap3A_732] {strides = array<i32>} : memref<128x128xf32, #tpu.memory_space<vmem>>, vector<16xf32>,
      tpu.vector_store %arg12[%swap3A_731, %swap3A_732], %sub3A_730 {strides = array<i32>} : memref<128x128xf32, #tpu.memory_space<vmem>>, vector<16xf32>,
      %sub3A_734 = arith.constant 1.200000e+01 : f32
      %sub3A_735 = vector.broadcast %sub3A_734 : f32 to vector<16xf32>
      %sub3A_736 = arith.subf %sub3A_735, %scan3A_690#7 : vector<16xf32>
      %swap3A_737 = arith.index_cast %add3A_642 : i32 to index
      %swap3A_738 = arith.constant 112 : index
      %swap3A_739 = tpu.vector_load %arg12[%swap3A_737, %swap3A_738] {strides = array<i32>} : memref<128x128xf32, #tpu.memory_space<vmem>>, vector<16xf32>,
      tpu.vector_store %arg12[%swap3A_737, %swap3A_738], %sub3A_736 {strides = array<i32>} : memref<128x128xf32, #tpu.memory_space<vmem>>, vector<16xf32>,
      %add3A_740 = arith.constant 5 : i32
      %add3A_741 = arith.addi %add3A_248, %add3A_740 : i32
      %add3A_742 = arith.constant 8 : i32
      %add3A_743 = arith.addi %add3A_741, %add3A_742 : i32
      %sub3A_744 = arith.constant 1 : i32
      %sub3A_745 = arith.subi %add3A_743, %sub3A_744 : i32
      %min3A_746 = arith.constant 127 : i32
      %min3A_747 = arith.minsi %sub3A_745, %min3A_746 : i32
      %dma_start3A_748 = arith.constant 0 : i32
      %dma_start3A_749 = arith.constant 0 : i32
      %dma_start3A_750 = tpu.memref_slice %arg13[%scan3A_152, %dma_start3A_748, %dma_start3A_749] : memref<8x128x64xf32, #tpu.memory_space<vmem>> -> memref<1x128x64xf32, #tpu.memory_space<vmem>>
      %dma_start3A_751 = tpu.memref_squeeze %dma_start3A_750 : memref<1x128x64xf32, #tpu.memory_space<vmem>> -> memref<128x64xf32, #tpu.memory_space<vmem>>
      %dma_start3A_752 = arith.constant 0 : i32
      %dma_start3A_753 = tpu.memref_slice %arg10[%min3A_747, %dma_start3A_752] : memref<128x128xi32, #tpu.memory_space<vmem>> -> memref<1x128xi32, #tpu.memory_space<vmem>>
      %dma_start3A_754 = tpu.memref_squeeze %dma_start3A_753 : memref<1x128xi32, #tpu.memory_space<vmem>> -> memref<128xi32, #tpu.memory_space<vmem>>
      %dma_start3A_755 = arith.constant 0 : i32
      %dma_start3A_756 = arith.constant 0 : i32
      %dma_start3A_757 = tpu.memref_slice %arg5[%dma_start3A_755, %dma_start3A_756] : memref<1015808x64xf32, #tpu.memory_space<hbm>> -> memref<1015808x64xf32, #tpu.memory_space<hbm>>
      tpu.enqueue_indirect_dma source(%dma_start3A_757 : memref<1015808x64xf32, #tpu.memory_space<hbm>>) target(%dma_start3A_751 : memref<128x64xf32, #tpu.memory_space<vmem>>) offsets(%dma_start3A_754 : memref<128xi32, #tpu.memory_space<vmem>>) semaphore(%arg19 : memref<!tpu.dma_semaphore, #tpu.memory_space<semaphore_mem>>)
      %dma_wait3A_758 = arith.constant 0 : i32
      %dma_wait3A_759 = arith.constant 0 : i32
      %dma_wait3A_760 = tpu.memref_slice %arg13[%scan3A_153, %dma_wait3A_758, %dma_wait3A_759] : memref<8x128x64xf32, #tpu.memory_space<vmem>> -> memref<1x128x64xf32, #tpu.memory_space<vmem>>
      %dma_wait3A_761 = tpu.memref_squeeze %dma_wait3A_760 : memref<1x128x64xf32, #tpu.memory_space<vmem>> -> memref<128x64xf32, #tpu.memory_space<vmem>>
      %dma_wait3A_762 = arith.constant 0 : i32
      %dma_wait3A_763 = tpu.memref_slice %arg10[%add3A_741, %dma_wait3A_762] : memref<128x128xi32, #tpu.memory_space<vmem>> -> memref<1x128xi32, #tpu.memory_space<vmem>>
      %dma_wait3A_764 = tpu.memref_squeeze %dma_wait3A_763 : memref<1x128xi32, #tpu.memory_space<vmem>> -> memref<128xi32, #tpu.memory_space<vmem>>
      %dma_wait3A_765 = arith.constant 0 : i32
      %dma_wait3A_766 = arith.constant 0 : i32
      %dma_wait3A_767 = tpu.memref_slice %arg5[%dma_wait3A_765, %dma_wait3A_766] : memref<1015808x64xf32, #tpu.memory_space<hbm>> -> memref<1015808x64xf32, #tpu.memory_space<hbm>>
      tpu.wait_indirect_dma semaphore(%arg20 : memref<!tpu.dma_semaphore, #tpu.memory_space<semaphore_mem>>) src(%dma_wait3A_767 : memref<1015808x64xf32, #tpu.memory_space<hbm>>) dst(%dma_wait3A_761 : memref<128x64xf32, #tpu.memory_space<vmem>>)
      %broadcast_in_dim3A_768 = vector.broadcast %add3A_741 : i32 to vector<16xi32>
      %broadcast_in_dim3A_769 = arith.constant 0.000000e+00 : f32
      %broadcast_in_dim3A_770 = vector.broadcast %broadcast_in_dim3A_769 : f32 to vector<16xf32>
      %broadcast_in_dim3A_771 = arith.constant 0.000000e+00 : f32
      %broadcast_in_dim3A_772 = vector.broadcast %broadcast_in_dim3A_771 : f32 to vector<16xf32>
      %broadcast_in_dim3A_773 = arith.constant 0.000000e+00 : f32
      %broadcast_in_dim3A_774 = vector.broadcast %broadcast_in_dim3A_773 : f32 to vector<16xf32>
      %broadcast_in_dim3A_775 = arith.constant 0.000000e+00 : f32
      %broadcast_in_dim3A_776 = vector.broadcast %broadcast_in_dim3A_775 : f32 to vector<16xf32>
      %broadcast_in_dim3A_777 = arith.constant 0.000000e+00 : f32
      %broadcast_in_dim3A_778 = vector.broadcast %broadcast_in_dim3A_777 : f32 to vector<16xf32>
      %broadcast_in_dim3A_779 = arith.constant 0.000000e+00 : f32
      %broadcast_in_dim3A_780 = vector.broadcast %broadcast_in_dim3A_779 : f32 to vector<16xf32>
      %broadcast_in_dim3A_781 = arith.constant 0.000000e+00 : f32
      %broadcast_in_dim3A_782 = vector.broadcast %broadcast_in_dim3A_781 : f32 to vector<16xf32>
      %broadcast_in_dim3A_783 = arith.constant 0.000000e+00 : f32
      %broadcast_in_dim3A_784 = vector.broadcast %broadcast_in_dim3A_783 : f32 to vector<16xf32>
      %scan3A_785 = arith.constant 0 : i32
      %scan3A_786 = arith.constant 64 : i32
      %scan3A_787 = arith.addi %scan3A_785, %scan3A_786 : i32
      %scan3A_788 = arith.constant 2 : i32
      %scan3A_789:8 = scf.for %scan3A_1037 = %scan3A_785 to %scan3A_787 step %scan3A_788 iter_args(%scan3A_1038 = %broadcast_in_dim3A_770, %scan3A_1039 = %broadcast_in_dim3A_772, %scan3A_1040 = %broadcast_in_dim3A_774, %scan3A_1041 = %broadcast_in_dim3A_776, %scan3A_1042 = %broadcast_in_dim3A_778, %scan3A_1043 = %broadcast_in_dim3A_780, %scan3A_1044 = %broadcast_in_dim3A_782, %scan3A_1045 = %broadcast_in_dim3A_784) -> (vector<16xf32>, vector<16xf32>, vector<16xf32>, vector<16xf32>, vector<16xf32>, vector<16xf32>, vector<16xf32>, vector<16xf32>)  : i32 {
        %add3A_1046 = vector.broadcast %scan3A_1037 : i32 to vector<16xi32>
        %add3A_1047 = arith.addi %iota3A, %add3A_1046 : vector<16xi32>
        %and3A = arith.constant 63 : i32
        %and3A_1048 = vector.broadcast %and3A : i32 to vector<16xi32>
        %and3A_1049 = arith.andi %add3A_1047, %and3A_1048 : vector<16xi32>
        %gather3A = tpu.vector_load_idx %arg11[%broadcast_in_dim3A_768, %and3A_1049] : memref<128x64xf32, #tpu.memory_space<vmem>>[vector<16xi32>, vector<16xi32>], vector<16xf32>,
        %gather3A_1050 = arith.constant 0 : i32
        %gather3A_1051 = arith.constant 0 : i32
        %gather3A_1052 = tpu.memref_slice %arg13[%scan3A_153, %gather3A_1050, %gather3A_1051] : memref<8x128x64xf32, #tpu.memory_space<vmem>> -> memref<1x128x64xf32, #tpu.memory_space<vmem>>
        %gather3A_1053 = tpu.memref_squeeze %gather3A_1052 : memref<1x128x64xf32, #tpu.memory_space<vmem>> -> memref<128x64xf32, #tpu.memory_space<vmem>>
        %gather3A_1054 = tpu.vector_load_idx %gather3A_1053[%add3A_5, %and3A_1049] : memref<128x64xf32, #tpu.memory_space<vmem>>[vector<16xi32>, vector<16xi32>], vector<16xf32>,
        %sub3A_1055 = arith.subf %gather3A, %gather3A_1054 : vector<16xf32>
        %abs3A = math.absf %sub3A_1055 : vector<16xf32>
        %add3A_1056 = arith.addf %scan3A_1038, %abs3A : vector<16xf32>
        %gather3A_1057 = arith.constant 0 : i32
        %gather3A_1058 = arith.constant 0 : i32
        %gather3A_1059 = tpu.memref_slice %arg13[%scan3A_153, %gather3A_1057, %gather3A_1058] : memref<8x128x64xf32, #tpu.memory_space<vmem>> -> memref<1x128x64xf32, #tpu.memory_space<vmem>>
        %gather3A_1060 = tpu.memref_squeeze %gather3A_1059 : memref<1x128x64xf32, #tpu.memory_space<vmem>> -> memref<128x64xf32, #tpu.memory_space<vmem>>
        %gather3A_1061 = tpu.vector_load_idx %gather3A_1060[%add3A_8, %and3A_1049] : memref<128x64xf32, #tpu.memory_space<vmem>>[vector<16xi32>, vector<16xi32>], vector<16xf32>,
        %sub3A_1062 = arith.subf %gather3A, %gather3A_1061 : vector<16xf32>
        %abs3A_1063 = math.absf %sub3A_1062 : vector<16xf32>
        %add3A_1064 = arith.addf %scan3A_1039, %abs3A_1063 : vector<16xf32>
        %gather3A_1065 = arith.constant 0 : i32
        %gather3A_1066 = arith.constant 0 : i32
        %gather3A_1067 = tpu.memref_slice %arg13[%scan3A_153, %gather3A_1065, %gather3A_1066] : memref<8x128x64xf32, #tpu.memory_space<vmem>> -> memref<1x128x64xf32, #tpu.memory_space<vmem>>
        %gather3A_1068 = tpu.memref_squeeze %gather3A_1067 : memref<1x128x64xf32, #tpu.memory_space<vmem>> -> memref<128x64xf32, #tpu.memory_space<vmem>>
        %gather3A_1069 = tpu.vector_load_idx %gather3A_1068[%add3A_11, %and3A_1049] : memref<128x64xf32, #tpu.memory_space<vmem>>[vector<16xi32>, vector<16xi32>], vector<16xf32>,
        %sub3A_1070 = arith.subf %gather3A, %gather3A_1069 : vector<16xf32>
        %abs3A_1071 = math.absf %sub3A_1070 : vector<16xf32>
        %add3A_1072 = arith.addf %scan3A_1040, %abs3A_1071 : vector<16xf32>
        %gather3A_1073 = arith.constant 0 : i32
        %gather3A_1074 = arith.constant 0 : i32
        %gather3A_1075 = tpu.memref_slice %arg13[%scan3A_153, %gather3A_1073, %gather3A_1074] : memref<8x128x64xf32, #tpu.memory_space<vmem>> -> memref<1x128x64xf32, #tpu.memory_space<vmem>>
        %gather3A_1076 = tpu.memref_squeeze %gather3A_1075 : memref<1x128x64xf32, #tpu.memory_space<vmem>> -> memref<128x64xf32, #tpu.memory_space<vmem>>
        %gather3A_1077 = tpu.vector_load_idx %gather3A_1076[%add3A_14, %and3A_1049] : memref<128x64xf32, #tpu.memory_space<vmem>>[vector<16xi32>, vector<16xi32>], vector<16xf32>,
        %sub3A_1078 = arith.subf %gather3A, %gather3A_1077 : vector<16xf32>
        %abs3A_1079 = math.absf %sub3A_1078 : vector<16xf32>
        %add3A_1080 = arith.addf %scan3A_1041, %abs3A_1079 : vector<16xf32>
        %gather3A_1081 = arith.constant 0 : i32
        %gather3A_1082 = arith.constant 0 : i32
        %gather3A_1083 = tpu.memref_slice %arg13[%scan3A_153, %gather3A_1081, %gather3A_1082] : memref<8x128x64xf32, #tpu.memory_space<vmem>> -> memref<1x128x64xf32, #tpu.memory_space<vmem>>
        %gather3A_1084 = tpu.memref_squeeze %gather3A_1083 : memref<1x128x64xf32, #tpu.memory_space<vmem>> -> memref<128x64xf32, #tpu.memory_space<vmem>>
        %gather3A_1085 = tpu.vector_load_idx %gather3A_1084[%add3A_17, %and3A_1049] : memref<128x64xf32, #tpu.memory_space<vmem>>[vector<16xi32>, vector<16xi32>], vector<16xf32>,
        %sub3A_1086 = arith.subf %gather3A, %gather3A_1085 : vector<16xf32>
        %abs3A_1087 = math.absf %sub3A_1086 : vector<16xf32>
        %add3A_1088 = arith.addf %scan3A_1042, %abs3A_1087 : vector<16xf32>
        %gather3A_1089 = arith.constant 0 : i32
        %gather3A_1090 = arith.constant 0 : i32
        %gather3A_1091 = tpu.memref_slice %arg13[%scan3A_153, %gather3A_1089, %gather3A_1090] : memref<8x128x64xf32, #tpu.memory_space<vmem>> -> memref<1x128x64xf32, #tpu.memory_space<vmem>>
        %gather3A_1092 = tpu.memref_squeeze %gather3A_1091 : memref<1x128x64xf32, #tpu.memory_space<vmem>> -> memref<128x64xf32, #tpu.memory_space<vmem>>
        %gather3A_1093 = tpu.vector_load_idx %gather3A_1092[%add3A_20, %and3A_1049] : memref<128x64xf32, #tpu.memory_space<vmem>>[vector<16xi32>, vector<16xi32>], vector<16xf32>,
        %sub3A_1094 = arith.subf %gather3A, %gather3A_1093 : vector<16xf32>
        %abs3A_1095 = math.absf %sub3A_1094 : vector<16xf32>
        %add3A_1096 = arith.addf %scan3A_1043, %abs3A_1095 : vector<16xf32>
        %gather3A_1097 = arith.constant 0 : i32
        %gather3A_1098 = arith.constant 0 : i32
        %gather3A_1099 = tpu.memref_slice %arg13[%scan3A_153, %gather3A_1097, %gather3A_1098] : memref<8x128x64xf32, #tpu.memory_space<vmem>> -> memref<1x128x64xf32, #tpu.memory_space<vmem>>
        %gather3A_1100 = tpu.memref_squeeze %gather3A_1099 : memref<1x128x64xf32, #tpu.memory_space<vmem>> -> memref<128x64xf32, #tpu.memory_space<vmem>>
        %gather3A_1101 = tpu.vector_load_idx %gather3A_1100[%add3A_23, %and3A_1049] : memref<128x64xf32, #tpu.memory_space<vmem>>[vector<16xi32>, vector<16xi32>], vector<16xf32>,
        %sub3A_1102 = arith.subf %gather3A, %gather3A_1101 : vector<16xf32>
        %abs3A_1103 = math.absf %sub3A_1102 : vector<16xf32>
        %add3A_1104 = arith.addf %scan3A_1044, %abs3A_1103 : vector<16xf32>
        %gather3A_1105 = arith.constant 0 : i32
        %gather3A_1106 = arith.constant 0 : i32
        %gather3A_1107 = tpu.memref_slice %arg13[%scan3A_153, %gather3A_1105, %gather3A_1106] : memref<8x128x64xf32, #tpu.memory_space<vmem>> -> memref<1x128x64xf32, #tpu.memory_space<vmem>>
        %gather3A_1108 = tpu.memref_squeeze %gather3A_1107 : memref<1x128x64xf32, #tpu.memory_space<vmem>> -> memref<128x64xf32, #tpu.memory_space<vmem>>
        %gather3A_1109 = tpu.vector_load_idx %gather3A_1108[%add3A_26, %and3A_1049] : memref<128x64xf32, #tpu.memory_space<vmem>>[vector<16xi32>, vector<16xi32>], vector<16xf32>,
        %sub3A_1110 = arith.subf %gather3A, %gather3A_1109 : vector<16xf32>
        %abs3A_1111 = math.absf %sub3A_1110 : vector<16xf32>
        %add3A_1112 = arith.addf %scan3A_1045, %abs3A_1111 : vector<16xf32>
        %scan3A_1113 = arith.constant 1 : i32
        %scan3A_1114 = arith.addi %scan3A_1037, %scan3A_1113 : i32
        %add3A_1115 = vector.broadcast %scan3A_1114 : i32 to vector<16xi32>
        %add3A_1116 = arith.addi %iota3A, %add3A_1115 : vector<16xi32>
        %and3A_1117 = arith.constant 63 : i32
        %and3A_1118 = vector.broadcast %and3A_1117 : i32 to vector<16xi32>
        %and3A_1119 = arith.andi %add3A_1116, %and3A_1118 : vector<16xi32>
        %gather3A_1120 = tpu.vector_load_idx %arg11[%broadcast_in_dim3A_768, %and3A_1119] : memref<128x64xf32, #tpu.memory_space<vmem>>[vector<16xi32>, vector<16xi32>], vector<16xf32>,
        %gather3A_1121 = arith.constant 0 : i32
        %gather3A_1122 = arith.constant 0 : i32
        %gather3A_1123 = tpu.memref_slice %arg13[%scan3A_153, %gather3A_1121, %gather3A_1122] : memref<8x128x64xf32, #tpu.memory_space<vmem>> -> memref<1x128x64xf32, #tpu.memory_space<vmem>>
        %gather3A_1124 = tpu.memref_squeeze %gather3A_1123 : memref<1x128x64xf32, #tpu.memory_space<vmem>> -> memref<128x64xf32, #tpu.memory_space<vmem>>
        %gather3A_1125 = tpu.vector_load_idx %gather3A_1124[%add3A_5, %and3A_1119] : memref<128x64xf32, #tpu.memory_space<vmem>>[vector<16xi32>, vector<16xi32>], vector<16xf32>,
        %sub3A_1126 = arith.subf %gather3A_1120, %gather3A_1125 : vector<16xf32>
        %abs3A_1127 = math.absf %sub3A_1126 : vector<16xf32>
        %add3A_1128 = arith.addf %add3A_1056, %abs3A_1127 : vector<16xf32>
        %gather3A_1129 = arith.constant 0 : i32
        %gather3A_1130 = arith.constant 0 : i32
        %gather3A_1131 = tpu.memref_slice %arg13[%scan3A_153, %gather3A_1129, %gather3A_1130] : memref<8x128x64xf32, #tpu.memory_space<vmem>> -> memref<1x128x64xf32, #tpu.memory_space<vmem>>
        %gather3A_1132 = tpu.memref_squeeze %gather3A_1131 : memref<1x128x64xf32, #tpu.memory_space<vmem>> -> memref<128x64xf32, #tpu.memory_space<vmem>>
        %gather3A_1133 = tpu.vector_load_idx %gather3A_1132[%add3A_8, %and3A_1119] : memref<128x64xf32, #tpu.memory_space<vmem>>[vector<16xi32>, vector<16xi32>], vector<16xf32>,
        %sub3A_1134 = arith.subf %gather3A_1120, %gather3A_1133 : vector<16xf32>
        %abs3A_1135 = math.absf %sub3A_1134 : vector<16xf32>
        %add3A_1136 = arith.addf %add3A_1064, %abs3A_1135 : vector<16xf32>
        %gather3A_1137 = arith.constant 0 : i32
        %gather3A_1138 = arith.constant 0 : i32
        %gather3A_1139 = tpu.memref_slice %arg13[%scan3A_153, %gather3A_1137, %gather3A_1138] : memref<8x128x64xf32, #tpu.memory_space<vmem>> -> memref<1x128x64xf32, #tpu.memory_space<vmem>>
        %gather3A_1140 = tpu.memref_squeeze %gather3A_1139 : memref<1x128x64xf32, #tpu.memory_space<vmem>> -> memref<128x64xf32, #tpu.memory_space<vmem>>
        %gather3A_1141 = tpu.vector_load_idx %gather3A_1140[%add3A_11, %and3A_1119] : memref<128x64xf32, #tpu.memory_space<vmem>>[vector<16xi32>, vector<16xi32>], vector<16xf32>,
        %sub3A_1142 = arith.subf %gather3A_1120, %gather3A_1141 : vector<16xf32>
        %abs3A_1143 = math.absf %sub3A_1142 : vector<16xf32>
        %add3A_1144 = arith.addf %add3A_1072, %abs3A_1143 : vector<16xf32>
        %gather3A_1145 = arith.constant 0 : i32
        %gather3A_1146 = arith.constant 0 : i32
        %gather3A_1147 = tpu.memref_slice %arg13[%scan3A_153, %gather3A_1145, %gather3A_1146] : memref<8x128x64xf32, #tpu.memory_space<vmem>> -> memref<1x128x64xf32, #tpu.memory_space<vmem>>
        %gather3A_1148 = tpu.memref_squeeze %gather3A_1147 : memref<1x128x64xf32, #tpu.memory_space<vmem>> -> memref<128x64xf32, #tpu.memory_space<vmem>>
        %gather3A_1149 = tpu.vector_load_idx %gather3A_1148[%add3A_14, %and3A_1119] : memref<128x64xf32, #tpu.memory_space<vmem>>[vector<16xi32>, vector<16xi32>], vector<16xf32>,
        %sub3A_1150 = arith.subf %gather3A_1120, %gather3A_1149 : vector<16xf32>
        %abs3A_1151 = math.absf %sub3A_1150 : vector<16xf32>
        %add3A_1152 = arith.addf %add3A_1080, %abs3A_1151 : vector<16xf32>
        %gather3A_1153 = arith.constant 0 : i32
        %gather3A_1154 = arith.constant 0 : i32
        %gather3A_1155 = tpu.memref_slice %arg13[%scan3A_153, %gather3A_1153, %gather3A_1154] : memref<8x128x64xf32, #tpu.memory_space<vmem>> -> memref<1x128x64xf32, #tpu.memory_space<vmem>>
        %gather3A_1156 = tpu.memref_squeeze %gather3A_1155 : memref<1x128x64xf32, #tpu.memory_space<vmem>> -> memref<128x64xf32, #tpu.memory_space<vmem>>
        %gather3A_1157 = tpu.vector_load_idx %gather3A_1156[%add3A_17, %and3A_1119] : memref<128x64xf32, #tpu.memory_space<vmem>>[vector<16xi32>, vector<16xi32>], vector<16xf32>,
        %sub3A_1158 = arith.subf %gather3A_1120, %gather3A_1157 : vector<16xf32>
        %abs3A_1159 = math.absf %sub3A_1158 : vector<16xf32>
        %add3A_1160 = arith.addf %add3A_1088, %abs3A_1159 : vector<16xf32>
        %gather3A_1161 = arith.constant 0 : i32
        %gather3A_1162 = arith.constant 0 : i32
        %gather3A_1163 = tpu.memref_slice %arg13[%scan3A_153, %gather3A_1161, %gather3A_1162] : memref<8x128x64xf32, #tpu.memory_space<vmem>> -> memref<1x128x64xf32, #tpu.memory_space<vmem>>
        %gather3A_1164 = tpu.memref_squeeze %gather3A_1163 : memref<1x128x64xf32, #tpu.memory_space<vmem>> -> memref<128x64xf32, #tpu.memory_space<vmem>>
        %gather3A_1165 = tpu.vector_load_idx %gather3A_1164[%add3A_20, %and3A_1119] : memref<128x64xf32, #tpu.memory_space<vmem>>[vector<16xi32>, vector<16xi32>], vector<16xf32>,
        %sub3A_1166 = arith.subf %gather3A_1120, %gather3A_1165 : vector<16xf32>
        %abs3A_1167 = math.absf %sub3A_1166 : vector<16xf32>
        %add3A_1168 = arith.addf %add3A_1096, %abs3A_1167 : vector<16xf32>
        %gather3A_1169 = arith.constant 0 : i32
        %gather3A_1170 = arith.constant 0 : i32
        %gather3A_1171 = tpu.memref_slice %arg13[%scan3A_153, %gather3A_1169, %gather3A_1170] : memref<8x128x64xf32, #tpu.memory_space<vmem>> -> memref<1x128x64xf32, #tpu.memory_space<vmem>>
        %gather3A_1172 = tpu.memref_squeeze %gather3A_1171 : memref<1x128x64xf32, #tpu.memory_space<vmem>> -> memref<128x64xf32, #tpu.memory_space<vmem>>
        %gather3A_1173 = tpu.vector_load_idx %gather3A_1172[%add3A_23, %and3A_1119] : memref<128x64xf32, #tpu.memory_space<vmem>>[vector<16xi32>, vector<16xi32>], vector<16xf32>,
        %sub3A_1174 = arith.subf %gather3A_1120, %gather3A_1173 : vector<16xf32>
        %abs3A_1175 = math.absf %sub3A_1174 : vector<16xf32>
        %add3A_1176 = arith.addf %add3A_1104, %abs3A_1175 : vector<16xf32>
        %gather3A_1177 = arith.constant 0 : i32
        %gather3A_1178 = arith.constant 0 : i32
        %gather3A_1179 = tpu.memref_slice %arg13[%scan3A_153, %gather3A_1177, %gather3A_1178] : memref<8x128x64xf32, #tpu.memory_space<vmem>> -> memref<1x128x64xf32, #tpu.memory_space<vmem>>
        %gather3A_1180 = tpu.memref_squeeze %gather3A_1179 : memref<1x128x64xf32, #tpu.memory_space<vmem>> -> memref<128x64xf32, #tpu.memory_space<vmem>>
        %gather3A_1181 = tpu.vector_load_idx %gather3A_1180[%add3A_26, %and3A_1119] : memref<128x64xf32, #tpu.memory_space<vmem>>[vector<16xi32>, vector<16xi32>], vector<16xf32>,
        %sub3A_1182 = arith.subf %gather3A_1120, %gather3A_1181 : vector<16xf32>
        %abs3A_1183 = math.absf %sub3A_1182 : vector<16xf32>
        %add3A_1184 = arith.addf %add3A_1112, %abs3A_1183 : vector<16xf32>
        scf.yield %add3A_1128, %add3A_1136, %add3A_1144, %add3A_1152, %add3A_1160, %add3A_1168, %add3A_1176, %add3A_1184 : vector<16xf32>, vector<16xf32>, vector<16xf32>, vector<16xf32>, vector<16xf32>, vector<16xf32>, vector<16xf32>, vector<16xf32>
      }
      %scan3A_790 = arith.constant 64 : i32
      %sub3A_791 = arith.constant 1.200000e+01 : f32
      %sub3A_792 = vector.broadcast %sub3A_791 : f32 to vector<16xf32>
      %sub3A_793 = arith.subf %sub3A_792, %scan3A_789#0 : vector<16xf32>
      %swap3A_794 = arith.index_cast %add3A_741 : i32 to index
      %swap3A_795 = arith.constant 0 : index
      %swap3A_796 = tpu.vector_load %arg12[%swap3A_794, %swap3A_795] {strides = array<i32>} : memref<128x128xf32, #tpu.memory_space<vmem>>, vector<16xf32>,
      tpu.vector_store %arg12[%swap3A_794, %swap3A_795], %sub3A_793 {strides = array<i32>} : memref<128x128xf32, #tpu.memory_space<vmem>>, vector<16xf32>,
      %sub3A_797 = arith.constant 1.200000e+01 : f32
      %sub3A_798 = vector.broadcast %sub3A_797 : f32 to vector<16xf32>
      %sub3A_799 = arith.subf %sub3A_798, %scan3A_789#1 : vector<16xf32>
      %swap3A_800 = arith.index_cast %add3A_741 : i32 to index
      %swap3A_801 = arith.constant 16 : index
      %swap3A_802 = tpu.vector_load %arg12[%swap3A_800, %swap3A_801] {strides = array<i32>} : memref<128x128xf32, #tpu.memory_space<vmem>>, vector<16xf32>,
      tpu.vector_store %arg12[%swap3A_800, %swap3A_801], %sub3A_799 {strides = array<i32>} : memref<128x128xf32, #tpu.memory_space<vmem>>, vector<16xf32>,
      %sub3A_803 = arith.constant 1.200000e+01 : f32
      %sub3A_804 = vector.broadcast %sub3A_803 : f32 to vector<16xf32>
      %sub3A_805 = arith.subf %sub3A_804, %scan3A_789#2 : vector<16xf32>
      %swap3A_806 = arith.index_cast %add3A_741 : i32 to index
      %swap3A_807 = arith.constant 32 : index
      %swap3A_808 = tpu.vector_load %arg12[%swap3A_806, %swap3A_807] {strides = array<i32>} : memref<128x128xf32, #tpu.memory_space<vmem>>, vector<16xf32>,
      tpu.vector_store %arg12[%swap3A_806, %swap3A_807], %sub3A_805 {strides = array<i32>} : memref<128x128xf32, #tpu.memory_space<vmem>>, vector<16xf32>,
      %sub3A_809 = arith.constant 1.200000e+01 : f32
      %sub3A_810 = vector.broadcast %sub3A_809 : f32 to vector<16xf32>
      %sub3A_811 = arith.subf %sub3A_810, %scan3A_789#3 : vector<16xf32>
      %swap3A_812 = arith.index_cast %add3A_741 : i32 to index
      %swap3A_813 = arith.constant 48 : index
      %swap3A_814 = tpu.vector_load %arg12[%swap3A_812, %swap3A_813] {strides = array<i32>} : memref<128x128xf32, #tpu.memory_space<vmem>>, vector<16xf32>,
      tpu.vector_store %arg12[%swap3A_812, %swap3A_813], %sub3A_811 {strides = array<i32>} : memref<128x128xf32, #tpu.memory_space<vmem>>, vector<16xf32>,
      %sub3A_815 = arith.constant 1.200000e+01 : f32
      %sub3A_816 = vector.broadcast %sub3A_815 : f32 to vector<16xf32>
      %sub3A_817 = arith.subf %sub3A_816, %scan3A_789#4 : vector<16xf32>
      %swap3A_818 = arith.index_cast %add3A_741 : i32 to index
      %swap3A_819 = arith.constant 64 : index
      %swap3A_820 = tpu.vector_load %arg12[%swap3A_818, %swap3A_819] {strides = array<i32>} : memref<128x128xf32, #tpu.memory_space<vmem>>, vector<16xf32>,
      tpu.vector_store %arg12[%swap3A_818, %swap3A_819], %sub3A_817 {strides = array<i32>} : memref<128x128xf32, #tpu.memory_space<vmem>>, vector<16xf32>,
      %sub3A_821 = arith.constant 1.200000e+01 : f32
      %sub3A_822 = vector.broadcast %sub3A_821 : f32 to vector<16xf32>
      %sub3A_823 = arith.subf %sub3A_822, %scan3A_789#5 : vector<16xf32>
      %swap3A_824 = arith.index_cast %add3A_741 : i32 to index
      %swap3A_825 = arith.constant 80 : index
      %swap3A_826 = tpu.vector_load %arg12[%swap3A_824, %swap3A_825] {strides = array<i32>} : memref<128x128xf32, #tpu.memory_space<vmem>>, vector<16xf32>,
      tpu.vector_store %arg12[%swap3A_824, %swap3A_825], %sub3A_823 {strides = array<i32>} : memref<128x128xf32, #tpu.memory_space<vmem>>, vector<16xf32>,
      %sub3A_827 = arith.constant 1.200000e+01 : f32
      %sub3A_828 = vector.broadcast %sub3A_827 : f32 to vector<16xf32>
      %sub3A_829 = arith.subf %sub3A_828, %scan3A_789#6 : vector<16xf32>
      %swap3A_830 = arith.index_cast %add3A_741 : i32 to index
      %swap3A_831 = arith.constant 96 : index
      %swap3A_832 = tpu.vector_load %arg12[%swap3A_830, %swap3A_831] {strides = array<i32>} : memref<128x128xf32, #tpu.memory_space<vmem>>, vector<16xf32>,
      tpu.vector_store %arg12[%swap3A_830, %swap3A_831], %sub3A_829 {strides = array<i32>} : memref<128x128xf32, #tpu.memory_space<vmem>>, vector<16xf32>,
      %sub3A_833 = arith.constant 1.200000e+01 : f32
      %sub3A_834 = vector.broadcast %sub3A_833 : f32 to vector<16xf32>
      %sub3A_835 = arith.subf %sub3A_834, %scan3A_789#7 : vector<16xf32>
      %swap3A_836 = arith.index_cast %add3A_741 : i32 to index
      %swap3A_837 = arith.constant 112 : index
      %swap3A_838 = tpu.vector_load %arg12[%swap3A_836, %swap3A_837] {strides = array<i32>} : memref<128x128xf32, #tpu.memory_space<vmem>>, vector<16xf32>,
      tpu.vector_store %arg12[%swap3A_836, %swap3A_837], %sub3A_835 {strides = array<i32>} : memref<128x128xf32, #tpu.memory_space<vmem>>, vector<16xf32>,
      %add3A_839 = arith.constant 6 : i32
      %add3A_840 = arith.addi %add3A_248, %add3A_839 : i32
      %add3A_841 = arith.constant 8 : i32
      %add3A_842 = arith.addi %add3A_840, %add3A_841 : i32
      %sub3A_843 = arith.constant 1 : i32
      %sub3A_844 = arith.subi %add3A_842, %sub3A_843 : i32
      %min3A_845 = arith.constant 127 : i32
      %min3A_846 = arith.minsi %sub3A_844, %min3A_845 : i32
      %dma_start3A_847 = arith.constant 0 : i32
      %dma_start3A_848 = arith.constant 0 : i32
      %dma_start3A_849 = tpu.memref_slice %arg13[%scan3A_153, %dma_start3A_847, %dma_start3A_848] : memref<8x128x64xf32, #tpu.memory_space<vmem>> -> memref<1x128x64xf32, #tpu.memory_space<vmem>>
      %dma_start3A_850 = tpu.memref_squeeze %dma_start3A_849 : memref<1x128x64xf32, #tpu.memory_space<vmem>> -> memref<128x64xf32, #tpu.memory_space<vmem>>
      %dma_start3A_851 = arith.constant 0 : i32
      %dma_start3A_852 = tpu.memref_slice %arg10[%min3A_846, %dma_start3A_851] : memref<128x128xi32, #tpu.memory_space<vmem>> -> memref<1x128xi32, #tpu.memory_space<vmem>>
      %dma_start3A_853 = tpu.memref_squeeze %dma_start3A_852 : memref<1x128xi32, #tpu.memory_space<vmem>> -> memref<128xi32, #tpu.memory_space<vmem>>
      %dma_start3A_854 = arith.constant 0 : i32
      %dma_start3A_855 = arith.constant 0 : i32
      %dma_start3A_856 = tpu.memref_slice %arg5[%dma_start3A_854, %dma_start3A_855] : memref<1015808x64xf32, #tpu.memory_space<hbm>> -> memref<1015808x64xf32, #tpu.memory_space<hbm>>
      tpu.enqueue_indirect_dma source(%dma_start3A_856 : memref<1015808x64xf32, #tpu.memory_space<hbm>>) target(%dma_start3A_850 : memref<128x64xf32, #tpu.memory_space<vmem>>) offsets(%dma_start3A_853 : memref<128xi32, #tpu.memory_space<vmem>>) semaphore(%arg20 : memref<!tpu.dma_semaphore, #tpu.memory_space<semaphore_mem>>)
      %dma_wait3A_857 = arith.constant 0 : i32
      %dma_wait3A_858 = arith.constant 0 : i32
      %dma_wait3A_859 = tpu.memref_slice %arg13[%scan3A_154, %dma_wait3A_857, %dma_wait3A_858] : memref<8x128x64xf32, #tpu.memory_space<vmem>> -> memref<1x128x64xf32, #tpu.memory_space<vmem>>
      %dma_wait3A_860 = tpu.memref_squeeze %dma_wait3A_859 : memref<1x128x64xf32, #tpu.memory_space<vmem>> -> memref<128x64xf32, #tpu.memory_space<vmem>>
      %dma_wait3A_861 = arith.constant 0 : i32
      %dma_wait3A_862 = tpu.memref_slice %arg10[%add3A_840, %dma_wait3A_861] : memref<128x128xi32, #tpu.memory_space<vmem>> -> memref<1x128xi32, #tpu.memory_space<vmem>>
      %dma_wait3A_863 = tpu.memref_squeeze %dma_wait3A_862 : memref<1x128xi32, #tpu.memory_space<vmem>> -> memref<128xi32, #tpu.memory_space<vmem>>
      %dma_wait3A_864 = arith.constant 0 : i32
      %dma_wait3A_865 = arith.constant 0 : i32
      %dma_wait3A_866 = tpu.memref_slice %arg5[%dma_wait3A_864, %dma_wait3A_865] : memref<1015808x64xf32, #tpu.memory_space<hbm>> -> memref<1015808x64xf32, #tpu.memory_space<hbm>>
      tpu.wait_indirect_dma semaphore(%arg21 : memref<!tpu.dma_semaphore, #tpu.memory_space<semaphore_mem>>) src(%dma_wait3A_866 : memref<1015808x64xf32, #tpu.memory_space<hbm>>) dst(%dma_wait3A_860 : memref<128x64xf32, #tpu.memory_space<vmem>>)
      %broadcast_in_dim3A_867 = vector.broadcast %add3A_840 : i32 to vector<16xi32>
      %broadcast_in_dim3A_868 = arith.constant 0.000000e+00 : f32
      %broadcast_in_dim3A_869 = vector.broadcast %broadcast_in_dim3A_868 : f32 to vector<16xf32>
      %broadcast_in_dim3A_870 = arith.constant 0.000000e+00 : f32
      %broadcast_in_dim3A_871 = vector.broadcast %broadcast_in_dim3A_870 : f32 to vector<16xf32>
      %broadcast_in_dim3A_872 = arith.constant 0.000000e+00 : f32
      %broadcast_in_dim3A_873 = vector.broadcast %broadcast_in_dim3A_872 : f32 to vector<16xf32>
      %broadcast_in_dim3A_874 = arith.constant 0.000000e+00 : f32
      %broadcast_in_dim3A_875 = vector.broadcast %broadcast_in_dim3A_874 : f32 to vector<16xf32>
      %broadcast_in_dim3A_876 = arith.constant 0.000000e+00 : f32
      %broadcast_in_dim3A_877 = vector.broadcast %broadcast_in_dim3A_876 : f32 to vector<16xf32>
      %broadcast_in_dim3A_878 = arith.constant 0.000000e+00 : f32
      %broadcast_in_dim3A_879 = vector.broadcast %broadcast_in_dim3A_878 : f32 to vector<16xf32>
      %broadcast_in_dim3A_880 = arith.constant 0.000000e+00 : f32
      %broadcast_in_dim3A_881 = vector.broadcast %broadcast_in_dim3A_880 : f32 to vector<16xf32>
      %broadcast_in_dim3A_882 = arith.constant 0.000000e+00 : f32
      %broadcast_in_dim3A_883 = vector.broadcast %broadcast_in_dim3A_882 : f32 to vector<16xf32>
      %scan3A_884 = arith.constant 0 : i32
      %scan3A_885 = arith.constant 64 : i32
      %scan3A_886 = arith.addi %scan3A_884, %scan3A_885 : i32
      %scan3A_887 = arith.constant 2 : i32
      %scan3A_888:8 = scf.for %scan3A_1037 = %scan3A_884 to %scan3A_886 step %scan3A_887 iter_args(%scan3A_1038 = %broadcast_in_dim3A_869, %scan3A_1039 = %broadcast_in_dim3A_871, %scan3A_1040 = %broadcast_in_dim3A_873, %scan3A_1041 = %broadcast_in_dim3A_875, %scan3A_1042 = %broadcast_in_dim3A_877, %scan3A_1043 = %broadcast_in_dim3A_879, %scan3A_1044 = %broadcast_in_dim3A_881, %scan3A_1045 = %broadcast_in_dim3A_883) -> (vector<16xf32>, vector<16xf32>, vector<16xf32>, vector<16xf32>, vector<16xf32>, vector<16xf32>, vector<16xf32>, vector<16xf32>)  : i32 {
        %add3A_1046 = vector.broadcast %scan3A_1037 : i32 to vector<16xi32>
        %add3A_1047 = arith.addi %iota3A, %add3A_1046 : vector<16xi32>
        %and3A = arith.constant 63 : i32
        %and3A_1048 = vector.broadcast %and3A : i32 to vector<16xi32>
        %and3A_1049 = arith.andi %add3A_1047, %and3A_1048 : vector<16xi32>
        %gather3A = tpu.vector_load_idx %arg11[%broadcast_in_dim3A_867, %and3A_1049] : memref<128x64xf32, #tpu.memory_space<vmem>>[vector<16xi32>, vector<16xi32>], vector<16xf32>,
        %gather3A_1050 = arith.constant 0 : i32
        %gather3A_1051 = arith.constant 0 : i32
        %gather3A_1052 = tpu.memref_slice %arg13[%scan3A_154, %gather3A_1050, %gather3A_1051] : memref<8x128x64xf32, #tpu.memory_space<vmem>> -> memref<1x128x64xf32, #tpu.memory_space<vmem>>
        %gather3A_1053 = tpu.memref_squeeze %gather3A_1052 : memref<1x128x64xf32, #tpu.memory_space<vmem>> -> memref<128x64xf32, #tpu.memory_space<vmem>>
        %gather3A_1054 = tpu.vector_load_idx %gather3A_1053[%add3A_5, %and3A_1049] : memref<128x64xf32, #tpu.memory_space<vmem>>[vector<16xi32>, vector<16xi32>], vector<16xf32>,
        %sub3A_1055 = arith.subf %gather3A, %gather3A_1054 : vector<16xf32>
        %abs3A = math.absf %sub3A_1055 : vector<16xf32>
        %add3A_1056 = arith.addf %scan3A_1038, %abs3A : vector<16xf32>
        %gather3A_1057 = arith.constant 0 : i32
        %gather3A_1058 = arith.constant 0 : i32
        %gather3A_1059 = tpu.memref_slice %arg13[%scan3A_154, %gather3A_1057, %gather3A_1058] : memref<8x128x64xf32, #tpu.memory_space<vmem>> -> memref<1x128x64xf32, #tpu.memory_space<vmem>>
        %gather3A_1060 = tpu.memref_squeeze %gather3A_1059 : memref<1x128x64xf32, #tpu.memory_space<vmem>> -> memref<128x64xf32, #tpu.memory_space<vmem>>
        %gather3A_1061 = tpu.vector_load_idx %gather3A_1060[%add3A_8, %and3A_1049] : memref<128x64xf32, #tpu.memory_space<vmem>>[vector<16xi32>, vector<16xi32>], vector<16xf32>,
        %sub3A_1062 = arith.subf %gather3A, %gather3A_1061 : vector<16xf32>
        %abs3A_1063 = math.absf %sub3A_1062 : vector<16xf32>
        %add3A_1064 = arith.addf %scan3A_1039, %abs3A_1063 : vector<16xf32>
        %gather3A_1065 = arith.constant 0 : i32
        %gather3A_1066 = arith.constant 0 : i32
        %gather3A_1067 = tpu.memref_slice %arg13[%scan3A_154, %gather3A_1065, %gather3A_1066] : memref<8x128x64xf32, #tpu.memory_space<vmem>> -> memref<1x128x64xf32, #tpu.memory_space<vmem>>
        %gather3A_1068 = tpu.memref_squeeze %gather3A_1067 : memref<1x128x64xf32, #tpu.memory_space<vmem>> -> memref<128x64xf32, #tpu.memory_space<vmem>>
        %gather3A_1069 = tpu.vector_load_idx %gather3A_1068[%add3A_11, %and3A_1049] : memref<128x64xf32, #tpu.memory_space<vmem>>[vector<16xi32>, vector<16xi32>], vector<16xf32>,
        %sub3A_1070 = arith.subf %gather3A, %gather3A_1069 : vector<16xf32>
        %abs3A_1071 = math.absf %sub3A_1070 : vector<16xf32>
        %add3A_1072 = arith.addf %scan3A_1040, %abs3A_1071 : vector<16xf32>
        %gather3A_1073 = arith.constant 0 : i32
        %gather3A_1074 = arith.constant 0 : i32
        %gather3A_1075 = tpu.memref_slice %arg13[%scan3A_154, %gather3A_1073, %gather3A_1074] : memref<8x128x64xf32, #tpu.memory_space<vmem>> -> memref<1x128x64xf32, #tpu.memory_space<vmem>>
        %gather3A_1076 = tpu.memref_squeeze %gather3A_1075 : memref<1x128x64xf32, #tpu.memory_space<vmem>> -> memref<128x64xf32, #tpu.memory_space<vmem>>
        %gather3A_1077 = tpu.vector_load_idx %gather3A_1076[%add3A_14, %and3A_1049] : memref<128x64xf32, #tpu.memory_space<vmem>>[vector<16xi32>, vector<16xi32>], vector<16xf32>,
        %sub3A_1078 = arith.subf %gather3A, %gather3A_1077 : vector<16xf32>
        %abs3A_1079 = math.absf %sub3A_1078 : vector<16xf32>
        %add3A_1080 = arith.addf %scan3A_1041, %abs3A_1079 : vector<16xf32>
        %gather3A_1081 = arith.constant 0 : i32
        %gather3A_1082 = arith.constant 0 : i32
        %gather3A_1083 = tpu.memref_slice %arg13[%scan3A_154, %gather3A_1081, %gather3A_1082] : memref<8x128x64xf32, #tpu.memory_space<vmem>> -> memref<1x128x64xf32, #tpu.memory_space<vmem>>
        %gather3A_1084 = tpu.memref_squeeze %gather3A_1083 : memref<1x128x64xf32, #tpu.memory_space<vmem>> -> memref<128x64xf32, #tpu.memory_space<vmem>>
        %gather3A_1085 = tpu.vector_load_idx %gather3A_1084[%add3A_17, %and3A_1049] : memref<128x64xf32, #tpu.memory_space<vmem>>[vector<16xi32>, vector<16xi32>], vector<16xf32>,
        %sub3A_1086 = arith.subf %gather3A, %gather3A_1085 : vector<16xf32>
        %abs3A_1087 = math.absf %sub3A_1086 : vector<16xf32>
        %add3A_1088 = arith.addf %scan3A_1042, %abs3A_1087 : vector<16xf32>
        %gather3A_1089 = arith.constant 0 : i32
        %gather3A_1090 = arith.constant 0 : i32
        %gather3A_1091 = tpu.memref_slice %arg13[%scan3A_154, %gather3A_1089, %gather3A_1090] : memref<8x128x64xf32, #tpu.memory_space<vmem>> -> memref<1x128x64xf32, #tpu.memory_space<vmem>>
        %gather3A_1092 = tpu.memref_squeeze %gather3A_1091 : memref<1x128x64xf32, #tpu.memory_space<vmem>> -> memref<128x64xf32, #tpu.memory_space<vmem>>
        %gather3A_1093 = tpu.vector_load_idx %gather3A_1092[%add3A_20, %and3A_1049] : memref<128x64xf32, #tpu.memory_space<vmem>>[vector<16xi32>, vector<16xi32>], vector<16xf32>,
        %sub3A_1094 = arith.subf %gather3A, %gather3A_1093 : vector<16xf32>
        %abs3A_1095 = math.absf %sub3A_1094 : vector<16xf32>
        %add3A_1096 = arith.addf %scan3A_1043, %abs3A_1095 : vector<16xf32>
        %gather3A_1097 = arith.constant 0 : i32
        %gather3A_1098 = arith.constant 0 : i32
        %gather3A_1099 = tpu.memref_slice %arg13[%scan3A_154, %gather3A_1097, %gather3A_1098] : memref<8x128x64xf32, #tpu.memory_space<vmem>> -> memref<1x128x64xf32, #tpu.memory_space<vmem>>
        %gather3A_1100 = tpu.memref_squeeze %gather3A_1099 : memref<1x128x64xf32, #tpu.memory_space<vmem>> -> memref<128x64xf32, #tpu.memory_space<vmem>>
        %gather3A_1101 = tpu.vector_load_idx %gather3A_1100[%add3A_23, %and3A_1049] : memref<128x64xf32, #tpu.memory_space<vmem>>[vector<16xi32>, vector<16xi32>], vector<16xf32>,
        %sub3A_1102 = arith.subf %gather3A, %gather3A_1101 : vector<16xf32>
        %abs3A_1103 = math.absf %sub3A_1102 : vector<16xf32>
        %add3A_1104 = arith.addf %scan3A_1044, %abs3A_1103 : vector<16xf32>
        %gather3A_1105 = arith.constant 0 : i32
        %gather3A_1106 = arith.constant 0 : i32
        %gather3A_1107 = tpu.memref_slice %arg13[%scan3A_154, %gather3A_1105, %gather3A_1106] : memref<8x128x64xf32, #tpu.memory_space<vmem>> -> memref<1x128x64xf32, #tpu.memory_space<vmem>>
        %gather3A_1108 = tpu.memref_squeeze %gather3A_1107 : memref<1x128x64xf32, #tpu.memory_space<vmem>> -> memref<128x64xf32, #tpu.memory_space<vmem>>
        %gather3A_1109 = tpu.vector_load_idx %gather3A_1108[%add3A_26, %and3A_1049] : memref<128x64xf32, #tpu.memory_space<vmem>>[vector<16xi32>, vector<16xi32>], vector<16xf32>,
        %sub3A_1110 = arith.subf %gather3A, %gather3A_1109 : vector<16xf32>
        %abs3A_1111 = math.absf %sub3A_1110 : vector<16xf32>
        %add3A_1112 = arith.addf %scan3A_1045, %abs3A_1111 : vector<16xf32>
        %scan3A_1113 = arith.constant 1 : i32
        %scan3A_1114 = arith.addi %scan3A_1037, %scan3A_1113 : i32
        %add3A_1115 = vector.broadcast %scan3A_1114 : i32 to vector<16xi32>
        %add3A_1116 = arith.addi %iota3A, %add3A_1115 : vector<16xi32>
        %and3A_1117 = arith.constant 63 : i32
        %and3A_1118 = vector.broadcast %and3A_1117 : i32 to vector<16xi32>
        %and3A_1119 = arith.andi %add3A_1116, %and3A_1118 : vector<16xi32>
        %gather3A_1120 = tpu.vector_load_idx %arg11[%broadcast_in_dim3A_867, %and3A_1119] : memref<128x64xf32, #tpu.memory_space<vmem>>[vector<16xi32>, vector<16xi32>], vector<16xf32>,
        %gather3A_1121 = arith.constant 0 : i32
        %gather3A_1122 = arith.constant 0 : i32
        %gather3A_1123 = tpu.memref_slice %arg13[%scan3A_154, %gather3A_1121, %gather3A_1122] : memref<8x128x64xf32, #tpu.memory_space<vmem>> -> memref<1x128x64xf32, #tpu.memory_space<vmem>>
        %gather3A_1124 = tpu.memref_squeeze %gather3A_1123 : memref<1x128x64xf32, #tpu.memory_space<vmem>> -> memref<128x64xf32, #tpu.memory_space<vmem>>
        %gather3A_1125 = tpu.vector_load_idx %gather3A_1124[%add3A_5, %and3A_1119] : memref<128x64xf32, #tpu.memory_space<vmem>>[vector<16xi32>, vector<16xi32>], vector<16xf32>,
        %sub3A_1126 = arith.subf %gather3A_1120, %gather3A_1125 : vector<16xf32>
        %abs3A_1127 = math.absf %sub3A_1126 : vector<16xf32>
        %add3A_1128 = arith.addf %add3A_1056, %abs3A_1127 : vector<16xf32>
        %gather3A_1129 = arith.constant 0 : i32
        %gather3A_1130 = arith.constant 0 : i32
        %gather3A_1131 = tpu.memref_slice %arg13[%scan3A_154, %gather3A_1129, %gather3A_1130] : memref<8x128x64xf32, #tpu.memory_space<vmem>> -> memref<1x128x64xf32, #tpu.memory_space<vmem>>
        %gather3A_1132 = tpu.memref_squeeze %gather3A_1131 : memref<1x128x64xf32, #tpu.memory_space<vmem>> -> memref<128x64xf32, #tpu.memory_space<vmem>>
        %gather3A_1133 = tpu.vector_load_idx %gather3A_1132[%add3A_8, %and3A_1119] : memref<128x64xf32, #tpu.memory_space<vmem>>[vector<16xi32>, vector<16xi32>], vector<16xf32>,
        %sub3A_1134 = arith.subf %gather3A_1120, %gather3A_1133 : vector<16xf32>
        %abs3A_1135 = math.absf %sub3A_1134 : vector<16xf32>
        %add3A_1136 = arith.addf %add3A_1064, %abs3A_1135 : vector<16xf32>
        %gather3A_1137 = arith.constant 0 : i32
        %gather3A_1138 = arith.constant 0 : i32
        %gather3A_1139 = tpu.memref_slice %arg13[%scan3A_154, %gather3A_1137, %gather3A_1138] : memref<8x128x64xf32, #tpu.memory_space<vmem>> -> memref<1x128x64xf32, #tpu.memory_space<vmem>>
        %gather3A_1140 = tpu.memref_squeeze %gather3A_1139 : memref<1x128x64xf32, #tpu.memory_space<vmem>> -> memref<128x64xf32, #tpu.memory_space<vmem>>
        %gather3A_1141 = tpu.vector_load_idx %gather3A_1140[%add3A_11, %and3A_1119] : memref<128x64xf32, #tpu.memory_space<vmem>>[vector<16xi32>, vector<16xi32>], vector<16xf32>,
        %sub3A_1142 = arith.subf %gather3A_1120, %gather3A_1141 : vector<16xf32>
        %abs3A_1143 = math.absf %sub3A_1142 : vector<16xf32>
        %add3A_1144 = arith.addf %add3A_1072, %abs3A_1143 : vector<16xf32>
        %gather3A_1145 = arith.constant 0 : i32
        %gather3A_1146 = arith.constant 0 : i32
        %gather3A_1147 = tpu.memref_slice %arg13[%scan3A_154, %gather3A_1145, %gather3A_1146] : memref<8x128x64xf32, #tpu.memory_space<vmem>> -> memref<1x128x64xf32, #tpu.memory_space<vmem>>
        %gather3A_1148 = tpu.memref_squeeze %gather3A_1147 : memref<1x128x64xf32, #tpu.memory_space<vmem>> -> memref<128x64xf32, #tpu.memory_space<vmem>>
        %gather3A_1149 = tpu.vector_load_idx %gather3A_1148[%add3A_14, %and3A_1119] : memref<128x64xf32, #tpu.memory_space<vmem>>[vector<16xi32>, vector<16xi32>], vector<16xf32>,
        %sub3A_1150 = arith.subf %gather3A_1120, %gather3A_1149 : vector<16xf32>
        %abs3A_1151 = math.absf %sub3A_1150 : vector<16xf32>
        %add3A_1152 = arith.addf %add3A_1080, %abs3A_1151 : vector<16xf32>
        %gather3A_1153 = arith.constant 0 : i32
        %gather3A_1154 = arith.constant 0 : i32
        %gather3A_1155 = tpu.memref_slice %arg13[%scan3A_154, %gather3A_1153, %gather3A_1154] : memref<8x128x64xf32, #tpu.memory_space<vmem>> -> memref<1x128x64xf32, #tpu.memory_space<vmem>>
        %gather3A_1156 = tpu.memref_squeeze %gather3A_1155 : memref<1x128x64xf32, #tpu.memory_space<vmem>> -> memref<128x64xf32, #tpu.memory_space<vmem>>
        %gather3A_1157 = tpu.vector_load_idx %gather3A_1156[%add3A_17, %and3A_1119] : memref<128x64xf32, #tpu.memory_space<vmem>>[vector<16xi32>, vector<16xi32>], vector<16xf32>,
        %sub3A_1158 = arith.subf %gather3A_1120, %gather3A_1157 : vector<16xf32>
        %abs3A_1159 = math.absf %sub3A_1158 : vector<16xf32>
        %add3A_1160 = arith.addf %add3A_1088, %abs3A_1159 : vector<16xf32>
        %gather3A_1161 = arith.constant 0 : i32
        %gather3A_1162 = arith.constant 0 : i32
        %gather3A_1163 = tpu.memref_slice %arg13[%scan3A_154, %gather3A_1161, %gather3A_1162] : memref<8x128x64xf32, #tpu.memory_space<vmem>> -> memref<1x128x64xf32, #tpu.memory_space<vmem>>
        %gather3A_1164 = tpu.memref_squeeze %gather3A_1163 : memref<1x128x64xf32, #tpu.memory_space<vmem>> -> memref<128x64xf32, #tpu.memory_space<vmem>>
        %gather3A_1165 = tpu.vector_load_idx %gather3A_1164[%add3A_20, %and3A_1119] : memref<128x64xf32, #tpu.memory_space<vmem>>[vector<16xi32>, vector<16xi32>], vector<16xf32>,
        %sub3A_1166 = arith.subf %gather3A_1120, %gather3A_1165 : vector<16xf32>
        %abs3A_1167 = math.absf %sub3A_1166 : vector<16xf32>
        %add3A_1168 = arith.addf %add3A_1096, %abs3A_1167 : vector<16xf32>
        %gather3A_1169 = arith.constant 0 : i32
        %gather3A_1170 = arith.constant 0 : i32
        %gather3A_1171 = tpu.memref_slice %arg13[%scan3A_154, %gather3A_1169, %gather3A_1170] : memref<8x128x64xf32, #tpu.memory_space<vmem>> -> memref<1x128x64xf32, #tpu.memory_space<vmem>>
        %gather3A_1172 = tpu.memref_squeeze %gather3A_1171 : memref<1x128x64xf32, #tpu.memory_space<vmem>> -> memref<128x64xf32, #tpu.memory_space<vmem>>
        %gather3A_1173 = tpu.vector_load_idx %gather3A_1172[%add3A_23, %and3A_1119] : memref<128x64xf32, #tpu.memory_space<vmem>>[vector<16xi32>, vector<16xi32>], vector<16xf32>,
        %sub3A_1174 = arith.subf %gather3A_1120, %gather3A_1173 : vector<16xf32>
        %abs3A_1175 = math.absf %sub3A_1174 : vector<16xf32>
        %add3A_1176 = arith.addf %add3A_1104, %abs3A_1175 : vector<16xf32>
        %gather3A_1177 = arith.constant 0 : i32
        %gather3A_1178 = arith.constant 0 : i32
        %gather3A_1179 = tpu.memref_slice %arg13[%scan3A_154, %gather3A_1177, %gather3A_1178] : memref<8x128x64xf32, #tpu.memory_space<vmem>> -> memref<1x128x64xf32, #tpu.memory_space<vmem>>
        %gather3A_1180 = tpu.memref_squeeze %gather3A_1179 : memref<1x128x64xf32, #tpu.memory_space<vmem>> -> memref<128x64xf32, #tpu.memory_space<vmem>>
        %gather3A_1181 = tpu.vector_load_idx %gather3A_1180[%add3A_26, %and3A_1119] : memref<128x64xf32, #tpu.memory_space<vmem>>[vector<16xi32>, vector<16xi32>], vector<16xf32>,
        %sub3A_1182 = arith.subf %gather3A_1120, %gather3A_1181 : vector<16xf32>
        %abs3A_1183 = math.absf %sub3A_1182 : vector<16xf32>
        %add3A_1184 = arith.addf %add3A_1112, %abs3A_1183 : vector<16xf32>
        scf.yield %add3A_1128, %add3A_1136, %add3A_1144, %add3A_1152, %add3A_1160, %add3A_1168, %add3A_1176, %add3A_1184 : vector<16xf32>, vector<16xf32>, vector<16xf32>, vector<16xf32>, vector<16xf32>, vector<16xf32>, vector<16xf32>, vector<16xf32>
      }
      %scan3A_889 = arith.constant 64 : i32
      %sub3A_890 = arith.constant 1.200000e+01 : f32
      %sub3A_891 = vector.broadcast %sub3A_890 : f32 to vector<16xf32>
      %sub3A_892 = arith.subf %sub3A_891, %scan3A_888#0 : vector<16xf32>
      %swap3A_893 = arith.index_cast %add3A_840 : i32 to index
      %swap3A_894 = arith.constant 0 : index
      %swap3A_895 = tpu.vector_load %arg12[%swap3A_893, %swap3A_894] {strides = array<i32>} : memref<128x128xf32, #tpu.memory_space<vmem>>, vector<16xf32>,
      tpu.vector_store %arg12[%swap3A_893, %swap3A_894], %sub3A_892 {strides = array<i32>} : memref<128x128xf32, #tpu.memory_space<vmem>>, vector<16xf32>,
      %sub3A_896 = arith.constant 1.200000e+01 : f32
      %sub3A_897 = vector.broadcast %sub3A_896 : f32 to vector<16xf32>
      %sub3A_898 = arith.subf %sub3A_897, %scan3A_888#1 : vector<16xf32>
      %swap3A_899 = arith.index_cast %add3A_840 : i32 to index
      %swap3A_900 = arith.constant 16 : index
      %swap3A_901 = tpu.vector_load %arg12[%swap3A_899, %swap3A_900] {strides = array<i32>} : memref<128x128xf32, #tpu.memory_space<vmem>>, vector<16xf32>,
      tpu.vector_store %arg12[%swap3A_899, %swap3A_900], %sub3A_898 {strides = array<i32>} : memref<128x128xf32, #tpu.memory_space<vmem>>, vector<16xf32>,
      %sub3A_902 = arith.constant 1.200000e+01 : f32
      %sub3A_903 = vector.broadcast %sub3A_902 : f32 to vector<16xf32>
      %sub3A_904 = arith.subf %sub3A_903, %scan3A_888#2 : vector<16xf32>
      %swap3A_905 = arith.index_cast %add3A_840 : i32 to index
      %swap3A_906 = arith.constant 32 : index
      %swap3A_907 = tpu.vector_load %arg12[%swap3A_905, %swap3A_906] {strides = array<i32>} : memref<128x128xf32, #tpu.memory_space<vmem>>, vector<16xf32>,
      tpu.vector_store %arg12[%swap3A_905, %swap3A_906], %sub3A_904 {strides = array<i32>} : memref<128x128xf32, #tpu.memory_space<vmem>>, vector<16xf32>,
      %sub3A_908 = arith.constant 1.200000e+01 : f32
      %sub3A_909 = vector.broadcast %sub3A_908 : f32 to vector<16xf32>
      %sub3A_910 = arith.subf %sub3A_909, %scan3A_888#3 : vector<16xf32>
      %swap3A_911 = arith.index_cast %add3A_840 : i32 to index
      %swap3A_912 = arith.constant 48 : index
      %swap3A_913 = tpu.vector_load %arg12[%swap3A_911, %swap3A_912] {strides = array<i32>} : memref<128x128xf32, #tpu.memory_space<vmem>>, vector<16xf32>,
      tpu.vector_store %arg12[%swap3A_911, %swap3A_912], %sub3A_910 {strides = array<i32>} : memref<128x128xf32, #tpu.memory_space<vmem>>, vector<16xf32>,
      %sub3A_914 = arith.constant 1.200000e+01 : f32
      %sub3A_915 = vector.broadcast %sub3A_914 : f32 to vector<16xf32>
      %sub3A_916 = arith.subf %sub3A_915, %scan3A_888#4 : vector<16xf32>
      %swap3A_917 = arith.index_cast %add3A_840 : i32 to index
      %swap3A_918 = arith.constant 64 : index
      %swap3A_919 = tpu.vector_load %arg12[%swap3A_917, %swap3A_918] {strides = array<i32>} : memref<128x128xf32, #tpu.memory_space<vmem>>, vector<16xf32>,
      tpu.vector_store %arg12[%swap3A_917, %swap3A_918], %sub3A_916 {strides = array<i32>} : memref<128x128xf32, #tpu.memory_space<vmem>>, vector<16xf32>,
      %sub3A_920 = arith.constant 1.200000e+01 : f32
      %sub3A_921 = vector.broadcast %sub3A_920 : f32 to vector<16xf32>
      %sub3A_922 = arith.subf %sub3A_921, %scan3A_888#5 : vector<16xf32>
      %swap3A_923 = arith.index_cast %add3A_840 : i32 to index
      %swap3A_924 = arith.constant 80 : index
      %swap3A_925 = tpu.vector_load %arg12[%swap3A_923, %swap3A_924] {strides = array<i32>} : memref<128x128xf32, #tpu.memory_space<vmem>>, vector<16xf32>,
      tpu.vector_store %arg12[%swap3A_923, %swap3A_924], %sub3A_922 {strides = array<i32>} : memref<128x128xf32, #tpu.memory_space<vmem>>, vector<16xf32>,
      %sub3A_926 = arith.constant 1.200000e+01 : f32
      %sub3A_927 = vector.broadcast %sub3A_926 : f32 to vector<16xf32>
      %sub3A_928 = arith.subf %sub3A_927, %scan3A_888#6 : vector<16xf32>
      %swap3A_929 = arith.index_cast %add3A_840 : i32 to index
      %swap3A_930 = arith.constant 96 : index
      %swap3A_931 = tpu.vector_load %arg12[%swap3A_929, %swap3A_930] {strides = array<i32>} : memref<128x128xf32, #tpu.memory_space<vmem>>, vector<16xf32>,
      tpu.vector_store %arg12[%swap3A_929, %swap3A_930], %sub3A_928 {strides = array<i32>} : memref<128x128xf32, #tpu.memory_space<vmem>>, vector<16xf32>,
      %sub3A_932 = arith.constant 1.200000e+01 : f32
      %sub3A_933 = vector.broadcast %sub3A_932 : f32 to vector<16xf32>
      %sub3A_934 = arith.subf %sub3A_933, %scan3A_888#7 : vector<16xf32>
      %swap3A_935 = arith.index_cast %add3A_840 : i32 to index
      %swap3A_936 = arith.constant 112 : index
      %swap3A_937 = tpu.vector_load %arg12[%swap3A_935, %swap3A_936] {strides = array<i32>} : memref<128x128xf32, #tpu.memory_space<vmem>>, vector<16xf32>,
      tpu.vector_store %arg12[%swap3A_935, %swap3A_936], %sub3A_934 {strides = array<i32>} : memref<128x128xf32, #tpu.memory_space<vmem>>, vector<16xf32>,
      %add3A_938 = arith.constant 7 : i32
      %add3A_939 = arith.addi %add3A_248, %add3A_938 : i32
      %add3A_940 = arith.constant 8 : i32
      %add3A_941 = arith.addi %add3A_939, %add3A_940 : i32
      %sub3A_942 = arith.constant 1 : i32
      %sub3A_943 = arith.subi %add3A_941, %sub3A_942 : i32
      %min3A_944 = arith.constant 127 : i32
      %min3A_945 = arith.minsi %sub3A_943, %min3A_944 : i32
      %dma_start3A_946 = arith.constant 0 : i32
      %dma_start3A_947 = arith.constant 0 : i32
      %dma_start3A_948 = tpu.memref_slice %arg13[%scan3A_154, %dma_start3A_946, %dma_start3A_947] : memref<8x128x64xf32, #tpu.memory_space<vmem>> -> memref<1x128x64xf32, #tpu.memory_space<vmem>>
      %dma_start3A_949 = tpu.memref_squeeze %dma_start3A_948 : memref<1x128x64xf32, #tpu.memory_space<vmem>> -> memref<128x64xf32, #tpu.memory_space<vmem>>
      %dma_start3A_950 = arith.constant 0 : i32
      %dma_start3A_951 = tpu.memref_slice %arg10[%min3A_945, %dma_start3A_950] : memref<128x128xi32, #tpu.memory_space<vmem>> -> memref<1x128xi32, #tpu.memory_space<vmem>>
      %dma_start3A_952 = tpu.memref_squeeze %dma_start3A_951 : memref<1x128xi32, #tpu.memory_space<vmem>> -> memref<128xi32, #tpu.memory_space<vmem>>
      %dma_start3A_953 = arith.constant 0 : i32
      %dma_start3A_954 = arith.constant 0 : i32
      %dma_start3A_955 = tpu.memref_slice %arg5[%dma_start3A_953, %dma_start3A_954] : memref<1015808x64xf32, #tpu.memory_space<hbm>> -> memref<1015808x64xf32, #tpu.memory_space<hbm>>
      tpu.enqueue_indirect_dma source(%dma_start3A_955 : memref<1015808x64xf32, #tpu.memory_space<hbm>>) target(%dma_start3A_949 : memref<128x64xf32, #tpu.memory_space<vmem>>) offsets(%dma_start3A_952 : memref<128xi32, #tpu.memory_space<vmem>>) semaphore(%arg21 : memref<!tpu.dma_semaphore, #tpu.memory_space<semaphore_mem>>)
      %dma_wait3A_956 = arith.constant 0 : i32
      %dma_wait3A_957 = arith.constant 0 : i32
      %dma_wait3A_958 = tpu.memref_slice %arg13[%scan3A_147, %dma_wait3A_956, %dma_wait3A_957] : memref<8x128x64xf32, #tpu.memory_space<vmem>> -> memref<1x128x64xf32, #tpu.memory_space<vmem>>
      %dma_wait3A_959 = tpu.memref_squeeze %dma_wait3A_958 : memref<1x128x64xf32, #tpu.memory_space<vmem>> -> memref<128x64xf32, #tpu.memory_space<vmem>>
      %dma_wait3A_960 = arith.constant 0 : i32
      %dma_wait3A_961 = tpu.memref_slice %arg10[%add3A_939, %dma_wait3A_960] : memref<128x128xi32, #tpu.memory_space<vmem>> -> memref<1x128xi32, #tpu.memory_space<vmem>>
      %dma_wait3A_962 = tpu.memref_squeeze %dma_wait3A_961 : memref<1x128xi32, #tpu.memory_space<vmem>> -> memref<128xi32, #tpu.memory_space<vmem>>
      %dma_wait3A_963 = arith.constant 0 : i32
      %dma_wait3A_964 = arith.constant 0 : i32
      %dma_wait3A_965 = tpu.memref_slice %arg5[%dma_wait3A_963, %dma_wait3A_964] : memref<1015808x64xf32, #tpu.memory_space<hbm>> -> memref<1015808x64xf32, #tpu.memory_space<hbm>>
      tpu.wait_indirect_dma semaphore(%arg22 : memref<!tpu.dma_semaphore, #tpu.memory_space<semaphore_mem>>) src(%dma_wait3A_965 : memref<1015808x64xf32, #tpu.memory_space<hbm>>) dst(%dma_wait3A_959 : memref<128x64xf32, #tpu.memory_space<vmem>>)
      %broadcast_in_dim3A_966 = vector.broadcast %add3A_939 : i32 to vector<16xi32>
      %broadcast_in_dim3A_967 = arith.constant 0.000000e+00 : f32
      %broadcast_in_dim3A_968 = vector.broadcast %broadcast_in_dim3A_967 : f32 to vector<16xf32>
      %broadcast_in_dim3A_969 = arith.constant 0.000000e+00 : f32
      %broadcast_in_dim3A_970 = vector.broadcast %broadcast_in_dim3A_969 : f32 to vector<16xf32>
      %broadcast_in_dim3A_971 = arith.constant 0.000000e+00 : f32
      %broadcast_in_dim3A_972 = vector.broadcast %broadcast_in_dim3A_971 : f32 to vector<16xf32>
      %broadcast_in_dim3A_973 = arith.constant 0.000000e+00 : f32
      %broadcast_in_dim3A_974 = vector.broadcast %broadcast_in_dim3A_973 : f32 to vector<16xf32>
      %broadcast_in_dim3A_975 = arith.constant 0.000000e+00 : f32
      %broadcast_in_dim3A_976 = vector.broadcast %broadcast_in_dim3A_975 : f32 to vector<16xf32>
      %broadcast_in_dim3A_977 = arith.constant 0.000000e+00 : f32
      %broadcast_in_dim3A_978 = vector.broadcast %broadcast_in_dim3A_977 : f32 to vector<16xf32>
      %broadcast_in_dim3A_979 = arith.constant 0.000000e+00 : f32
      %broadcast_in_dim3A_980 = vector.broadcast %broadcast_in_dim3A_979 : f32 to vector<16xf32>
      %broadcast_in_dim3A_981 = arith.constant 0.000000e+00 : f32
      %broadcast_in_dim3A_982 = vector.broadcast %broadcast_in_dim3A_981 : f32 to vector<16xf32>
      %scan3A_983 = arith.constant 0 : i32
      %scan3A_984 = arith.constant 64 : i32
      %scan3A_985 = arith.addi %scan3A_983, %scan3A_984 : i32
      %scan3A_986 = arith.constant 2 : i32
      %scan3A_987:8 = scf.for %scan3A_1037 = %scan3A_983 to %scan3A_985 step %scan3A_986 iter_args(%scan3A_1038 = %broadcast_in_dim3A_968, %scan3A_1039 = %broadcast_in_dim3A_970, %scan3A_1040 = %broadcast_in_dim3A_972, %scan3A_1041 = %broadcast_in_dim3A_974, %scan3A_1042 = %broadcast_in_dim3A_976, %scan3A_1043 = %broadcast_in_dim3A_978, %scan3A_1044 = %broadcast_in_dim3A_980, %scan3A_1045 = %broadcast_in_dim3A_982) -> (vector<16xf32>, vector<16xf32>, vector<16xf32>, vector<16xf32>, vector<16xf32>, vector<16xf32>, vector<16xf32>, vector<16xf32>)  : i32 {
        %add3A_1046 = vector.broadcast %scan3A_1037 : i32 to vector<16xi32>
        %add3A_1047 = arith.addi %iota3A, %add3A_1046 : vector<16xi32>
        %and3A = arith.constant 63 : i32
        %and3A_1048 = vector.broadcast %and3A : i32 to vector<16xi32>
        %and3A_1049 = arith.andi %add3A_1047, %and3A_1048 : vector<16xi32>
        %gather3A = tpu.vector_load_idx %arg11[%broadcast_in_dim3A_966, %and3A_1049] : memref<128x64xf32, #tpu.memory_space<vmem>>[vector<16xi32>, vector<16xi32>], vector<16xf32>,
        %gather3A_1050 = arith.constant 0 : i32
        %gather3A_1051 = arith.constant 0 : i32
        %gather3A_1052 = tpu.memref_slice %arg13[%scan3A_147, %gather3A_1050, %gather3A_1051] : memref<8x128x64xf32, #tpu.memory_space<vmem>> -> memref<1x128x64xf32, #tpu.memory_space<vmem>>
        %gather3A_1053 = tpu.memref_squeeze %gather3A_1052 : memref<1x128x64xf32, #tpu.memory_space<vmem>> -> memref<128x64xf32, #tpu.memory_space<vmem>>
        %gather3A_1054 = tpu.vector_load_idx %gather3A_1053[%add3A_5, %and3A_1049] : memref<128x64xf32, #tpu.memory_space<vmem>>[vector<16xi32>, vector<16xi32>], vector<16xf32>,
        %sub3A_1055 = arith.subf %gather3A, %gather3A_1054 : vector<16xf32>
        %abs3A = math.absf %sub3A_1055 : vector<16xf32>
        %add3A_1056 = arith.addf %scan3A_1038, %abs3A : vector<16xf32>
        %gather3A_1057 = arith.constant 0 : i32
        %gather3A_1058 = arith.constant 0 : i32
        %gather3A_1059 = tpu.memref_slice %arg13[%scan3A_147, %gather3A_1057, %gather3A_1058] : memref<8x128x64xf32, #tpu.memory_space<vmem>> -> memref<1x128x64xf32, #tpu.memory_space<vmem>>
        %gather3A_1060 = tpu.memref_squeeze %gather3A_1059 : memref<1x128x64xf32, #tpu.memory_space<vmem>> -> memref<128x64xf32, #tpu.memory_space<vmem>>
        %gather3A_1061 = tpu.vector_load_idx %gather3A_1060[%add3A_8, %and3A_1049] : memref<128x64xf32, #tpu.memory_space<vmem>>[vector<16xi32>, vector<16xi32>], vector<16xf32>,
        %sub3A_1062 = arith.subf %gather3A, %gather3A_1061 : vector<16xf32>
        %abs3A_1063 = math.absf %sub3A_1062 : vector<16xf32>
        %add3A_1064 = arith.addf %scan3A_1039, %abs3A_1063 : vector<16xf32>
        %gather3A_1065 = arith.constant 0 : i32
        %gather3A_1066 = arith.constant 0 : i32
        %gather3A_1067 = tpu.memref_slice %arg13[%scan3A_147, %gather3A_1065, %gather3A_1066] : memref<8x128x64xf32, #tpu.memory_space<vmem>> -> memref<1x128x64xf32, #tpu.memory_space<vmem>>
        %gather3A_1068 = tpu.memref_squeeze %gather3A_1067 : memref<1x128x64xf32, #tpu.memory_space<vmem>> -> memref<128x64xf32, #tpu.memory_space<vmem>>
        %gather3A_1069 = tpu.vector_load_idx %gather3A_1068[%add3A_11, %and3A_1049] : memref<128x64xf32, #tpu.memory_space<vmem>>[vector<16xi32>, vector<16xi32>], vector<16xf32>,
        %sub3A_1070 = arith.subf %gather3A, %gather3A_1069 : vector<16xf32>
        %abs3A_1071 = math.absf %sub3A_1070 : vector<16xf32>
        %add3A_1072 = arith.addf %scan3A_1040, %abs3A_1071 : vector<16xf32>
        %gather3A_1073 = arith.constant 0 : i32
        %gather3A_1074 = arith.constant 0 : i32
        %gather3A_1075 = tpu.memref_slice %arg13[%scan3A_147, %gather3A_1073, %gather3A_1074] : memref<8x128x64xf32, #tpu.memory_space<vmem>> -> memref<1x128x64xf32, #tpu.memory_space<vmem>>
        %gather3A_1076 = tpu.memref_squeeze %gather3A_1075 : memref<1x128x64xf32, #tpu.memory_space<vmem>> -> memref<128x64xf32, #tpu.memory_space<vmem>>
        %gather3A_1077 = tpu.vector_load_idx %gather3A_1076[%add3A_14, %and3A_1049] : memref<128x64xf32, #tpu.memory_space<vmem>>[vector<16xi32>, vector<16xi32>], vector<16xf32>,
        %sub3A_1078 = arith.subf %gather3A, %gather3A_1077 : vector<16xf32>
        %abs3A_1079 = math.absf %sub3A_1078 : vector<16xf32>
        %add3A_1080 = arith.addf %scan3A_1041, %abs3A_1079 : vector<16xf32>
        %gather3A_1081 = arith.constant 0 : i32
        %gather3A_1082 = arith.constant 0 : i32
        %gather3A_1083 = tpu.memref_slice %arg13[%scan3A_147, %gather3A_1081, %gather3A_1082] : memref<8x128x64xf32, #tpu.memory_space<vmem>> -> memref<1x128x64xf32, #tpu.memory_space<vmem>>
        %gather3A_1084 = tpu.memref_squeeze %gather3A_1083 : memref<1x128x64xf32, #tpu.memory_space<vmem>> -> memref<128x64xf32, #tpu.memory_space<vmem>>
        %gather3A_1085 = tpu.vector_load_idx %gather3A_1084[%add3A_17, %and3A_1049] : memref<128x64xf32, #tpu.memory_space<vmem>>[vector<16xi32>, vector<16xi32>], vector<16xf32>,
        %sub3A_1086 = arith.subf %gather3A, %gather3A_1085 : vector<16xf32>
        %abs3A_1087 = math.absf %sub3A_1086 : vector<16xf32>
        %add3A_1088 = arith.addf %scan3A_1042, %abs3A_1087 : vector<16xf32>
        %gather3A_1089 = arith.constant 0 : i32
        %gather3A_1090 = arith.constant 0 : i32
        %gather3A_1091 = tpu.memref_slice %arg13[%scan3A_147, %gather3A_1089, %gather3A_1090] : memref<8x128x64xf32, #tpu.memory_space<vmem>> -> memref<1x128x64xf32, #tpu.memory_space<vmem>>
        %gather3A_1092 = tpu.memref_squeeze %gather3A_1091 : memref<1x128x64xf32, #tpu.memory_space<vmem>> -> memref<128x64xf32, #tpu.memory_space<vmem>>
        %gather3A_1093 = tpu.vector_load_idx %gather3A_1092[%add3A_20, %and3A_1049] : memref<128x64xf32, #tpu.memory_space<vmem>>[vector<16xi32>, vector<16xi32>], vector<16xf32>,
        %sub3A_1094 = arith.subf %gather3A, %gather3A_1093 : vector<16xf32>
        %abs3A_1095 = math.absf %sub3A_1094 : vector<16xf32>
        %add3A_1096 = arith.addf %scan3A_1043, %abs3A_1095 : vector<16xf32>
        %gather3A_1097 = arith.constant 0 : i32
        %gather3A_1098 = arith.constant 0 : i32
        %gather3A_1099 = tpu.memref_slice %arg13[%scan3A_147, %gather3A_1097, %gather3A_1098] : memref<8x128x64xf32, #tpu.memory_space<vmem>> -> memref<1x128x64xf32, #tpu.memory_space<vmem>>
        %gather3A_1100 = tpu.memref_squeeze %gather3A_1099 : memref<1x128x64xf32, #tpu.memory_space<vmem>> -> memref<128x64xf32, #tpu.memory_space<vmem>>
        %gather3A_1101 = tpu.vector_load_idx %gather3A_1100[%add3A_23, %and3A_1049] : memref<128x64xf32, #tpu.memory_space<vmem>>[vector<16xi32>, vector<16xi32>], vector<16xf32>,
        %sub3A_1102 = arith.subf %gather3A, %gather3A_1101 : vector<16xf32>
        %abs3A_1103 = math.absf %sub3A_1102 : vector<16xf32>
        %add3A_1104 = arith.addf %scan3A_1044, %abs3A_1103 : vector<16xf32>
        %gather3A_1105 = arith.constant 0 : i32
        %gather3A_1106 = arith.constant 0 : i32
        %gather3A_1107 = tpu.memref_slice %arg13[%scan3A_147, %gather3A_1105, %gather3A_1106] : memref<8x128x64xf32, #tpu.memory_space<vmem>> -> memref<1x128x64xf32, #tpu.memory_space<vmem>>
        %gather3A_1108 = tpu.memref_squeeze %gather3A_1107 : memref<1x128x64xf32, #tpu.memory_space<vmem>> -> memref<128x64xf32, #tpu.memory_space<vmem>>
        %gather3A_1109 = tpu.vector_load_idx %gather3A_1108[%add3A_26, %and3A_1049] : memref<128x64xf32, #tpu.memory_space<vmem>>[vector<16xi32>, vector<16xi32>], vector<16xf32>,
        %sub3A_1110 = arith.subf %gather3A, %gather3A_1109 : vector<16xf32>
        %abs3A_1111 = math.absf %sub3A_1110 : vector<16xf32>
        %add3A_1112 = arith.addf %scan3A_1045, %abs3A_1111 : vector<16xf32>
        %scan3A_1113 = arith.constant 1 : i32
        %scan3A_1114 = arith.addi %scan3A_1037, %scan3A_1113 : i32
        %add3A_1115 = vector.broadcast %scan3A_1114 : i32 to vector<16xi32>
        %add3A_1116 = arith.addi %iota3A, %add3A_1115 : vector<16xi32>
        %and3A_1117 = arith.constant 63 : i32
        %and3A_1118 = vector.broadcast %and3A_1117 : i32 to vector<16xi32>
        %and3A_1119 = arith.andi %add3A_1116, %and3A_1118 : vector<16xi32>
        %gather3A_1120 = tpu.vector_load_idx %arg11[%broadcast_in_dim3A_966, %and3A_1119] : memref<128x64xf32, #tpu.memory_space<vmem>>[vector<16xi32>, vector<16xi32>], vector<16xf32>,
        %gather3A_1121 = arith.constant 0 : i32
        %gather3A_1122 = arith.constant 0 : i32
        %gather3A_1123 = tpu.memref_slice %arg13[%scan3A_147, %gather3A_1121, %gather3A_1122] : memref<8x128x64xf32, #tpu.memory_space<vmem>> -> memref<1x128x64xf32, #tpu.memory_space<vmem>>
        %gather3A_1124 = tpu.memref_squeeze %gather3A_1123 : memref<1x128x64xf32, #tpu.memory_space<vmem>> -> memref<128x64xf32, #tpu.memory_space<vmem>>
        %gather3A_1125 = tpu.vector_load_idx %gather3A_1124[%add3A_5, %and3A_1119] : memref<128x64xf32, #tpu.memory_space<vmem>>[vector<16xi32>, vector<16xi32>], vector<16xf32>,
        %sub3A_1126 = arith.subf %gather3A_1120, %gather3A_1125 : vector<16xf32>
        %abs3A_1127 = math.absf %sub3A_1126 : vector<16xf32>
        %add3A_1128 = arith.addf %add3A_1056, %abs3A_1127 : vector<16xf32>
        %gather3A_1129 = arith.constant 0 : i32
        %gather3A_1130 = arith.constant 0 : i32
        %gather3A_1131 = tpu.memref_slice %arg13[%scan3A_147, %gather3A_1129, %gather3A_1130] : memref<8x128x64xf32, #tpu.memory_space<vmem>> -> memref<1x128x64xf32, #tpu.memory_space<vmem>>
        %gather3A_1132 = tpu.memref_squeeze %gather3A_1131 : memref<1x128x64xf32, #tpu.memory_space<vmem>> -> memref<128x64xf32, #tpu.memory_space<vmem>>
        %gather3A_1133 = tpu.vector_load_idx %gather3A_1132[%add3A_8, %and3A_1119] : memref<128x64xf32, #tpu.memory_space<vmem>>[vector<16xi32>, vector<16xi32>], vector<16xf32>,
        %sub3A_1134 = arith.subf %gather3A_1120, %gather3A_1133 : vector<16xf32>
        %abs3A_1135 = math.absf %sub3A_1134 : vector<16xf32>
        %add3A_1136 = arith.addf %add3A_1064, %abs3A_1135 : vector<16xf32>
        %gather3A_1137 = arith.constant 0 : i32
        %gather3A_1138 = arith.constant 0 : i32
        %gather3A_1139 = tpu.memref_slice %arg13[%scan3A_147, %gather3A_1137, %gather3A_1138] : memref<8x128x64xf32, #tpu.memory_space<vmem>> -> memref<1x128x64xf32, #tpu.memory_space<vmem>>
        %gather3A_1140 = tpu.memref_squeeze %gather3A_1139 : memref<1x128x64xf32, #tpu.memory_space<vmem>> -> memref<128x64xf32, #tpu.memory_space<vmem>>
        %gather3A_1141 = tpu.vector_load_idx %gather3A_1140[%add3A_11, %and3A_1119] : memref<128x64xf32, #tpu.memory_space<vmem>>[vector<16xi32>, vector<16xi32>], vector<16xf32>,
        %sub3A_1142 = arith.subf %gather3A_1120, %gather3A_1141 : vector<16xf32>
        %abs3A_1143 = math.absf %sub3A_1142 : vector<16xf32>
        %add3A_1144 = arith.addf %add3A_1072, %abs3A_1143 : vector<16xf32>
        %gather3A_1145 = arith.constant 0 : i32
        %gather3A_1146 = arith.constant 0 : i32
        %gather3A_1147 = tpu.memref_slice %arg13[%scan3A_147, %gather3A_1145, %gather3A_1146] : memref<8x128x64xf32, #tpu.memory_space<vmem>> -> memref<1x128x64xf32, #tpu.memory_space<vmem>>
        %gather3A_1148 = tpu.memref_squeeze %gather3A_1147 : memref<1x128x64xf32, #tpu.memory_space<vmem>> -> memref<128x64xf32, #tpu.memory_space<vmem>>
        %gather3A_1149 = tpu.vector_load_idx %gather3A_1148[%add3A_14, %and3A_1119] : memref<128x64xf32, #tpu.memory_space<vmem>>[vector<16xi32>, vector<16xi32>], vector<16xf32>,
        %sub3A_1150 = arith.subf %gather3A_1120, %gather3A_1149 : vector<16xf32>
        %abs3A_1151 = math.absf %sub3A_1150 : vector<16xf32>
        %add3A_1152 = arith.addf %add3A_1080, %abs3A_1151 : vector<16xf32>
        %gather3A_1153 = arith.constant 0 : i32
        %gather3A_1154 = arith.constant 0 : i32
        %gather3A_1155 = tpu.memref_slice %arg13[%scan3A_147, %gather3A_1153, %gather3A_1154] : memref<8x128x64xf32, #tpu.memory_space<vmem>> -> memref<1x128x64xf32, #tpu.memory_space<vmem>>
        %gather3A_1156 = tpu.memref_squeeze %gather3A_1155 : memref<1x128x64xf32, #tpu.memory_space<vmem>> -> memref<128x64xf32, #tpu.memory_space<vmem>>
        %gather3A_1157 = tpu.vector_load_idx %gather3A_1156[%add3A_17, %and3A_1119] : memref<128x64xf32, #tpu.memory_space<vmem>>[vector<16xi32>, vector<16xi32>], vector<16xf32>,
        %sub3A_1158 = arith.subf %gather3A_1120, %gather3A_1157 : vector<16xf32>
        %abs3A_1159 = math.absf %sub3A_1158 : vector<16xf32>
        %add3A_1160 = arith.addf %add3A_1088, %abs3A_1159 : vector<16xf32>
        %gather3A_1161 = arith.constant 0 : i32
        %gather3A_1162 = arith.constant 0 : i32
        %gather3A_1163 = tpu.memref_slice %arg13[%scan3A_147, %gather3A_1161, %gather3A_1162] : memref<8x128x64xf32, #tpu.memory_space<vmem>> -> memref<1x128x64xf32, #tpu.memory_space<vmem>>
        %gather3A_1164 = tpu.memref_squeeze %gather3A_1163 : memref<1x128x64xf32, #tpu.memory_space<vmem>> -> memref<128x64xf32, #tpu.memory_space<vmem>>
        %gather3A_1165 = tpu.vector_load_idx %gather3A_1164[%add3A_20, %and3A_1119] : memref<128x64xf32, #tpu.memory_space<vmem>>[vector<16xi32>, vector<16xi32>], vector<16xf32>,
        %sub3A_1166 = arith.subf %gather3A_1120, %gather3A_1165 : vector<16xf32>
        %abs3A_1167 = math.absf %sub3A_1166 : vector<16xf32>
        %add3A_1168 = arith.addf %add3A_1096, %abs3A_1167 : vector<16xf32>
        %gather3A_1169 = arith.constant 0 : i32
        %gather3A_1170 = arith.constant 0 : i32
        %gather3A_1171 = tpu.memref_slice %arg13[%scan3A_147, %gather3A_1169, %gather3A_1170] : memref<8x128x64xf32, #tpu.memory_space<vmem>> -> memref<1x128x64xf32, #tpu.memory_space<vmem>>
        %gather3A_1172 = tpu.memref_squeeze %gather3A_1171 : memref<1x128x64xf32, #tpu.memory_space<vmem>> -> memref<128x64xf32, #tpu.memory_space<vmem>>
        %gather3A_1173 = tpu.vector_load_idx %gather3A_1172[%add3A_23, %and3A_1119] : memref<128x64xf32, #tpu.memory_space<vmem>>[vector<16xi32>, vector<16xi32>], vector<16xf32>,
        %sub3A_1174 = arith.subf %gather3A_1120, %gather3A_1173 : vector<16xf32>
        %abs3A_1175 = math.absf %sub3A_1174 : vector<16xf32>
        %add3A_1176 = arith.addf %add3A_1104, %abs3A_1175 : vector<16xf32>
        %gather3A_1177 = arith.constant 0 : i32
        %gather3A_1178 = arith.constant 0 : i32
        %gather3A_1179 = tpu.memref_slice %arg13[%scan3A_147, %gather3A_1177, %gather3A_1178] : memref<8x128x64xf32, #tpu.memory_space<vmem>> -> memref<1x128x64xf32, #tpu.memory_space<vmem>>
        %gather3A_1180 = tpu.memref_squeeze %gather3A_1179 : memref<1x128x64xf32, #tpu.memory_space<vmem>> -> memref<128x64xf32, #tpu.memory_space<vmem>>
        %gather3A_1181 = tpu.vector_load_idx %gather3A_1180[%add3A_26, %and3A_1119] : memref<128x64xf32, #tpu.memory_space<vmem>>[vector<16xi32>, vector<16xi32>], vector<16xf32>,
        %sub3A_1182 = arith.subf %gather3A_1120, %gather3A_1181 : vector<16xf32>
        %abs3A_1183 = math.absf %sub3A_1182 : vector<16xf32>
        %add3A_1184 = arith.addf %add3A_1112, %abs3A_1183 : vector<16xf32>
        scf.yield %add3A_1128, %add3A_1136, %add3A_1144, %add3A_1152, %add3A_1160, %add3A_1168, %add3A_1176, %add3A_1184 : vector<16xf32>, vector<16xf32>, vector<16xf32>, vector<16xf32>, vector<16xf32>, vector<16xf32>, vector<16xf32>, vector<16xf32>
      }
      %scan3A_988 = arith.constant 64 : i32
      %sub3A_989 = arith.constant 1.200000e+01 : f32
      %sub3A_990 = vector.broadcast %sub3A_989 : f32 to vector<16xf32>
      %sub3A_991 = arith.subf %sub3A_990, %scan3A_987#0 : vector<16xf32>
      %swap3A_992 = arith.index_cast %add3A_939 : i32 to index
      %swap3A_993 = arith.constant 0 : index
      %swap3A_994 = tpu.vector_load %arg12[%swap3A_992, %swap3A_993] {strides = array<i32>} : memref<128x128xf32, #tpu.memory_space<vmem>>, vector<16xf32>,
      tpu.vector_store %arg12[%swap3A_992, %swap3A_993], %sub3A_991 {strides = array<i32>} : memref<128x128xf32, #tpu.memory_space<vmem>>, vector<16xf32>,
      %sub3A_995 = arith.constant 1.200000e+01 : f32
      %sub3A_996 = vector.broadcast %sub3A_995 : f32 to vector<16xf32>
      %sub3A_997 = arith.subf %sub3A_996, %scan3A_987#1 : vector<16xf32>
      %swap3A_998 = arith.index_cast %add3A_939 : i32 to index
      %swap3A_999 = arith.constant 16 : index
      %swap3A_1000 = tpu.vector_load %arg12[%swap3A_998, %swap3A_999] {strides = array<i32>} : memref<128x128xf32, #tpu.memory_space<vmem>>, vector<16xf32>,
      tpu.vector_store %arg12[%swap3A_998, %swap3A_999], %sub3A_997 {strides = array<i32>} : memref<128x128xf32, #tpu.memory_space<vmem>>, vector<16xf32>,
      %sub3A_1001 = arith.constant 1.200000e+01 : f32
      %sub3A_1002 = vector.broadcast %sub3A_1001 : f32 to vector<16xf32>
      %sub3A_1003 = arith.subf %sub3A_1002, %scan3A_987#2 : vector<16xf32>
      %swap3A_1004 = arith.index_cast %add3A_939 : i32 to index
      %swap3A_1005 = arith.constant 32 : index
      %swap3A_1006 = tpu.vector_load %arg12[%swap3A_1004, %swap3A_1005] {strides = array<i32>} : memref<128x128xf32, #tpu.memory_space<vmem>>, vector<16xf32>,
      tpu.vector_store %arg12[%swap3A_1004, %swap3A_1005], %sub3A_1003 {strides = array<i32>} : memref<128x128xf32, #tpu.memory_space<vmem>>, vector<16xf32>,
      %sub3A_1007 = arith.constant 1.200000e+01 : f32
      %sub3A_1008 = vector.broadcast %sub3A_1007 : f32 to vector<16xf32>
      %sub3A_1009 = arith.subf %sub3A_1008, %scan3A_987#3 : vector<16xf32>
      %swap3A_1010 = arith.index_cast %add3A_939 : i32 to index
      %swap3A_1011 = arith.constant 48 : index
      %swap3A_1012 = tpu.vector_load %arg12[%swap3A_1010, %swap3A_1011] {strides = array<i32>} : memref<128x128xf32, #tpu.memory_space<vmem>>, vector<16xf32>,
      tpu.vector_store %arg12[%swap3A_1010, %swap3A_1011], %sub3A_1009 {strides = array<i32>} : memref<128x128xf32, #tpu.memory_space<vmem>>, vector<16xf32>,
      %sub3A_1013 = arith.constant 1.200000e+01 : f32
      %sub3A_1014 = vector.broadcast %sub3A_1013 : f32 to vector<16xf32>
      %sub3A_1015 = arith.subf %sub3A_1014, %scan3A_987#4 : vector<16xf32>
      %swap3A_1016 = arith.index_cast %add3A_939 : i32 to index
      %swap3A_1017 = arith.constant 64 : index
      %swap3A_1018 = tpu.vector_load %arg12[%swap3A_1016, %swap3A_1017] {strides = array<i32>} : memref<128x128xf32, #tpu.memory_space<vmem>>, vector<16xf32>,
      tpu.vector_store %arg12[%swap3A_1016, %swap3A_1017], %sub3A_1015 {strides = array<i32>} : memref<128x128xf32, #tpu.memory_space<vmem>>, vector<16xf32>,
      %sub3A_1019 = arith.constant 1.200000e+01 : f32
      %sub3A_1020 = vector.broadcast %sub3A_1019 : f32 to vector<16xf32>
      %sub3A_1021 = arith.subf %sub3A_1020, %scan3A_987#5 : vector<16xf32>
      %swap3A_1022 = arith.index_cast %add3A_939 : i32 to index
      %swap3A_1023 = arith.constant 80 : index
      %swap3A_1024 = tpu.vector_load %arg12[%swap3A_1022, %swap3A_1023] {strides = array<i32>} : memref<128x128xf32, #tpu.memory_space<vmem>>, vector<16xf32>,
      tpu.vector_store %arg12[%swap3A_1022, %swap3A_1023], %sub3A_1021 {strides = array<i32>} : memref<128x128xf32, #tpu.memory_space<vmem>>, vector<16xf32>,
      %sub3A_1025 = arith.constant 1.200000e+01 : f32
      %sub3A_1026 = vector.broadcast %sub3A_1025 : f32 to vector<16xf32>
      %sub3A_1027 = arith.subf %sub3A_1026, %scan3A_987#6 : vector<16xf32>
      %swap3A_1028 = arith.index_cast %add3A_939 : i32 to index
      %swap3A_1029 = arith.constant 96 : index
      %swap3A_1030 = tpu.vector_load %arg12[%swap3A_1028, %swap3A_1029] {strides = array<i32>} : memref<128x128xf32, #tpu.memory_space<vmem>>, vector<16xf32>,
      tpu.vector_store %arg12[%swap3A_1028, %swap3A_1029], %sub3A_1027 {strides = array<i32>} : memref<128x128xf32, #tpu.memory_space<vmem>>, vector<16xf32>,
      %sub3A_1031 = arith.constant 1.200000e+01 : f32
      %sub3A_1032 = vector.broadcast %sub3A_1031 : f32 to vector<16xf32>
      %sub3A_1033 = arith.subf %sub3A_1032, %scan3A_987#7 : vector<16xf32>
      %swap3A_1034 = arith.index_cast %add3A_939 : i32 to index
      %swap3A_1035 = arith.constant 112 : index
      %swap3A_1036 = tpu.vector_load %arg12[%swap3A_1034, %swap3A_1035] {strides = array<i32>} : memref<128x128xf32, #tpu.memory_space<vmem>>, vector<16xf32>,
      tpu.vector_store %arg12[%swap3A_1034, %swap3A_1035], %sub3A_1033 {strides = array<i32>} : memref<128x128xf32, #tpu.memory_space<vmem>>, vector<16xf32>,
    }
    %scan3A_159 = arith.constant 16 : i32
    %dma_wait3A_160 = arith.constant 127 : i32
    %dma_wait3A_161 = arith.constant 0 : i32
    %dma_wait3A_162 = arith.constant 0 : i32
    %dma_wait3A_163 = arith.constant 0 : i32
    %dma_wait3A_164 = tpu.memref_slice %arg13[%dma_wait3A_161, %dma_wait3A_162, %dma_wait3A_163] : memref<8x128x64xf32, #tpu.memory_space<vmem>> -> memref<1x128x64xf32, #tpu.memory_space<vmem>>
    %dma_wait3A_165 = tpu.memref_squeeze %dma_wait3A_164 : memref<1x128x64xf32, #tpu.memory_space<vmem>> -> memref<128x64xf32, #tpu.memory_space<vmem>>
    %dma_wait3A_166 = arith.constant 0 : i32
    %dma_wait3A_167 = tpu.memref_slice %arg10[%dma_wait3A_160, %dma_wait3A_166] : memref<128x128xi32, #tpu.memory_space<vmem>> -> memref<1x128xi32, #tpu.memory_space<vmem>>
    %dma_wait3A_168 = tpu.memref_squeeze %dma_wait3A_167 : memref<1x128xi32, #tpu.memory_space<vmem>> -> memref<128xi32, #tpu.memory_space<vmem>>
    %dma_wait3A_169 = arith.constant 0 : i32
    %dma_wait3A_170 = arith.constant 0 : i32
    %dma_wait3A_171 = tpu.memref_slice %arg5[%dma_wait3A_169, %dma_wait3A_170] : memref<1015808x64xf32, #tpu.memory_space<hbm>> -> memref<1015808x64xf32, #tpu.memory_space<hbm>>
    tpu.wait_indirect_dma semaphore(%arg15 : memref<!tpu.dma_semaphore, #tpu.memory_space<semaphore_mem>>) src(%dma_wait3A_171 : memref<1015808x64xf32, #tpu.memory_space<hbm>>) dst(%dma_wait3A_165 : memref<128x64xf32, #tpu.memory_space<vmem>>)
    %dma_wait3A_172 = arith.constant 127 : i32
    %dma_wait3A_173 = arith.constant 1 : i32
    %dma_wait3A_174 = arith.constant 0 : i32
    %dma_wait3A_175 = arith.constant 0 : i32
    %dma_wait3A_176 = tpu.memref_slice %arg13[%dma_wait3A_173, %dma_wait3A_174, %dma_wait3A_175] : memref<8x128x64xf32, #tpu.memory_space<vmem>> -> memref<1x128x64xf32, #tpu.memory_space<vmem>>
    %dma_wait3A_177 = tpu.memref_squeeze %dma_wait3A_176 : memref<1x128x64xf32, #tpu.memory_space<vmem>> -> memref<128x64xf32, #tpu.memory_space<vmem>>
    %dma_wait3A_178 = arith.constant 0 : i32
    %dma_wait3A_179 = tpu.memref_slice %arg10[%dma_wait3A_172, %dma_wait3A_178] : memref<128x128xi32, #tpu.memory_space<vmem>> -> memref<1x128xi32, #tpu.memory_space<vmem>>
    %dma_wait3A_180 = tpu.memref_squeeze %dma_wait3A_179 : memref<1x128xi32, #tpu.memory_space<vmem>> -> memref<128xi32, #tpu.memory_space<vmem>>
    %dma_wait3A_181 = arith.constant 0 : i32
    %dma_wait3A_182 = arith.constant 0 : i32
    %dma_wait3A_183 = tpu.memref_slice %arg5[%dma_wait3A_181, %dma_wait3A_182] : memref<1015808x64xf32, #tpu.memory_space<hbm>> -> memref<1015808x64xf32, #tpu.memory_space<hbm>>
    tpu.wait_indirect_dma semaphore(%arg16 : memref<!tpu.dma_semaphore, #tpu.memory_space<semaphore_mem>>) src(%dma_wait3A_183 : memref<1015808x64xf32, #tpu.memory_space<hbm>>) dst(%dma_wait3A_177 : memref<128x64xf32, #tpu.memory_space<vmem>>)
    %dma_wait3A_184 = arith.constant 127 : i32
    %dma_wait3A_185 = arith.constant 2 : i32
    %dma_wait3A_186 = arith.constant 0 : i32
    %dma_wait3A_187 = arith.constant 0 : i32
    %dma_wait3A_188 = tpu.memref_slice %arg13[%dma_wait3A_185, %dma_wait3A_186, %dma_wait3A_187] : memref<8x128x64xf32, #tpu.memory_space<vmem>> -> memref<1x128x64xf32, #tpu.memory_space<vmem>>
    %dma_wait3A_189 = tpu.memref_squeeze %dma_wait3A_188 : memref<1x128x64xf32, #tpu.memory_space<vmem>> -> memref<128x64xf32, #tpu.memory_space<vmem>>
    %dma_wait3A_190 = arith.constant 0 : i32
    %dma_wait3A_191 = tpu.memref_slice %arg10[%dma_wait3A_184, %dma_wait3A_190] : memref<128x128xi32, #tpu.memory_space<vmem>> -> memref<1x128xi32, #tpu.memory_space<vmem>>
    %dma_wait3A_192 = tpu.memref_squeeze %dma_wait3A_191 : memref<1x128xi32, #tpu.memory_space<vmem>> -> memref<128xi32, #tpu.memory_space<vmem>>
    %dma_wait3A_193 = arith.constant 0 : i32
    %dma_wait3A_194 = arith.constant 0 : i32
    %dma_wait3A_195 = tpu.memref_slice %arg5[%dma_wait3A_193, %dma_wait3A_194] : memref<1015808x64xf32, #tpu.memory_space<hbm>> -> memref<1015808x64xf32, #tpu.memory_space<hbm>>
    tpu.wait_indirect_dma semaphore(%arg17 : memref<!tpu.dma_semaphore, #tpu.memory_space<semaphore_mem>>) src(%dma_wait3A_195 : memref<1015808x64xf32, #tpu.memory_space<hbm>>) dst(%dma_wait3A_189 : memref<128x64xf32, #tpu.memory_space<vmem>>)
    %dma_wait3A_196 = arith.constant 127 : i32
    %dma_wait3A_197 = arith.constant 3 : i32
    %dma_wait3A_198 = arith.constant 0 : i32
    %dma_wait3A_199 = arith.constant 0 : i32
    %dma_wait3A_200 = tpu.memref_slice %arg13[%dma_wait3A_197, %dma_wait3A_198, %dma_wait3A_199] : memref<8x128x64xf32, #tpu.memory_space<vmem>> -> memref<1x128x64xf32, #tpu.memory_space<vmem>>
    %dma_wait3A_201 = tpu.memref_squeeze %dma_wait3A_200 : memref<1x128x64xf32, #tpu.memory_space<vmem>> -> memref<128x64xf32, #tpu.memory_space<vmem>>
    %dma_wait3A_202 = arith.constant 0 : i32
    %dma_wait3A_203 = tpu.memref_slice %arg10[%dma_wait3A_196, %dma_wait3A_202] : memref<128x128xi32, #tpu.memory_space<vmem>> -> memref<1x128xi32, #tpu.memory_space<vmem>>
    %dma_wait3A_204 = tpu.memref_squeeze %dma_wait3A_203 : memref<1x128xi32, #tpu.memory_space<vmem>> -> memref<128xi32, #tpu.memory_space<vmem>>
    %dma_wait3A_205 = arith.constant 0 : i32
    %dma_wait3A_206 = arith.constant 0 : i32
    %dma_wait3A_207 = tpu.memref_slice %arg5[%dma_wait3A_205, %dma_wait3A_206] : memref<1015808x64xf32, #tpu.memory_space<hbm>> -> memref<1015808x64xf32, #tpu.memory_space<hbm>>
    tpu.wait_indirect_dma semaphore(%arg18 : memref<!tpu.dma_semaphore, #tpu.memory_space<semaphore_mem>>) src(%dma_wait3A_207 : memref<1015808x64xf32, #tpu.memory_space<hbm>>) dst(%dma_wait3A_201 : memref<128x64xf32, #tpu.memory_space<vmem>>)
    %dma_wait3A_208 = arith.constant 127 : i32
    %dma_wait3A_209 = arith.constant 4 : i32
    %dma_wait3A_210 = arith.constant 0 : i32
    %dma_wait3A_211 = arith.constant 0 : i32
    %dma_wait3A_212 = tpu.memref_slice %arg13[%dma_wait3A_209, %dma_wait3A_210, %dma_wait3A_211] : memref<8x128x64xf32, #tpu.memory_space<vmem>> -> memref<1x128x64xf32, #tpu.memory_space<vmem>>
    %dma_wait3A_213 = tpu.memref_squeeze %dma_wait3A_212 : memref<1x128x64xf32, #tpu.memory_space<vmem>> -> memref<128x64xf32, #tpu.memory_space<vmem>>
    %dma_wait3A_214 = arith.constant 0 : i32
    %dma_wait3A_215 = tpu.memref_slice %arg10[%dma_wait3A_208, %dma_wait3A_214] : memref<128x128xi32, #tpu.memory_space<vmem>> -> memref<1x128xi32, #tpu.memory_space<vmem>>
    %dma_wait3A_216 = tpu.memref_squeeze %dma_wait3A_215 : memref<1x128xi32, #tpu.memory_space<vmem>> -> memref<128xi32, #tpu.memory_space<vmem>>
    %dma_wait3A_217 = arith.constant 0 : i32
    %dma_wait3A_218 = arith.constant 0 : i32
    %dma_wait3A_219 = tpu.memref_slice %arg5[%dma_wait3A_217, %dma_wait3A_218] : memref<1015808x64xf32, #tpu.memory_space<hbm>> -> memref<1015808x64xf32, #tpu.memory_space<hbm>>
    tpu.wait_indirect_dma semaphore(%arg19 : memref<!tpu.dma_semaphore, #tpu.memory_space<semaphore_mem>>) src(%dma_wait3A_219 : memref<1015808x64xf32, #tpu.memory_space<hbm>>) dst(%dma_wait3A_213 : memref<128x64xf32, #tpu.memory_space<vmem>>)
    %dma_wait3A_220 = arith.constant 127 : i32
    %dma_wait3A_221 = arith.constant 5 : i32
    %dma_wait3A_222 = arith.constant 0 : i32
    %dma_wait3A_223 = arith.constant 0 : i32
    %dma_wait3A_224 = tpu.memref_slice %arg13[%dma_wait3A_221, %dma_wait3A_222, %dma_wait3A_223] : memref<8x128x64xf32, #tpu.memory_space<vmem>> -> memref<1x128x64xf32, #tpu.memory_space<vmem>>
    %dma_wait3A_225 = tpu.memref_squeeze %dma_wait3A_224 : memref<1x128x64xf32, #tpu.memory_space<vmem>> -> memref<128x64xf32, #tpu.memory_space<vmem>>
    %dma_wait3A_226 = arith.constant 0 : i32
    %dma_wait3A_227 = tpu.memref_slice %arg10[%dma_wait3A_220, %dma_wait3A_226] : memref<128x128xi32, #tpu.memory_space<vmem>> -> memref<1x128xi32, #tpu.memory_space<vmem>>
    %dma_wait3A_228 = tpu.memref_squeeze %dma_wait3A_227 : memref<1x128xi32, #tpu.memory_space<vmem>> -> memref<128xi32, #tpu.memory_space<vmem>>
    %dma_wait3A_229 = arith.constant 0 : i32
    %dma_wait3A_230 = arith.constant 0 : i32
    %dma_wait3A_231 = tpu.memref_slice %arg5[%dma_wait3A_229, %dma_wait3A_230] : memref<1015808x64xf32, #tpu.memory_space<hbm>> -> memref<1015808x64xf32, #tpu.memory_space<hbm>>
    tpu.wait_indirect_dma semaphore(%arg20 : memref<!tpu.dma_semaphore, #tpu.memory_space<semaphore_mem>>) src(%dma_wait3A_231 : memref<1015808x64xf32, #tpu.memory_space<hbm>>) dst(%dma_wait3A_225 : memref<128x64xf32, #tpu.memory_space<vmem>>)
    %dma_wait3A_232 = arith.constant 127 : i32
    %dma_wait3A_233 = arith.constant 6 : i32
    %dma_wait3A_234 = arith.constant 0 : i32
    %dma_wait3A_235 = arith.constant 0 : i32
    %dma_wait3A_236 = tpu.memref_slice %arg13[%dma_wait3A_233, %dma_wait3A_234, %dma_wait3A_235] : memref<8x128x64xf32, #tpu.memory_space<vmem>> -> memref<1x128x64xf32, #tpu.memory_space<vmem>>
    %dma_wait3A_237 = tpu.memref_squeeze %dma_wait3A_236 : memref<1x128x64xf32, #tpu.memory_space<vmem>> -> memref<128x64xf32, #tpu.memory_space<vmem>>
    %dma_wait3A_238 = arith.constant 0 : i32
    %dma_wait3A_239 = tpu.memref_slice %arg10[%dma_wait3A_232, %dma_wait3A_238] : memref<128x128xi32, #tpu.memory_space<vmem>> -> memref<1x128xi32, #tpu.memory_space<vmem>>
    %dma_wait3A_240 = tpu.memref_squeeze %dma_wait3A_239 : memref<1x128xi32, #tpu.memory_space<vmem>> -> memref<128xi32, #tpu.memory_space<vmem>>
    %dma_wait3A_241 = arith.constant 0 : i32
    %dma_wait3A_242 = arith.constant 0 : i32
    %dma_wait3A_243 = tpu.memref_slice %arg5[%dma_wait3A_241, %dma_wait3A_242] : memref<1015808x64xf32, #tpu.memory_space<hbm>> -> memref<1015808x64xf32, #tpu.memory_space<hbm>>
    tpu.wait_indirect_dma semaphore(%arg21 : memref<!tpu.dma_semaphore, #tpu.memory_space<semaphore_mem>>) src(%dma_wait3A_243 : memref<1015808x64xf32, #tpu.memory_space<hbm>>) dst(%dma_wait3A_237 : memref<128x64xf32, #tpu.memory_space<vmem>>)
    "tpu.region"() ({
      %run_scoped3A = tpu.sem_alloc : memref<!tpu.dma_semaphore, #tpu.memory_space<semaphore_mem>>
      %dma_start3A_244 = arith.constant 0 : i32
      %dma_start3A_245 = tpu.memref_slice %arg7[%mul3A_2, %dma_start3A_244] : memref<4096x128xf32, #tpu.memory_space<hbm>> -> memref<128x128xf32, #tpu.memory_space<hbm>>
      %dma_start3A_246 = arith.constant 0 : i32
      %dma_start3A_247 = tpu.memref_slice %arg7[%mul3A_2, %dma_start3A_246] : memref<4096x128xf32, #tpu.memory_space<hbm>> -> memref<128x128xf32, #tpu.memory_space<hbm>>
      tpu.enqueue_dma source(%arg12 : memref<128x128xf32, #tpu.memory_space<vmem>>) target(%dma_start3A_247 : memref<128x128xf32, #tpu.memory_space<hbm>>) target_semaphore(%run_scoped3A : memref<!tpu.dma_semaphore, #tpu.memory_space<semaphore_mem>>)
      %dma_wait3A_248 = arith.constant 0 : i32
      %dma_wait3A_249 = tpu.memref_slice %arg7[%mul3A_2, %dma_wait3A_248] : memref<4096x128xf32, #tpu.memory_space<hbm>> -> memref<128x128xf32, #tpu.memory_space<hbm>>
      %dma_wait3A_250 = arith.constant 0 : i32
      %dma_wait3A_251 = tpu.memref_slice %arg7[%mul3A_2, %dma_wait3A_250] : memref<4096x128xf32, #tpu.memory_space<hbm>> -> memref<128x128xf32, #tpu.memory_space<hbm>>
      tpu.wait_dma2 semaphore(%run_scoped3A : memref<!tpu.dma_semaphore, #tpu.memory_space<semaphore_mem>>) src(%arg12 : memref<128x128xf32, #tpu.memory_space<vmem>>) dst(%dma_wait3A_251 : memref<128x128xf32, #tpu.memory_space<hbm>>)
      tpu.yield
    }) : () -> ()
    return
  }
}

</mosaic_0001>

<sc_bundles>
// kernel: _score.3.cloned.1.call-start
scs
__scs_entry_jumppad:
0x0: {  	(pc) =	sbr.rel $0x88, $3  }
0x1: {  	(tag) =	ssettag $0x0;
	lr =	simm.s32 $0x1  }
0x2: {  	[smem:$0x3F9C] =	sst lr;
	_ =	strace $0xD0000000  }
0x3: {  	_ = 	snop  }
0x4: {  	_ = 	snop  }
0x5: {  	_ = 	snop  }
0x6: {  	_ = 	snop  }
0x7: {  	_ = 	snop  }
__scs_overlays_trampoline_lowered:
0x8: {  	[smem:$0x3FAB] =	sst s0  }
0x9: {  	[smem:$0x3FAC] =	sst s1  }
0xa: {  	[smem:$0x3FAD] =	sst s2  }
0xb: {  	[smem:$0x3FAE] =	sst s3  }
0xc: {  	[smem:$0x3FAF] =	sst s4  }
0xd: {  	[smem:$0x3FB0] =	sst s5  }
0xe: {  	[smem:$0x3FB1] =	sst s6  }
0xf: {  	[smem:$0x3FB2] =	sst s7  }
0x10: {  	[smem:$0x3FB3] =	sst s8  }
0x11: {  	[smem:$0x3FB4] =	sst s9;
	s0 =	simm.s32 @!p0 $0x0  }
0x12: {  	s1 =	sld [smem:$0x3F9A];
	s0 =	simm.s32 @p0 $0x1  }
0x13: {  	[smem:$0x3FB5] =	sst s0;
	s0 =	simm.s32 @!p1 $0x0  }
0x14: {  	s2 =	sld [smem:$0x3F99];
	s0 =	simm.s32 @p1 $0x1  }
0x15: {  	[smem:$0x3FB6] =	sst s0;
	s0 =	simm.s32 @!p2 $0x0  }
0x16: {  	s3 =	sld [smem:$0x3FDB];
	s0 =	simm.s32 @p2 $0x1  }
0x17: {  	s4 =	simm.s32 $0x1BF5;
	[smem:$0x3FB8] =	sst s0  }
0x18: {  	s0 =	sld [smem:$0x3F9B];
	_ =	swait.ge [sflag:s4], $0x0  }
0x19: {  	s7 =	sld [smem:$0x3F9C]  }
0x1a: {  	s8 =	sadd.s32 $0xFFFFE003, lr  }
0x1b: {  	s9 =	sadd.s32 $0xFFFFFEF7, lr;
	s5 =	simm.s32 $0xFFFFFFFF;
	p2 =	slt.u32 s8, $0xFFFFF086  }
0x1c: {  	p1 =	slt.u32 s9, $0xF7A;
	s5 =	simm.s32 @!p2 $0x0  }
0x1d: {  	s5 =	simm.s32 @p1 $0x1;
	p0 =	seq.s32 s7, s2  }
0x1e: {  	s7 =	smul.u32 @!p0 $0xF7A, s2;
	p2 =	seq.s32 @!p0 s5, $0x0  }
0x1f: {  	s9 =	smul.u32 $0xF7A, s1;
	s8 =	simm.s32 @!p0 $0x1BF5;
	p2 =	por !p2, p0  }
0x20: {  	[sflag:s8] =	ssyncset.s32 @!p0 $0xFFFFF086;
	s6 =	sadd.s32 @!p0 s3, s7;
	s7 =	simm.s32 @!p0 $0x108  }
0x21: {  	s3 =	sadd.s32 s3, s9;
	s6 =	sadd.s32 @!p0 $0x88, s6;
	s7 =	simm.s32 @p2 $0x1082  }
0x22: {  	[simem:s7], [sflag:s8] =	dma.local @!p0 [hbm:s6], $0xF7A  }
0x23: {  	s9 =	sor.u32 $0xD0000000, s2;
	s6 =	simm.s32 $0x108;
	_ =	swait.ge @!p0 [sflag:s8], $0x0  }
0x24: {  	s3 =	sadd.s32 $0x88, s3;
	s6 =	simm.s32 @!p1 $0x1082;
	[sflag:s4] =	ssyncset.s32 $0xFFFFF086  }
0x25: {  	[simem:s6], [sflag:s4] =	dma.local [hbm:s3], $0xF7A  }
0x26: {  	[smem:$0x3F9C] =	sst s1;
	(tag) =	ssettag s2;
	_ =	strace s9  }
0x27: {  	s1 =	sld [smem:$0x3FAC]  }
0x28: {  	s2 =	sld [smem:$0x3FAD]  }
0x29: {  	s4 =	sld [smem:$0x3FAF]  }
0x2a: {  	p0 =	seq.s32 s5, $0x0;
	s5 =	sld [smem:$0x3FB0]  }
0x2b: {  	s6 =	sld [smem:$0x3FB1]  }
0x2c: {  	s7 =	sld [smem:$0x3FB2]  }
0x2d: {  	s3 =	simm.s32 $0x108;
	s8 =	sld [smem:$0x3FB3]  }
0x2e: {  	s3 =	simm.s32 @!p0 $0x1082;
	s9 =	sld [smem:$0x3FB4]  }
0x2f: {  	lr =	sadd.s32 s0, s3;
	s0 =	sld [smem:$0x3FAB]  }
0x30: {  	s3 =	sld [smem:$0x3FAE]  }
0x31: {  	[smem:$0x3FB7] =	sst s10  }
0x32: {  	s10 =	sld [smem:$0x3FB5];
	_ =	sdelay $0x3  }
0x33: {  	p0 =	seq.s32 s10, $0x1;
	s10 =	sld [smem:$0x3FB7];
	_ =	sdelay $0x3  }
0x34: {  	[smem:$0x3FB7] =	sst s10  }
0x35: {  	s10 =	sld [smem:$0x3FB6];
	_ =	sdelay $0x3  }
0x36: {  	p1 =	seq.s32 s10, $0x1;
	s10 =	sld [smem:$0x3FB7];
	_ =	sdelay $0x3  }
0x37: {  	[smem:$0x3FB7] =	sst s10  }
0x38: {  	s10 =	sld [smem:$0x3FB8]  }
0x39: {  	_ = 	snop;
	(pc) =	sbr.ind lr, $3  }
0x3a: {  	_ = 	snop  }
0x3b: {  	_ = 	snop  }
0x3c: {  	p2 =	seq.s32 s10, $0x1;
	s10 =	sld [smem:$0x3FB7]  }
0x3d: {  	_ =	shalt  }
0x3e: {  	_ =	shalt  }
0x3f: {  	_ =	shalt  }
0x40: {  	_ =	shalt  }
0x41: {  	_ =	shalt  }
0x42: {  	_ =	shalt  }
0x43: {  	_ =	shalt  }
0x44: {  	_ =	shalt  }
0x45: {  	_ =	shalt  }
0x46: {  	_ =	shalt  }
0x47: {  	_ =	shalt  }
0x48: {  	_ =	shalt  }
0x49: {  	_ =	shalt  }
0x4a: {  	_ =	shalt  }
0x4b: {  	_ =	shalt  }
0x4c: {  	_ =	shalt  }
0x4d: {  	_ =	shalt  }
0x4e: {  	_ =	shalt  }
0x4f: {  	_ =	shalt  }
0x50: {  	_ =	shalt  }
0x51: {  	_ =	shalt  }
0x52: {  	_ =	shalt  }
0x53: {  	_ =	shalt  }
0x54: {  	_ =	shalt  }
0x55: {  	_ =	shalt  }
0x56: {  	_ =	shalt  }
0x57: {  	_ =	shalt  }
0x58: {  	_ =	shalt  }
0x59: {  	_ =	shalt  }
0x5a: {  	_ =	shalt  }
0x5b: {  	_ =	shalt  }
0x5c: {  	_ =	shalt  }
0x5d: {  	_ =	shalt  }
0x5e: {  	_ =	shalt  }
0x5f: {  	_ =	shalt  }
0x60: {  	_ =	shalt  }
0x61: {  	_ =	shalt  }
0x62: {  	_ =	shalt  }
0x63: {  	_ =	shalt  }
0x64: {  	_ =	shalt  }
0x65: {  	_ =	shalt  }
0x66: {  	_ =	shalt  }
0x67: {  	_ =	shalt  }
0x68: {  	_ =	shalt  }
0x69: {  	_ =	shalt  }
0x6a: {  	_ =	shalt  }
0x6b: {  	_ =	shalt  }
0x6c: {  	_ =	shalt  }
0x6d: {  	_ =	shalt  }
0x6e: {  	_ =	shalt  }
0x6f: {  	_ =	shalt  }
0x70: {  	_ =	shalt  }
0x71: {  	_ =	shalt  }
0x72: {  	_ =	shalt  }
0x73: {  	_ =	shalt  }
0x74: {  	_ =	shalt  }
0x75: {  	_ =	shalt  }
0x76: {  	_ =	shalt  }
0x77: {  	_ =	shalt  }
0x78: {  	_ =	shalt  }
0x79: {  	_ =	shalt  }
0x7a: {  	_ =	shalt  }
0x7b: {  	_ =	shalt  }
0x7c: {  	_ =	shalt  }
0x7d: {  	_ =	shalt  }
0x7e: {  	_ =	shalt  }
0x7f: {  	_ =	shalt  }
0x80: {  	_ =	shalt  }
0x81: {  	_ =	shalt  }
0x82: {  	_ =	shalt  }
0x83: {  	_ =	shalt  }
0x84: {  	_ =	shalt  }
0x85: {  	_ =	shalt  }
0x86: {  	_ =	shalt  }
0x87: {  	_ =	shalt  }
.Lfunc_end0:
.L_simem_size_0:
called_computation_lowered:
.L_overlay_start_0:
0x88: {  	s2 =	sld [smem:$0x3FD9]  }
0x89: {  	s3 =	sld [smem:$0x3FFE];
	_ =	sdelay $0x1  }
0x8a: {  	s1 =	srdreg.scid  }
0x8b: {  	s0 =	sand.u32 $0x1, s1  }
0x8c: {  	s17 =	sshll.u32 s0, $0xA;
	s2 =	sadd.s32 s3, s2  }
0x8d: {  	s2 =	sadd.s32 s2, s17  }
0x8e: {  	[smem:$0x3FC3] =	sst s2  }
0x8f: {  	_ = 	snop  }
0x90: {  	s2 =	sld [smem:$0x3FC9]  }
0x91: {  	s18 =	sld [smem:$0x3FC8]  }
0x92: {  	s4 =	sld [smem:$0x3FC7]  }
0x93: {  	s5 =	sld [smem:$0x3FD0];
	(tm) =	ssettm $0x1  }
0x94: {  	s6 =	sld [smem:$0x3FFB];
	_ =	sdelay $0x3  }
0x95: {  	_ =	strace s6  }
0x96: {  	s6 =	sld [smem:$0x3FFC];
	_ =	sdelay $0x3  }
0x97: {  	_ =	strace s6  }
0x98: {  	s6 =	sld [smem:$0x3FFD];
	_ =	sdelay $0x3  }
0x99: {  	_ =	strace s6  }
0x9a: {  	_ =	strace $0x8FFFFFFF  }
0x9b: {  	s19 =	sld [smem:$0x3FDB];
	_ =	sdelay $0x1  }
0x9c: {  	s7 =	simm.s32 $_scs_section_size  }
0x9d: {  	s8 =	simm.s32 $_size__tile_overlayer_lowered;
	s9 =	simm.s32 $_tile_overlayer_lowered  }
0x9e: {  	s22 =	simm.s32 $0x1BFF;
	s21 =	sshll.u32 s9, $0x1;
	s6 =	sadd.s32 s7, s19  }
0x9f: {  	s10 =	simm.s32 $0x0;
	s20 =	sshll.u32 s8, $0x1;
	s8 =	sadd.s32 s21, s6  }
0xa0: {  	[timem:s10], [sflag:s22] =	dma.local [hbm:s8], s20  }
0xa1: {  	_ =	swait.ge [sflag:s22], s20  }
0xa2: {  	s7 =	ssub.s32 $0x0, s20;
	[sflag:s22] =	ssyncset.done $0x0  }
0xa3: {  	[sflag:s22] =	ssyncadd.s32 s7;
	_ =	sdelay $0x1  }
0xa4: {  	s23 =	simm.s32 $0x1B8B  }
0xa5: {  	_ =	swait.ge [sflag:s23], $0x1  }
0xa6: {  	[sflag:s23] =	ssyncset.done $0x0  }
0xa7: {  	s25 =	simm.s32 $0x1B8E;
	s24 =	sld [smem:$0x3FFE];
	[sflag:s23] =	ssyncadd.s32 $0xFFFFFFFF  }
0xa8: {  	s26 =	simm.s32 $execute0_lowered;
	[smem:$0x3FD2] =	sst s25  }
0xa9: {  	s8 =	sshll.u32 s26, $0x1;
	_ =	strace $0x80000046;
	[dreg:$0x1] =	wrdreg $0xFFFFFFFF  }
0xaa: {  	s28 =	simm.s32 $_size_execute0_lowered;
	s6 =	sadd.s32 s6, s8;
	[dreg:$0x0] =	wrdreg $0x0  }
0xab: {  	s8 =	sshll.u32 s28, $0x1;
	[dreg:$0x2] =	wrdreg s6  }
0xac: {  	[dreg:$0x3] =	wrdreg s8  }
0xad: {  	[dreg:$0x4] =	wrdreg $0xC0  }
0xae: {  	_ =	task [dreg:s10], $0x5FFFF  }
0xaf: {  	[dreg:$0x1] =	wrdreg $0xFFFFFFFF  }
0xb0: {  	[dreg:$0x0] =	wrdreg $0x60  }
0xb1: {  	[dreg:$0x2] =	wrdreg s2  }
0xb2: {  	[dreg:$0x3] =	wrdreg s18  }
0xb3: {  	[dreg:$0x4] =	wrdreg s4  }
0xb4: {  	[dreg:$0x5] =	wrdreg s24  }
0xb5: {  	[dreg:$0x6] =	wrdreg s5  }
0xb6: {  	[dreg:$0x7] =	wrdreg $0x9  }
0xb7: {  	_ =	task.clear_ibuf [dreg:s10], $0x8FFFF;
	_ =	strace $0x90000046  }
0xb8: {  	s29 =	simm.s32 $0x9;
	_ =	strace $0x80000048  }
0xb9: {  	_ =	swait.ge [sflag:s29], $0x1  }
0xba: {  	[sflag:s29] =	ssyncadd.s32 $0xFFFFFFFF  }
0xbb: {  	_ =	strace $0x90000048  }
0xbc: {  	_ =	sfence  }
0xbd: {  	s30 =	sld [smem:$0x0];
	_ =	sdelay $0x2  }
0xbe: {  	s31 =	sshll.u32 s1, $0xD;
	s1 =	sshrl.u32 s1, $0x2  }
0xbf: {  	s3 =	sand.u32 $0x4000, s31;
	s1 =	sadd.s32 s1, s30  }
0xc0: {  	s0 =	sor.u32 s3, s0;
	s1 =	sshll.u32 s1, $0x11  }
0xc1: {  	s0 =	sor.u32 s1, s0  }
0xc2: {  	s0 =	sadd.s32 $0x8F2B, s0  }
0xc3: {  	[sflag:s0] =	ssyncadd.remote.s32 $0x1  }
0xc4: {  	_ =	sfence.sel $0xFFFF  }
0xc5: {  	[dreg:$0x0] =	wrdreg $0xFFFFFFFF;
	(pc) =	sbr.abs _section_cstart, $3  }
0xc6: {  	[dreg:$0x1] =	wrdreg $0xFFFFFFFF  }
0xc7: {  	_ =	task.clear_ibuf [dreg:s10], $0x2FFFF;
	_ =	strace $0x9FFFFFFF  }
0xc8: {  	(tm) =	ssettm $0x7FFFFFFF  }
0xc9: {  	_ =	shalt  }
tec
execute0_lowered:
.L_overlay_start_1:
0x0: {  	(tag) =	ssettag $0x1  }
0x1: {  	s0 =	rddreg [dreg:$0x0]  }
0x2: {  	s2 =	rddreg [dreg:$0x1]  }
0x3: {  	s4 =	rddreg [dreg:$0x2]  }
0x4: {  	s5 =	rddreg [dreg:$0x3]  }
0x5: {  	s6 =	rddreg [dreg:$0x4];
	s1 =	simm.s32 $0x0  }
0x6: {  	s7 =	srdreg.scid;
	s9 =	stileid.u32;
	s10 =	simm.s32 $0x9  }
0x7: {  	s11 =	simm.s32 $0x80;
	s13 =	simm.s32 $0xA100;
	s14 =	simm.s32 $0x1  }
0x8: {  	s15 =	simm.s32 $0xC100;
	s16 =	simm.s32 $0x2;
	s19 =	simm.s32 $0xE100  }
0x9: {  	s28 =	simm.s32 $0x16100;
	s29 =	simm.s32 $0x18100;
	s30 =	simm.s32 $0x4100  }
0xa: {  	s31 =	simm.s32 $0x3;
	s17 =	simm.s32 $0x6;
	s18 =	simm.s32 $0x7  }
0xb: {  	s20 =	simm.s32 $0x8;
	[smem:$0x7FF] =	sst s1;
	s7 =	sand.u32 $0x1, s7  }
0xc: {  	s9 =	sshll.u32 s9, $0x8;
	s8 =	ssub.s32 $0x2, s7;
	s7 =	sshll.u32 s7, $0x7  }
0xd: {  	s3 =	sadd.s32 $0xF80600, s5;
	s5 =	sadd.s32 $0x600, s5;
	s7 =	sor.u32 s7, s9  }
0xe: {  	_ =	strace $0x80000047;
	s21 =	sshrl.u32 s8, $0x1;
	s22 =	sshrl.u32 s7, $0x3  }
0xf: {  	[dreg:$0x6] =	wrdreg s5;
	s5 =	ssub.s32 s8, s21;
	s0 =	sadd.s32 s0, s22  }
0x10: {  	v0 =	vlaneseq.u32;
	s7 =	sshll.u32 s7, $0x4;
	s23 =	sadd.s32 s2, s22;
	[dreg:$0x7] =	wrdreg s0  }
0x11: {  	v1 =	vmul.u32 $0x40, v0;
	s21 =	simm.s32 $0x10100;
	s24 =	sadd.s32 s4, s7;
	[dreg:$0x8] =	wrdreg s23  }
0x12: {  	s25 =	sadd.s32 s6, s7;
	s26 =	smax.u32 s5, $0x1;
	[dreg:$0x9] =	wrdreg s24  }
0x13: {  	v2 =	vor.u32 $0x400, v1;
	s7 =	simm.s32 $0x100;
	s2 =	simm.s32 $0x5;
	[dreg:$0xa] =	wrdreg s25  }
0x14: {  	v3 =	vor.u32 $0x800, v1;
	v4 =	vor.u32 $0xC00, v1;
	v5 =	vor.u32 $0x1000, v1;
	[dreg:$0xb] =	wrdreg s26;
	s23 =	simm.s32 $0x12100;
	s25 =	simm.s32 $0x14100  }
0x15: {  	v6 =	vor.u32 $0x1400, v1;
	v7 =	vor.u32 $0x1800, v1;
	v8 =	vor.u32 $0x1C00, v1;
	s0 =	simm.s32 $0x4;
	s24 =	simm.s32 $0x0;
	s26 =	simm.s32 $0x0  }
.LBB2_1:
0x16: {  	s4 =	rddreg [dreg:$0x7]  }
0x17: {  	[tilespmem:s1], [sflag:$0x9] =	stream.linear.gather [hbm4b:s4+s1], $0x80, $0x38;
	[tilespmem:$0x1A100] =	vst v63  }
0x18: {  	_ =	swait.ge [sflag:s10], $0x80  }
0x19: {  	[sflag:s10] =	ssyncset.done $0x0  }
0x1a: {  	s9 =	rddreg [dreg:$0x8];
	[sflag:s10] =	ssyncadd.s32 $0xFFFFFF80  }
0x1b: {  	[tilespmem:s11], [sflag:$0x9] =	stream.linear.gather [hbm4b:s9+s1], $0x80, $0x38;
	[tilespmem:$0x1A100] =	vst v63  }
0x1c: {  	_ =	swait.ge [sflag:s10], $0x80  }
0x1d: {  	[sflag:s10] =	ssyncset.done $0x0  }
0x1e: {  	s12 =	rddreg [dreg:$0x9];
	[sflag:s10] =	ssyncadd.s32 $0xFFFFFF80  }
0x1f: {  	[tilespmem:s7], [sflag:$0x9] =	stream.linear.gather [hbm4b:s12+s1], $0x4000, $0x38;
	[tilespmem:$0x1A100] =	vst v63  }
0x20: {  	_ =	swait.ge [sflag:s10], $0x4000  }
0x21: {  	[sflag:s10] =	ssyncset.done $0x0  }
0x22: {  	[sflag:s10] =	ssyncadd.s32 $0xFFFFC000  }
0x23: {  	[tilespmem:s13], [sflag:$0x1] =	stream.indirect.gather [hbm4b:s3+s11], $0x40, s1, s11, $0xb8;
	[tilespmem:$0x1A100] =	vst v63  }
0x24: {  	_ =	swait.ge [sflag:s14], $0x2000  }
0x25: {  	[sflag:s14] =	ssyncset.done $0x0  }
0x26: {  	s22 =	rddreg [dreg:$0x6];
	[sflag:s14] =	ssyncadd.s32 $0xFFFFE000  }
0x27: {  	[tilespmem:s15], [sflag:$0x2] =	stream.indirect.gather [hbm4b:s22+s11], $0x40, s11, s11, $0xb8;
	[tilespmem:$0x1A100] =	vst v63  }
0x28: {  	_ =	swait.ge [sflag:s16], $0x2000  }
0x29: {  	[sflag:s16] =	ssyncset.done $0x0  }
0x2a: {  	s4 =	simm.s32 $0x0;
	[sflag:s16] =	ssyncadd.s32 $0xFFFFE000  }
0x2b: {  	v11 =	vld [tilespmem:s4+$0xA130]  }
0x2c: {  	v13 =	vld [tilespmem:s4+$0xC130]  }
0x2d: {  	v14 =	vld [tilespmem:s4+$0xA100]  }
0x2e: {  	v15 =	vld [tilespmem:s4+$0xC100]  }
0x2f: {  	v10 =	vld [tilespmem:s4+$0xA110]  }
0x30: {  	v12 =	vld [tilespmem:s4+$0xC110]  }
0x31: {  	v9 =	vld [tilespmem:s4+$0xA120];
	v16 =	vadd.f32 v13, v11  }
0x32: {  	s5 =	simm.s32 $0x40;
	v13 =	vld [tilespmem:s4+$0xC120]  }
0x33: {  	s6 =	simm.s32 $0x200;
	v11 =	vld [tilespmem:s5+$0xA130];
	v14 =	vadd.f32 v15, v14;
	[tilespmem:s4+$0x4130] =	vst v16  }
.LBB2_2:
0x34: {  	p0 =	sne.s32 s6, $0x7F00;
	v15 =	vld [tilespmem:s5+$0xC130]  }
0x35: {  	v16 =	vld [tilespmem:s5+$0xA100];
	[tilespmem:s4+$0x4100] =	vst v14;
	v12 =	vadd.f32 v12, v10  }
0x36: {  	v14 =	vld [tilespmem:s5+$0xC100]  }
.Ltmp0:
0x37: {  	v10 =	vld [tilespmem:s5+$0xA110];
	[tilespmem:s4+$0x4110] =	vst v12;
	v13 =	vadd.f32 v13, v9;
	(pc) =	sbr.rel @p0 .LBB2_2-.Ltmp0, $4  }
0x38: {  	v12 =	vld [tilespmem:s5+$0xC110]  }
0x39: {  	v9 =	vld [tilespmem:s5+$0xA120];
	v15 =	vadd.f32 v15, v11;
	[tilespmem:s4+$0x4120] =	vst v13;
	s4 =	smov.u32 s5  }
0x3a: {  	s5 =	sshra.s32 s6, $0x2;
	v13 =	vld [tilespmem:s4+$0xC120]  }
0x3b: {  	s6 =	sadd.s32 $0x100, s6;
	v11 =	vld [tilespmem:s5+$0xA130];
	v14 =	vadd.f32 v14, v16;
	[tilespmem:s4+$0x4130] =	vst v15  }
0x3c: {  	v15 =	vld [tilespmem:s5+$0xC130]  }
0x3d: {  	v16 =	vld [tilespmem:s5+$0xA100];
	[tilespmem:s4+$0x4100] =	vst v14;
	v10 =	vadd.f32 v12, v10  }
0x3e: {  	v62 =	vld [tilespmem:s5+$0xC100]  }
0x3f: {  	v14 =	vld [tilespmem:s5+$0xA110];
	[tilespmem:s4+$0x4110] =	vst v10;
	v9 =	vadd.f32 v13, v9  }
0x40: {  	v10 =	vld [tilespmem:s5+$0xC110]  }
0x41: {  	v63 =	vld [tilespmem:s5+$0xA120];
	[tilespmem:s4+$0x4120] =	vst v9  }
0x42: {  	v9 =	vld [tilespmem:s5+$0xC120];
	_ =	sdelay $0x1  }
0x43: {  	v11 =	vadd.f32 v15, v11  }
0x44: {  	v12 =	vadd.f32 v62, v16  }
0x45: {  	[tilespmem:s5+$0x4130] =	vst v11;
	v10 =	vadd.f32 v10, v14  }
0x46: {  	[tilespmem:s5+$0x4100] =	vst v12;
	v9 =	vadd.f32 v9, v63  }
0x47: {  	[tilespmem:s5+$0x4110] =	vst v10  }
0x48: {  	[tilespmem:s5+$0x4120] =	vst v9  }
0x49: {  	[tilespmem:s13], [sflag:$0x1] =	stream.indirect.gather [hbm4b:s3+s11], $0x40, s7, s11, $0xb8;
	[tilespmem:$0x1A100] =	vst v63  }
0x4a: {  	s6 =	simm.s32 $0x180  }
0x4b: {  	[tilespmem:s15], [sflag:$0x2] =	stream.indirect.gather [hbm4b:s3+s11], $0x40, s6, s11, $0xb8;
	[tilespmem:$0x1A100] =	vst v63  }
0x4c: {  	s7 =	simm.s32 $0x200  }
0x4d: {  	[tilespmem:s19], [sflag:$0x3] =	stream.indirect.gather [hbm4b:s3+s11], $0x40, s7, s11, $0xb8;
	[tilespmem:$0x1A100] =	vst v63  }
0x4e: {  	s8 =	simm.s32 $0x280  }
0x4f: {  	[tilespmem:s21], [sflag:$0x4] =	stream.indirect.gather [hbm4b:s3+s11], $0x40, s8, s11, $0xb8;
	[tilespmem:$0x1A100] =	vst v63  }
0x50: {  	s9 =	simm.s32 $0x300  }
0x51: {  	[tilespmem:s23], [sflag:$0x5] =	stream.indirect.gather [hbm4b:s3+s11], $0x40, s9, s11, $0xb8;
	[tilespmem:$0x1A100] =	vst v63  }
0x52: {  	s12 =	simm.s32 $0x380  }
0x53: {  	[tilespmem:s25], [sflag:$0x6] =	stream.indirect.gather [hbm4b:s3+s11], $0x40, s12, s11, $0xb8;
	[tilespmem:$0x1A100] =	vst v63  }
0x54: {  	s22 =	simm.s32 $0x400  }
0x55: {  	[tilespmem:s28], [sflag:$0x7] =	stream.indirect.gather [hbm4b:s3+s11], $0x40, s22, s11, $0xb8;
	[tilespmem:$0x1A100] =	vst v63  }
0x56: {  	s22 =	simm.s32 $0x0  }
.LBB2_4:
0x57: {  	s4 =	sshllo.u32 s22, $0x3;
	s5 =	simm.s32 $0x1  }
0x58: {  	s7 =	sshll.u32 s22, $0x9;
	s6 =	sshll.u32 s4, $0x9;
	v9 =	vadd.s32 s5, v0  }
0x59: {  	v10 =	vmov s7;
	s12 =	sshrl.u32 s6, $0x2;
	v11 =	vand.u32 $0x3F, v9  }
0x5a: {  	s9 =	sadd.s32 $0x100, s12;
	v9 =	vor.u32 v10, v11  }
0x5b: {  	v13 =	vadd.s32 s26, v0;
	v12 =	vor.u32 v4, v11;
	[tilespmem:s29], [sflag:$0x8] =	stream.indirect.gather [hbm4b:s3+s11], $0x40, s9, s11, $0xb8;
	[tilespmem:$0x1A100] =	vst v63  }
0x5c: {  	v13 =	vand.u32 $0x3F, v13;
	v14 =	vor.u32 v8, v11;
	_ =	swait.ge [sflag:s14], $0x2000  }
0x5d: {  	v15 =	vor.u32 v10, v13;
	[sflag:s14] =	ssyncset.done $0x0  }
0x5e: {  	v16 =	vor.u32 v7, v11;
	[sflag:s14] =	ssyncadd.s32 $0xFFFFE000  }
0x5f: {  	v17 =	vor.u32 v1, v13;
	v9 =	vld.idx.msk [tilespmem:v9+s30+$0x0], $0xffff  }
0x60: {  	v18 =	vor.u32 v3, v13;
	v19 =	vld.idx.msk [tilespmem:v12+s13+$0x0], $0xffff  }
0x61: {  	v20 =	vor.u32 v2, v13;
	v14 =	vld.idx.msk [tilespmem:v14+s13+$0x0], $0xffff  }
0x62: {  	v12 =	vld.idx.msk [tilespmem:v15+s30+$0x0], $0xffff  }
0x63: {  	v26 =	vor.u32 v4, v13;
	v16 =	vld.idx.msk [tilespmem:v16+s13+$0x0], $0xffff  }
0x64: {  	v27 =	vor.u32 v1, v11;
	v17 =	vld.idx.msk [tilespmem:v17+s13+$0x0], $0xffff  }
0x65: {  	v31 =	vor.u32 v7, v13;
	v28 =	vld.idx.msk [tilespmem:v18+s13+$0x0], $0xffff  }
0x66: {  	v15 =	vor.u32 v8, v13;
	v34 =	vld.idx.msk [tilespmem:v20+s13+$0x0], $0xffff  }
0x67: {  	v22 =	vimm.f32 $0.0e+00;
	v36 =	vor.u32 v6, v13;
	v37 =	vor.u32 v3, v11  }
0x68: {  	v24 =	vor.u32 v2, v11;
	v32 =	vor.u32 v5, v11;
	v18 =	vor.u32 v5, v13;
	v29 =	vld.idx.msk [tilespmem:v26+s13+$0x0], $0xffff  }
0x69: {  	v20 =	vor.u32 v6, v11;
	v30 =	vld.idx.msk [tilespmem:v27+s13+$0x0], $0xffff;
	v25 =	vsub.f32 v9, v19;
	v21 =	vsub.f32 v9, v14  }
0x6a: {  	v27 =	vld.idx.msk [tilespmem:v31+s13+$0x0], $0xffff;
	v26 =	vimm.f32 $0.0e+00;
	v13 =	vsub.f32 v9, v16;
	v35 =	vsub.f32 v12, v17  }
0x6b: {  	v11 =	vimm.f32 $0.0e+00;
	v23 =	vld.idx.msk [tilespmem:v15+s13+$0x0], $0xffff;
	v33 =	vsub.f32 v12, v28;
	v31 =	vsub.f32 v12, v34  }
0x6c: {  	v28 =	vld.idx.msk [tilespmem:v36+s13+$0x0], $0xffff;
	v19 =	vimm.f32 $0.0e+00;
	v17 =	vimm.f32 $0.0e+00;
	v14 =	vimm.f32 $0.0e+00  }
0x6d: {  	s5 =	sshll.u32 s22, $0x3;
	s6 =	simm.s32 $0x2;
	v34 =	vld.idx.msk [tilespmem:v37+s13+$0x0], $0xffff;
	v16 =	vimm.f32 $0.0e+00;
	v15 =	vimm.f32 $0.0e+00;
	v13 =	vand.u32 $0x7FFFFFFF, v13  }
.LBB2_5:
0x6e: {  	s7 =	sadd.s32 $0x1, s6  }
0x6f: {  	p0 =	slt.u32 s6, $0x3E;
	v35 =	vand.u32 $0x7FFFFFFF, v35;
	v25 =	vand.u32 $0x7FFFFFFF, v25;
	v32 =	vld.idx.msk [tilespmem:v32+s13+$0x0], $0xffff;
	v36 =	vand.u32 $0x7FFFFFFF, v21;
	s8 =	smov.u32 s6;
	s6 =	sadd.s32 $0x2, s6  }
0x70: {  	v29 =	vsub.f32 v12, v29;
	v21 =	vadd.s32 s7, v0;
	v22 =	vadd.f32 v35, v22;
	v35 =	vld.idx.msk [tilespmem:v18+s13+$0x0], $0xffff  }
0x71: {  	v18 =	vand.u32 $0x7FFFFFFF, v33;
	v37 =	vand.u32 $0x3F, v21;
	v21 =	vsub.f32 v9, v30;
	v24 =	vld.idx.msk [tilespmem:v24+s13+$0x0], $0xffff  }
0x72: {  	v30 =	vor.u32 v10, v37;
	v33 =	vor.u32 v4, v37;
	v38 =	vor.u32 v7, v37  }
0x73: {  	v31 =	vand.u32 $0x7FFFFFFF, v31;
	v29 =	vand.u32 $0x7FFFFFFF, v29;
	v39 =	vor.u32 v8, v37  }
0x74: {  	v27 =	vsub.f32 v12, v27;
	v21 =	vand.u32 $0x7FFFFFFF, v21;
	v34 =	vsub.f32 v9, v34  }
0x75: {  	v41 =	vsub.f32 v12, v23;
	v40 =	vadd.s32 s8, v0;
	v28 =	vsub.f32 v12, v28  }
0x76: {  	v23 =	vand.u32 $0x3F, v40;
	v26 =	vadd.f32 v18, v26;
	v18 =	vsub.f32 v9, v32;
	v20 =	vld.idx.msk [tilespmem:v20+s13+$0x0], $0xffff  }
0x77: {  	v40 =	vor.u32 v1, v23;
	v32 =	vor.u32 v10, v23;
	v42 =	vsub.f32 v9, v24;
	v30 =	vld.idx.msk [tilespmem:v30+s30+$0x0], $0xffff  }
0x78: {  	v43 =	vor.u32 v2, v23;
	v24 =	vor.u32 v3, v23;
	v44 =	vand.u32 $0x7FFFFFFF, v18;
	v33 =	vld.idx.msk [tilespmem:v33+s13+$0x0], $0xffff  }
0x79: {  	v45 =	vor.u32 v4, v23;
	v34 =	vand.u32 $0x7FFFFFFF, v34;
	v18 =	vor.u32 v5, v23  }
0x7a: {  	v46 =	vor.u32 v6, v23;
	v27 =	vand.u32 $0x7FFFFFFF, v27;
	v22 =	vadd.f32 v21, v22  }
0x7b: {  	v19 =	vadd.f32 v31, v19;
	v47 =	vor.u32 v7, v23;
	v28 =	vand.u32 $0x7FFFFFFF, v28;
	v21 =	vld.idx.msk [tilespmem:v39+s13+$0x0], $0xffff  }
0x7c: {  	v17 =	vadd.f32 v28, v17;
	v23 =	vor.u32 v8, v23;
	v31 =	vld.idx.msk [tilespmem:v32+s30+$0x0], $0xffff;
	v32 =	vsub.f32 v9, v20  }
0x7d: {  	v14 =	vadd.f32 v29, v14;
	v16 =	vadd.f32 v27, v16;
	v28 =	vor.u32 v1, v37;
	v38 =	vld.idx.msk [tilespmem:v38+s13+$0x0], $0xffff  }
0x7e: {  	v12 =	vsub.f32 v12, v35;
	v39 =	vor.u32 v3, v37;
	v9 =	vmovc v30;
	v27 =	vld.idx.msk [tilespmem:v40+s13+$0x0], $0xffff;
	v20 =	vand.u32 $0x7FFFFFFF, v32  }
0x7f: {  	v14 =	vadd.f32 v25, v14;
	v40 =	vld.idx.msk [tilespmem:v24+s13+$0x0], $0xffff;
	v24 =	vor.u32 v2, v37;
	v17 =	vadd.f32 v20, v17  }
0x80: {  	v16 =	vadd.f32 v13, v16;
	v12 =	vand.u32 $0x7FFFFFFF, v12;
	v20 =	vor.u32 v6, v37;
	v43 =	vld.idx.msk [tilespmem:v43+s13+$0x0], $0xffff  }
0x81: {  	v13 =	vand.u32 $0x7FFFFFFF, v42;
	v25 =	vsub.f32 v9, v33;
	v21 =	vsub.f32 v9, v21;
	v23 =	vld.idx.msk [tilespmem:v23+s13+$0x0], $0xffff  }
.Ltmp1:
0x82: {  	v15 =	vadd.f32 v12, v15;
	v19 =	vadd.f32 v13, v19;
	v32 =	vor.u32 v5, v37;
	v29 =	vld.idx.msk [tilespmem:v45+s13+$0x0], $0xffff;
	(pc) =	sbr.rel @p0 .LBB2_5-.Ltmp1, $4  }
0x83: {  	v26 =	vadd.f32 v34, v26;
	v12 =	vmovc v31;
	v13 =	vsub.f32 v9, v38;
	v30 =	vld.idx.msk [tilespmem:v28+s13+$0x0], $0xffff;
	v28 =	vand.u32 $0x7FFFFFFF, v41  }
0x84: {  	v35 =	vsub.f32 v12, v27;
	v27 =	vld.idx.msk [tilespmem:v47+s13+$0x0], $0xffff;
	v11 =	vadd.f32 v28, v11  }
0x85: {  	v15 =	vadd.f32 v44, v15;
	v33 =	vsub.f32 v12, v40;
	v28 =	vld.idx.msk [tilespmem:v46+s13+$0x0], $0xffff  }
0x86: {  	v13 =	vand.u32 $0x7FFFFFFF, v13;
	v31 =	vsub.f32 v12, v43;
	v34 =	vld.idx.msk [tilespmem:v39+s13+$0x0], $0xffff;
	v11 =	vadd.f32 v36, v11  }
0x87: {  	_ =	sdelay $0x3  }
0x88: {  	v10 =	vand.u32 $0x7FFFFFFF, v35;
	v32 =	vld.idx.msk [tilespmem:v32+s13+$0x0], $0xffff  }
0x89: {  	v18 =	vld.idx.msk [tilespmem:v18+s13+$0x0], $0xffff;
	v23 =	vsub.f32 v12, v23;
	v10 =	vadd.f32 v10, v22  }
0x8a: {  	v22 =	vld.idx.msk [tilespmem:v24+s13+$0x0], $0xffff;
	v24 =	vsub.f32 v12, v29;
	v29 =	vsub.f32 v9, v30;
	v30 =	vand.u32 $0x7FFFFFFF, v33  }
0x8b: {  	v31 =	vand.u32 $0x7FFFFFFF, v31;
	v27 =	vsub.f32 v12, v27;
	v26 =	vadd.f32 v30, v26  }
0x8c: {  	v20 =	vld.idx.msk [tilespmem:v20+s13+$0x0], $0xffff;
	v19 =	vadd.f32 v31, v19;
	v28 =	vsub.f32 v12, v28  }
0x8d: {  	v29 =	vand.u32 $0x7FFFFFFF, v29;
	v24 =	vand.u32 $0x7FFFFFFF, v24;
	v62 =	vsub.f32 v9, v34  }
0x8e: {  	v10 =	vadd.f32 v29, v10;
	v14 =	vadd.f32 v24, v14  }
0x8f: {  	v27 =	vand.u32 $0x7FFFFFFF, v27;
	v30 =	vsub.f32 v9, v32;
	v12 =	vsub.f32 v12, v18  }
0x90: {  	v28 =	vand.u32 $0x7FFFFFFF, v28;
	v16 =	vadd.f32 v27, v16;
	v22 =	vsub.f32 v9, v22  }
0x91: {  	v18 =	vand.u32 $0x7FFFFFFF, v25;
	v17 =	vadd.f32 v28, v17;
	v9 =	vsub.f32 v9, v20  }
0x92: {  	v14 =	vadd.f32 v18, v14;
	v12 =	vand.u32 $0x7FFFFFFF, v12;
	v18 =	vand.u32 $0x7FFFFFFF, v22  }
0x93: {  	v20 =	vand.u32 $0x7FFFFFFF, v62;
	v12 =	vadd.f32 v12, v15;
	v15 =	vadd.f32 v18, v19  }
0x94: {  	s6 =	sshll.u32 s22, $0xA;
	v10 =	vsub.f32 $1.200000000e+01, v10;
	v9 =	vand.u32 $0x7FFFFFFF, v9;
	v18 =	vadd.f32 v20, v26  }
0x95: {  	s7 =	sand.u32 $0x3FFFFC00, s6;
	v19 =	vand.u32 $0x7FFFFFFF, v30;
	v9 =	vadd.f32 v9, v17;
	v15 =	vsub.f32 $1.200000000e+01, v15  }
0x96: {  	[tilespmem:s7+$0x6100] =	vst v10;
	v17 =	vand.u32 $0x7FFFFFFF, v23;
	v12 =	vadd.f32 v19, v12;
	v10 =	vsub.f32 $1.200000000e+01, v18  }
0x97: {  	v14 =	vsub.f32 $1.200000000e+01, v14;
	v11 =	vadd.f32 v17, v11;
	[tilespmem:s7+$0x6110] =	vst v15  }
0x98: {  	v13 =	vadd.f32 v13, v16;
	v15 =	vand.u32 $0x7FFFFFFF, v21;
	[tilespmem:s7+$0x6120] =	vst v10;
	v10 =	vsub.f32 $1.200000000e+01, v12  }
0x99: {  	[tilespmem:s7+$0x6130] =	vst v14;
	v9 =	vsub.f32 $1.200000000e+01, v9;
	v11 =	vadd.f32 v15, v11  }
0x9a: {  	s8 =	simm.s32 $0x1;
	s6 =	sor.u32 $0x1, s5;
	[tilespmem:s7+$0x6140] =	vst v10;
	v10 =	vsub.f32 $1.200000000e+01, v13  }
0x9b: {  	s9 =	smin.u32 s5, $0x77;
	[tilespmem:s7+$0x6150] =	vst v9;
	v9 =	vsub.f32 $1.200000000e+01, v11;
	v11 =	vadd.s32 s8, v0;
	s8 =	sshll.u32 s6, $0x6  }
0x9c: {  	s9 =	sshll.u32 s9, $0x7;
	[tilespmem:s7+$0x6160] =	vst v10;
	v10 =	vmov s8;
	v11 =	vand.u32 $0x3F, v11  }
0x9d: {  	s8 =	sadd.s32 $0x500, s9;
	s9 =	simm.s32 $0x0;
	[tilespmem:s7+$0x6170] =	vst v9;
	v9 =	vor.u32 v10, v11  }
0x9e: {  	v12 =	vor.u32 v4, v11;
	[tilespmem:s13], [sflag:$0x1] =	stream.indirect.gather [hbm4b:s3+s11], $0x40, s8, s11, $0xb8;
	[tilespmem:$0x1A100] =	vst v63  }
0x9f: {  	v13 =	vadd.s32 s9, v0;
	v14 =	vor.u32 v8, v11;
	_ =	swait.ge [sflag:s16], $0x2000  }
0xa0: {  	v16 =	vor.u32 v7, v11;
	v13 =	vand.u32 $0x3F, v13;
	[sflag:s16] =	ssyncset.done $0x0  }
0xa1: {  	v15 =	vor.u32 v10, v13;
	[sflag:s16] =	ssyncadd.s32 $0xFFFFE000  }
0xa2: {  	v17 =	vor.u32 v1, v13;
	v9 =	vld.idx.msk [tilespmem:v9+s30+$0x0], $0xffff  }
0xa3: {  	v18 =	vor.u32 v3, v13;
	v19 =	vld.idx.msk [tilespmem:v12+s15+$0x0], $0xffff  }
0xa4: {  	v20 =	vor.u32 v2, v13;
	v14 =	vld.idx.msk [tilespmem:v14+s15+$0x0], $0xffff  }
0xa5: {  	v27 =	vor.u32 v1, v11;
	v16 =	vld.idx.msk [tilespmem:v16+s15+$0x0], $0xffff  }
0xa6: {  	v26 =	vor.u32 v4, v13;
	v12 =	vld.idx.msk [tilespmem:v15+s30+$0x0], $0xffff  }
0xa7: {  	v37 =	vor.u32 v3, v11;
	v17 =	vld.idx.msk [tilespmem:v17+s15+$0x0], $0xffff  }
0xa8: {  	v31 =	vor.u32 v7, v13;
	v28 =	vld.idx.msk [tilespmem:v18+s15+$0x0], $0xffff  }
0xa9: {  	v22 =	vimm.f32 $0.0e+00;
	v24 =	vor.u32 v2, v11;
	v15 =	vor.u32 v8, v13;
	v63 =	vld.idx.msk [tilespmem:v20+s15+$0x0], $0xffff  }
0xaa: {  	v33 =	vor.u32 v5, v11;
	v36 =	vor.u32 v6, v13;
	v30 =	vld.idx.msk [tilespmem:v27+s15+$0x0], $0xffff;
	v18 =	vor.u32 v5, v13  }
0xab: {  	v20 =	vor.u32 v6, v11;
	v29 =	vld.idx.msk [tilespmem:v26+s15+$0x0], $0xffff;
	v26 =	vimm.f32 $0.0e+00;
	v25 =	vsub.f32 v9, v19  }
0xac: {  	v32 =	vld.idx.msk [tilespmem:v37+s15+$0x0], $0xffff;
	v11 =	vimm.f32 $0.0e+00;
	v21 =	vsub.f32 v9, v14;
	v13 =	vsub.f32 v9, v16  }
0xad: {  	v27 =	vld.idx.msk [tilespmem:v31+s15+$0x0], $0xffff;
	v19 =	vimm.f32 $0.0e+00;
	v16 =	vimm.f32 $0.0e+00;
	v35 =	vsub.f32 v12, v17  }
0xae: {  	v14 =	vimm.f32 $0.0e+00;
	v23 =	vld.idx.msk [tilespmem:v15+s15+$0x0], $0xffff;
	v34 =	vsub.f32 v12, v28;
	v31 =	vsub.f32 v12, v63  }
0xaf: {  	s7 =	simm.s32 $0x2;
	v13 =	vand.u32 $0x7FFFFFFF, v13;
	v28 =	vld.idx.msk [tilespmem:v36+s15+$0x0], $0xffff;
	v17 =	vimm.f32 $0.0e+00;
	v15 =	vimm.f32 $0.0e+00  }
.LBB2_7:
0xb0: {  	s8 =	sadd.s32 $0x1, s7  }
0xb1: {  	p0 =	slt.u32 s7, $0x3E;
	v35 =	vand.u32 $0x7FFFFFFF, v35;
	v25 =	vand.u32 $0x7FFFFFFF, v25;
	v33 =	vld.idx.msk [tilespmem:v33+s15+$0x0], $0xffff;
	v36 =	vand.u32 $0x7FFFFFFF, v21;
	s9 =	smov.u32 s7;
	s7 =	sadd.s32 $0x2, s7  }
0xb2: {  	v29 =	vsub.f32 v12, v29;
	v21 =	vadd.s32 s8, v0;
	v22 =	vadd.f32 v35, v22;
	v35 =	vld.idx.msk [tilespmem:v18+s15+$0x0], $0xffff  }
0xb3: {  	v18 =	vand.u32 $0x7FFFFFFF, v34;
	v37 =	vand.u32 $0x3F, v21;
	v21 =	vsub.f32 v9, v30;
	v24 =	vld.idx.msk [tilespmem:v24+s15+$0x0], $0xffff  }
0xb4: {  	v30 =	vor.u32 v10, v37;
	v34 =	vor.u32 v4, v37;
	v38 =	vor.u32 v7, v37  }
0xb5: {  	v31 =	vand.u32 $0x7FFFFFFF, v31;
	v29 =	vand.u32 $0x7FFFFFFF, v29;
	v39 =	vor.u32 v8, v37  }
0xb6: {  	v27 =	vsub.f32 v12, v27;
	v21 =	vand.u32 $0x7FFFFFFF, v21;
	v32 =	vsub.f32 v9, v32  }
0xb7: {  	v41 =	vsub.f32 v12, v23;
	v40 =	vadd.s32 s9, v0;
	v28 =	vsub.f32 v12, v28  }
0xb8: {  	v23 =	vand.u32 $0x3F, v40;
	v26 =	vadd.f32 v18, v26;
	v18 =	vsub.f32 v9, v33;
	v20 =	vld.idx.msk [tilespmem:v20+s15+$0x0], $0xffff  }
0xb9: {  	v40 =	vor.u32 v1, v23;
	v33 =	vor.u32 v10, v23;
	v42 =	vsub.f32 v9, v24;
	v30 =	vld.idx.msk [tilespmem:v30+s30+$0x0], $0xffff  }
0xba: {  	v43 =	vor.u32 v2, v23;
	v24 =	vor.u32 v3, v23;
	v44 =	vand.u32 $0x7FFFFFFF, v18;
	v34 =	vld.idx.msk [tilespmem:v34+s15+$0x0], $0xffff  }
0xbb: {  	v45 =	vor.u32 v4, v23;
	v32 =	vand.u32 $0x7FFFFFFF, v32;
	v18 =	vor.u32 v5, v23  }
0xbc: {  	v46 =	vor.u32 v6, v23;
	v27 =	vand.u32 $0x7FFFFFFF, v27;
	v22 =	vadd.f32 v21, v22  }
0xbd: {  	v19 =	vadd.f32 v31, v19;
	v47 =	vor.u32 v7, v23;
	v28 =	vand.u32 $0x7FFFFFFF, v28;
	v21 =	vld.idx.msk [tilespmem:v39+s15+$0x0], $0xffff  }
0xbe: {  	v17 =	vadd.f32 v28, v17;
	v23 =	vor.u32 v8, v23;
	v31 =	vld.idx.msk [tilespmem:v33+s30+$0x0], $0xffff;
	v33 =	vsub.f32 v9, v20  }
0xbf: {  	v15 =	vadd.f32 v29, v15;
	v16 =	vadd.f32 v27, v16;
	v28 =	vor.u32 v1, v37;
	v38 =	vld.idx.msk [tilespmem:v38+s15+$0x0], $0xffff  }
0xc0: {  	v12 =	vsub.f32 v12, v35;
	v39 =	vor.u32 v3, v37;
	v9 =	vmovc v30;
	v27 =	vld.idx.msk [tilespmem:v40+s15+$0x0], $0xffff;
	v20 =	vand.u32 $0x7FFFFFFF, v33  }
0xc1: {  	v15 =	vadd.f32 v25, v15;
	v40 =	vld.idx.msk [tilespmem:v24+s15+$0x0], $0xffff;
	v24 =	vor.u32 v2, v37;
	v17 =	vadd.f32 v20, v17  }
0xc2: {  	v16 =	vadd.f32 v13, v16;
	v12 =	vand.u32 $0x7FFFFFFF, v12;
	v20 =	vor.u32 v6, v37;
	v43 =	vld.idx.msk [tilespmem:v43+s15+$0x0], $0xffff  }
0xc3: {  	v13 =	vand.u32 $0x7FFFFFFF, v42;
	v25 =	vsub.f32 v9, v34;
	v21 =	vsub.f32 v9, v21;
	v23 =	vld.idx.msk [tilespmem:v23+s15+$0x0], $0xffff  }
.Ltmp2:
0xc4: {  	v14 =	vadd.f32 v12, v14;
	v19 =	vadd.f32 v13, v19;
	v33 =	vor.u32 v5, v37;
	v29 =	vld.idx.msk [tilespmem:v45+s15+$0x0], $0xffff;
	(pc) =	sbr.rel @p0 .LBB2_7-.Ltmp2, $4  }
0xc5: {  	v26 =	vadd.f32 v32, v26;
	v12 =	vmovc v31;
	v13 =	vsub.f32 v9, v38;
	v30 =	vld.idx.msk [tilespmem:v28+s15+$0x0], $0xffff;
	v28 =	vand.u32 $0x7FFFFFFF, v41  }
0xc6: {  	v35 =	vsub.f32 v12, v27;
	v27 =	vld.idx.msk [tilespmem:v47+s15+$0x0], $0xffff;
	v11 =	vadd.f32 v28, v11  }
0xc7: {  	v14 =	vadd.f32 v44, v14;
	v34 =	vsub.f32 v12, v40;
	v28 =	vld.idx.msk [tilespmem:v46+s15+$0x0], $0xffff  }
0xc8: {  	v13 =	vand.u32 $0x7FFFFFFF, v13;
	v31 =	vsub.f32 v12, v43;
	v32 =	vld.idx.msk [tilespmem:v39+s15+$0x0], $0xffff;
	v11 =	vadd.f32 v36, v11  }
0xc9: {  	_ =	sdelay $0x3  }
0xca: {  	v10 =	vand.u32 $0x7FFFFFFF, v35;
	v33 =	vld.idx.msk [tilespmem:v33+s15+$0x0], $0xffff  }
0xcb: {  	v18 =	vld.idx.msk [tilespmem:v18+s15+$0x0], $0xffff;
	v23 =	vsub.f32 v12, v23;
	v10 =	vadd.f32 v10, v22  }
0xcc: {  	v22 =	vld.idx.msk [tilespmem:v24+s15+$0x0], $0xffff;
	v24 =	vsub.f32 v12, v29;
	v29 =	vsub.f32 v9, v30;
	v30 =	vand.u32 $0x7FFFFFFF, v34  }
0xcd: {  	v31 =	vand.u32 $0x7FFFFFFF, v31;
	v27 =	vsub.f32 v12, v27;
	v26 =	vadd.f32 v30, v26  }
0xce: {  	v20 =	vld.idx.msk [tilespmem:v20+s15+$0x0], $0xffff;
	v19 =	vadd.f32 v31, v19;
	v28 =	vsub.f32 v12, v28;
	v29 =	vand.u32 $0x7FFFFFFF, v29  }
0xcf: {  	v24 =	vand.u32 $0x7FFFFFFF, v24;
	v32 =	vsub.f32 v9, v32;
	v10 =	vadd.f32 v29, v10  }
0xd0: {  	v27 =	vand.u32 $0x7FFFFFFF, v27;
	v15 =	vadd.f32 v24, v15;
	v30 =	vsub.f32 v9, v33  }
0xd1: {  	v28 =	vand.u32 $0x7FFFFFFF, v28;
	v12 =	vsub.f32 v12, v18;
	v16 =	vadd.f32 v27, v16  }
0xd2: {  	v18 =	vand.u32 $0x7FFFFFFF, v25;
	v22 =	vsub.f32 v9, v22;
	v17 =	vadd.f32 v28, v17  }
0xd3: {  	v9 =	vsub.f32 v9, v20;
	v15 =	vadd.f32 v18, v15  }
0xd4: {  	v10 =	vsub.f32 $1.200000000e+01, v10;
	v12 =	vand.u32 $0x7FFFFFFF, v12;
	v18 =	vand.u32 $0x7FFFFFFF, v22  }
0xd5: {  	v20 =	vand.u32 $0x7FFFFFFF, v32;
	v12 =	vadd.f32 v12, v14;
	v14 =	vadd.f32 v18, v19  }
0xd6: {  	s6 =	sshll.u32 s6, $0x7;
	v13 =	vadd.f32 v13, v16;
	v9 =	vand.u32 $0x7FFFFFFF, v9;
	v18 =	vadd.f32 v20, v26  }
0xd7: {  	s7 =	sand.u32 $0x3FFFFF80, s6;
	v19 =	vand.u32 $0x7FFFFFFF, v30;
	v9 =	vadd.f32 v9, v17;
	v14 =	vsub.f32 $1.200000000e+01, v14  }
0xd8: {  	[tilespmem:s7+$0x6100] =	vst v10;
	v17 =	vand.u32 $0x7FFFFFFF, v23;
	v12 =	vadd.f32 v19, v12;
	v10 =	vsub.f32 $1.200000000e+01, v18  }
0xd9: {  	v11 =	vadd.f32 v17, v11;
	v9 =	vsub.f32 $1.200000000e+01, v9;
	[tilespmem:s7+$0x6110] =	vst v14  }
0xda: {  	v14 =	vsub.f32 $1.200000000e+01, v15;
	v15 =	vand.u32 $0x7FFFFFFF, v21;
	[tilespmem:s7+$0x6120] =	vst v10;
	v10 =	vsub.f32 $1.200000000e+01, v12  }
0xdb: {  	[tilespmem:s7+$0x6150] =	vst v9;
	v11 =	vadd.f32 v15, v11  }
0xdc: {  	s8 =	simm.s32 $0x1;
	s6 =	sor.u32 $0x2, s5;
	[tilespmem:s7+$0x6140] =	vst v10;
	v10 =	vsub.f32 $1.200000000e+01, v13  }
0xdd: {  	s9 =	smin.u32 s5, $0x76;
	[tilespmem:s7+$0x6130] =	vst v14;
	v9 =	vsub.f32 $1.200000000e+01, v11;
	v11 =	vadd.s32 s8, v0;
	s8 =	sshll.u32 s6, $0x6  }
0xde: {  	s9 =	sshll.u32 s9, $0x7;
	[tilespmem:s7+$0x6160] =	vst v10;
	v10 =	vmov s8;
	v11 =	vand.u32 $0x3F, v11  }
0xdf: {  	s8 =	sadd.s32 $0x580, s9;
	s9 =	simm.s32 $0x0;
	[tilespmem:s7+$0x6170] =	vst v9;
	v9 =	vor.u32 v10, v11  }
0xe0: {  	v12 =	vor.u32 v4, v11;
	[tilespmem:s15], [sflag:$0x2] =	stream.indirect.gather [hbm4b:s3+s11], $0x40, s8, s11, $0xb8;
	[tilespmem:$0x1A100] =	vst v63  }
0xe1: {  	v13 =	vadd.s32 s9, v0;
	v14 =	vor.u32 v8, v11;
	_ =	swait.ge [sflag:s31], $0x2000  }
0xe2: {  	v16 =	vor.u32 v7, v11;
	v13 =	vand.u32 $0x3F, v13;
	[sflag:s31] =	ssyncset.done $0x0  }
0xe3: {  	v15 =	vor.u32 v10, v13;
	[sflag:s31] =	ssyncadd.s32 $0xFFFFE000  }
0xe4: {  	v17 =	vor.u32 v1, v13;
	v9 =	vld.idx.msk [tilespmem:v9+s30+$0x0], $0xffff  }
0xe5: {  	v18 =	vor.u32 v3, v13;
	v19 =	vld.idx.msk [tilespmem:v12+s19+$0x0], $0xffff  }
0xe6: {  	v20 =	vor.u32 v2, v13;
	v14 =	vld.idx.msk [tilespmem:v14+s19+$0x0], $0xffff  }
0xe7: {  	v27 =	vor.u32 v1, v11;
	v16 =	vld.idx.msk [tilespmem:v16+s19+$0x0], $0xffff  }
0xe8: {  	v26 =	vor.u32 v4, v13;
	v12 =	vld.idx.msk [tilespmem:v15+s30+$0x0], $0xffff  }
0xe9: {  	v37 =	vor.u32 v3, v11;
	v17 =	vld.idx.msk [tilespmem:v17+s19+$0x0], $0xffff  }
0xea: {  	v31 =	vor.u32 v7, v13;
	v28 =	vld.idx.msk [tilespmem:v18+s19+$0x0], $0xffff  }
0xeb: {  	v22 =	vimm.f32 $0.0e+00;
	v24 =	vor.u32 v2, v11;
	v15 =	vor.u32 v8, v13;
	v63 =	vld.idx.msk [tilespmem:v20+s19+$0x0], $0xffff  }
0xec: {  	v33 =	vor.u32 v5, v11;
	v36 =	vor.u32 v6, v13;
	v30 =	vld.idx.msk [tilespmem:v27+s19+$0x0], $0xffff;
	v18 =	vor.u32 v5, v13  }
0xed: {  	v20 =	vor.u32 v6, v11;
	v29 =	vld.idx.msk [tilespmem:v26+s19+$0x0], $0xffff;
	v26 =	vimm.f32 $0.0e+00;
	v25 =	vsub.f32 v9, v19  }
0xee: {  	v32 =	vld.idx.msk [tilespmem:v37+s19+$0x0], $0xffff;
	v11 =	vimm.f32 $0.0e+00;
	v21 =	vsub.f32 v9, v14;
	v13 =	vsub.f32 v9, v16  }
0xef: {  	v27 =	vld.idx.msk [tilespmem:v31+s19+$0x0], $0xffff;
	v19 =	vimm.f32 $0.0e+00;
	v16 =	vimm.f32 $0.0e+00;
	v35 =	vsub.f32 v12, v17  }
0xf0: {  	v14 =	vimm.f32 $0.0e+00;
	v23 =	vld.idx.msk [tilespmem:v15+s19+$0x0], $0xffff;
	v34 =	vsub.f32 v12, v28;
	v31 =	vsub.f32 v12, v63  }
0xf1: {  	s7 =	simm.s32 $0x2;
	v13 =	vand.u32 $0x7FFFFFFF, v13;
	v28 =	vld.idx.msk [tilespmem:v36+s19+$0x0], $0xffff;
	v17 =	vimm.f32 $0.0e+00;
	v15 =	vimm.f32 $0.0e+00  }
.LBB2_9:
0xf2: {  	s8 =	sadd.s32 $0x1, s7  }
0xf3: {  	p0 =	slt.u32 s7, $0x3E;
	v35 =	vand.u32 $0x7FFFFFFF, v35;
	v25 =	vand.u32 $0x7FFFFFFF, v25;
	v33 =	vld.idx.msk [tilespmem:v33+s19+$0x0], $0xffff;
	v36 =	vand.u32 $0x7FFFFFFF, v21;
	s9 =	smov.u32 s7;
	s7 =	sadd.s32 $0x2, s7  }
0xf4: {  	v29 =	vsub.f32 v12, v29;
	v21 =	vadd.s32 s8, v0;
	v22 =	vadd.f32 v35, v22;
	v35 =	vld.idx.msk [tilespmem:v18+s19+$0x0], $0xffff  }
0xf5: {  	v18 =	vand.u32 $0x7FFFFFFF, v34;
	v37 =	vand.u32 $0x3F, v21;
	v21 =	vsub.f32 v9, v30;
	v24 =	vld.idx.msk [tilespmem:v24+s19+$0x0], $0xffff  }
0xf6: {  	v30 =	vor.u32 v10, v37;
	v34 =	vor.u32 v4, v37;
	v38 =	vor.u32 v7, v37  }
0xf7: {  	v31 =	vand.u32 $0x7FFFFFFF, v31;
	v29 =	vand.u32 $0x7FFFFFFF, v29;
	v39 =	vor.u32 v8, v37  }
0xf8: {  	v27 =	vsub.f32 v12, v27;
	v21 =	vand.u32 $0x7FFFFFFF, v21;
	v32 =	vsub.f32 v9, v32  }
0xf9: {  	v41 =	vsub.f32 v12, v23;
	v40 =	vadd.s32 s9, v0;
	v28 =	vsub.f32 v12, v28  }
0xfa: {  	v23 =	vand.u32 $0x3F, v40;
	v26 =	vadd.f32 v18, v26;
	v18 =	vsub.f32 v9, v33;
	v20 =	vld.idx.msk [tilespmem:v20+s19+$0x0], $0xffff  }
0xfb: {  	v40 =	vor.u32 v1, v23;
	v33 =	vor.u32 v10, v23;
	v42 =	vsub.f32 v9, v24;
	v30 =	vld.idx.msk [tilespmem:v30+s30+$0x0], $0xffff  }
0xfc: {  	v43 =	vor.u32 v2, v23;
	v24 =	vor.u32 v3, v23;
	v44 =	vand.u32 $0x7FFFFFFF, v18;
	v34 =	vld.idx.msk [tilespmem:v34+s19+$0x0], $0xffff  }
0xfd: {  	v45 =	vor.u32 v4, v23;
	v32 =	vand.u32 $0x7FFFFFFF, v32;
	v18 =	vor.u32 v5, v23  }
0xfe: {  	v46 =	vor.u32 v6, v23;
	v27 =	vand.u32 $0x7FFFFFFF, v27;
	v22 =	vadd.f32 v21, v22  }
0xff: {  	v19 =	vadd.f32 v31, v19;
	v47 =	vor.u32 v7, v23;
	v28 =	vand.u32 $0x7FFFFFFF, v28;
	v21 =	vld.idx.msk [tilespmem:v39+s19+$0x0], $0xffff  }
0x100: {  	v17 =	vadd.f32 v28, v17;
	v23 =	vor.u32 v8, v23;
	v31 =	vld.idx.msk [tilespmem:v33+s30+$0x0], $0xffff;
	v33 =	vsub.f32 v9, v20  }
0x101: {  	v15 =	vadd.f32 v29, v15;
	v16 =	vadd.f32 v27, v16;
	v28 =	vor.u32 v1, v37;
	v38 =	vld.idx.msk [tilespmem:v38+s19+$0x0], $0xffff  }
0x102: {  	v12 =	vsub.f32 v12, v35;
	v39 =	vor.u32 v3, v37;
	v9 =	vmovc v30;
	v27 =	vld.idx.msk [tilespmem:v40+s19+$0x0], $0xffff;
	v20 =	vand.u32 $0x7FFFFFFF, v33  }
0x103: {  	v15 =	vadd.f32 v25, v15;
	v40 =	vld.idx.msk [tilespmem:v24+s19+$0x0], $0xffff;
	v24 =	vor.u32 v2, v37;
	v17 =	vadd.f32 v20, v17  }
0x104: {  	v16 =	vadd.f32 v13, v16;
	v12 =	vand.u32 $0x7FFFFFFF, v12;
	v20 =	vor.u32 v6, v37;
	v43 =	vld.idx.msk [tilespmem:v43+s19+$0x0], $0xffff  }
0x105: {  	v13 =	vand.u32 $0x7FFFFFFF, v42;
	v25 =	vsub.f32 v9, v34;
	v21 =	vsub.f32 v9, v21;
	v23 =	vld.idx.msk [tilespmem:v23+s19+$0x0], $0xffff  }
.Ltmp3:
0x106: {  	v14 =	vadd.f32 v12, v14;
	v19 =	vadd.f32 v13, v19;
	v33 =	vor.u32 v5, v37;
	v29 =	vld.idx.msk [tilespmem:v45+s19+$0x0], $0xffff;
	(pc) =	sbr.rel @p0 .LBB2_9-.Ltmp3, $4  }
0x107: {  	v26 =	vadd.f32 v32, v26;
	v12 =	vmovc v31;
	v13 =	vsub.f32 v9, v38;
	v30 =	vld.idx.msk [tilespmem:v28+s19+$0x0], $0xffff;
	v28 =	vand.u32 $0x7FFFFFFF, v41  }
0x108: {  	v35 =	vsub.f32 v12, v27;
	v27 =	vld.idx.msk [tilespmem:v47+s19+$0x0], $0xffff;
	v11 =	vadd.f32 v28, v11  }
0x109: {  	v14 =	vadd.f32 v44, v14;
	v34 =	vsub.f32 v12, v40;
	v28 =	vld.idx.msk [tilespmem:v46+s19+$0x0], $0xffff  }
0x10a: {  	v13 =	vand.u32 $0x7FFFFFFF, v13;
	v31 =	vsub.f32 v12, v43;
	v32 =	vld.idx.msk [tilespmem:v39+s19+$0x0], $0xffff;
	v11 =	vadd.f32 v36, v11  }
0x10b: {  	_ =	sdelay $0x3  }
0x10c: {  	v10 =	vand.u32 $0x7FFFFFFF, v35;
	v33 =	vld.idx.msk [tilespmem:v33+s19+$0x0], $0xffff  }
0x10d: {  	v18 =	vld.idx.msk [tilespmem:v18+s19+$0x0], $0xffff;
	v23 =	vsub.f32 v12, v23;
	v10 =	vadd.f32 v10, v22  }
0x10e: {  	v22 =	vld.idx.msk [tilespmem:v24+s19+$0x0], $0xffff;
	v24 =	vsub.f32 v12, v29;
	v29 =	vsub.f32 v9, v30;
	v30 =	vand.u32 $0x7FFFFFFF, v34  }
0x10f: {  	v31 =	vand.u32 $0x7FFFFFFF, v31;
	v27 =	vsub.f32 v12, v27;
	v26 =	vadd.f32 v30, v26  }
0x110: {  	v20 =	vld.idx.msk [tilespmem:v20+s19+$0x0], $0xffff;
	v19 =	vadd.f32 v31, v19;
	v28 =	vsub.f32 v12, v28;
	v29 =	vand.u32 $0x7FFFFFFF, v29  }
0x111: {  	v24 =	vand.u32 $0x7FFFFFFF, v24;
	v32 =	vsub.f32 v9, v32;
	v10 =	vadd.f32 v29, v10  }
0x112: {  	v27 =	vand.u32 $0x7FFFFFFF, v27;
	v15 =	vadd.f32 v24, v15;
	v30 =	vsub.f32 v9, v33  }
0x113: {  	v28 =	vand.u32 $0x7FFFFFFF, v28;
	v12 =	vsub.f32 v12, v18;
	v16 =	vadd.f32 v27, v16  }
0x114: {  	v18 =	vand.u32 $0x7FFFFFFF, v25;
	v22 =	vsub.f32 v9, v22;
	v17 =	vadd.f32 v28, v17  }
0x115: {  	v9 =	vsub.f32 v9, v20;
	v15 =	vadd.f32 v18, v15  }
0x116: {  	v10 =	vsub.f32 $1.200000000e+01, v10;
	v12 =	vand.u32 $0x7FFFFFFF, v12;
	v18 =	vand.u32 $0x7FFFFFFF, v22  }
0x117: {  	v20 =	vand.u32 $0x7FFFFFFF, v32;
	v12 =	vadd.f32 v12, v14;
	v14 =	vadd.f32 v18, v19  }
0x118: {  	s6 =	sshll.u32 s6, $0x7;
	v13 =	vadd.f32 v13, v16;
	v9 =	vand.u32 $0x7FFFFFFF, v9;
	v18 =	vadd.f32 v20, v26  }
0x119: {  	s7 =	sand.u32 $0x3FFFFF80, s6;
	v19 =	vand.u32 $0x7FFFFFFF, v30;
	v9 =	vadd.f32 v9, v17;
	v14 =	vsub.f32 $1.200000000e+01, v14  }
0x11a: {  	[tilespmem:s7+$0x6100] =	vst v10;
	v17 =	vand.u32 $0x7FFFFFFF, v23;
	v12 =	vadd.f32 v19, v12;
	v10 =	vsub.f32 $1.200000000e+01, v18  }
0x11b: {  	v11 =	vadd.f32 v17, v11;
	v9 =	vsub.f32 $1.200000000e+01, v9;
	[tilespmem:s7+$0x6110] =	vst v14  }
0x11c: {  	v14 =	vsub.f32 $1.200000000e+01, v15;
	v15 =	vand.u32 $0x7FFFFFFF, v21;
	[tilespmem:s7+$0x6120] =	vst v10;
	v10 =	vsub.f32 $1.200000000e+01, v12  }
0x11d: {  	[tilespmem:s7+$0x6150] =	vst v9;
	v11 =	vadd.f32 v15, v11  }
0x11e: {  	s8 =	simm.s32 $0x1;
	s6 =	sor.u32 $0x3, s5;
	[tilespmem:s7+$0x6140] =	vst v10;
	v10 =	vsub.f32 $1.200000000e+01, v13  }
0x11f: {  	s9 =	smin.u32 s5, $0x75;
	[tilespmem:s7+$0x6130] =	vst v14;
	v9 =	vsub.f32 $1.200000000e+01, v11;
	v11 =	vadd.s32 s8, v0;
	s8 =	sshll.u32 s6, $0x6  }
0x120: {  	s9 =	sshll.u32 s9, $0x7;
	[tilespmem:s7+$0x6160] =	vst v10;
	v10 =	vmov s8;
	v11 =	vand.u32 $0x3F, v11  }
0x121: {  	s8 =	sadd.s32 $0x600, s9;
	s9 =	simm.s32 $0x0;
	[tilespmem:s7+$0x6170] =	vst v9;
	v9 =	vor.u32 v10, v11  }
0x122: {  	v12 =	vor.u32 v4, v11;
	[tilespmem:s19], [sflag:$0x3] =	stream.indirect.gather [hbm4b:s3+s11], $0x40, s8, s11, $0xb8;
	[tilespmem:$0x1A100] =	vst v63  }
0x123: {  	v13 =	vadd.s32 s9, v0;
	v14 =	vor.u32 v8, v11;
	_ =	swait.ge [sflag:s0], $0x2000  }
0x124: {  	v16 =	vor.u32 v7, v11;
	v13 =	vand.u32 $0x3F, v13;
	[sflag:s0] =	ssyncset.done $0x0  }
0x125: {  	v15 =	vor.u32 v10, v13;
	[sflag:s0] =	ssyncadd.s32 $0xFFFFE000  }
0x126: {  	v17 =	vor.u32 v1, v13;
	v9 =	vld.idx.msk [tilespmem:v9+s30+$0x0], $0xffff  }
0x127: {  	v18 =	vor.u32 v3, v13;
	v19 =	vld.idx.msk [tilespmem:v12+s21+$0x0], $0xffff  }
0x128: {  	v20 =	vor.u32 v2, v13;
	v14 =	vld.idx.msk [tilespmem:v14+s21+$0x0], $0xffff  }
0x129: {  	v27 =	vor.u32 v1, v11;
	v16 =	vld.idx.msk [tilespmem:v16+s21+$0x0], $0xffff  }
0x12a: {  	v26 =	vor.u32 v4, v13;
	v12 =	vld.idx.msk [tilespmem:v15+s30+$0x0], $0xffff  }
0x12b: {  	v37 =	vor.u32 v3, v11;
	v17 =	vld.idx.msk [tilespmem:v17+s21+$0x0], $0xffff  }
0x12c: {  	v31 =	vor.u32 v7, v13;
	v28 =	vld.idx.msk [tilespmem:v18+s21+$0x0], $0xffff  }
0x12d: {  	v22 =	vimm.f32 $0.0e+00;
	v24 =	vor.u32 v2, v11;
	v15 =	vor.u32 v8, v13;
	v63 =	vld.idx.msk [tilespmem:v20+s21+$0x0], $0xffff  }
0x12e: {  	v33 =	vor.u32 v5, v11;
	v36 =	vor.u32 v6, v13;
	v30 =	vld.idx.msk [tilespmem:v27+s21+$0x0], $0xffff;
	v18 =	vor.u32 v5, v13  }
0x12f: {  	v20 =	vor.u32 v6, v11;
	v29 =	vld.idx.msk [tilespmem:v26+s21+$0x0], $0xffff;
	v26 =	vimm.f32 $0.0e+00;
	v25 =	vsub.f32 v9, v19  }
0x130: {  	v32 =	vld.idx.msk [tilespmem:v37+s21+$0x0], $0xffff;
	v11 =	vimm.f32 $0.0e+00;
	v21 =	vsub.f32 v9, v14;
	v13 =	vsub.f32 v9, v16  }
0x131: {  	v27 =	vld.idx.msk [tilespmem:v31+s21+$0x0], $0xffff;
	v19 =	vimm.f32 $0.0e+00;
	v16 =	vimm.f32 $0.0e+00;
	v35 =	vsub.f32 v12, v17  }
0x132: {  	v14 =	vimm.f32 $0.0e+00;
	v23 =	vld.idx.msk [tilespmem:v15+s21+$0x0], $0xffff;
	v34 =	vsub.f32 v12, v28;
	v31 =	vsub.f32 v12, v63  }
0x133: {  	s7 =	simm.s32 $0x2;
	v13 =	vand.u32 $0x7FFFFFFF, v13;
	v28 =	vld.idx.msk [tilespmem:v36+s21+$0x0], $0xffff;
	v17 =	vimm.f32 $0.0e+00;
	v15 =	vimm.f32 $0.0e+00  }
.LBB2_11:
0x134: {  	s8 =	sadd.s32 $0x1, s7  }
0x135: {  	p0 =	slt.u32 s7, $0x3E;
	v35 =	vand.u32 $0x7FFFFFFF, v35;
	v25 =	vand.u32 $0x7FFFFFFF, v25;
	v33 =	vld.idx.msk [tilespmem:v33+s21+$0x0], $0xffff;
	v36 =	vand.u32 $0x7FFFFFFF, v21;
	s9 =	smov.u32 s7;
	s7 =	sadd.s32 $0x2, s7  }
0x136: {  	v29 =	vsub.f32 v12, v29;
	v21 =	vadd.s32 s8, v0;
	v22 =	vadd.f32 v35, v22;
	v35 =	vld.idx.msk [tilespmem:v18+s21+$0x0], $0xffff  }
0x137: {  	v18 =	vand.u32 $0x7FFFFFFF, v34;
	v37 =	vand.u32 $0x3F, v21;
	v21 =	vsub.f32 v9, v30;
	v24 =	vld.idx.msk [tilespmem:v24+s21+$0x0], $0xffff  }
0x138: {  	v30 =	vor.u32 v10, v37;
	v34 =	vor.u32 v4, v37;
	v38 =	vor.u32 v7, v37  }
0x139: {  	v31 =	vand.u32 $0x7FFFFFFF, v31;
	v29 =	vand.u32 $0x7FFFFFFF, v29;
	v39 =	vor.u32 v8, v37  }
0x13a: {  	v27 =	vsub.f32 v12, v27;
	v21 =	vand.u32 $0x7FFFFFFF, v21;
	v32 =	vsub.f32 v9, v32  }
0x13b: {  	v41 =	vsub.f32 v12, v23;
	v40 =	vadd.s32 s9, v0;
	v28 =	vsub.f32 v12, v28  }
0x13c: {  	v23 =	vand.u32 $0x3F, v40;
	v26 =	vadd.f32 v18, v26;
	v18 =	vsub.f32 v9, v33;
	v20 =	vld.idx.msk [tilespmem:v20+s21+$0x0], $0xffff  }
0x13d: {  	v40 =	vor.u32 v1, v23;
	v33 =	vor.u32 v10, v23;
	v42 =	vsub.f32 v9, v24;
	v30 =	vld.idx.msk [tilespmem:v30+s30+$0x0], $0xffff  }
0x13e: {  	v43 =	vor.u32 v2, v23;
	v24 =	vor.u32 v3, v23;
	v44 =	vand.u32 $0x7FFFFFFF, v18;
	v34 =	vld.idx.msk [tilespmem:v34+s21+$0x0], $0xffff  }
0x13f: {  	v45 =	vor.u32 v4, v23;
	v32 =	vand.u32 $0x7FFFFFFF, v32;
	v18 =	vor.u32 v5, v23  }
0x140: {  	v46 =	vor.u32 v6, v23;
	v27 =	vand.u32 $0x7FFFFFFF, v27;
	v22 =	vadd.f32 v21, v22  }
0x141: {  	v19 =	vadd.f32 v31, v19;
	v47 =	vor.u32 v7, v23;
	v28 =	vand.u32 $0x7FFFFFFF, v28;
	v21 =	vld.idx.msk [tilespmem:v39+s21+$0x0], $0xffff  }
0x142: {  	v17 =	vadd.f32 v28, v17;
	v23 =	vor.u32 v8, v23;
	v31 =	vld.idx.msk [tilespmem:v33+s30+$0x0], $0xffff;
	v33 =	vsub.f32 v9, v20  }
0x143: {  	v15 =	vadd.f32 v29, v15;
	v16 =	vadd.f32 v27, v16;
	v28 =	vor.u32 v1, v37;
	v38 =	vld.idx.msk [tilespmem:v38+s21+$0x0], $0xffff  }
0x144: {  	v12 =	vsub.f32 v12, v35;
	v39 =	vor.u32 v3, v37;
	v9 =	vmovc v30;
	v27 =	vld.idx.msk [tilespmem:v40+s21+$0x0], $0xffff;
	v20 =	vand.u32 $0x7FFFFFFF, v33  }
0x145: {  	v15 =	vadd.f32 v25, v15;
	v40 =	vld.idx.msk [tilespmem:v24+s21+$0x0], $0xffff;
	v24 =	vor.u32 v2, v37;
	v17 =	vadd.f32 v20, v17  }
0x146: {  	v16 =	vadd.f32 v13, v16;
	v12 =	vand.u32 $0x7FFFFFFF, v12;
	v20 =	vor.u32 v6, v37;
	v43 =	vld.idx.msk [tilespmem:v43+s21+$0x0], $0xffff  }
0x147: {  	v13 =	vand.u32 $0x7FFFFFFF, v42;
	v25 =	vsub.f32 v9, v34;
	v21 =	vsub.f32 v9, v21;
	v23 =	vld.idx.msk [tilespmem:v23+s21+$0x0], $0xffff  }
.Ltmp4:
0x148: {  	v14 =	vadd.f32 v12, v14;
	v19 =	vadd.f32 v13, v19;
	v33 =	vor.u32 v5, v37;
	v29 =	vld.idx.msk [tilespmem:v45+s21+$0x0], $0xffff;
	(pc) =	sbr.rel @p0 .LBB2_11-.Ltmp4, $4  }
0x149: {  	v26 =	vadd.f32 v32, v26;
	v12 =	vmovc v31;
	v13 =	vsub.f32 v9, v38;
	v30 =	vld.idx.msk [tilespmem:v28+s21+$0x0], $0xffff;
	v28 =	vand.u32 $0x7FFFFFFF, v41  }
0x14a: {  	v35 =	vsub.f32 v12, v27;
	v27 =	vld.idx.msk [tilespmem:v47+s21+$0x0], $0xffff;
	v11 =	vadd.f32 v28, v11  }
0x14b: {  	v14 =	vadd.f32 v44, v14;
	v34 =	vsub.f32 v12, v40;
	v28 =	vld.idx.msk [tilespmem:v46+s21+$0x0], $0xffff  }
0x14c: {  	v13 =	vand.u32 $0x7FFFFFFF, v13;
	v31 =	vsub.f32 v12, v43;
	v32 =	vld.idx.msk [tilespmem:v39+s21+$0x0], $0xffff;
	v11 =	vadd.f32 v36, v11  }
0x14d: {  	_ =	sdelay $0x3  }
0x14e: {  	v10 =	vand.u32 $0x7FFFFFFF, v35;
	v33 =	vld.idx.msk [tilespmem:v33+s21+$0x0], $0xffff  }
0x14f: {  	v18 =	vld.idx.msk [tilespmem:v18+s21+$0x0], $0xffff;
	v23 =	vsub.f32 v12, v23;
	v10 =	vadd.f32 v10, v22  }
0x150: {  	v22 =	vld.idx.msk [tilespmem:v24+s21+$0x0], $0xffff;
	v24 =	vsub.f32 v12, v29;
	v29 =	vsub.f32 v9, v30;
	v30 =	vand.u32 $0x7FFFFFFF, v34  }
0x151: {  	v31 =	vand.u32 $0x7FFFFFFF, v31;
	v27 =	vsub.f32 v12, v27;
	v26 =	vadd.f32 v30, v26  }
0x152: {  	v20 =	vld.idx.msk [tilespmem:v20+s21+$0x0], $0xffff;
	v19 =	vadd.f32 v31, v19;
	v28 =	vsub.f32 v12, v28;
	v29 =	vand.u32 $0x7FFFFFFF, v29  }
0x153: {  	v24 =	vand.u32 $0x7FFFFFFF, v24;
	v32 =	vsub.f32 v9, v32;
	v10 =	vadd.f32 v29, v10  }
0x154: {  	v27 =	vand.u32 $0x7FFFFFFF, v27;
	v15 =	vadd.f32 v24, v15;
	v30 =	vsub.f32 v9, v33  }
0x155: {  	v28 =	vand.u32 $0x7FFFFFFF, v28;
	v12 =	vsub.f32 v12, v18;
	v16 =	vadd.f32 v27, v16  }
0x156: {  	v18 =	vand.u32 $0x7FFFFFFF, v25;
	v22 =	vsub.f32 v9, v22;
	v17 =	vadd.f32 v28, v17  }
0x157: {  	v9 =	vsub.f32 v9, v20;
	v15 =	vadd.f32 v18, v15  }
0x158: {  	v10 =	vsub.f32 $1.200000000e+01, v10;
	v12 =	vand.u32 $0x7FFFFFFF, v12;
	v18 =	vand.u32 $0x7FFFFFFF, v22  }
0x159: {  	v20 =	vand.u32 $0x7FFFFFFF, v32;
	v12 =	vadd.f32 v12, v14;
	v14 =	vadd.f32 v18, v19  }
0x15a: {  	s6 =	sshll.u32 s6, $0x7;
	v13 =	vadd.f32 v13, v16;
	v9 =	vand.u32 $0x7FFFFFFF, v9;
	v18 =	vadd.f32 v20, v26  }
0x15b: {  	s7 =	sand.u32 $0x3FFFFF80, s6;
	v19 =	vand.u32 $0x7FFFFFFF, v30;
	v9 =	vadd.f32 v9, v17;
	v14 =	vsub.f32 $1.200000000e+01, v14  }
0x15c: {  	[tilespmem:s7+$0x6100] =	vst v10;
	v17 =	vand.u32 $0x7FFFFFFF, v23;
	v12 =	vadd.f32 v19, v12;
	v10 =	vsub.f32 $1.200000000e+01, v18  }
0x15d: {  	v11 =	vadd.f32 v17, v11;
	v9 =	vsub.f32 $1.200000000e+01, v9;
	[tilespmem:s7+$0x6110] =	vst v14  }
0x15e: {  	v14 =	vsub.f32 $1.200000000e+01, v15;
	v15 =	vand.u32 $0x7FFFFFFF, v21;
	[tilespmem:s7+$0x6120] =	vst v10;
	v10 =	vsub.f32 $1.200000000e+01, v12  }
0x15f: {  	[tilespmem:s7+$0x6150] =	vst v9;
	v11 =	vadd.f32 v15, v11  }
0x160: {  	s8 =	simm.s32 $0x1;
	s6 =	sor.u32 $0x4, s5;
	[tilespmem:s7+$0x6140] =	vst v10;
	v10 =	vsub.f32 $1.200000000e+01, v13  }
0x161: {  	s9 =	smin.u32 s5, $0x74;
	[tilespmem:s7+$0x6130] =	vst v14;
	v9 =	vsub.f32 $1.200000000e+01, v11;
	v11 =	vadd.s32 s8, v0;
	s8 =	sshll.u32 s6, $0x6  }
0x162: {  	s9 =	sshll.u32 s9, $0x7;
	[tilespmem:s7+$0x6160] =	vst v10;
	v10 =	vmov s8;
	v11 =	vand.u32 $0x3F, v11  }
0x163: {  	s8 =	sadd.s32 $0x680, s9;
	s9 =	simm.s32 $0x0;
	[tilespmem:s7+$0x6170] =	vst v9;
	v9 =	vor.u32 v10, v11  }
0x164: {  	v12 =	vor.u32 v4, v11;
	[tilespmem:s21], [sflag:$0x4] =	stream.indirect.gather [hbm4b:s3+s11], $0x40, s8, s11, $0xb8;
	[tilespmem:$0x1A100] =	vst v63  }
0x165: {  	v13 =	vadd.s32 s9, v0;
	v14 =	vor.u32 v8, v11;
	_ =	swait.ge [sflag:s2], $0x2000  }
0x166: {  	v16 =	vor.u32 v7, v11;
	v13 =	vand.u32 $0x3F, v13;
	[sflag:s2] =	ssyncset.done $0x0  }
0x167: {  	v15 =	vor.u32 v10, v13;
	[sflag:s2] =	ssyncadd.s32 $0xFFFFE000  }
0x168: {  	v17 =	vor.u32 v1, v13;
	v9 =	vld.idx.msk [tilespmem:v9+s30+$0x0], $0xffff  }
0x169: {  	v18 =	vor.u32 v3, v13;
	v19 =	vld.idx.msk [tilespmem:v12+s23+$0x0], $0xffff  }
0x16a: {  	v20 =	vor.u32 v2, v13;
	v14 =	vld.idx.msk [tilespmem:v14+s23+$0x0], $0xffff  }
0x16b: {  	v27 =	vor.u32 v1, v11;
	v16 =	vld.idx.msk [tilespmem:v16+s23+$0x0], $0xffff  }
0x16c: {  	v26 =	vor.u32 v4, v13;
	v12 =	vld.idx.msk [tilespmem:v15+s30+$0x0], $0xffff  }
0x16d: {  	v37 =	vor.u32 v3, v11;
	v17 =	vld.idx.msk [tilespmem:v17+s23+$0x0], $0xffff  }
0x16e: {  	v31 =	vor.u32 v7, v13;
	v28 =	vld.idx.msk [tilespmem:v18+s23+$0x0], $0xffff  }
0x16f: {  	v22 =	vimm.f32 $0.0e+00;
	v24 =	vor.u32 v2, v11;
	v15 =	vor.u32 v8, v13;
	v63 =	vld.idx.msk [tilespmem:v20+s23+$0x0], $0xffff  }
0x170: {  	v33 =	vor.u32 v5, v11;
	v36 =	vor.u32 v6, v13;
	v30 =	vld.idx.msk [tilespmem:v27+s23+$0x0], $0xffff;
	v18 =	vor.u32 v5, v13  }
0x171: {  	v20 =	vor.u32 v6, v11;
	v29 =	vld.idx.msk [tilespmem:v26+s23+$0x0], $0xffff;
	v26 =	vimm.f32 $0.0e+00;
	v25 =	vsub.f32 v9, v19  }
0x172: {  	v32 =	vld.idx.msk [tilespmem:v37+s23+$0x0], $0xffff;
	v11 =	vimm.f32 $0.0e+00;
	v21 =	vsub.f32 v9, v14;
	v13 =	vsub.f32 v9, v16  }
0x173: {  	v27 =	vld.idx.msk [tilespmem:v31+s23+$0x0], $0xffff;
	v19 =	vimm.f32 $0.0e+00;
	v16 =	vimm.f32 $0.0e+00;
	v35 =	vsub.f32 v12, v17  }
0x174: {  	v14 =	vimm.f32 $0.0e+00;
	v23 =	vld.idx.msk [tilespmem:v15+s23+$0x0], $0xffff;
	v34 =	vsub.f32 v12, v28;
	v31 =	vsub.f32 v12, v63  }
0x175: {  	s7 =	simm.s32 $0x2;
	v13 =	vand.u32 $0x7FFFFFFF, v13;
	v28 =	vld.idx.msk [tilespmem:v36+s23+$0x0], $0xffff;
	v17 =	vimm.f32 $0.0e+00;
	v15 =	vimm.f32 $0.0e+00  }
.LBB2_13:
0x176: {  	s8 =	sadd.s32 $0x1, s7  }
0x177: {  	p0 =	slt.u32 s7, $0x3E;
	v35 =	vand.u32 $0x7FFFFFFF, v35;
	v25 =	vand.u32 $0x7FFFFFFF, v25;
	v33 =	vld.idx.msk [tilespmem:v33+s23+$0x0], $0xffff;
	v36 =	vand.u32 $0x7FFFFFFF, v21;
	s9 =	smov.u32 s7;
	s7 =	sadd.s32 $0x2, s7  }
0x178: {  	v29 =	vsub.f32 v12, v29;
	v21 =	vadd.s32 s8, v0;
	v22 =	vadd.f32 v35, v22;
	v35 =	vld.idx.msk [tilespmem:v18+s23+$0x0], $0xffff  }
0x179: {  	v18 =	vand.u32 $0x7FFFFFFF, v34;
	v37 =	vand.u32 $0x3F, v21;
	v21 =	vsub.f32 v9, v30;
	v24 =	vld.idx.msk [tilespmem:v24+s23+$0x0], $0xffff  }
0x17a: {  	v30 =	vor.u32 v10, v37;
	v34 =	vor.u32 v4, v37;
	v38 =	vor.u32 v7, v37  }
0x17b: {  	v31 =	vand.u32 $0x7FFFFFFF, v31;
	v29 =	vand.u32 $0x7FFFFFFF, v29;
	v39 =	vor.u32 v8, v37  }
0x17c: {  	v27 =	vsub.f32 v12, v27;
	v21 =	vand.u32 $0x7FFFFFFF, v21;
	v32 =	vsub.f32 v9, v32  }
0x17d: {  	v41 =	vsub.f32 v12, v23;
	v40 =	vadd.s32 s9, v0;
	v28 =	vsub.f32 v12, v28  }
0x17e: {  	v23 =	vand.u32 $0x3F, v40;
	v26 =	vadd.f32 v18, v26;
	v18 =	vsub.f32 v9, v33;
	v20 =	vld.idx.msk [tilespmem:v20+s23+$0x0], $0xffff  }
0x17f: {  	v40 =	vor.u32 v1, v23;
	v33 =	vor.u32 v10, v23;
	v42 =	vsub.f32 v9, v24;
	v30 =	vld.idx.msk [tilespmem:v30+s30+$0x0], $0xffff  }
0x180: {  	v43 =	vor.u32 v2, v23;
	v24 =	vor.u32 v3, v23;
	v44 =	vand.u32 $0x7FFFFFFF, v18;
	v34 =	vld.idx.msk [tilespmem:v34+s23+$0x0], $0xffff  }
0x181: {  	v45 =	vor.u32 v4, v23;
	v32 =	vand.u32 $0x7FFFFFFF, v32;
	v18 =	vor.u32 v5, v23  }
0x182: {  	v46 =	vor.u32 v6, v23;
	v27 =	vand.u32 $0x7FFFFFFF, v27;
	v22 =	vadd.f32 v21, v22  }
0x183: {  	v19 =	vadd.f32 v31, v19;
	v47 =	vor.u32 v7, v23;
	v28 =	vand.u32 $0x7FFFFFFF, v28;
	v21 =	vld.idx.msk [tilespmem:v39+s23+$0x0], $0xffff  }
0x184: {  	v17 =	vadd.f32 v28, v17;
	v23 =	vor.u32 v8, v23;
	v31 =	vld.idx.msk [tilespmem:v33+s30+$0x0], $0xffff;
	v33 =	vsub.f32 v9, v20  }
0x185: {  	v15 =	vadd.f32 v29, v15;
	v16 =	vadd.f32 v27, v16;
	v28 =	vor.u32 v1, v37;
	v38 =	vld.idx.msk [tilespmem:v38+s23+$0x0], $0xffff  }
0x186: {  	v12 =	vsub.f32 v12, v35;
	v39 =	vor.u32 v3, v37;
	v9 =	vmovc v30;
	v27 =	vld.idx.msk [tilespmem:v40+s23+$0x0], $0xffff;
	v20 =	vand.u32 $0x7FFFFFFF, v33  }
0x187: {  	v15 =	vadd.f32 v25, v15;
	v40 =	vld.idx.msk [tilespmem:v24+s23+$0x0], $0xffff;
	v24 =	vor.u32 v2, v37;
	v17 =	vadd.f32 v20, v17  }
0x188: {  	v16 =	vadd.f32 v13, v16;
	v12 =	vand.u32 $0x7FFFFFFF, v12;
	v20 =	vor.u32 v6, v37;
	v43 =	vld.idx.msk [tilespmem:v43+s23+$0x0], $0xffff  }
0x189: {  	v13 =	vand.u32 $0x7FFFFFFF, v42;
	v25 =	vsub.f32 v9, v34;
	v21 =	vsub.f32 v9, v21;
	v23 =	vld.idx.msk [tilespmem:v23+s23+$0x0], $0xffff  }
.Ltmp5:
0x18a: {  	v14 =	vadd.f32 v12, v14;
	v19 =	vadd.f32 v13, v19;
	v33 =	vor.u32 v5, v37;
	v29 =	vld.idx.msk [tilespmem:v45+s23+$0x0], $0xffff;
	(pc) =	sbr.rel @p0 .LBB2_13-.Ltmp5, $4  }
0x18b: {  	v26 =	vadd.f32 v32, v26;
	v12 =	vmovc v31;
	v13 =	vsub.f32 v9, v38;
	v30 =	vld.idx.msk [tilespmem:v28+s23+$0x0], $0xffff;
	v28 =	vand.u32 $0x7FFFFFFF, v41  }
0x18c: {  	v35 =	vsub.f32 v12, v27;
	v27 =	vld.idx.msk [tilespmem:v47+s23+$0x0], $0xffff;
	v11 =	vadd.f32 v28, v11  }
0x18d: {  	v14 =	vadd.f32 v44, v14;
	v34 =	vsub.f32 v12, v40;
	v28 =	vld.idx.msk [tilespmem:v46+s23+$0x0], $0xffff  }
0x18e: {  	v13 =	vand.u32 $0x7FFFFFFF, v13;
	v31 =	vsub.f32 v12, v43;
	v32 =	vld.idx.msk [tilespmem:v39+s23+$0x0], $0xffff;
	v11 =	vadd.f32 v36, v11  }
0x18f: {  	_ =	sdelay $0x3  }
0x190: {  	v10 =	vand.u32 $0x7FFFFFFF, v35;
	v33 =	vld.idx.msk [tilespmem:v33+s23+$0x0], $0xffff  }
0x191: {  	v18 =	vld.idx.msk [tilespmem:v18+s23+$0x0], $0xffff;
	v23 =	vsub.f32 v12, v23;
	v10 =	vadd.f32 v10, v22  }
0x192: {  	v22 =	vld.idx.msk [tilespmem:v24+s23+$0x0], $0xffff;
	v24 =	vsub.f32 v12, v29;
	v29 =	vsub.f32 v9, v30;
	v30 =	vand.u32 $0x7FFFFFFF, v34  }
0x193: {  	v31 =	vand.u32 $0x7FFFFFFF, v31;
	v27 =	vsub.f32 v12, v27;
	v26 =	vadd.f32 v30, v26  }
0x194: {  	v20 =	vld.idx.msk [tilespmem:v20+s23+$0x0], $0xffff;
	v19 =	vadd.f32 v31, v19;
	v28 =	vsub.f32 v12, v28;
	v29 =	vand.u32 $0x7FFFFFFF, v29  }
0x195: {  	v24 =	vand.u32 $0x7FFFFFFF, v24;
	v32 =	vsub.f32 v9, v32;
	v10 =	vadd.f32 v29, v10  }
0x196: {  	v27 =	vand.u32 $0x7FFFFFFF, v27;
	v15 =	vadd.f32 v24, v15;
	v30 =	vsub.f32 v9, v33  }
0x197: {  	v28 =	vand.u32 $0x7FFFFFFF, v28;
	v12 =	vsub.f32 v12, v18;
	v16 =	vadd.f32 v27, v16  }
0x198: {  	v18 =	vand.u32 $0x7FFFFFFF, v25;
	v22 =	vsub.f32 v9, v22;
	v17 =	vadd.f32 v28, v17  }
0x199: {  	v9 =	vsub.f32 v9, v20;
	v15 =	vadd.f32 v18, v15  }
0x19a: {  	v10 =	vsub.f32 $1.200000000e+01, v10;
	v12 =	vand.u32 $0x7FFFFFFF, v12;
	v18 =	vand.u32 $0x7FFFFFFF, v22  }
0x19b: {  	v20 =	vand.u32 $0x7FFFFFFF, v32;
	v12 =	vadd.f32 v12, v14;
	v14 =	vadd.f32 v18, v19  }
0x19c: {  	s6 =	sshll.u32 s6, $0x7;
	v13 =	vadd.f32 v13, v16;
	v9 =	vand.u32 $0x7FFFFFFF, v9;
	v18 =	vadd.f32 v20, v26  }
0x19d: {  	s7 =	sand.u32 $0x3FFFFF80, s6;
	v19 =	vand.u32 $0x7FFFFFFF, v30;
	v9 =	vadd.f32 v9, v17;
	v14 =	vsub.f32 $1.200000000e+01, v14  }
0x19e: {  	[tilespmem:s7+$0x6100] =	vst v10;
	v17 =	vand.u32 $0x7FFFFFFF, v23;
	v12 =	vadd.f32 v19, v12;
	v10 =	vsub.f32 $1.200000000e+01, v18  }
0x19f: {  	v11 =	vadd.f32 v17, v11;
	v9 =	vsub.f32 $1.200000000e+01, v9;
	[tilespmem:s7+$0x6110] =	vst v14  }
0x1a0: {  	v14 =	vsub.f32 $1.200000000e+01, v15;
	v15 =	vand.u32 $0x7FFFFFFF, v21;
	[tilespmem:s7+$0x6120] =	vst v10;
	v10 =	vsub.f32 $1.200000000e+01, v12  }
0x1a1: {  	[tilespmem:s7+$0x6150] =	vst v9;
	v11 =	vadd.f32 v15, v11  }
0x1a2: {  	s8 =	simm.s32 $0x1;
	s6 =	sor.u32 $0x5, s5;
	[tilespmem:s7+$0x6140] =	vst v10;
	v10 =	vsub.f32 $1.200000000e+01, v13  }
0x1a3: {  	s9 =	smin.u32 s5, $0x73;
	[tilespmem:s7+$0x6130] =	vst v14;
	v9 =	vsub.f32 $1.200000000e+01, v11;
	v11 =	vadd.s32 s8, v0;
	s8 =	sshll.u32 s6, $0x6  }
0x1a4: {  	s9 =	sshll.u32 s9, $0x7;
	[tilespmem:s7+$0x6160] =	vst v10;
	v10 =	vmov s8;
	v11 =	vand.u32 $0x3F, v11  }
0x1a5: {  	s8 =	sadd.s32 $0x700, s9;
	s9 =	simm.s32 $0x0;
	[tilespmem:s7+$0x6170] =	vst v9;
	v9 =	vor.u32 v10, v11  }
0x1a6: {  	v12 =	vor.u32 v4, v11;
	[tilespmem:s23], [sflag:$0x5] =	stream.indirect.gather [hbm4b:s3+s11], $0x40, s8, s11, $0xb8;
	[tilespmem:$0x1A100] =	vst v63  }
0x1a7: {  	v13 =	vadd.s32 s9, v0;
	v14 =	vor.u32 v8, v11;
	_ =	swait.ge [sflag:s17], $0x2000  }
0x1a8: {  	v16 =	vor.u32 v7, v11;
	v13 =	vand.u32 $0x3F, v13;
	[sflag:s17] =	ssyncset.done $0x0  }
0x1a9: {  	v15 =	vor.u32 v10, v13;
	[sflag:s17] =	ssyncadd.s32 $0xFFFFE000  }
0x1aa: {  	v17 =	vor.u32 v1, v13;
	v9 =	vld.idx.msk [tilespmem:v9+s30+$0x0], $0xffff  }
0x1ab: {  	v18 =	vor.u32 v3, v13;
	v19 =	vld.idx.msk [tilespmem:v12+s25+$0x0], $0xffff  }
0x1ac: {  	v20 =	vor.u32 v2, v13;
	v14 =	vld.idx.msk [tilespmem:v14+s25+$0x0], $0xffff  }
0x1ad: {  	v27 =	vor.u32 v1, v11;
	v16 =	vld.idx.msk [tilespmem:v16+s25+$0x0], $0xffff  }
0x1ae: {  	v26 =	vor.u32 v4, v13;
	v12 =	vld.idx.msk [tilespmem:v15+s30+$0x0], $0xffff  }
0x1af: {  	v37 =	vor.u32 v3, v11;
	v17 =	vld.idx.msk [tilespmem:v17+s25+$0x0], $0xffff  }
0x1b0: {  	v31 =	vor.u32 v7, v13;
	v28 =	vld.idx.msk [tilespmem:v18+s25+$0x0], $0xffff  }
0x1b1: {  	v22 =	vimm.f32 $0.0e+00;
	v24 =	vor.u32 v2, v11;
	v15 =	vor.u32 v8, v13;
	v63 =	vld.idx.msk [tilespmem:v20+s25+$0x0], $0xffff  }
0x1b2: {  	v33 =	vor.u32 v5, v11;
	v36 =	vor.u32 v6, v13;
	v30 =	vld.idx.msk [tilespmem:v27+s25+$0x0], $0xffff;
	v18 =	vor.u32 v5, v13  }
0x1b3: {  	v20 =	vor.u32 v6, v11;
	v29 =	vld.idx.msk [tilespmem:v26+s25+$0x0], $0xffff;
	v26 =	vimm.f32 $0.0e+00;
	v25 =	vsub.f32 v9, v19  }
0x1b4: {  	v32 =	vld.idx.msk [tilespmem:v37+s25+$0x0], $0xffff;
	v11 =	vimm.f32 $0.0e+00;
	v21 =	vsub.f32 v9, v14;
	v13 =	vsub.f32 v9, v16  }
0x1b5: {  	v27 =	vld.idx.msk [tilespmem:v31+s25+$0x0], $0xffff;
	v19 =	vimm.f32 $0.0e+00;
	v16 =	vimm.f32 $0.0e+00;
	v35 =	vsub.f32 v12, v17  }
0x1b6: {  	v14 =	vimm.f32 $0.0e+00;
	v23 =	vld.idx.msk [tilespmem:v15+s25+$0x0], $0xffff;
	v34 =	vsub.f32 v12, v28;
	v31 =	vsub.f32 v12, v63  }
0x1b7: {  	s7 =	simm.s32 $0x2;
	v13 =	vand.u32 $0x7FFFFFFF, v13;
	v28 =	vld.idx.msk [tilespmem:v36+s25+$0x0], $0xffff;
	v17 =	vimm.f32 $0.0e+00;
	v15 =	vimm.f32 $0.0e+00  }
.LBB2_15:
0x1b8: {  	s8 =	sadd.s32 $0x1, s7  }
0x1b9: {  	p0 =	slt.u32 s7, $0x3E;
	v35 =	vand.u32 $0x7FFFFFFF, v35;
	v25 =	vand.u32 $0x7FFFFFFF, v25;
	v33 =	vld.idx.msk [tilespmem:v33+s25+$0x0], $0xffff;
	v36 =	vand.u32 $0x7FFFFFFF, v21;
	s9 =	smov.u32 s7;
	s7 =	sadd.s32 $0x2, s7  }
0x1ba: {  	v29 =	vsub.f32 v12, v29;
	v21 =	vadd.s32 s8, v0;
	v22 =	vadd.f32 v35, v22;
	v35 =	vld.idx.msk [tilespmem:v18+s25+$0x0], $0xffff  }
0x1bb: {  	v18 =	vand.u32 $0x7FFFFFFF, v34;
	v37 =	vand.u32 $0x3F, v21;
	v21 =	vsub.f32 v9, v30;
	v24 =	vld.idx.msk [tilespmem:v24+s25+$0x0], $0xffff  }
0x1bc: {  	v30 =	vor.u32 v10, v37;
	v34 =	vor.u32 v4, v37;
	v38 =	vor.u32 v7, v37  }
0x1bd: {  	v31 =	vand.u32 $0x7FFFFFFF, v31;
	v29 =	vand.u32 $0x7FFFFFFF, v29;
	v39 =	vor.u32 v8, v37  }
0x1be: {  	v27 =	vsub.f32 v12, v27;
	v21 =	vand.u32 $0x7FFFFFFF, v21;
	v32 =	vsub.f32 v9, v32  }
0x1bf: {  	v41 =	vsub.f32 v12, v23;
	v40 =	vadd.s32 s9, v0;
	v28 =	vsub.f32 v12, v28  }
0x1c0: {  	v23 =	vand.u32 $0x3F, v40;
	v26 =	vadd.f32 v18, v26;
	v18 =	vsub.f32 v9, v33;
	v20 =	vld.idx.msk [tilespmem:v20+s25+$0x0], $0xffff  }
0x1c1: {  	v40 =	vor.u32 v1, v23;
	v33 =	vor.u32 v10, v23;
	v42 =	vsub.f32 v9, v24;
	v30 =	vld.idx.msk [tilespmem:v30+s30+$0x0], $0xffff  }
0x1c2: {  	v43 =	vor.u32 v2, v23;
	v24 =	vor.u32 v3, v23;
	v44 =	vand.u32 $0x7FFFFFFF, v18;
	v34 =	vld.idx.msk [tilespmem:v34+s25+$0x0], $0xffff  }
0x1c3: {  	v45 =	vor.u32 v4, v23;
	v32 =	vand.u32 $0x7FFFFFFF, v32;
	v18 =	vor.u32 v5, v23  }
0x1c4: {  	v46 =	vor.u32 v6, v23;
	v27 =	vand.u32 $0x7FFFFFFF, v27;
	v22 =	vadd.f32 v21, v22  }
0x1c5: {  	v19 =	vadd.f32 v31, v19;
	v47 =	vor.u32 v7, v23;
	v28 =	vand.u32 $0x7FFFFFFF, v28;
	v21 =	vld.idx.msk [tilespmem:v39+s25+$0x0], $0xffff  }
0x1c6: {  	v17 =	vadd.f32 v28, v17;
	v23 =	vor.u32 v8, v23;
	v31 =	vld.idx.msk [tilespmem:v33+s30+$0x0], $0xffff;
	v33 =	vsub.f32 v9, v20  }
0x1c7: {  	v15 =	vadd.f32 v29, v15;
	v16 =	vadd.f32 v27, v16;
	v28 =	vor.u32 v1, v37;
	v38 =	vld.idx.msk [tilespmem:v38+s25+$0x0], $0xffff  }
0x1c8: {  	v12 =	vsub.f32 v12, v35;
	v39 =	vor.u32 v3, v37;
	v9 =	vmovc v30;
	v27 =	vld.idx.msk [tilespmem:v40+s25+$0x0], $0xffff;
	v20 =	vand.u32 $0x7FFFFFFF, v33  }
0x1c9: {  	v15 =	vadd.f32 v25, v15;
	v40 =	vld.idx.msk [tilespmem:v24+s25+$0x0], $0xffff;
	v24 =	vor.u32 v2, v37;
	v17 =	vadd.f32 v20, v17  }
0x1ca: {  	v16 =	vadd.f32 v13, v16;
	v12 =	vand.u32 $0x7FFFFFFF, v12;
	v20 =	vor.u32 v6, v37;
	v43 =	vld.idx.msk [tilespmem:v43+s25+$0x0], $0xffff  }
0x1cb: {  	v13 =	vand.u32 $0x7FFFFFFF, v42;
	v25 =	vsub.f32 v9, v34;
	v21 =	vsub.f32 v9, v21;
	v23 =	vld.idx.msk [tilespmem:v23+s25+$0x0], $0xffff  }
.Ltmp6:
0x1cc: {  	v14 =	vadd.f32 v12, v14;
	v19 =	vadd.f32 v13, v19;
	v33 =	vor.u32 v5, v37;
	v29 =	vld.idx.msk [tilespmem:v45+s25+$0x0], $0xffff;
	(pc) =	sbr.rel @p0 .LBB2_15-.Ltmp6, $4  }
0x1cd: {  	v26 =	vadd.f32 v32, v26;
	v12 =	vmovc v31;
	v13 =	vsub.f32 v9, v38;
	v30 =	vld.idx.msk [tilespmem:v28+s25+$0x0], $0xffff;
	v28 =	vand.u32 $0x7FFFFFFF, v41  }
0x1ce: {  	v35 =	vsub.f32 v12, v27;
	v27 =	vld.idx.msk [tilespmem:v47+s25+$0x0], $0xffff;
	v11 =	vadd.f32 v28, v11  }
0x1cf: {  	v14 =	vadd.f32 v44, v14;
	v34 =	vsub.f32 v12, v40;
	v28 =	vld.idx.msk [tilespmem:v46+s25+$0x0], $0xffff  }
0x1d0: {  	v13 =	vand.u32 $0x7FFFFFFF, v13;
	v31 =	vsub.f32 v12, v43;
	v32 =	vld.idx.msk [tilespmem:v39+s25+$0x0], $0xffff;
	v11 =	vadd.f32 v36, v11  }
0x1d1: {  	_ =	sdelay $0x3  }
0x1d2: {  	v10 =	vand.u32 $0x7FFFFFFF, v35;
	v33 =	vld.idx.msk [tilespmem:v33+s25+$0x0], $0xffff  }
0x1d3: {  	v18 =	vld.idx.msk [tilespmem:v18+s25+$0x0], $0xffff;
	v23 =	vsub.f32 v12, v23;
	v10 =	vadd.f32 v10, v22  }
0x1d4: {  	v22 =	vld.idx.msk [tilespmem:v24+s25+$0x0], $0xffff;
	v24 =	vsub.f32 v12, v29;
	v29 =	vsub.f32 v9, v30;
	v30 =	vand.u32 $0x7FFFFFFF, v34  }
0x1d5: {  	v31 =	vand.u32 $0x7FFFFFFF, v31;
	v27 =	vsub.f32 v12, v27;
	v26 =	vadd.f32 v30, v26  }
0x1d6: {  	v20 =	vld.idx.msk [tilespmem:v20+s25+$0x0], $0xffff;
	v19 =	vadd.f32 v31, v19;
	v28 =	vsub.f32 v12, v28;
	v29 =	vand.u32 $0x7FFFFFFF, v29  }
0x1d7: {  	v24 =	vand.u32 $0x7FFFFFFF, v24;
	v32 =	vsub.f32 v9, v32;
	v10 =	vadd.f32 v29, v10  }
0x1d8: {  	v27 =	vand.u32 $0x7FFFFFFF, v27;
	v15 =	vadd.f32 v24, v15;
	v30 =	vsub.f32 v9, v33  }
0x1d9: {  	v28 =	vand.u32 $0x7FFFFFFF, v28;
	v12 =	vsub.f32 v12, v18;
	v16 =	vadd.f32 v27, v16  }
0x1da: {  	v18 =	vand.u32 $0x7FFFFFFF, v25;
	v22 =	vsub.f32 v9, v22;
	v17 =	vadd.f32 v28, v17  }
0x1db: {  	v9 =	vsub.f32 v9, v20;
	v15 =	vadd.f32 v18, v15  }
0x1dc: {  	v10 =	vsub.f32 $1.200000000e+01, v10;
	v12 =	vand.u32 $0x7FFFFFFF, v12;
	v18 =	vand.u32 $0x7FFFFFFF, v22  }
0x1dd: {  	v20 =	vand.u32 $0x7FFFFFFF, v32;
	v12 =	vadd.f32 v12, v14;
	v14 =	vadd.f32 v18, v19  }
0x1de: {  	s6 =	sshll.u32 s6, $0x7;
	v13 =	vadd.f32 v13, v16;
	v9 =	vand.u32 $0x7FFFFFFF, v9;
	v18 =	vadd.f32 v20, v26  }
0x1df: {  	s7 =	sand.u32 $0x3FFFFF80, s6;
	v19 =	vand.u32 $0x7FFFFFFF, v30;
	v9 =	vadd.f32 v9, v17;
	v14 =	vsub.f32 $1.200000000e+01, v14  }
0x1e0: {  	[tilespmem:s7+$0x6100] =	vst v10;
	v17 =	vand.u32 $0x7FFFFFFF, v23;
	v12 =	vadd.f32 v19, v12;
	v10 =	vsub.f32 $1.200000000e+01, v18  }
0x1e1: {  	v11 =	vadd.f32 v17, v11;
	v9 =	vsub.f32 $1.200000000e+01, v9;
	[tilespmem:s7+$0x6110] =	vst v14  }
0x1e2: {  	v14 =	vsub.f32 $1.200000000e+01, v15;
	v15 =	vand.u32 $0x7FFFFFFF, v21;
	[tilespmem:s7+$0x6120] =	vst v10;
	v10 =	vsub.f32 $1.200000000e+01, v12  }
0x1e3: {  	[tilespmem:s7+$0x6150] =	vst v9;
	v11 =	vadd.f32 v15, v11  }
0x1e4: {  	s8 =	simm.s32 $0x1;
	s6 =	sor.u32 $0x6, s5;
	[tilespmem:s7+$0x6140] =	vst v10;
	v10 =	vsub.f32 $1.200000000e+01, v13  }
0x1e5: {  	s9 =	smin.u32 s5, $0x72;
	[tilespmem:s7+$0x6130] =	vst v14;
	v9 =	vsub.f32 $1.200000000e+01, v11;
	v11 =	vadd.s32 s8, v0;
	s8 =	sshll.u32 s6, $0x6  }
0x1e6: {  	s9 =	sshll.u32 s9, $0x7;
	[tilespmem:s7+$0x6160] =	vst v10;
	v10 =	vmov s8;
	v11 =	vand.u32 $0x3F, v11  }
0x1e7: {  	s8 =	sadd.s32 $0x780, s9;
	s9 =	simm.s32 $0x0;
	[tilespmem:s7+$0x6170] =	vst v9;
	v9 =	vor.u32 v10, v11  }
0x1e8: {  	v12 =	vor.u32 v4, v11;
	[tilespmem:s25], [sflag:$0x6] =	stream.indirect.gather [hbm4b:s3+s11], $0x40, s8, s11, $0xb8;
	[tilespmem:$0x1A100] =	vst v63  }
0x1e9: {  	v13 =	vadd.s32 s9, v0;
	v14 =	vor.u32 v8, v11;
	_ =	swait.ge [sflag:s18], $0x2000  }
0x1ea: {  	v16 =	vor.u32 v7, v11;
	v13 =	vand.u32 $0x3F, v13;
	[sflag:s18] =	ssyncset.done $0x0  }
0x1eb: {  	v15 =	vor.u32 v10, v13;
	[sflag:s18] =	ssyncadd.s32 $0xFFFFE000  }
0x1ec: {  	v17 =	vor.u32 v1, v13;
	v9 =	vld.idx.msk [tilespmem:v9+s30+$0x0], $0xffff  }
0x1ed: {  	v18 =	vor.u32 v3, v13;
	v19 =	vld.idx.msk [tilespmem:v12+s28+$0x0], $0xffff  }
0x1ee: {  	v20 =	vor.u32 v2, v13;
	v14 =	vld.idx.msk [tilespmem:v14+s28+$0x0], $0xffff  }
0x1ef: {  	v27 =	vor.u32 v1, v11;
	v16 =	vld.idx.msk [tilespmem:v16+s28+$0x0], $0xffff  }
0x1f0: {  	v26 =	vor.u32 v4, v13;
	v12 =	vld.idx.msk [tilespmem:v15+s30+$0x0], $0xffff  }
0x1f1: {  	v37 =	vor.u32 v3, v11;
	v17 =	vld.idx.msk [tilespmem:v17+s28+$0x0], $0xffff  }
0x1f2: {  	v31 =	vor.u32 v7, v13;
	v28 =	vld.idx.msk [tilespmem:v18+s28+$0x0], $0xffff  }
0x1f3: {  	v22 =	vimm.f32 $0.0e+00;
	v24 =	vor.u32 v2, v11;
	v15 =	vor.u32 v8, v13;
	v63 =	vld.idx.msk [tilespmem:v20+s28+$0x0], $0xffff  }
0x1f4: {  	v33 =	vor.u32 v5, v11;
	v36 =	vor.u32 v6, v13;
	v30 =	vld.idx.msk [tilespmem:v27+s28+$0x0], $0xffff;
	v18 =	vor.u32 v5, v13  }
0x1f5: {  	v20 =	vor.u32 v6, v11;
	v29 =	vld.idx.msk [tilespmem:v26+s28+$0x0], $0xffff;
	v26 =	vimm.f32 $0.0e+00;
	v25 =	vsub.f32 v9, v19  }
0x1f6: {  	v32 =	vld.idx.msk [tilespmem:v37+s28+$0x0], $0xffff;
	v11 =	vimm.f32 $0.0e+00;
	v21 =	vsub.f32 v9, v14;
	v13 =	vsub.f32 v9, v16  }
0x1f7: {  	v27 =	vld.idx.msk [tilespmem:v31+s28+$0x0], $0xffff;
	v19 =	vimm.f32 $0.0e+00;
	v16 =	vimm.f32 $0.0e+00;
	v35 =	vsub.f32 v12, v17  }
0x1f8: {  	v14 =	vimm.f32 $0.0e+00;
	v23 =	vld.idx.msk [tilespmem:v15+s28+$0x0], $0xffff;
	v34 =	vsub.f32 v12, v28;
	v31 =	vsub.f32 v12, v63  }
0x1f9: {  	s7 =	simm.s32 $0x2;
	v13 =	vand.u32 $0x7FFFFFFF, v13;
	v28 =	vld.idx.msk [tilespmem:v36+s28+$0x0], $0xffff;
	v17 =	vimm.f32 $0.0e+00;
	v15 =	vimm.f32 $0.0e+00  }
.LBB2_17:
0x1fa: {  	s8 =	sadd.s32 $0x1, s7  }
0x1fb: {  	p0 =	slt.u32 s7, $0x3E;
	v35 =	vand.u32 $0x7FFFFFFF, v35;
	v25 =	vand.u32 $0x7FFFFFFF, v25;
	v33 =	vld.idx.msk [tilespmem:v33+s28+$0x0], $0xffff;
	v36 =	vand.u32 $0x7FFFFFFF, v21;
	s9 =	smov.u32 s7;
	s7 =	sadd.s32 $0x2, s7  }
0x1fc: {  	v29 =	vsub.f32 v12, v29;
	v21 =	vadd.s32 s8, v0;
	v22 =	vadd.f32 v35, v22;
	v35 =	vld.idx.msk [tilespmem:v18+s28+$0x0], $0xffff  }
0x1fd: {  	v18 =	vand.u32 $0x7FFFFFFF, v34;
	v37 =	vand.u32 $0x3F, v21;
	v21 =	vsub.f32 v9, v30;
	v24 =	vld.idx.msk [tilespmem:v24+s28+$0x0], $0xffff  }
0x1fe: {  	v30 =	vor.u32 v10, v37;
	v34 =	vor.u32 v4, v37;
	v38 =	vor.u32 v7, v37  }
0x1ff: {  	v31 =	vand.u32 $0x7FFFFFFF, v31;
	v29 =	vand.u32 $0x7FFFFFFF, v29;
	v39 =	vor.u32 v8, v37  }
0x200: {  	v27 =	vsub.f32 v12, v27;
	v21 =	vand.u32 $0x7FFFFFFF, v21;
	v32 =	vsub.f32 v9, v32  }
0x201: {  	v41 =	vsub.f32 v12, v23;
	v40 =	vadd.s32 s9, v0;
	v28 =	vsub.f32 v12, v28  }
0x202: {  	v23 =	vand.u32 $0x3F, v40;
	v26 =	vadd.f32 v18, v26;
	v18 =	vsub.f32 v9, v33;
	v20 =	vld.idx.msk [tilespmem:v20+s28+$0x0], $0xffff  }
0x203: {  	v40 =	vor.u32 v1, v23;
	v33 =	vor.u32 v10, v23;
	v42 =	vsub.f32 v9, v24;
	v30 =	vld.idx.msk [tilespmem:v30+s30+$0x0], $0xffff  }
0x204: {  	v43 =	vor.u32 v2, v23;
	v24 =	vor.u32 v3, v23;
	v44 =	vand.u32 $0x7FFFFFFF, v18;
	v34 =	vld.idx.msk [tilespmem:v34+s28+$0x0], $0xffff  }
0x205: {  	v45 =	vor.u32 v4, v23;
	v32 =	vand.u32 $0x7FFFFFFF, v32;
	v18 =	vor.u32 v5, v23  }
0x206: {  	v46 =	vor.u32 v6, v23;
	v27 =	vand.u32 $0x7FFFFFFF, v27;
	v22 =	vadd.f32 v21, v22  }
0x207: {  	v19 =	vadd.f32 v31, v19;
	v47 =	vor.u32 v7, v23;
	v28 =	vand.u32 $0x7FFFFFFF, v28;
	v21 =	vld.idx.msk [tilespmem:v39+s28+$0x0], $0xffff  }
0x208: {  	v17 =	vadd.f32 v28, v17;
	v23 =	vor.u32 v8, v23;
	v31 =	vld.idx.msk [tilespmem:v33+s30+$0x0], $0xffff;
	v33 =	vsub.f32 v9, v20  }
0x209: {  	v15 =	vadd.f32 v29, v15;
	v16 =	vadd.f32 v27, v16;
	v28 =	vor.u32 v1, v37;
	v38 =	vld.idx.msk [tilespmem:v38+s28+$0x0], $0xffff  }
0x20a: {  	v12 =	vsub.f32 v12, v35;
	v39 =	vor.u32 v3, v37;
	v9 =	vmovc v30;
	v27 =	vld.idx.msk [tilespmem:v40+s28+$0x0], $0xffff;
	v20 =	vand.u32 $0x7FFFFFFF, v33  }
0x20b: {  	v15 =	vadd.f32 v25, v15;
	v40 =	vld.idx.msk [tilespmem:v24+s28+$0x0], $0xffff;
	v24 =	vor.u32 v2, v37;
	v17 =	vadd.f32 v20, v17  }
0x20c: {  	v16 =	vadd.f32 v13, v16;
	v12 =	vand.u32 $0x7FFFFFFF, v12;
	v20 =	vor.u32 v6, v37;
	v43 =	vld.idx.msk [tilespmem:v43+s28+$0x0], $0xffff  }
0x20d: {  	v13 =	vand.u32 $0x7FFFFFFF, v42;
	v25 =	vsub.f32 v9, v34;
	v21 =	vsub.f32 v9, v21;
	v23 =	vld.idx.msk [tilespmem:v23+s28+$0x0], $0xffff  }
.Ltmp7:
0x20e: {  	v14 =	vadd.f32 v12, v14;
	v19 =	vadd.f32 v13, v19;
	v33 =	vor.u32 v5, v37;
	v29 =	vld.idx.msk [tilespmem:v45+s28+$0x0], $0xffff;
	(pc) =	sbr.rel @p0 .LBB2_17-.Ltmp7, $4  }
0x20f: {  	v26 =	vadd.f32 v32, v26;
	v12 =	vmovc v31;
	v13 =	vsub.f32 v9, v38;
	v30 =	vld.idx.msk [tilespmem:v28+s28+$0x0], $0xffff;
	v28 =	vand.u32 $0x7FFFFFFF, v41  }
0x210: {  	v35 =	vsub.f32 v12, v27;
	v27 =	vld.idx.msk [tilespmem:v47+s28+$0x0], $0xffff;
	v11 =	vadd.f32 v28, v11  }
0x211: {  	v14 =	vadd.f32 v44, v14;
	v34 =	vsub.f32 v12, v40;
	v28 =	vld.idx.msk [tilespmem:v46+s28+$0x0], $0xffff  }
0x212: {  	v13 =	vand.u32 $0x7FFFFFFF, v13;
	v31 =	vsub.f32 v12, v43;
	v32 =	vld.idx.msk [tilespmem:v39+s28+$0x0], $0xffff;
	v11 =	vadd.f32 v36, v11  }
0x213: {  	_ =	sdelay $0x3  }
0x214: {  	v10 =	vand.u32 $0x7FFFFFFF, v35;
	v33 =	vld.idx.msk [tilespmem:v33+s28+$0x0], $0xffff  }
0x215: {  	v18 =	vld.idx.msk [tilespmem:v18+s28+$0x0], $0xffff;
	v23 =	vsub.f32 v12, v23;
	v10 =	vadd.f32 v10, v22  }
0x216: {  	v22 =	vld.idx.msk [tilespmem:v24+s28+$0x0], $0xffff;
	v24 =	vsub.f32 v12, v29;
	v29 =	vsub.f32 v9, v30;
	v30 =	vand.u32 $0x7FFFFFFF, v34  }
0x217: {  	v31 =	vand.u32 $0x7FFFFFFF, v31;
	v27 =	vsub.f32 v12, v27;
	v26 =	vadd.f32 v30, v26  }
0x218: {  	v20 =	vld.idx.msk [tilespmem:v20+s28+$0x0], $0xffff;
	v19 =	vadd.f32 v31, v19;
	v28 =	vsub.f32 v12, v28;
	v29 =	vand.u32 $0x7FFFFFFF, v29  }
0x219: {  	v24 =	vand.u32 $0x7FFFFFFF, v24;
	v32 =	vsub.f32 v9, v32;
	v10 =	vadd.f32 v29, v10  }
0x21a: {  	v27 =	vand.u32 $0x7FFFFFFF, v27;
	v15 =	vadd.f32 v24, v15;
	v30 =	vsub.f32 v9, v33  }
0x21b: {  	v28 =	vand.u32 $0x7FFFFFFF, v28;
	v12 =	vsub.f32 v12, v18;
	v16 =	vadd.f32 v27, v16  }
0x21c: {  	v18 =	vand.u32 $0x7FFFFFFF, v25;
	v22 =	vsub.f32 v9, v22;
	v17 =	vadd.f32 v28, v17  }
0x21d: {  	v9 =	vsub.f32 v9, v20;
	v15 =	vadd.f32 v18, v15  }
0x21e: {  	v10 =	vsub.f32 $1.200000000e+01, v10;
	v12 =	vand.u32 $0x7FFFFFFF, v12;
	v18 =	vand.u32 $0x7FFFFFFF, v22  }
0x21f: {  	v20 =	vand.u32 $0x7FFFFFFF, v32;
	v12 =	vadd.f32 v12, v14;
	v14 =	vadd.f32 v18, v19  }
0x220: {  	s6 =	sshll.u32 s6, $0x7;
	v13 =	vadd.f32 v13, v16;
	v9 =	vand.u32 $0x7FFFFFFF, v9;
	v18 =	vadd.f32 v20, v26  }
0x221: {  	s6 =	sand.u32 $0x3FFFFF80, s6;
	v19 =	vand.u32 $0x7FFFFFFF, v30;
	v9 =	vadd.f32 v9, v17;
	v14 =	vsub.f32 $1.200000000e+01, v14  }
0x222: {  	[tilespmem:s6+$0x6100] =	vst v10;
	v17 =	vand.u32 $0x7FFFFFFF, v23;
	v12 =	vadd.f32 v19, v12;
	v10 =	vsub.f32 $1.200000000e+01, v18  }
0x223: {  	v11 =	vadd.f32 v17, v11;
	v9 =	vsub.f32 $1.200000000e+01, v9;
	[tilespmem:s6+$0x6110] =	vst v14  }
0x224: {  	v14 =	vsub.f32 $1.200000000e+01, v15;
	v15 =	vand.u32 $0x7FFFFFFF, v21;
	[tilespmem:s6+$0x6120] =	vst v10;
	v10 =	vsub.f32 $1.200000000e+01, v12  }
0x225: {  	[tilespmem:s6+$0x6150] =	vst v9;
	v11 =	vadd.f32 v15, v11  }
0x226: {  	s7 =	simm.s32 $0x1;
	[tilespmem:s6+$0x6140] =	vst v10;
	v10 =	vsub.f32 $1.200000000e+01, v13  }
0x227: {  	s5 =	smin.u32 s5, $0x71;
	s4 =	sshll.u32 s4, $0x6;
	v12 =	vadd.s32 s7, v0;
	[tilespmem:s6+$0x6130] =	vst v14;
	v9 =	vsub.f32 $1.200000000e+01, v11  }
0x228: {  	s5 =	sshll.u32 s5, $0x7;
	v11 =	vand.u32 $0x3F, v12;
	[tilespmem:s6+$0x6160] =	vst v10;
	v10 =	vmov s4  }
0x229: {  	s9 =	simm.s32 $0x0;
	s8 =	sadd.s32 $0x800, s5;
	[tilespmem:s6+$0x6170] =	vst v9;
	v9 =	vor.u32 v10, v11  }
0x22a: {  	v13 =	vadd.s32 s9, v0;
	v12 =	vor.u32 v4, v11;
	[tilespmem:s28], [sflag:$0x7] =	stream.indirect.gather [hbm4b:s3+s11], $0x40, s8, s11, $0xb8;
	[tilespmem:$0x1A100] =	vst v63  }
0x22b: {  	v13 =	vand.u32 $0x3F, v13;
	v14 =	vor.u32 v8, v11;
	_ =	swait.ge [sflag:s20], $0x2000  }
0x22c: {  	v15 =	vor.u32 v10, v13;
	[sflag:s20] =	ssyncset.done $0x0  }
0x22d: {  	v16 =	vor.u32 v7, v11;
	[sflag:s20] =	ssyncadd.s32 $0xFFFFE000  }
0x22e: {  	v17 =	vor.u32 v1, v13;
	v9 =	vld.idx.msk [tilespmem:v9+s30+$0x0], $0xffff  }
0x22f: {  	v18 =	vor.u32 v3, v13;
	v19 =	vld.idx.msk [tilespmem:v12+s29+$0x0], $0xffff  }
0x230: {  	v20 =	vor.u32 v2, v13;
	v14 =	vld.idx.msk [tilespmem:v14+s29+$0x0], $0xffff  }
0x231: {  	v12 =	vld.idx.msk [tilespmem:v15+s30+$0x0], $0xffff  }
0x232: {  	v26 =	vor.u32 v4, v13;
	v16 =	vld.idx.msk [tilespmem:v16+s29+$0x0], $0xffff  }
0x233: {  	v27 =	vor.u32 v1, v11;
	v17 =	vld.idx.msk [tilespmem:v17+s29+$0x0], $0xffff  }
0x234: {  	v31 =	vor.u32 v7, v13;
	v28 =	vld.idx.msk [tilespmem:v18+s29+$0x0], $0xffff  }
0x235: {  	v37 =	vor.u32 v3, v11;
	v63 =	vld.idx.msk [tilespmem:v20+s29+$0x0], $0xffff  }
0x236: {  	v21 =	vimm.f32 $0.0e+00;
	v36 =	vor.u32 v6, v13;
	v15 =	vor.u32 v8, v13  }
0x237: {  	v24 =	vor.u32 v2, v11;
	v33 =	vor.u32 v5, v11;
	v18 =	vor.u32 v5, v13;
	v29 =	vld.idx.msk [tilespmem:v26+s29+$0x0], $0xffff  }
0x238: {  	v20 =	vor.u32 v6, v11;
	v30 =	vld.idx.msk [tilespmem:v27+s29+$0x0], $0xffff;
	v25 =	vsub.f32 v9, v19;
	v22 =	vsub.f32 v9, v14  }
0x239: {  	v27 =	vld.idx.msk [tilespmem:v31+s29+$0x0], $0xffff;
	v26 =	vimm.f32 $0.0e+00;
	v13 =	vsub.f32 v9, v16;
	v35 =	vsub.f32 v12, v17  }
0x23a: {  	v32 =	vld.idx.msk [tilespmem:v37+s29+$0x0], $0xffff;
	v11 =	vimm.f32 $0.0e+00;
	v34 =	vsub.f32 v12, v28;
	v31 =	vsub.f32 v12, v63  }
0x23b: {  	v23 =	vld.idx.msk [tilespmem:v15+s29+$0x0], $0xffff;
	v19 =	vimm.f32 $0.0e+00;
	v17 =	vimm.f32 $0.0e+00;
	v15 =	vimm.f32 $0.0e+00  }
0x23c: {  	s4 =	simm.s32 $0x2;
	v28 =	vld.idx.msk [tilespmem:v36+s29+$0x0], $0xffff;
	v16 =	vimm.f32 $0.0e+00;
	v14 =	vimm.f32 $0.0e+00;
	v13 =	vand.u32 $0x7FFFFFFF, v13  }
.LBB2_19:
0x23d: {  	s5 =	sadd.s32 $0x1, s4  }
0x23e: {  	p0 =	slt.u32 s4, $0x3E;
	v35 =	vand.u32 $0x7FFFFFFF, v35;
	v25 =	vand.u32 $0x7FFFFFFF, v25;
	v33 =	vld.idx.msk [tilespmem:v33+s29+$0x0], $0xffff;
	v36 =	vand.u32 $0x7FFFFFFF, v22;
	s6 =	smov.u32 s4;
	s4 =	sadd.s32 $0x2, s4  }
0x23f: {  	v29 =	vsub.f32 v12, v29;
	v22 =	vadd.s32 s5, v0;
	v21 =	vadd.f32 v35, v21;
	v35 =	vld.idx.msk [tilespmem:v18+s29+$0x0], $0xffff  }
0x240: {  	v18 =	vand.u32 $0x7FFFFFFF, v34;
	v37 =	vand.u32 $0x3F, v22;
	v22 =	vsub.f32 v9, v30;
	v24 =	vld.idx.msk [tilespmem:v24+s29+$0x0], $0xffff  }
0x241: {  	v30 =	vor.u32 v10, v37;
	v34 =	vor.u32 v4, v37;
	v38 =	vor.u32 v7, v37  }
0x242: {  	v31 =	vand.u32 $0x7FFFFFFF, v31;
	v29 =	vand.u32 $0x7FFFFFFF, v29;
	v39 =	vor.u32 v8, v37  }
0x243: {  	v27 =	vsub.f32 v12, v27;
	v22 =	vand.u32 $0x7FFFFFFF, v22;
	v32 =	vsub.f32 v9, v32  }
0x244: {  	v41 =	vsub.f32 v12, v23;
	v40 =	vadd.s32 s6, v0;
	v28 =	vsub.f32 v12, v28  }
0x245: {  	v23 =	vand.u32 $0x3F, v40;
	v26 =	vadd.f32 v18, v26;
	v18 =	vsub.f32 v9, v33;
	v20 =	vld.idx.msk [tilespmem:v20+s29+$0x0], $0xffff  }
0x246: {  	v40 =	vor.u32 v1, v23;
	v33 =	vor.u32 v10, v23;
	v42 =	vsub.f32 v9, v24;
	v30 =	vld.idx.msk [tilespmem:v30+s30+$0x0], $0xffff  }
0x247: {  	v43 =	vor.u32 v2, v23;
	v24 =	vor.u32 v3, v23;
	v44 =	vand.u32 $0x7FFFFFFF, v18;
	v34 =	vld.idx.msk [tilespmem:v34+s29+$0x0], $0xffff  }
0x248: {  	v45 =	vor.u32 v4, v23;
	v32 =	vand.u32 $0x7FFFFFFF, v32;
	v18 =	vor.u32 v5, v23  }
0x249: {  	v46 =	vor.u32 v6, v23;
	v27 =	vand.u32 $0x7FFFFFFF, v27;
	v21 =	vadd.f32 v22, v21  }
0x24a: {  	v19 =	vadd.f32 v31, v19;
	v47 =	vor.u32 v7, v23;
	v28 =	vand.u32 $0x7FFFFFFF, v28;
	v22 =	vld.idx.msk [tilespmem:v39+s29+$0x0], $0xffff  }
0x24b: {  	v17 =	vadd.f32 v28, v17;
	v23 =	vor.u32 v8, v23;
	v31 =	vld.idx.msk [tilespmem:v33+s30+$0x0], $0xffff;
	v33 =	vsub.f32 v9, v20  }
0x24c: {  	v15 =	vadd.f32 v29, v15;
	v16 =	vadd.f32 v27, v16;
	v28 =	vor.u32 v1, v37;
	v38 =	vld.idx.msk [tilespmem:v38+s29+$0x0], $0xffff  }
0x24d: {  	v12 =	vsub.f32 v12, v35;
	v39 =	vor.u32 v3, v37;
	v9 =	vmovc v30;
	v27 =	vld.idx.msk [tilespmem:v40+s29+$0x0], $0xffff;
	v20 =	vand.u32 $0x7FFFFFFF, v33  }
0x24e: {  	v15 =	vadd.f32 v25, v15;
	v40 =	vld.idx.msk [tilespmem:v24+s29+$0x0], $0xffff;
	v24 =	vor.u32 v2, v37;
	v17 =	vadd.f32 v20, v17  }
0x24f: {  	v16 =	vadd.f32 v13, v16;
	v12 =	vand.u32 $0x7FFFFFFF, v12;
	v20 =	vor.u32 v6, v37;
	v43 =	vld.idx.msk [tilespmem:v43+s29+$0x0], $0xffff  }
0x250: {  	v13 =	vand.u32 $0x7FFFFFFF, v42;
	v25 =	vsub.f32 v9, v34;
	v22 =	vsub.f32 v9, v22;
	v23 =	vld.idx.msk [tilespmem:v23+s29+$0x0], $0xffff  }
.Ltmp8:
0x251: {  	v14 =	vadd.f32 v12, v14;
	v19 =	vadd.f32 v13, v19;
	v33 =	vor.u32 v5, v37;
	v29 =	vld.idx.msk [tilespmem:v45+s29+$0x0], $0xffff;
	(pc) =	sbr.rel @p0 .LBB2_19-.Ltmp8, $4  }
0x252: {  	v26 =	vadd.f32 v32, v26;
	v12 =	vmovc v31;
	v13 =	vsub.f32 v9, v38;
	v30 =	vld.idx.msk [tilespmem:v28+s29+$0x0], $0xffff;
	v28 =	vand.u32 $0x7FFFFFFF, v41  }
0x253: {  	v35 =	vsub.f32 v12, v27;
	v27 =	vld.idx.msk [tilespmem:v47+s29+$0x0], $0xffff;
	v11 =	vadd.f32 v28, v11  }
0x254: {  	v14 =	vadd.f32 v44, v14;
	v34 =	vsub.f32 v12, v40;
	v28 =	vld.idx.msk [tilespmem:v46+s29+$0x0], $0xffff  }
0x255: {  	v13 =	vand.u32 $0x7FFFFFFF, v13;
	v31 =	vsub.f32 v12, v43;
	v32 =	vld.idx.msk [tilespmem:v39+s29+$0x0], $0xffff;
	v11 =	vadd.f32 v36, v11  }
0x256: {  	_ =	sdelay $0x3  }
0x257: {  	v10 =	vand.u32 $0x7FFFFFFF, v35;
	v33 =	vld.idx.msk [tilespmem:v33+s29+$0x0], $0xffff;
	v50 =	vsub.f32 v12, v29  }
0x258: {  	v49 =	vld.idx.msk [tilespmem:v24+s29+$0x0], $0xffff;
	v52 =	vand.u32 $0x7FFFFFFF, v34;
	v23 =	vsub.f32 v12, v23;
	v10 =	vadd.f32 v10, v21  }
0x259: {  	v18 =	vld.idx.msk [tilespmem:v18+s29+$0x0], $0xffff;
	v51 =	vsub.f32 v9, v30;
	v31 =	vand.u32 $0x7FFFFFFF, v31;
	v26 =	vadd.f32 v52, v26  }
0x25a: {  	v20 =	vld.idx.msk [tilespmem:v20+s29+$0x0], $0xffff;
	v27 =	vsub.f32 v12, v27;
	v24 =	vand.u32 $0x7FFFFFFF, v50;
	v19 =	vadd.f32 v31, v19  }
0x25b: {  	v61 =	vand.u32 $0x7FFFFFFF, v23;
	v28 =	vsub.f32 v12, v28;
	v15 =	vadd.f32 v24, v15  }
0x25c: {  	v29 =	vand.u32 $0x7FFFFFFF, v51;
	v11 =	vadd.f32 v61, v11;
	v32 =	vsub.f32 v9, v32  }
0x25d: {  	v55 =	vand.u32 $0x7FFFFFFF, v25;
	v10 =	vadd.f32 v29, v10;
	v53 =	vsub.f32 v9, v33  }
0x25e: {  	v27 =	vand.u32 $0x7FFFFFFF, v27;
	v21 =	vsub.f32 v9, v49;
	v54 =	vsub.f32 v12, v18  }
0x25f: {  	v28 =	vand.u32 $0x7FFFFFFF, v28;
	v9 =	vsub.f32 v9, v20;
	v16 =	vadd.f32 v27, v16  }
0x260: {  	v15 =	vadd.f32 v55, v15;
	v17 =	vadd.f32 v28, v17  }
0x261: {  	v57 =	vand.u32 $0x7FFFFFFF, v32;
	v10 =	vsub.f32 $1.200000000e+01, v10;
	v12 =	vand.u32 $0x7FFFFFFF, v54  }
0x262: {  	v56 =	vand.u32 $0x7FFFFFFF, v21;
	v59 =	vadd.f32 v57, v26;
	v62 =	vsub.f32 $1.200000000e+01, v15  }
0x263: {  	v9 =	vand.u32 $0x7FFFFFFF, v9;
	v12 =	vadd.f32 v12, v14;
	v58 =	vadd.f32 v56, v19  }
0x264: {  	v60 =	vand.u32 $0x7FFFFFFF, v53;
	v9 =	vadd.f32 v9, v17;
	[tilespmem:s12+$0x6100] =	vst v10;
	v10 =	vsub.f32 $1.200000000e+01, v59  }
0x265: {  	v63 =	vand.u32 $0x7FFFFFFF, v22;
	s22 =	sadd.s32 $0x1, s22;
	[tilespmem:s12+$0x6130] =	vst v62;
	v14 =	vsub.f32 $1.200000000e+01, v58;
	v12 =	vadd.f32 v60, v12  }
0x266: {  	p0 =	sne.s32 s22, $0x10;
	v11 =	vadd.f32 v63, v11;
	v9 =	vsub.f32 $1.200000000e+01, v9;
	[tilespmem:s12+$0x6120] =	vst v10  }
.Ltmp9:
0x267: {  	v13 =	vadd.f32 v13, v16;
	[tilespmem:s12+$0x6110] =	vst v14;
	v10 =	vsub.f32 $1.200000000e+01, v12;
	(pc) =	sbr.rel @p0 .LBB2_4-.Ltmp9, $4  }
0x268: {  	[tilespmem:s12+$0x6150] =	vst v9;
	v9 =	vsub.f32 $1.200000000e+01, v11  }
0x269: {  	[tilespmem:s12+$0x6140] =	vst v10;
	v10 =	vsub.f32 $1.200000000e+01, v13  }
0x26a: {  	[tilespmem:s12+$0x6170] =	vst v9  }
0x26b: {  	[tilespmem:s12+$0x6160] =	vst v10  }
0x26c: {  	_ =	swait.ge [sflag:s14], $0x2000  }
0x26d: {  	[sflag:s14] =	ssyncset.done $0x0  }
0x26e: {  	[sflag:s14] =	ssyncadd.s32 $0xFFFFE000  }
0x26f: {  	_ =	swait.ge [sflag:s16], $0x2000  }
0x270: {  	[sflag:s16] =	ssyncset.done $0x0  }
0x271: {  	[sflag:s16] =	ssyncadd.s32 $0xFFFFE000  }
0x272: {  	_ =	swait.ge [sflag:s31], $0x2000  }
0x273: {  	[sflag:s31] =	ssyncset.done $0x0  }
0x274: {  	[sflag:s31] =	ssyncadd.s32 $0xFFFFE000  }
0x275: {  	_ =	swait.ge [sflag:s0], $0x2000  }
0x276: {  	[sflag:s0] =	ssyncset.done $0x0  }
0x277: {  	[sflag:s0] =	ssyncadd.s32 $0xFFFFE000  }
0x278: {  	_ =	swait.ge [sflag:s2], $0x2000  }
0x279: {  	[sflag:s2] =	ssyncset.done $0x0  }
0x27a: {  	[sflag:s2] =	ssyncadd.s32 $0xFFFFE000  }
0x27b: {  	_ =	swait.ge [sflag:s17], $0x2000  }
0x27c: {  	[sflag:s17] =	ssyncset.done $0x0  }
0x27d: {  	[sflag:s17] =	ssyncadd.s32 $0xFFFFE000  }
0x27e: {  	_ =	swait.ge [sflag:s18], $0x2000  }
0x27f: {  	[sflag:s18] =	ssyncset.done $0x0  }
0x280: {  	s5 =	simm.s32 $0x6100;
	s4 =	rddreg [dreg:$0xa];
	[sflag:s18] =	ssyncadd.s32 $0xFFFFE000  }
0x281: {  	[hbm4b:s4+s1] =	stream.linear.scatter [tilespmem:s5], [sflag:$0x9], $0x4000, $0x38;
	[tilespmem:$0x1A100] =	vst v63  }
0x282: {  	_ =	swait.ge [sflag:s10], $0x4000  }
0x283: {  	s24 =	sadd.s32 $0x1, s24;
	s22 =	rddreg [dreg:$0xb]  }
0x284: {  	p0 =	sne.s32 s24, s22  }
.Ltmp10:
0x285: {  	_ = 	snop;
	(pc) =	sbr.rel @p0 .LBB2_1-.Ltmp10, $3  }
0x286: {  	_ =	sdelay $0x1  }
0x287: {  	[sflag:s10] =	ssyncset.done $0x0  }
0x288: {  	s7 =	simm.s32 $0x100;
	[sflag:s10] =	ssyncadd.s32 $0xFFFFC000  }
0x289: {  	_ =	sfence.sel $0x180000  }
0x28a: {  	[bflag:$0x0] =	sbarrier.arrive $0xFFFF  }
0x28b: {  	_ =	strace $0x90000047  }
0x28c: {  	s0 =	stileid.u32;
	[bflag:$0x2] =	sbarrier.arrive $0xFFFF  }
0x28d: {  	p0 =	sne.s32 s0, $0x0;
	s0 =	rddreg [dreg:$0x5]  }
0x28e: {  	s0 =	sadd.s32 @!p0 $0x100000, s0  }
0x28f: {  	[sflag:s0] =	ssyncadd.tile.s32 @!p0 $0x1;
	_ =	shalt  }
.Lfunc_end2:
_tile_overlayer_lowered:
.L_overlay_start_2:
0x290: {  	(tag) =	ssettag $0x2  }
0x291: {  	s0 =	rddreg [dreg:$0x0];
	s2 =	stileid.u32  }
0x292: {  	s1 =	rddreg [dreg:$0x1];
	p0 =	sne.s32 s2, $0x0  }
0x293: {  	s3 =	rddreg [dreg:$0x2];
	[bflag:$0x3] =	sbarrier.arrive $0xFFFF;
	s2 =	simm.s32 @!p0 $0x1C09  }
0x294: {  	[timem:s3], [sflag:s2] =	dma.local @!p0 [hbm:s0], s1  }
0x295: {  	s0 =	simm.s32 @!p0 $0x9  }
0x296: {  	_ =	swait.ge @!p0 [sflag:s0], s1  }
0x297: {  	s1 =	ssub.s32 @!p0 $0x0, s1;
	[sflag:s0] =	ssyncset.done @!p0 $0x0  }
0x298: {  	[sflag:s0] =	ssyncadd.s32 @!p0 s1  }
0x299: {  	[bflag:$0x3] =	sbarrier.arrive $0xFFFF  }
0x29a: {  	_ =	shalt  }

</sc_bundles>
